<compile_context>
chip_gen: v7x
topology: tpu7x:2x2x1
jax: 0.10.2.dev20260603
libtpu: 0.0.44.dev20260713+nightly
codegen_flags: <defaults>
</compile_context>

<pallas_src>
import functools

import jax
import jax.numpy as jnp
from jax import lax
from jax.experimental import pallas as pl
from jax.experimental.pallas import tpu as pltpu
from jax.experimental.pallas import tpu_sc as plsc

_K = 512
_D = 32
_B = 16384
_G = 5
_BLK = 4096
_NB = _B // _BLK
_LOSS_SCALE = 1.25 / (_B * _D)

_NC = 2
_NS = 16
_NW = _NC * _NS
_TOT = _G * _B
_PER_W = _TOT // _NW
_CH = 128
_NCH = _PER_W // _CH


def _tc_body(x0, x1, x2, x3, x4, w0, w1, w2, w3, w4,
             idx_out, gidx_out, loss_out):
    b = pl.program_id(0)

    @pl.when(b == 0)
    def _init():
        loss_out[0, 0] = jnp.float32(0.0)

    total = jnp.float32(0.0)
    iotaf = lax.broadcasted_iota(jnp.int32, (_BLK, _K), 1).astype(jnp.float32)
    for g, (xr, wr) in enumerate(zip((x0, x1, x2, x3, x4),
                                     (w0, w1, w2, w3, w4))):
        x = xr[...]
        w = wr[...]
        x2 = jnp.sum(x * x, axis=1, keepdims=True)
        w2 = jnp.sum(w * w, axis=1)
        xw2 = lax.dot_general(x, w + w, (((1,), (1,)), ((), ())),
                              preferred_element_type=jnp.float32)
        dist = (x2 + w2[None, :]) - xw2
        minv = jnp.min(dist, axis=1, keepdims=True)
        idxf = jnp.min(jnp.where(dist == minv, iotaf, jnp.float32(_K)),
                       axis=1, keepdims=True)
        idxc = idxf.astype(jnp.int32)
        idx_out[:, g:g + 1] = idxc
        gidx_out[:, g:g + 1] = idxc + jnp.int32(g * _K)
        total = total + jnp.sum(minv)

    loss_out[0, 0] += total * jnp.float32(_LOSS_SCALE)


_tc_call = pl.pallas_call(
    _tc_body,
    grid=(_NB,),
    in_specs=[pl.BlockSpec((_BLK, _D), lambda b: (b, 0))] * _G
    + [pl.BlockSpec((_K, _D), lambda b: (0, 0))] * _G,
    out_specs=[
        pl.BlockSpec((_BLK, _G), lambda b: (b, 0)),
        pl.BlockSpec((_BLK, _G), lambda b: (b, 0)),
        pl.BlockSpec(memory_space=pltpu.SMEM, block_shape=(1, 1),
                     index_map=lambda b: (0, 0)),
    ],
    out_shape=[
        jax.ShapeDtypeStruct((_B, _G), jnp.int32),
        jax.ShapeDtypeStruct((_B, _G), jnp.int32),
        jax.ShapeDtypeStruct((1, 1), jnp.float32),
    ],
)


_CPG = _B // _CH


def _sc_gather_body(gidx_hbm, table_hbm, out_hbm, idx_v, rows_v, sem_io, sem_g):
    wid = lax.axis_index("s") * _NC + lax.axis_index("c")
    in_copies = []
    for j in range(_NCH):
        c = wid * _NCH + j
        g = c // _CPG
        boff = (c % _CPG) * _CH
        in_copies.append(
            pltpu.async_copy(gidx_hbm.at[g, pl.ds(boff, _CH)],
                             idx_v.at[j], sem_io))
    for cp in in_copies:
        cp.wait()
    g_copies = []
    for j in range(_NCH):
        g_copies.append(
            pltpu.async_copy(table_hbm.at[idx_v.at[j]],
                             rows_v.at[pl.ds(j * _CH, _CH)], sem_g))
    for cp in g_copies:
        cp.wait()
    out_copies = []
    for j in range(_NCH):
        c = wid * _NCH + j
        g = c // _CPG
        boff = (c % _CPG) * _CH
        out_copies.append(
            pltpu.async_copy(rows_v.at[pl.ds(j * _CH, _CH)],
                             out_hbm.at[g, pl.ds(boff, _CH), pl.ds(0, _D)],
                             sem_io))
    for cp in out_copies:
        cp.wait()


@functools.cache
def _sc_gather():
    return functools.partial(
        pl.kernel,
        out_type=jax.ShapeDtypeStruct((_G, _B, 128), jnp.float32),
        mesh=plsc.VectorSubcoreMesh(core_axis_name="c", subcore_axis_name="s"),
        compiler_params=pltpu.CompilerParams(use_tc_tiling_on_sc=False),
        scratch_types=[
            pltpu.VMEM((_NCH, _CH), jnp.int32),
            pltpu.VMEM((_PER_W, _D), jnp.float32),
            pltpu.SemaphoreType.DMA,
            pltpu.SemaphoreType.DMA,
        ],
    )(_sc_gather_body)


@jax.jit
def kernel(head_spine, left_arm, right_arm, left_leg, right_leg,
           W_head_spine, W_left_arm, W_right_arm, W_left_leg, W_right_leg):
    xs = (head_spine, left_arm, right_arm, left_leg, right_leg)
    ws = (W_head_spine, W_left_arm, W_right_arm, W_left_leg, W_right_leg)
    idxT, gidxT, loss = _tc_call(*xs, *ws)
    idx = idxT.T
    gidx = gidxT.T
    table = jnp.concatenate(ws, axis=0)
    quant_padded = _sc_gather()(gidx, table)
    return quant_padded[:, :, :_D], idx, loss[0, 0]

# --- scband reference (transcript-rebuilt; emitter-appended) ---
"""Pipeline reference for scband-independent-semantic-codebooks-75849122447657 (READ-ONLY COPY).

The authoritative reference and input builder live on the scoring server;
editing this copy changes nothing except your own understanding.
"""

import jax, jax.numpy as jnp
import numpy as np

K = 512
D = 32
B = 16384
GROUPS = ["head_spine", "left_arm", "right_arm", "left_leg", "right_leg"]
COMMITMENT_COST = 0.25


def setup_inputs(seed: int = 0) -> dict:
    key = jax.random.key(seed)
    inp = {}
    for i, g in enumerate(GROUPS):
        inp[g] = jax.random.normal(jax.random.fold_in(key, i), (B, D), dtype=jnp.float32)
        inp["W_" + g] = jax.random.uniform(
            jax.random.fold_in(key, 100 + i), (K, D), dtype=jnp.float32,
            minval=-1.0 / K, maxval=1.0 / K)
    return inp


def _vq(inputs, W):
    # distances (B, K)
    distances = (jnp.sum(inputs ** 2, axis=1, keepdims=True)
                 + jnp.sum(W ** 2, axis=1)
                 - 2.0 * jnp.matmul(inputs, W.T))
    encoding_indices = jnp.argmin(distances, axis=1)
    # torch: zeros().scatter_(1, idx, 1) -> one-hot float matrix
    encodings = jax.nn.one_hot(encoding_indices, K, dtype=inputs.dtype)
    quantized = jnp.matmul(encodings, W)
    e_latent_loss = jnp.mean((jax.lax.stop_gradient(quantized) - inputs) ** 2)
    q_latent_loss = jnp.mean((quantized - jax.lax.stop_gradient(inputs)) ** 2)
    loss = q_latent_loss + COMMITMENT_COST * e_latent_loss
    quantized_st = inputs + jax.lax.stop_gradient(quantized - inputs)
    return quantized_st, loss, encoding_indices


def reference(head_spine, left_arm, right_arm, left_leg, right_leg,
              W_head_spine, W_left_arm, W_right_arm, W_left_leg, W_right_leg):
    feats = [head_spine, left_arm, right_arm, left_leg, right_leg]
    Ws = [W_head_spine, W_left_arm, W_right_arm, W_left_leg, W_right_leg]
    quants = []
    idxs = []
    total_loss = jnp.float32(0.0)
    for x, W in zip(feats, Ws):
        q, l, i = _vq(x, W)
        quants.append(q)
        idxs.append(i)
        total_loss = total_loss + l
    return jnp.stack(quants, axis=0), jnp.stack(idxs, axis=0), total_loss

if __name__ == "__main__":
    import jax
    _d = setup_inputs()
    print(jax.jit(kernel)(*tuple(_d.values())))

</pallas_src>

<mosaic_0001>
#map = affine_map<(d0, d1) -> (0, 0)>
#map1 = affine_map<(d0, d1) -> (0, 0, 0)>
module attributes {stable_mosaic.version = 14 : i64} {
  func.func @_sc_gather_body(%arg0: i32, %arg1: i32, %arg2: memref<5x16384xi32, #tpu.memory_space<hbm>>, %arg3: memref<34304x32xf32, #tpu.memory_space<hbm>>, %arg4: memref<5x16384x128xf32, #tpu.memory_space<hbm>>, %arg5: memref<20x128xi32, #tpu.memory_space<vmem>>, %arg6: memref<2560x32xf32, #tpu.memory_space<vmem>>, %arg7: memref<!tpu.dma_semaphore, #tpu.memory_space<semaphore_mem>>, %arg8: memref<!tpu.dma_semaphore, #tpu.memory_space<semaphore_mem>>) attributes {dimension_semantics = [#tpu.dimension_semantics<core_parallel>, #tpu.dimension_semantics<subcore_parallel>], iteration_bounds = array<i64: 2, 16>, scalar_prefetch = 0 : i64, scratch_operands = 4 : i64, tpu.core_type = #tpu.core_type<sc_vector_subcore>, window_params = [{transform_indices = #map}, {transform_indices = #map}, {transform_indices = #map1}]} {
    %mul3A = arith.constant 2 : i32
    %mul3A_0 = arith.muli %arg1, %mul3A : i32
    %add3A = arith.addi %mul3A_0, %arg0 : i32
    %mul3A_1 = arith.constant 20 : i32
    %mul3A_2 = arith.muli %add3A, %mul3A_1 : i32
    %add3A_3 = arith.constant 0 : i32
    %add3A_4 = arith.addi %mul3A_2, %add3A_3 : i32
    %jit3A = arith.constant 128 : i32
    %div3A = arith.divsi %add3A_4, %jit3A : i32
    %sign3A = arith.constant 0 : i32
    %sign3A_5 = arith.cmpi sgt, %add3A_4, %sign3A : i32
    %sign3A_6 = arith.extui %sign3A_5 : i1 to i32
    %sign3A_7 = arith.constant 0 : i32
    %sign3A_8 = arith.cmpi slt, %add3A_4, %sign3A_7 : i32
    %sign3A_9 = arith.extui %sign3A_8 : i1 to i32
    %sign3A_10 = arith.subi %sign3A_6, %sign3A_9 : i32
    %sign3A_11 = arith.constant 0 : i32
    %sign3A_12 = arith.cmpi sgt, %jit3A, %sign3A_11 : i32
    %sign3A_13 = arith.extui %sign3A_12 : i1 to i32
    %sign3A_14 = arith.constant 0 : i32
    %sign3A_15 = arith.cmpi slt, %jit3A, %sign3A_14 : i32
    %sign3A_16 = arith.extui %sign3A_15 : i1 to i32
    %sign3A_17 = arith.subi %sign3A_13, %sign3A_16 : i32
    %ne3A = arith.cmpi ne, %sign3A_10, %sign3A_17 : i32
    %rem3A = arith.remsi %add3A_4, %jit3A : i32
    %ne3A_18 = arith.constant 0 : i32
    %ne3A_19 = arith.cmpi ne, %rem3A, %ne3A_18 : i32
    %and3A = arith.andi %ne3A, %ne3A_19 : i1
    %sub3A = arith.constant 1 : i32
    %sub3A_20 = arith.subi %div3A, %sub3A : i32
    %select_n3A = arith.select %and3A, %sub3A_20, %div3A : i32
    %jit3A_21 = arith.constant 128 : i32
    %eq3A = arith.constant 0 : i32
    %eq3A_22 = arith.cmpi eq, %jit3A_21, %eq3A : i32
    %jit3A_23 = arith.constant 1 : i32
    %select_n3A_24 = arith.select %eq3A_22, %jit3A_23, %jit3A_21 : i32
    %rem3A_25 = arith.remsi %add3A_4, %select_n3A_24 : i32
    %ne3A_26 = arith.constant 0 : i32
    %ne3A_27 = arith.cmpi ne, %rem3A_25, %ne3A_26 : i32
    %lt3A = arith.constant 0 : i32
    %lt3A_28 = arith.cmpi slt, %rem3A_25, %lt3A : i32
    %lt3A_29 = arith.constant 0 : i32
    %lt3A_30 = arith.cmpi slt, %select_n3A_24, %lt3A_29 : i32
    %ne3A_31 = arith.xori %lt3A_28, %lt3A_30 : i1
    %and3A_32 = arith.andi %ne3A_31, %ne3A_27 : i1
    %add3A_33 = arith.addi %rem3A_25, %select_n3A_24 : i32
    %select_n3A_34 = arith.select %and3A_32, %add3A_33, %rem3A_25 : i32
    %mul3A_35 = arith.constant 128 : i32
    %mul3A_36 = arith.muli %select_n3A_34, %mul3A_35 : i32
    %dma_start3A = arith.constant 0 : i32
    %dma_start3A_37 = arith.constant 0 : i32
    %dma_start3A_38 = tpu.memref_slice %arg5[%dma_start3A, %dma_start3A_37] : memref<20x128xi32, #tpu.memory_space<vmem>> -> memref<1x128xi32, #tpu.memory_space<vmem>>
    %dma_start3A_39 = tpu.memref_squeeze %dma_start3A_38 : memref<1x128xi32, #tpu.memory_space<vmem>> -> memref<128xi32, #tpu.memory_space<vmem>>
    %dma_start3A_40 = tpu.memref_slice %arg2[%select_n3A, %mul3A_36] : memref<5x16384xi32, #tpu.memory_space<hbm>> -> memref<1x128xi32, #tpu.memory_space<hbm>>
    %dma_start3A_41 = tpu.memref_squeeze %dma_start3A_40 : memref<1x128xi32, #tpu.memory_space<hbm>> -> memref<128xi32, #tpu.memory_space<hbm>>
    %dma_start3A_42 = arith.constant 0 : i32
    %dma_start3A_43 = tpu.memref_slice %arg5[%dma_start3A, %dma_start3A_42] : memref<20x128xi32, #tpu.memory_space<vmem>> -> memref<1x128xi32, #tpu.memory_space<vmem>>
    %dma_start3A_44 = tpu.memref_squeeze %dma_start3A_43 : memref<1x128xi32, #tpu.memory_space<vmem>> -> memref<128xi32, #tpu.memory_space<vmem>>
    %dma_start3A_45 = tpu.memref_slice %arg2[%select_n3A, %mul3A_36] : memref<5x16384xi32, #tpu.memory_space<hbm>> -> memref<1x128xi32, #tpu.memory_space<hbm>>
    %dma_start3A_46 = tpu.memref_squeeze %dma_start3A_45 : memref<1x128xi32, #tpu.memory_space<hbm>> -> memref<128xi32, #tpu.memory_space<hbm>>
    tpu.enqueue_dma source(%dma_start3A_46 : memref<128xi32, #tpu.memory_space<hbm>>) target(%dma_start3A_44 : memref<128xi32, #tpu.memory_space<vmem>>) target_semaphore(%arg7 : memref<!tpu.dma_semaphore, #tpu.memory_space<semaphore_mem>>)
    %mul3A_47 = arith.constant 20 : i32
    %mul3A_48 = arith.muli %add3A, %mul3A_47 : i32
    %add3A_49 = arith.constant 1 : i32
    %add3A_50 = arith.addi %mul3A_48, %add3A_49 : i32
    %jit3A_51 = arith.constant 128 : i32
    %div3A_52 = arith.divsi %add3A_50, %jit3A_51 : i32
    %sign3A_53 = arith.constant 0 : i32
    %sign3A_54 = arith.cmpi sgt, %add3A_50, %sign3A_53 : i32
    %sign3A_55 = arith.extui %sign3A_54 : i1 to i32
    %sign3A_56 = arith.constant 0 : i32
    %sign3A_57 = arith.cmpi slt, %add3A_50, %sign3A_56 : i32
    %sign3A_58 = arith.extui %sign3A_57 : i1 to i32
    %sign3A_59 = arith.subi %sign3A_55, %sign3A_58 : i32
    %sign3A_60 = arith.constant 0 : i32
    %sign3A_61 = arith.cmpi sgt, %jit3A_51, %sign3A_60 : i32
    %sign3A_62 = arith.extui %sign3A_61 : i1 to i32
    %sign3A_63 = arith.constant 0 : i32
    %sign3A_64 = arith.cmpi slt, %jit3A_51, %sign3A_63 : i32
    %sign3A_65 = arith.extui %sign3A_64 : i1 to i32
    %sign3A_66 = arith.subi %sign3A_62, %sign3A_65 : i32
    %ne3A_67 = arith.cmpi ne, %sign3A_59, %sign3A_66 : i32
    %rem3A_68 = arith.remsi %add3A_50, %jit3A_51 : i32
    %ne3A_69 = arith.constant 0 : i32
    %ne3A_70 = arith.cmpi ne, %rem3A_68, %ne3A_69 : i32
    %and3A_71 = arith.andi %ne3A_67, %ne3A_70 : i1
    %sub3A_72 = arith.constant 1 : i32
    %sub3A_73 = arith.subi %div3A_52, %sub3A_72 : i32
    %select_n3A_74 = arith.select %and3A_71, %sub3A_73, %div3A_52 : i32
    %jit3A_75 = arith.constant 128 : i32
    %eq3A_76 = arith.constant 0 : i32
    %eq3A_77 = arith.cmpi eq, %jit3A_75, %eq3A_76 : i32
    %jit3A_78 = arith.constant 1 : i32
    %select_n3A_79 = arith.select %eq3A_77, %jit3A_78, %jit3A_75 : i32
    %rem3A_80 = arith.remsi %add3A_50, %select_n3A_79 : i32
    %ne3A_81 = arith.constant 0 : i32
    %ne3A_82 = arith.cmpi ne, %rem3A_80, %ne3A_81 : i32
    %lt3A_83 = arith.constant 0 : i32
    %lt3A_84 = arith.cmpi slt, %rem3A_80, %lt3A_83 : i32
    %lt3A_85 = arith.constant 0 : i32
    %lt3A_86 = arith.cmpi slt, %select_n3A_79, %lt3A_85 : i32
    %ne3A_87 = arith.xori %lt3A_84, %lt3A_86 : i1
    %and3A_88 = arith.andi %ne3A_87, %ne3A_82 : i1
    %add3A_89 = arith.addi %rem3A_80, %select_n3A_79 : i32
    %select_n3A_90 = arith.select %and3A_88, %add3A_89, %rem3A_80 : i32
    %mul3A_91 = arith.constant 128 : i32
    %mul3A_92 = arith.muli %select_n3A_90, %mul3A_91 : i32
    %dma_start3A_93 = arith.constant 1 : i32
    %dma_start3A_94 = arith.constant 0 : i32
    %dma_start3A_95 = tpu.memref_slice %arg5[%dma_start3A_93, %dma_start3A_94] : memref<20x128xi32, #tpu.memory_space<vmem>> -> memref<1x128xi32, #tpu.memory_space<vmem>>
    %dma_start3A_96 = tpu.memref_squeeze %dma_start3A_95 : memref<1x128xi32, #tpu.memory_space<vmem>> -> memref<128xi32, #tpu.memory_space<vmem>>
    %dma_start3A_97 = tpu.memref_slice %arg2[%select_n3A_74, %mul3A_92] : memref<5x16384xi32, #tpu.memory_space<hbm>> -> memref<1x128xi32, #tpu.memory_space<hbm>>
    %dma_start3A_98 = tpu.memref_squeeze %dma_start3A_97 : memref<1x128xi32, #tpu.memory_space<hbm>> -> memref<128xi32, #tpu.memory_space<hbm>>
    %dma_start3A_99 = arith.constant 0 : i32
    %dma_start3A_100 = tpu.memref_slice %arg5[%dma_start3A_93, %dma_start3A_99] : memref<20x128xi32, #tpu.memory_space<vmem>> -> memref<1x128xi32, #tpu.memory_space<vmem>>
    %dma_start3A_101 = tpu.memref_squeeze %dma_start3A_100 : memref<1x128xi32, #tpu.memory_space<vmem>> -> memref<128xi32, #tpu.memory_space<vmem>>
    %dma_start3A_102 = tpu.memref_slice %arg2[%select_n3A_74, %mul3A_92] : memref<5x16384xi32, #tpu.memory_space<hbm>> -> memref<1x128xi32, #tpu.memory_space<hbm>>
    %dma_start3A_103 = tpu.memref_squeeze %dma_start3A_102 : memref<1x128xi32, #tpu.memory_space<hbm>> -> memref<128xi32, #tpu.memory_space<hbm>>
    tpu.enqueue_dma source(%dma_start3A_103 : memref<128xi32, #tpu.memory_space<hbm>>) target(%dma_start3A_101 : memref<128xi32, #tpu.memory_space<vmem>>) target_semaphore(%arg7 : memref<!tpu.dma_semaphore, #tpu.memory_space<semaphore_mem>>)
    %mul3A_104 = arith.constant 20 : i32
    %mul3A_105 = arith.muli %add3A, %mul3A_104 : i32
    %add3A_106 = arith.constant 2 : i32
    %add3A_107 = arith.addi %mul3A_105, %add3A_106 : i32
    %jit3A_108 = arith.constant 128 : i32
    %div3A_109 = arith.divsi %add3A_107, %jit3A_108 : i32
    %sign3A_110 = arith.constant 0 : i32
    %sign3A_111 = arith.cmpi sgt, %add3A_107, %sign3A_110 : i32
    %sign3A_112 = arith.extui %sign3A_111 : i1 to i32
    %sign3A_113 = arith.constant 0 : i32
    %sign3A_114 = arith.cmpi slt, %add3A_107, %sign3A_113 : i32
    %sign3A_115 = arith.extui %sign3A_114 : i1 to i32
    %sign3A_116 = arith.subi %sign3A_112, %sign3A_115 : i32
    %sign3A_117 = arith.constant 0 : i32
    %sign3A_118 = arith.cmpi sgt, %jit3A_108, %sign3A_117 : i32
    %sign3A_119 = arith.extui %sign3A_118 : i1 to i32
    %sign3A_120 = arith.constant 0 : i32
    %sign3A_121 = arith.cmpi slt, %jit3A_108, %sign3A_120 : i32
    %sign3A_122 = arith.extui %sign3A_121 : i1 to i32
    %sign3A_123 = arith.subi %sign3A_119, %sign3A_122 : i32
    %ne3A_124 = arith.cmpi ne, %sign3A_116, %sign3A_123 : i32
    %rem3A_125 = arith.remsi %add3A_107, %jit3A_108 : i32
    %ne3A_126 = arith.constant 0 : i32
    %ne3A_127 = arith.cmpi ne, %rem3A_125, %ne3A_126 : i32
    %and3A_128 = arith.andi %ne3A_124, %ne3A_127 : i1
    %sub3A_129 = arith.constant 1 : i32
    %sub3A_130 = arith.subi %div3A_109, %sub3A_129 : i32
    %select_n3A_131 = arith.select %and3A_128, %sub3A_130, %div3A_109 : i32
    %jit3A_132 = arith.constant 128 : i32
    %eq3A_133 = arith.constant 0 : i32
    %eq3A_134 = arith.cmpi eq, %jit3A_132, %eq3A_133 : i32
    %jit3A_135 = arith.constant 1 : i32
    %select_n3A_136 = arith.select %eq3A_134, %jit3A_135, %jit3A_132 : i32
    %rem3A_137 = arith.remsi %add3A_107, %select_n3A_136 : i32
    %ne3A_138 = arith.constant 0 : i32
    %ne3A_139 = arith.cmpi ne, %rem3A_137, %ne3A_138 : i32
    %lt3A_140 = arith.constant 0 : i32
    %lt3A_141 = arith.cmpi slt, %rem3A_137, %lt3A_140 : i32
    %lt3A_142 = arith.constant 0 : i32
    %lt3A_143 = arith.cmpi slt, %select_n3A_136, %lt3A_142 : i32
    %ne3A_144 = arith.xori %lt3A_141, %lt3A_143 : i1
    %and3A_145 = arith.andi %ne3A_144, %ne3A_139 : i1
    %add3A_146 = arith.addi %rem3A_137, %select_n3A_136 : i32
    %select_n3A_147 = arith.select %and3A_145, %add3A_146, %rem3A_137 : i32
    %mul3A_148 = arith.constant 128 : i32
    %mul3A_149 = arith.muli %select_n3A_147, %mul3A_148 : i32
    %dma_start3A_150 = arith.constant 2 : i32
    %dma_start3A_151 = arith.constant 0 : i32
    %dma_start3A_152 = tpu.memref_slice %arg5[%dma_start3A_150, %dma_start3A_151] : memref<20x128xi32, #tpu.memory_space<vmem>> -> memref<1x128xi32, #tpu.memory_space<vmem>>
    %dma_start3A_153 = tpu.memref_squeeze %dma_start3A_152 : memref<1x128xi32, #tpu.memory_space<vmem>> -> memref<128xi32, #tpu.memory_space<vmem>>
    %dma_start3A_154 = tpu.memref_slice %arg2[%select_n3A_131, %mul3A_149] : memref<5x16384xi32, #tpu.memory_space<hbm>> -> memref<1x128xi32, #tpu.memory_space<hbm>>
    %dma_start3A_155 = tpu.memref_squeeze %dma_start3A_154 : memref<1x128xi32, #tpu.memory_space<hbm>> -> memref<128xi32, #tpu.memory_space<hbm>>
    %dma_start3A_156 = arith.constant 0 : i32
    %dma_start3A_157 = tpu.memref_slice %arg5[%dma_start3A_150, %dma_start3A_156] : memref<20x128xi32, #tpu.memory_space<vmem>> -> memref<1x128xi32, #tpu.memory_space<vmem>>
    %dma_start3A_158 = tpu.memref_squeeze %dma_start3A_157 : memref<1x128xi32, #tpu.memory_space<vmem>> -> memref<128xi32, #tpu.memory_space<vmem>>
    %dma_start3A_159 = tpu.memref_slice %arg2[%select_n3A_131, %mul3A_149] : memref<5x16384xi32, #tpu.memory_space<hbm>> -> memref<1x128xi32, #tpu.memory_space<hbm>>
    %dma_start3A_160 = tpu.memref_squeeze %dma_start3A_159 : memref<1x128xi32, #tpu.memory_space<hbm>> -> memref<128xi32, #tpu.memory_space<hbm>>
    tpu.enqueue_dma source(%dma_start3A_160 : memref<128xi32, #tpu.memory_space<hbm>>) target(%dma_start3A_158 : memref<128xi32, #tpu.memory_space<vmem>>) target_semaphore(%arg7 : memref<!tpu.dma_semaphore, #tpu.memory_space<semaphore_mem>>)
    %mul3A_161 = arith.constant 20 : i32
    %mul3A_162 = arith.muli %add3A, %mul3A_161 : i32
    %add3A_163 = arith.constant 3 : i32
    %add3A_164 = arith.addi %mul3A_162, %add3A_163 : i32
    %jit3A_165 = arith.constant 128 : i32
    %div3A_166 = arith.divsi %add3A_164, %jit3A_165 : i32
    %sign3A_167 = arith.constant 0 : i32
    %sign3A_168 = arith.cmpi sgt, %add3A_164, %sign3A_167 : i32
    %sign3A_169 = arith.extui %sign3A_168 : i1 to i32
    %sign3A_170 = arith.constant 0 : i32
    %sign3A_171 = arith.cmpi slt, %add3A_164, %sign3A_170 : i32
    %sign3A_172 = arith.extui %sign3A_171 : i1 to i32
    %sign3A_173 = arith.subi %sign3A_169, %sign3A_172 : i32
    %sign3A_174 = arith.constant 0 : i32
    %sign3A_175 = arith.cmpi sgt, %jit3A_165, %sign3A_174 : i32
    %sign3A_176 = arith.extui %sign3A_175 : i1 to i32
    %sign3A_177 = arith.constant 0 : i32
    %sign3A_178 = arith.cmpi slt, %jit3A_165, %sign3A_177 : i32
    %sign3A_179 = arith.extui %sign3A_178 : i1 to i32
    %sign3A_180 = arith.subi %sign3A_176, %sign3A_179 : i32
    %ne3A_181 = arith.cmpi ne, %sign3A_173, %sign3A_180 : i32
    %rem3A_182 = arith.remsi %add3A_164, %jit3A_165 : i32
    %ne3A_183 = arith.constant 0 : i32
    %ne3A_184 = arith.cmpi ne, %rem3A_182, %ne3A_183 : i32
    %and3A_185 = arith.andi %ne3A_181, %ne3A_184 : i1
    %sub3A_186 = arith.constant 1 : i32
    %sub3A_187 = arith.subi %div3A_166, %sub3A_186 : i32
    %select_n3A_188 = arith.select %and3A_185, %sub3A_187, %div3A_166 : i32
    %jit3A_189 = arith.constant 128 : i32
    %eq3A_190 = arith.constant 0 : i32
    %eq3A_191 = arith.cmpi eq, %jit3A_189, %eq3A_190 : i32
    %jit3A_192 = arith.constant 1 : i32
    %select_n3A_193 = arith.select %eq3A_191, %jit3A_192, %jit3A_189 : i32
    %rem3A_194 = arith.remsi %add3A_164, %select_n3A_193 : i32
    %ne3A_195 = arith.constant 0 : i32
    %ne3A_196 = arith.cmpi ne, %rem3A_194, %ne3A_195 : i32
    %lt3A_197 = arith.constant 0 : i32
    %lt3A_198 = arith.cmpi slt, %rem3A_194, %lt3A_197 : i32
    %lt3A_199 = arith.constant 0 : i32
    %lt3A_200 = arith.cmpi slt, %select_n3A_193, %lt3A_199 : i32
    %ne3A_201 = arith.xori %lt3A_198, %lt3A_200 : i1
    %and3A_202 = arith.andi %ne3A_201, %ne3A_196 : i1
    %add3A_203 = arith.addi %rem3A_194, %select_n3A_193 : i32
    %select_n3A_204 = arith.select %and3A_202, %add3A_203, %rem3A_194 : i32
    %mul3A_205 = arith.constant 128 : i32
    %mul3A_206 = arith.muli %select_n3A_204, %mul3A_205 : i32
    %dma_start3A_207 = arith.constant 3 : i32
    %dma_start3A_208 = arith.constant 0 : i32
    %dma_start3A_209 = tpu.memref_slice %arg5[%dma_start3A_207, %dma_start3A_208] : memref<20x128xi32, #tpu.memory_space<vmem>> -> memref<1x128xi32, #tpu.memory_space<vmem>>
    %dma_start3A_210 = tpu.memref_squeeze %dma_start3A_209 : memref<1x128xi32, #tpu.memory_space<vmem>> -> memref<128xi32, #tpu.memory_space<vmem>>
    %dma_start3A_211 = tpu.memref_slice %arg2[%select_n3A_188, %mul3A_206] : memref<5x16384xi32, #tpu.memory_space<hbm>> -> memref<1x128xi32, #tpu.memory_space<hbm>>
    %dma_start3A_212 = tpu.memref_squeeze %dma_start3A_211 : memref<1x128xi32, #tpu.memory_space<hbm>> -> memref<128xi32, #tpu.memory_space<hbm>>
    %dma_start3A_213 = arith.constant 0 : i32
    %dma_start3A_214 = tpu.memref_slice %arg5[%dma_start3A_207, %dma_start3A_213] : memref<20x128xi32, #tpu.memory_space<vmem>> -> memref<1x128xi32, #tpu.memory_space<vmem>>
    %dma_start3A_215 = tpu.memref_squeeze %dma_start3A_214 : memref<1x128xi32, #tpu.memory_space<vmem>> -> memref<128xi32, #tpu.memory_space<vmem>>
    %dma_start3A_216 = tpu.memref_slice %arg2[%select_n3A_188, %mul3A_206] : memref<5x16384xi32, #tpu.memory_space<hbm>> -> memref<1x128xi32, #tpu.memory_space<hbm>>
    %dma_start3A_217 = tpu.memref_squeeze %dma_start3A_216 : memref<1x128xi32, #tpu.memory_space<hbm>> -> memref<128xi32, #tpu.memory_space<hbm>>
    tpu.enqueue_dma source(%dma_start3A_217 : memref<128xi32, #tpu.memory_space<hbm>>) target(%dma_start3A_215 : memref<128xi32, #tpu.memory_space<vmem>>) target_semaphore(%arg7 : memref<!tpu.dma_semaphore, #tpu.memory_space<semaphore_mem>>)
    %mul3A_218 = arith.constant 20 : i32
    %mul3A_219 = arith.muli %add3A, %mul3A_218 : i32
    %add3A_220 = arith.constant 4 : i32
    %add3A_221 = arith.addi %mul3A_219, %add3A_220 : i32
    %jit3A_222 = arith.constant 128 : i32
    %div3A_223 = arith.divsi %add3A_221, %jit3A_222 : i32
    %sign3A_224 = arith.constant 0 : i32
    %sign3A_225 = arith.cmpi sgt, %add3A_221, %sign3A_224 : i32
    %sign3A_226 = arith.extui %sign3A_225 : i1 to i32
    %sign3A_227 = arith.constant 0 : i32
    %sign3A_228 = arith.cmpi slt, %add3A_221, %sign3A_227 : i32
    %sign3A_229 = arith.extui %sign3A_228 : i1 to i32
    %sign3A_230 = arith.subi %sign3A_226, %sign3A_229 : i32
    %sign3A_231 = arith.constant 0 : i32
    %sign3A_232 = arith.cmpi sgt, %jit3A_222, %sign3A_231 : i32
    %sign3A_233 = arith.extui %sign3A_232 : i1 to i32
    %sign3A_234 = arith.constant 0 : i32
    %sign3A_235 = arith.cmpi slt, %jit3A_222, %sign3A_234 : i32
    %sign3A_236 = arith.extui %sign3A_235 : i1 to i32
    %sign3A_237 = arith.subi %sign3A_233, %sign3A_236 : i32
    %ne3A_238 = arith.cmpi ne, %sign3A_230, %sign3A_237 : i32
    %rem3A_239 = arith.remsi %add3A_221, %jit3A_222 : i32
    %ne3A_240 = arith.constant 0 : i32
    %ne3A_241 = arith.cmpi ne, %rem3A_239, %ne3A_240 : i32
    %and3A_242 = arith.andi %ne3A_238, %ne3A_241 : i1
    %sub3A_243 = arith.constant 1 : i32
    %sub3A_244 = arith.subi %div3A_223, %sub3A_243 : i32
    %select_n3A_245 = arith.select %and3A_242, %sub3A_244, %div3A_223 : i32
    %jit3A_246 = arith.constant 128 : i32
    %eq3A_247 = arith.constant 0 : i32
    %eq3A_248 = arith.cmpi eq, %jit3A_246, %eq3A_247 : i32
    %jit3A_249 = arith.constant 1 : i32
    %select_n3A_250 = arith.select %eq3A_248, %jit3A_249, %jit3A_246 : i32
    %rem3A_251 = arith.remsi %add3A_221, %select_n3A_250 : i32
    %ne3A_252 = arith.constant 0 : i32
    %ne3A_253 = arith.cmpi ne, %rem3A_251, %ne3A_252 : i32
    %lt3A_254 = arith.constant 0 : i32
    %lt3A_255 = arith.cmpi slt, %rem3A_251, %lt3A_254 : i32
    %lt3A_256 = arith.constant 0 : i32
    %lt3A_257 = arith.cmpi slt, %select_n3A_250, %lt3A_256 : i32
    %ne3A_258 = arith.xori %lt3A_255, %lt3A_257 : i1
    %and3A_259 = arith.andi %ne3A_258, %ne3A_253 : i1
    %add3A_260 = arith.addi %rem3A_251, %select_n3A_250 : i32
    %select_n3A_261 = arith.select %and3A_259, %add3A_260, %rem3A_251 : i32
    %mul3A_262 = arith.constant 128 : i32
    %mul3A_263 = arith.muli %select_n3A_261, %mul3A_262 : i32
    %dma_start3A_264 = arith.constant 4 : i32
    %dma_start3A_265 = arith.constant 0 : i32
    %dma_start3A_266 = tpu.memref_slice %arg5[%dma_start3A_264, %dma_start3A_265] : memref<20x128xi32, #tpu.memory_space<vmem>> -> memref<1x128xi32, #tpu.memory_space<vmem>>
    %dma_start3A_267 = tpu.memref_squeeze %dma_start3A_266 : memref<1x128xi32, #tpu.memory_space<vmem>> -> memref<128xi32, #tpu.memory_space<vmem>>
    %dma_start3A_268 = tpu.memref_slice %arg2[%select_n3A_245, %mul3A_263] : memref<5x16384xi32, #tpu.memory_space<hbm>> -> memref<1x128xi32, #tpu.memory_space<hbm>>
    %dma_start3A_269 = tpu.memref_squeeze %dma_start3A_268 : memref<1x128xi32, #tpu.memory_space<hbm>> -> memref<128xi32, #tpu.memory_space<hbm>>
    %dma_start3A_270 = arith.constant 0 : i32
    %dma_start3A_271 = tpu.memref_slice %arg5[%dma_start3A_264, %dma_start3A_270] : memref<20x128xi32, #tpu.memory_space<vmem>> -> memref<1x128xi32, #tpu.memory_space<vmem>>
    %dma_start3A_272 = tpu.memref_squeeze %dma_start3A_271 : memref<1x128xi32, #tpu.memory_space<vmem>> -> memref<128xi32, #tpu.memory_space<vmem>>
    %dma_start3A_273 = tpu.memref_slice %arg2[%select_n3A_245, %mul3A_263] : memref<5x16384xi32, #tpu.memory_space<hbm>> -> memref<1x128xi32, #tpu.memory_space<hbm>>
    %dma_start3A_274 = tpu.memref_squeeze %dma_start3A_273 : memref<1x128xi32, #tpu.memory_space<hbm>> -> memref<128xi32, #tpu.memory_space<hbm>>
    tpu.enqueue_dma source(%dma_start3A_274 : memref<128xi32, #tpu.memory_space<hbm>>) target(%dma_start3A_272 : memref<128xi32, #tpu.memory_space<vmem>>) target_semaphore(%arg7 : memref<!tpu.dma_semaphore, #tpu.memory_space<semaphore_mem>>)
    %mul3A_275 = arith.constant 20 : i32
    %mul3A_276 = arith.muli %add3A, %mul3A_275 : i32
    %add3A_277 = arith.constant 5 : i32
    %add3A_278 = arith.addi %mul3A_276, %add3A_277 : i32
    %jit3A_279 = arith.constant 128 : i32
    %div3A_280 = arith.divsi %add3A_278, %jit3A_279 : i32
    %sign3A_281 = arith.constant 0 : i32
    %sign3A_282 = arith.cmpi sgt, %add3A_278, %sign3A_281 : i32
    %sign3A_283 = arith.extui %sign3A_282 : i1 to i32
    %sign3A_284 = arith.constant 0 : i32
    %sign3A_285 = arith.cmpi slt, %add3A_278, %sign3A_284 : i32
    %sign3A_286 = arith.extui %sign3A_285 : i1 to i32
    %sign3A_287 = arith.subi %sign3A_283, %sign3A_286 : i32
    %sign3A_288 = arith.constant 0 : i32
    %sign3A_289 = arith.cmpi sgt, %jit3A_279, %sign3A_288 : i32
    %sign3A_290 = arith.extui %sign3A_289 : i1 to i32
    %sign3A_291 = arith.constant 0 : i32
    %sign3A_292 = arith.cmpi slt, %jit3A_279, %sign3A_291 : i32
    %sign3A_293 = arith.extui %sign3A_292 : i1 to i32
    %sign3A_294 = arith.subi %sign3A_290, %sign3A_293 : i32
    %ne3A_295 = arith.cmpi ne, %sign3A_287, %sign3A_294 : i32
    %rem3A_296 = arith.remsi %add3A_278, %jit3A_279 : i32
    %ne3A_297 = arith.constant 0 : i32
    %ne3A_298 = arith.cmpi ne, %rem3A_296, %ne3A_297 : i32
    %and3A_299 = arith.andi %ne3A_295, %ne3A_298 : i1
    %sub3A_300 = arith.constant 1 : i32
    %sub3A_301 = arith.subi %div3A_280, %sub3A_300 : i32
    %select_n3A_302 = arith.select %and3A_299, %sub3A_301, %div3A_280 : i32
    %jit3A_303 = arith.constant 128 : i32
    %eq3A_304 = arith.constant 0 : i32
    %eq3A_305 = arith.cmpi eq, %jit3A_303, %eq3A_304 : i32
    %jit3A_306 = arith.constant 1 : i32
    %select_n3A_307 = arith.select %eq3A_305, %jit3A_306, %jit3A_303 : i32
    %rem3A_308 = arith.remsi %add3A_278, %select_n3A_307 : i32
    %ne3A_309 = arith.constant 0 : i32
    %ne3A_310 = arith.cmpi ne, %rem3A_308, %ne3A_309 : i32
    %lt3A_311 = arith.constant 0 : i32
    %lt3A_312 = arith.cmpi slt, %rem3A_308, %lt3A_311 : i32
    %lt3A_313 = arith.constant 0 : i32
    %lt3A_314 = arith.cmpi slt, %select_n3A_307, %lt3A_313 : i32
    %ne3A_315 = arith.xori %lt3A_312, %lt3A_314 : i1
    %and3A_316 = arith.andi %ne3A_315, %ne3A_310 : i1
    %add3A_317 = arith.addi %rem3A_308, %select_n3A_307 : i32
    %select_n3A_318 = arith.select %and3A_316, %add3A_317, %rem3A_308 : i32
    %mul3A_319 = arith.constant 128 : i32
    %mul3A_320 = arith.muli %select_n3A_318, %mul3A_319 : i32
    %dma_start3A_321 = arith.constant 5 : i32
    %dma_start3A_322 = arith.constant 0 : i32
    %dma_start3A_323 = tpu.memref_slice %arg5[%dma_start3A_321, %dma_start3A_322] : memref<20x128xi32, #tpu.memory_space<vmem>> -> memref<1x128xi32, #tpu.memory_space<vmem>>
    %dma_start3A_324 = tpu.memref_squeeze %dma_start3A_323 : memref<1x128xi32, #tpu.memory_space<vmem>> -> memref<128xi32, #tpu.memory_space<vmem>>
    %dma_start3A_325 = tpu.memref_slice %arg2[%select_n3A_302, %mul3A_320] : memref<5x16384xi32, #tpu.memory_space<hbm>> -> memref<1x128xi32, #tpu.memory_space<hbm>>
    %dma_start3A_326 = tpu.memref_squeeze %dma_start3A_325 : memref<1x128xi32, #tpu.memory_space<hbm>> -> memref<128xi32, #tpu.memory_space<hbm>>
    %dma_start3A_327 = arith.constant 0 : i32
    %dma_start3A_328 = tpu.memref_slice %arg5[%dma_start3A_321, %dma_start3A_327] : memref<20x128xi32, #tpu.memory_space<vmem>> -> memref<1x128xi32, #tpu.memory_space<vmem>>
    %dma_start3A_329 = tpu.memref_squeeze %dma_start3A_328 : memref<1x128xi32, #tpu.memory_space<vmem>> -> memref<128xi32, #tpu.memory_space<vmem>>
    %dma_start3A_330 = tpu.memref_slice %arg2[%select_n3A_302, %mul3A_320] : memref<5x16384xi32, #tpu.memory_space<hbm>> -> memref<1x128xi32, #tpu.memory_space<hbm>>
    %dma_start3A_331 = tpu.memref_squeeze %dma_start3A_330 : memref<1x128xi32, #tpu.memory_space<hbm>> -> memref<128xi32, #tpu.memory_space<hbm>>
    tpu.enqueue_dma source(%dma_start3A_331 : memref<128xi32, #tpu.memory_space<hbm>>) target(%dma_start3A_329 : memref<128xi32, #tpu.memory_space<vmem>>) target_semaphore(%arg7 : memref<!tpu.dma_semaphore, #tpu.memory_space<semaphore_mem>>)
    %mul3A_332 = arith.constant 20 : i32
    %mul3A_333 = arith.muli %add3A, %mul3A_332 : i32
    %add3A_334 = arith.constant 6 : i32
    %add3A_335 = arith.addi %mul3A_333, %add3A_334 : i32
    %jit3A_336 = arith.constant 128 : i32
    %div3A_337 = arith.divsi %add3A_335, %jit3A_336 : i32
    %sign3A_338 = arith.constant 0 : i32
    %sign3A_339 = arith.cmpi sgt, %add3A_335, %sign3A_338 : i32
    %sign3A_340 = arith.extui %sign3A_339 : i1 to i32
    %sign3A_341 = arith.constant 0 : i32
    %sign3A_342 = arith.cmpi slt, %add3A_335, %sign3A_341 : i32
    %sign3A_343 = arith.extui %sign3A_342 : i1 to i32
    %sign3A_344 = arith.subi %sign3A_340, %sign3A_343 : i32
    %sign3A_345 = arith.constant 0 : i32
    %sign3A_346 = arith.cmpi sgt, %jit3A_336, %sign3A_345 : i32
    %sign3A_347 = arith.extui %sign3A_346 : i1 to i32
    %sign3A_348 = arith.constant 0 : i32
    %sign3A_349 = arith.cmpi slt, %jit3A_336, %sign3A_348 : i32
    %sign3A_350 = arith.extui %sign3A_349 : i1 to i32
    %sign3A_351 = arith.subi %sign3A_347, %sign3A_350 : i32
    %ne3A_352 = arith.cmpi ne, %sign3A_344, %sign3A_351 : i32
    %rem3A_353 = arith.remsi %add3A_335, %jit3A_336 : i32
    %ne3A_354 = arith.constant 0 : i32
    %ne3A_355 = arith.cmpi ne, %rem3A_353, %ne3A_354 : i32
    %and3A_356 = arith.andi %ne3A_352, %ne3A_355 : i1
    %sub3A_357 = arith.constant 1 : i32
    %sub3A_358 = arith.subi %div3A_337, %sub3A_357 : i32
    %select_n3A_359 = arith.select %and3A_356, %sub3A_358, %div3A_337 : i32
    %jit3A_360 = arith.constant 128 : i32
    %eq3A_361 = arith.constant 0 : i32
    %eq3A_362 = arith.cmpi eq, %jit3A_360, %eq3A_361 : i32
    %jit3A_363 = arith.constant 1 : i32
    %select_n3A_364 = arith.select %eq3A_362, %jit3A_363, %jit3A_360 : i32
    %rem3A_365 = arith.remsi %add3A_335, %select_n3A_364 : i32
    %ne3A_366 = arith.constant 0 : i32
    %ne3A_367 = arith.cmpi ne, %rem3A_365, %ne3A_366 : i32
    %lt3A_368 = arith.constant 0 : i32
    %lt3A_369 = arith.cmpi slt, %rem3A_365, %lt3A_368 : i32
    %lt3A_370 = arith.constant 0 : i32
    %lt3A_371 = arith.cmpi slt, %select_n3A_364, %lt3A_370 : i32
    %ne3A_372 = arith.xori %lt3A_369, %lt3A_371 : i1
    %and3A_373 = arith.andi %ne3A_372, %ne3A_367 : i1
    %add3A_374 = arith.addi %rem3A_365, %select_n3A_364 : i32
    %select_n3A_375 = arith.select %and3A_373, %add3A_374, %rem3A_365 : i32
    %mul3A_376 = arith.constant 128 : i32
    %mul3A_377 = arith.muli %select_n3A_375, %mul3A_376 : i32
    %dma_start3A_378 = arith.constant 6 : i32
    %dma_start3A_379 = arith.constant 0 : i32
    %dma_start3A_380 = tpu.memref_slice %arg5[%dma_start3A_378, %dma_start3A_379] : memref<20x128xi32, #tpu.memory_space<vmem>> -> memref<1x128xi32, #tpu.memory_space<vmem>>
    %dma_start3A_381 = tpu.memref_squeeze %dma_start3A_380 : memref<1x128xi32, #tpu.memory_space<vmem>> -> memref<128xi32, #tpu.memory_space<vmem>>
    %dma_start3A_382 = tpu.memref_slice %arg2[%select_n3A_359, %mul3A_377] : memref<5x16384xi32, #tpu.memory_space<hbm>> -> memref<1x128xi32, #tpu.memory_space<hbm>>
    %dma_start3A_383 = tpu.memref_squeeze %dma_start3A_382 : memref<1x128xi32, #tpu.memory_space<hbm>> -> memref<128xi32, #tpu.memory_space<hbm>>
    %dma_start3A_384 = arith.constant 0 : i32
    %dma_start3A_385 = tpu.memref_slice %arg5[%dma_start3A_378, %dma_start3A_384] : memref<20x128xi32, #tpu.memory_space<vmem>> -> memref<1x128xi32, #tpu.memory_space<vmem>>
    %dma_start3A_386 = tpu.memref_squeeze %dma_start3A_385 : memref<1x128xi32, #tpu.memory_space<vmem>> -> memref<128xi32, #tpu.memory_space<vmem>>
    %dma_start3A_387 = tpu.memref_slice %arg2[%select_n3A_359, %mul3A_377] : memref<5x16384xi32, #tpu.memory_space<hbm>> -> memref<1x128xi32, #tpu.memory_space<hbm>>
    %dma_start3A_388 = tpu.memref_squeeze %dma_start3A_387 : memref<1x128xi32, #tpu.memory_space<hbm>> -> memref<128xi32, #tpu.memory_space<hbm>>
    tpu.enqueue_dma source(%dma_start3A_388 : memref<128xi32, #tpu.memory_space<hbm>>) target(%dma_start3A_386 : memref<128xi32, #tpu.memory_space<vmem>>) target_semaphore(%arg7 : memref<!tpu.dma_semaphore, #tpu.memory_space<semaphore_mem>>)
    %mul3A_389 = arith.constant 20 : i32
    %mul3A_390 = arith.muli %add3A, %mul3A_389 : i32
    %add3A_391 = arith.constant 7 : i32
    %add3A_392 = arith.addi %mul3A_390, %add3A_391 : i32
    %jit3A_393 = arith.constant 128 : i32
    %div3A_394 = arith.divsi %add3A_392, %jit3A_393 : i32
    %sign3A_395 = arith.constant 0 : i32
    %sign3A_396 = arith.cmpi sgt, %add3A_392, %sign3A_395 : i32
    %sign3A_397 = arith.extui %sign3A_396 : i1 to i32
    %sign3A_398 = arith.constant 0 : i32
    %sign3A_399 = arith.cmpi slt, %add3A_392, %sign3A_398 : i32
    %sign3A_400 = arith.extui %sign3A_399 : i1 to i32
    %sign3A_401 = arith.subi %sign3A_397, %sign3A_400 : i32
    %sign3A_402 = arith.constant 0 : i32
    %sign3A_403 = arith.cmpi sgt, %jit3A_393, %sign3A_402 : i32
    %sign3A_404 = arith.extui %sign3A_403 : i1 to i32
    %sign3A_405 = arith.constant 0 : i32
    %sign3A_406 = arith.cmpi slt, %jit3A_393, %sign3A_405 : i32
    %sign3A_407 = arith.extui %sign3A_406 : i1 to i32
    %sign3A_408 = arith.subi %sign3A_404, %sign3A_407 : i32
    %ne3A_409 = arith.cmpi ne, %sign3A_401, %sign3A_408 : i32
    %rem3A_410 = arith.remsi %add3A_392, %jit3A_393 : i32
    %ne3A_411 = arith.constant 0 : i32
    %ne3A_412 = arith.cmpi ne, %rem3A_410, %ne3A_411 : i32
    %and3A_413 = arith.andi %ne3A_409, %ne3A_412 : i1
    %sub3A_414 = arith.constant 1 : i32
    %sub3A_415 = arith.subi %div3A_394, %sub3A_414 : i32
    %select_n3A_416 = arith.select %and3A_413, %sub3A_415, %div3A_394 : i32
    %jit3A_417 = arith.constant 128 : i32
    %eq3A_418 = arith.constant 0 : i32
    %eq3A_419 = arith.cmpi eq, %jit3A_417, %eq3A_418 : i32
    %jit3A_420 = arith.constant 1 : i32
    %select_n3A_421 = arith.select %eq3A_419, %jit3A_420, %jit3A_417 : i32
    %rem3A_422 = arith.remsi %add3A_392, %select_n3A_421 : i32
    %ne3A_423 = arith.constant 0 : i32
    %ne3A_424 = arith.cmpi ne, %rem3A_422, %ne3A_423 : i32
    %lt3A_425 = arith.constant 0 : i32
    %lt3A_426 = arith.cmpi slt, %rem3A_422, %lt3A_425 : i32
    %lt3A_427 = arith.constant 0 : i32
    %lt3A_428 = arith.cmpi slt, %select_n3A_421, %lt3A_427 : i32
    %ne3A_429 = arith.xori %lt3A_426, %lt3A_428 : i1
    %and3A_430 = arith.andi %ne3A_429, %ne3A_424 : i1
    %add3A_431 = arith.addi %rem3A_422, %select_n3A_421 : i32
    %select_n3A_432 = arith.select %and3A_430, %add3A_431, %rem3A_422 : i32
    %mul3A_433 = arith.constant 128 : i32
    %mul3A_434 = arith.muli %select_n3A_432, %mul3A_433 : i32
    %dma_start3A_435 = arith.constant 7 : i32
    %dma_start3A_436 = arith.constant 0 : i32
    %dma_start3A_437 = tpu.memref_slice %arg5[%dma_start3A_435, %dma_start3A_436] : memref<20x128xi32, #tpu.memory_space<vmem>> -> memref<1x128xi32, #tpu.memory_space<vmem>>
    %dma_start3A_438 = tpu.memref_squeeze %dma_start3A_437 : memref<1x128xi32, #tpu.memory_space<vmem>> -> memref<128xi32, #tpu.memory_space<vmem>>
    %dma_start3A_439 = tpu.memref_slice %arg2[%select_n3A_416, %mul3A_434] : memref<5x16384xi32, #tpu.memory_space<hbm>> -> memref<1x128xi32, #tpu.memory_space<hbm>>
    %dma_start3A_440 = tpu.memref_squeeze %dma_start3A_439 : memref<1x128xi32, #tpu.memory_space<hbm>> -> memref<128xi32, #tpu.memory_space<hbm>>
    %dma_start3A_441 = arith.constant 0 : i32
    %dma_start3A_442 = tpu.memref_slice %arg5[%dma_start3A_435, %dma_start3A_441] : memref<20x128xi32, #tpu.memory_space<vmem>> -> memref<1x128xi32, #tpu.memory_space<vmem>>
    %dma_start3A_443 = tpu.memref_squeeze %dma_start3A_442 : memref<1x128xi32, #tpu.memory_space<vmem>> -> memref<128xi32, #tpu.memory_space<vmem>>
    %dma_start3A_444 = tpu.memref_slice %arg2[%select_n3A_416, %mul3A_434] : memref<5x16384xi32, #tpu.memory_space<hbm>> -> memref<1x128xi32, #tpu.memory_space<hbm>>
    %dma_start3A_445 = tpu.memref_squeeze %dma_start3A_444 : memref<1x128xi32, #tpu.memory_space<hbm>> -> memref<128xi32, #tpu.memory_space<hbm>>
    tpu.enqueue_dma source(%dma_start3A_445 : memref<128xi32, #tpu.memory_space<hbm>>) target(%dma_start3A_443 : memref<128xi32, #tpu.memory_space<vmem>>) target_semaphore(%arg7 : memref<!tpu.dma_semaphore, #tpu.memory_space<semaphore_mem>>)
    %mul3A_446 = arith.constant 20 : i32
    %mul3A_447 = arith.muli %add3A, %mul3A_446 : i32
    %add3A_448 = arith.constant 8 : i32
    %add3A_449 = arith.addi %mul3A_447, %add3A_448 : i32
    %jit3A_450 = arith.constant 128 : i32
    %div3A_451 = arith.divsi %add3A_449, %jit3A_450 : i32
    %sign3A_452 = arith.constant 0 : i32
    %sign3A_453 = arith.cmpi sgt, %add3A_449, %sign3A_452 : i32
    %sign3A_454 = arith.extui %sign3A_453 : i1 to i32
    %sign3A_455 = arith.constant 0 : i32
    %sign3A_456 = arith.cmpi slt, %add3A_449, %sign3A_455 : i32
    %sign3A_457 = arith.extui %sign3A_456 : i1 to i32
    %sign3A_458 = arith.subi %sign3A_454, %sign3A_457 : i32
    %sign3A_459 = arith.constant 0 : i32
    %sign3A_460 = arith.cmpi sgt, %jit3A_450, %sign3A_459 : i32
    %sign3A_461 = arith.extui %sign3A_460 : i1 to i32
    %sign3A_462 = arith.constant 0 : i32
    %sign3A_463 = arith.cmpi slt, %jit3A_450, %sign3A_462 : i32
    %sign3A_464 = arith.extui %sign3A_463 : i1 to i32
    %sign3A_465 = arith.subi %sign3A_461, %sign3A_464 : i32
    %ne3A_466 = arith.cmpi ne, %sign3A_458, %sign3A_465 : i32
    %rem3A_467 = arith.remsi %add3A_449, %jit3A_450 : i32
    %ne3A_468 = arith.constant 0 : i32
    %ne3A_469 = arith.cmpi ne, %rem3A_467, %ne3A_468 : i32
    %and3A_470 = arith.andi %ne3A_466, %ne3A_469 : i1
    %sub3A_471 = arith.constant 1 : i32
    %sub3A_472 = arith.subi %div3A_451, %sub3A_471 : i32
    %select_n3A_473 = arith.select %and3A_470, %sub3A_472, %div3A_451 : i32
    %jit3A_474 = arith.constant 128 : i32
    %eq3A_475 = arith.constant 0 : i32
    %eq3A_476 = arith.cmpi eq, %jit3A_474, %eq3A_475 : i32
    %jit3A_477 = arith.constant 1 : i32
    %select_n3A_478 = arith.select %eq3A_476, %jit3A_477, %jit3A_474 : i32
    %rem3A_479 = arith.remsi %add3A_449, %select_n3A_478 : i32
    %ne3A_480 = arith.constant 0 : i32
    %ne3A_481 = arith.cmpi ne, %rem3A_479, %ne3A_480 : i32
    %lt3A_482 = arith.constant 0 : i32
    %lt3A_483 = arith.cmpi slt, %rem3A_479, %lt3A_482 : i32
    %lt3A_484 = arith.constant 0 : i32
    %lt3A_485 = arith.cmpi slt, %select_n3A_478, %lt3A_484 : i32
    %ne3A_486 = arith.xori %lt3A_483, %lt3A_485 : i1
    %and3A_487 = arith.andi %ne3A_486, %ne3A_481 : i1
    %add3A_488 = arith.addi %rem3A_479, %select_n3A_478 : i32
    %select_n3A_489 = arith.select %and3A_487, %add3A_488, %rem3A_479 : i32
    %mul3A_490 = arith.constant 128 : i32
    %mul3A_491 = arith.muli %select_n3A_489, %mul3A_490 : i32
    %dma_start3A_492 = arith.constant 8 : i32
    %dma_start3A_493 = arith.constant 0 : i32
    %dma_start3A_494 = tpu.memref_slice %arg5[%dma_start3A_492, %dma_start3A_493] : memref<20x128xi32, #tpu.memory_space<vmem>> -> memref<1x128xi32, #tpu.memory_space<vmem>>
    %dma_start3A_495 = tpu.memref_squeeze %dma_start3A_494 : memref<1x128xi32, #tpu.memory_space<vmem>> -> memref<128xi32, #tpu.memory_space<vmem>>
    %dma_start3A_496 = tpu.memref_slice %arg2[%select_n3A_473, %mul3A_491] : memref<5x16384xi32, #tpu.memory_space<hbm>> -> memref<1x128xi32, #tpu.memory_space<hbm>>
    %dma_start3A_497 = tpu.memref_squeeze %dma_start3A_496 : memref<1x128xi32, #tpu.memory_space<hbm>> -> memref<128xi32, #tpu.memory_space<hbm>>
    %dma_start3A_498 = arith.constant 0 : i32
    %dma_start3A_499 = tpu.memref_slice %arg5[%dma_start3A_492, %dma_start3A_498] : memref<20x128xi32, #tpu.memory_space<vmem>> -> memref<1x128xi32, #tpu.memory_space<vmem>>
    %dma_start3A_500 = tpu.memref_squeeze %dma_start3A_499 : memref<1x128xi32, #tpu.memory_space<vmem>> -> memref<128xi32, #tpu.memory_space<vmem>>
    %dma_start3A_501 = tpu.memref_slice %arg2[%select_n3A_473, %mul3A_491] : memref<5x16384xi32, #tpu.memory_space<hbm>> -> memref<1x128xi32, #tpu.memory_space<hbm>>
    %dma_start3A_502 = tpu.memref_squeeze %dma_start3A_501 : memref<1x128xi32, #tpu.memory_space<hbm>> -> memref<128xi32, #tpu.memory_space<hbm>>
    tpu.enqueue_dma source(%dma_start3A_502 : memref<128xi32, #tpu.memory_space<hbm>>) target(%dma_start3A_500 : memref<128xi32, #tpu.memory_space<vmem>>) target_semaphore(%arg7 : memref<!tpu.dma_semaphore, #tpu.memory_space<semaphore_mem>>)
    %mul3A_503 = arith.constant 20 : i32
    %mul3A_504 = arith.muli %add3A, %mul3A_503 : i32
    %add3A_505 = arith.constant 9 : i32
    %add3A_506 = arith.addi %mul3A_504, %add3A_505 : i32
    %jit3A_507 = arith.constant 128 : i32
    %div3A_508 = arith.divsi %add3A_506, %jit3A_507 : i32
    %sign3A_509 = arith.constant 0 : i32
    %sign3A_510 = arith.cmpi sgt, %add3A_506, %sign3A_509 : i32
    %sign3A_511 = arith.extui %sign3A_510 : i1 to i32
    %sign3A_512 = arith.constant 0 : i32
    %sign3A_513 = arith.cmpi slt, %add3A_506, %sign3A_512 : i32
    %sign3A_514 = arith.extui %sign3A_513 : i1 to i32
    %sign3A_515 = arith.subi %sign3A_511, %sign3A_514 : i32
    %sign3A_516 = arith.constant 0 : i32
    %sign3A_517 = arith.cmpi sgt, %jit3A_507, %sign3A_516 : i32
    %sign3A_518 = arith.extui %sign3A_517 : i1 to i32
    %sign3A_519 = arith.constant 0 : i32
    %sign3A_520 = arith.cmpi slt, %jit3A_507, %sign3A_519 : i32
    %sign3A_521 = arith.extui %sign3A_520 : i1 to i32
    %sign3A_522 = arith.subi %sign3A_518, %sign3A_521 : i32
    %ne3A_523 = arith.cmpi ne, %sign3A_515, %sign3A_522 : i32
    %rem3A_524 = arith.remsi %add3A_506, %jit3A_507 : i32
    %ne3A_525 = arith.constant 0 : i32
    %ne3A_526 = arith.cmpi ne, %rem3A_524, %ne3A_525 : i32
    %and3A_527 = arith.andi %ne3A_523, %ne3A_526 : i1
    %sub3A_528 = arith.constant 1 : i32
    %sub3A_529 = arith.subi %div3A_508, %sub3A_528 : i32
    %select_n3A_530 = arith.select %and3A_527, %sub3A_529, %div3A_508 : i32
    %jit3A_531 = arith.constant 128 : i32
    %eq3A_532 = arith.constant 0 : i32
    %eq3A_533 = arith.cmpi eq, %jit3A_531, %eq3A_532 : i32
    %jit3A_534 = arith.constant 1 : i32
    %select_n3A_535 = arith.select %eq3A_533, %jit3A_534, %jit3A_531 : i32
    %rem3A_536 = arith.remsi %add3A_506, %select_n3A_535 : i32
    %ne3A_537 = arith.constant 0 : i32
    %ne3A_538 = arith.cmpi ne, %rem3A_536, %ne3A_537 : i32
    %lt3A_539 = arith.constant 0 : i32
    %lt3A_540 = arith.cmpi slt, %rem3A_536, %lt3A_539 : i32
    %lt3A_541 = arith.constant 0 : i32
    %lt3A_542 = arith.cmpi slt, %select_n3A_535, %lt3A_541 : i32
    %ne3A_543 = arith.xori %lt3A_540, %lt3A_542 : i1
    %and3A_544 = arith.andi %ne3A_543, %ne3A_538 : i1
    %add3A_545 = arith.addi %rem3A_536, %select_n3A_535 : i32
    %select_n3A_546 = arith.select %and3A_544, %add3A_545, %rem3A_536 : i32
    %mul3A_547 = arith.constant 128 : i32
    %mul3A_548 = arith.muli %select_n3A_546, %mul3A_547 : i32
    %dma_start3A_549 = arith.constant 9 : i32
    %dma_start3A_550 = arith.constant 0 : i32
    %dma_start3A_551 = tpu.memref_slice %arg5[%dma_start3A_549, %dma_start3A_550] : memref<20x128xi32, #tpu.memory_space<vmem>> -> memref<1x128xi32, #tpu.memory_space<vmem>>
    %dma_start3A_552 = tpu.memref_squeeze %dma_start3A_551 : memref<1x128xi32, #tpu.memory_space<vmem>> -> memref<128xi32, #tpu.memory_space<vmem>>
    %dma_start3A_553 = tpu.memref_slice %arg2[%select_n3A_530, %mul3A_548] : memref<5x16384xi32, #tpu.memory_space<hbm>> -> memref<1x128xi32, #tpu.memory_space<hbm>>
    %dma_start3A_554 = tpu.memref_squeeze %dma_start3A_553 : memref<1x128xi32, #tpu.memory_space<hbm>> -> memref<128xi32, #tpu.memory_space<hbm>>
    %dma_start3A_555 = arith.constant 0 : i32
    %dma_start3A_556 = tpu.memref_slice %arg5[%dma_start3A_549, %dma_start3A_555] : memref<20x128xi32, #tpu.memory_space<vmem>> -> memref<1x128xi32, #tpu.memory_space<vmem>>
    %dma_start3A_557 = tpu.memref_squeeze %dma_start3A_556 : memref<1x128xi32, #tpu.memory_space<vmem>> -> memref<128xi32, #tpu.memory_space<vmem>>
    %dma_start3A_558 = tpu.memref_slice %arg2[%select_n3A_530, %mul3A_548] : memref<5x16384xi32, #tpu.memory_space<hbm>> -> memref<1x128xi32, #tpu.memory_space<hbm>>
    %dma_start3A_559 = tpu.memref_squeeze %dma_start3A_558 : memref<1x128xi32, #tpu.memory_space<hbm>> -> memref<128xi32, #tpu.memory_space<hbm>>
    tpu.enqueue_dma source(%dma_start3A_559 : memref<128xi32, #tpu.memory_space<hbm>>) target(%dma_start3A_557 : memref<128xi32, #tpu.memory_space<vmem>>) target_semaphore(%arg7 : memref<!tpu.dma_semaphore, #tpu.memory_space<semaphore_mem>>)
    %mul3A_560 = arith.constant 20 : i32
    %mul3A_561 = arith.muli %add3A, %mul3A_560 : i32
    %add3A_562 = arith.constant 10 : i32
    %add3A_563 = arith.addi %mul3A_561, %add3A_562 : i32
    %jit3A_564 = arith.constant 128 : i32
    %div3A_565 = arith.divsi %add3A_563, %jit3A_564 : i32
    %sign3A_566 = arith.constant 0 : i32
    %sign3A_567 = arith.cmpi sgt, %add3A_563, %sign3A_566 : i32
    %sign3A_568 = arith.extui %sign3A_567 : i1 to i32
    %sign3A_569 = arith.constant 0 : i32
    %sign3A_570 = arith.cmpi slt, %add3A_563, %sign3A_569 : i32
    %sign3A_571 = arith.extui %sign3A_570 : i1 to i32
    %sign3A_572 = arith.subi %sign3A_568, %sign3A_571 : i32
    %sign3A_573 = arith.constant 0 : i32
    %sign3A_574 = arith.cmpi sgt, %jit3A_564, %sign3A_573 : i32
    %sign3A_575 = arith.extui %sign3A_574 : i1 to i32
    %sign3A_576 = arith.constant 0 : i32
    %sign3A_577 = arith.cmpi slt, %jit3A_564, %sign3A_576 : i32
    %sign3A_578 = arith.extui %sign3A_577 : i1 to i32
    %sign3A_579 = arith.subi %sign3A_575, %sign3A_578 : i32
    %ne3A_580 = arith.cmpi ne, %sign3A_572, %sign3A_579 : i32
    %rem3A_581 = arith.remsi %add3A_563, %jit3A_564 : i32
    %ne3A_582 = arith.constant 0 : i32
    %ne3A_583 = arith.cmpi ne, %rem3A_581, %ne3A_582 : i32
    %and3A_584 = arith.andi %ne3A_580, %ne3A_583 : i1
    %sub3A_585 = arith.constant 1 : i32
    %sub3A_586 = arith.subi %div3A_565, %sub3A_585 : i32
    %select_n3A_587 = arith.select %and3A_584, %sub3A_586, %div3A_565 : i32
    %jit3A_588 = arith.constant 128 : i32
    %eq3A_589 = arith.constant 0 : i32
    %eq3A_590 = arith.cmpi eq, %jit3A_588, %eq3A_589 : i32
    %jit3A_591 = arith.constant 1 : i32
    %select_n3A_592 = arith.select %eq3A_590, %jit3A_591, %jit3A_588 : i32
    %rem3A_593 = arith.remsi %add3A_563, %select_n3A_592 : i32
    %ne3A_594 = arith.constant 0 : i32
    %ne3A_595 = arith.cmpi ne, %rem3A_593, %ne3A_594 : i32
    %lt3A_596 = arith.constant 0 : i32
    %lt3A_597 = arith.cmpi slt, %rem3A_593, %lt3A_596 : i32
    %lt3A_598 = arith.constant 0 : i32
    %lt3A_599 = arith.cmpi slt, %select_n3A_592, %lt3A_598 : i32
    %ne3A_600 = arith.xori %lt3A_597, %lt3A_599 : i1
    %and3A_601 = arith.andi %ne3A_600, %ne3A_595 : i1
    %add3A_602 = arith.addi %rem3A_593, %select_n3A_592 : i32
    %select_n3A_603 = arith.select %and3A_601, %add3A_602, %rem3A_593 : i32
    %mul3A_604 = arith.constant 128 : i32
    %mul3A_605 = arith.muli %select_n3A_603, %mul3A_604 : i32
    %dma_start3A_606 = arith.constant 10 : i32
    %dma_start3A_607 = arith.constant 0 : i32
    %dma_start3A_608 = tpu.memref_slice %arg5[%dma_start3A_606, %dma_start3A_607] : memref<20x128xi32, #tpu.memory_space<vmem>> -> memref<1x128xi32, #tpu.memory_space<vmem>>
    %dma_start3A_609 = tpu.memref_squeeze %dma_start3A_608 : memref<1x128xi32, #tpu.memory_space<vmem>> -> memref<128xi32, #tpu.memory_space<vmem>>
    %dma_start3A_610 = tpu.memref_slice %arg2[%select_n3A_587, %mul3A_605] : memref<5x16384xi32, #tpu.memory_space<hbm>> -> memref<1x128xi32, #tpu.memory_space<hbm>>
    %dma_start3A_611 = tpu.memref_squeeze %dma_start3A_610 : memref<1x128xi32, #tpu.memory_space<hbm>> -> memref<128xi32, #tpu.memory_space<hbm>>
    %dma_start3A_612 = arith.constant 0 : i32
    %dma_start3A_613 = tpu.memref_slice %arg5[%dma_start3A_606, %dma_start3A_612] : memref<20x128xi32, #tpu.memory_space<vmem>> -> memref<1x128xi32, #tpu.memory_space<vmem>>
    %dma_start3A_614 = tpu.memref_squeeze %dma_start3A_613 : memref<1x128xi32, #tpu.memory_space<vmem>> -> memref<128xi32, #tpu.memory_space<vmem>>
    %dma_start3A_615 = tpu.memref_slice %arg2[%select_n3A_587, %mul3A_605] : memref<5x16384xi32, #tpu.memory_space<hbm>> -> memref<1x128xi32, #tpu.memory_space<hbm>>
    %dma_start3A_616 = tpu.memref_squeeze %dma_start3A_615 : memref<1x128xi32, #tpu.memory_space<hbm>> -> memref<128xi32, #tpu.memory_space<hbm>>
    tpu.enqueue_dma source(%dma_start3A_616 : memref<128xi32, #tpu.memory_space<hbm>>) target(%dma_start3A_614 : memref<128xi32, #tpu.memory_space<vmem>>) target_semaphore(%arg7 : memref<!tpu.dma_semaphore, #tpu.memory_space<semaphore_mem>>)
    %mul3A_617 = arith.constant 20 : i32
    %mul3A_618 = arith.muli %add3A, %mul3A_617 : i32
    %add3A_619 = arith.constant 11 : i32
    %add3A_620 = arith.addi %mul3A_618, %add3A_619 : i32
    %jit3A_621 = arith.constant 128 : i32
    %div3A_622 = arith.divsi %add3A_620, %jit3A_621 : i32
    %sign3A_623 = arith.constant 0 : i32
    %sign3A_624 = arith.cmpi sgt, %add3A_620, %sign3A_623 : i32
    %sign3A_625 = arith.extui %sign3A_624 : i1 to i32
    %sign3A_626 = arith.constant 0 : i32
    %sign3A_627 = arith.cmpi slt, %add3A_620, %sign3A_626 : i32
    %sign3A_628 = arith.extui %sign3A_627 : i1 to i32
    %sign3A_629 = arith.subi %sign3A_625, %sign3A_628 : i32
    %sign3A_630 = arith.constant 0 : i32
    %sign3A_631 = arith.cmpi sgt, %jit3A_621, %sign3A_630 : i32
    %sign3A_632 = arith.extui %sign3A_631 : i1 to i32
    %sign3A_633 = arith.constant 0 : i32
    %sign3A_634 = arith.cmpi slt, %jit3A_621, %sign3A_633 : i32
    %sign3A_635 = arith.extui %sign3A_634 : i1 to i32
    %sign3A_636 = arith.subi %sign3A_632, %sign3A_635 : i32
    %ne3A_637 = arith.cmpi ne, %sign3A_629, %sign3A_636 : i32
    %rem3A_638 = arith.remsi %add3A_620, %jit3A_621 : i32
    %ne3A_639 = arith.constant 0 : i32
    %ne3A_640 = arith.cmpi ne, %rem3A_638, %ne3A_639 : i32
    %and3A_641 = arith.andi %ne3A_637, %ne3A_640 : i1
    %sub3A_642 = arith.constant 1 : i32
    %sub3A_643 = arith.subi %div3A_622, %sub3A_642 : i32
    %select_n3A_644 = arith.select %and3A_641, %sub3A_643, %div3A_622 : i32
    %jit3A_645 = arith.constant 128 : i32
    %eq3A_646 = arith.constant 0 : i32
    %eq3A_647 = arith.cmpi eq, %jit3A_645, %eq3A_646 : i32
    %jit3A_648 = arith.constant 1 : i32
    %select_n3A_649 = arith.select %eq3A_647, %jit3A_648, %jit3A_645 : i32
    %rem3A_650 = arith.remsi %add3A_620, %select_n3A_649 : i32
    %ne3A_651 = arith.constant 0 : i32
    %ne3A_652 = arith.cmpi ne, %rem3A_650, %ne3A_651 : i32
    %lt3A_653 = arith.constant 0 : i32
    %lt3A_654 = arith.cmpi slt, %rem3A_650, %lt3A_653 : i32
    %lt3A_655 = arith.constant 0 : i32
    %lt3A_656 = arith.cmpi slt, %select_n3A_649, %lt3A_655 : i32
    %ne3A_657 = arith.xori %lt3A_654, %lt3A_656 : i1
    %and3A_658 = arith.andi %ne3A_657, %ne3A_652 : i1
    %add3A_659 = arith.addi %rem3A_650, %select_n3A_649 : i32
    %select_n3A_660 = arith.select %and3A_658, %add3A_659, %rem3A_650 : i32
    %mul3A_661 = arith.constant 128 : i32
    %mul3A_662 = arith.muli %select_n3A_660, %mul3A_661 : i32
    %dma_start3A_663 = arith.constant 11 : i32
    %dma_start3A_664 = arith.constant 0 : i32
    %dma_start3A_665 = tpu.memref_slice %arg5[%dma_start3A_663, %dma_start3A_664] : memref<20x128xi32, #tpu.memory_space<vmem>> -> memref<1x128xi32, #tpu.memory_space<vmem>>
    %dma_start3A_666 = tpu.memref_squeeze %dma_start3A_665 : memref<1x128xi32, #tpu.memory_space<vmem>> -> memref<128xi32, #tpu.memory_space<vmem>>
    %dma_start3A_667 = tpu.memref_slice %arg2[%select_n3A_644, %mul3A_662] : memref<5x16384xi32, #tpu.memory_space<hbm>> -> memref<1x128xi32, #tpu.memory_space<hbm>>
    %dma_start3A_668 = tpu.memref_squeeze %dma_start3A_667 : memref<1x128xi32, #tpu.memory_space<hbm>> -> memref<128xi32, #tpu.memory_space<hbm>>
    %dma_start3A_669 = arith.constant 0 : i32
    %dma_start3A_670 = tpu.memref_slice %arg5[%dma_start3A_663, %dma_start3A_669] : memref<20x128xi32, #tpu.memory_space<vmem>> -> memref<1x128xi32, #tpu.memory_space<vmem>>
    %dma_start3A_671 = tpu.memref_squeeze %dma_start3A_670 : memref<1x128xi32, #tpu.memory_space<vmem>> -> memref<128xi32, #tpu.memory_space<vmem>>
    %dma_start3A_672 = tpu.memref_slice %arg2[%select_n3A_644, %mul3A_662] : memref<5x16384xi32, #tpu.memory_space<hbm>> -> memref<1x128xi32, #tpu.memory_space<hbm>>
    %dma_start3A_673 = tpu.memref_squeeze %dma_start3A_672 : memref<1x128xi32, #tpu.memory_space<hbm>> -> memref<128xi32, #tpu.memory_space<hbm>>
    tpu.enqueue_dma source(%dma_start3A_673 : memref<128xi32, #tpu.memory_space<hbm>>) target(%dma_start3A_671 : memref<128xi32, #tpu.memory_space<vmem>>) target_semaphore(%arg7 : memref<!tpu.dma_semaphore, #tpu.memory_space<semaphore_mem>>)
    %mul3A_674 = arith.constant 20 : i32
    %mul3A_675 = arith.muli %add3A, %mul3A_674 : i32
    %add3A_676 = arith.constant 12 : i32
    %add3A_677 = arith.addi %mul3A_675, %add3A_676 : i32
    %jit3A_678 = arith.constant 128 : i32
    %div3A_679 = arith.divsi %add3A_677, %jit3A_678 : i32
    %sign3A_680 = arith.constant 0 : i32
    %sign3A_681 = arith.cmpi sgt, %add3A_677, %sign3A_680 : i32
    %sign3A_682 = arith.extui %sign3A_681 : i1 to i32
    %sign3A_683 = arith.constant 0 : i32
    %sign3A_684 = arith.cmpi slt, %add3A_677, %sign3A_683 : i32
    %sign3A_685 = arith.extui %sign3A_684 : i1 to i32
    %sign3A_686 = arith.subi %sign3A_682, %sign3A_685 : i32
    %sign3A_687 = arith.constant 0 : i32
    %sign3A_688 = arith.cmpi sgt, %jit3A_678, %sign3A_687 : i32
    %sign3A_689 = arith.extui %sign3A_688 : i1 to i32
    %sign3A_690 = arith.constant 0 : i32
    %sign3A_691 = arith.cmpi slt, %jit3A_678, %sign3A_690 : i32
    %sign3A_692 = arith.extui %sign3A_691 : i1 to i32
    %sign3A_693 = arith.subi %sign3A_689, %sign3A_692 : i32
    %ne3A_694 = arith.cmpi ne, %sign3A_686, %sign3A_693 : i32
    %rem3A_695 = arith.remsi %add3A_677, %jit3A_678 : i32
    %ne3A_696 = arith.constant 0 : i32
    %ne3A_697 = arith.cmpi ne, %rem3A_695, %ne3A_696 : i32
    %and3A_698 = arith.andi %ne3A_694, %ne3A_697 : i1
    %sub3A_699 = arith.constant 1 : i32
    %sub3A_700 = arith.subi %div3A_679, %sub3A_699 : i32
    %select_n3A_701 = arith.select %and3A_698, %sub3A_700, %div3A_679 : i32
    %jit3A_702 = arith.constant 128 : i32
    %eq3A_703 = arith.constant 0 : i32
    %eq3A_704 = arith.cmpi eq, %jit3A_702, %eq3A_703 : i32
    %jit3A_705 = arith.constant 1 : i32
    %select_n3A_706 = arith.select %eq3A_704, %jit3A_705, %jit3A_702 : i32
    %rem3A_707 = arith.remsi %add3A_677, %select_n3A_706 : i32
    %ne3A_708 = arith.constant 0 : i32
    %ne3A_709 = arith.cmpi ne, %rem3A_707, %ne3A_708 : i32
    %lt3A_710 = arith.constant 0 : i32
    %lt3A_711 = arith.cmpi slt, %rem3A_707, %lt3A_710 : i32
    %lt3A_712 = arith.constant 0 : i32
    %lt3A_713 = arith.cmpi slt, %select_n3A_706, %lt3A_712 : i32
    %ne3A_714 = arith.xori %lt3A_711, %lt3A_713 : i1
    %and3A_715 = arith.andi %ne3A_714, %ne3A_709 : i1
    %add3A_716 = arith.addi %rem3A_707, %select_n3A_706 : i32
    %select_n3A_717 = arith.select %and3A_715, %add3A_716, %rem3A_707 : i32
    %mul3A_718 = arith.constant 128 : i32
    %mul3A_719 = arith.muli %select_n3A_717, %mul3A_718 : i32
    %dma_start3A_720 = arith.constant 12 : i32
    %dma_start3A_721 = arith.constant 0 : i32
    %dma_start3A_722 = tpu.memref_slice %arg5[%dma_start3A_720, %dma_start3A_721] : memref<20x128xi32, #tpu.memory_space<vmem>> -> memref<1x128xi32, #tpu.memory_space<vmem>>
    %dma_start3A_723 = tpu.memref_squeeze %dma_start3A_722 : memref<1x128xi32, #tpu.memory_space<vmem>> -> memref<128xi32, #tpu.memory_space<vmem>>
    %dma_start3A_724 = tpu.memref_slice %arg2[%select_n3A_701, %mul3A_719] : memref<5x16384xi32, #tpu.memory_space<hbm>> -> memref<1x128xi32, #tpu.memory_space<hbm>>
    %dma_start3A_725 = tpu.memref_squeeze %dma_start3A_724 : memref<1x128xi32, #tpu.memory_space<hbm>> -> memref<128xi32, #tpu.memory_space<hbm>>
    %dma_start3A_726 = arith.constant 0 : i32
    %dma_start3A_727 = tpu.memref_slice %arg5[%dma_start3A_720, %dma_start3A_726] : memref<20x128xi32, #tpu.memory_space<vmem>> -> memref<1x128xi32, #tpu.memory_space<vmem>>
    %dma_start3A_728 = tpu.memref_squeeze %dma_start3A_727 : memref<1x128xi32, #tpu.memory_space<vmem>> -> memref<128xi32, #tpu.memory_space<vmem>>
    %dma_start3A_729 = tpu.memref_slice %arg2[%select_n3A_701, %mul3A_719] : memref<5x16384xi32, #tpu.memory_space<hbm>> -> memref<1x128xi32, #tpu.memory_space<hbm>>
    %dma_start3A_730 = tpu.memref_squeeze %dma_start3A_729 : memref<1x128xi32, #tpu.memory_space<hbm>> -> memref<128xi32, #tpu.memory_space<hbm>>
    tpu.enqueue_dma source(%dma_start3A_730 : memref<128xi32, #tpu.memory_space<hbm>>) target(%dma_start3A_728 : memref<128xi32, #tpu.memory_space<vmem>>) target_semaphore(%arg7 : memref<!tpu.dma_semaphore, #tpu.memory_space<semaphore_mem>>)
    %mul3A_731 = arith.constant 20 : i32
    %mul3A_732 = arith.muli %add3A, %mul3A_731 : i32
    %add3A_733 = arith.constant 13 : i32
    %add3A_734 = arith.addi %mul3A_732, %add3A_733 : i32
    %jit3A_735 = arith.constant 128 : i32
    %div3A_736 = arith.divsi %add3A_734, %jit3A_735 : i32
    %sign3A_737 = arith.constant 0 : i32
    %sign3A_738 = arith.cmpi sgt, %add3A_734, %sign3A_737 : i32
    %sign3A_739 = arith.extui %sign3A_738 : i1 to i32
    %sign3A_740 = arith.constant 0 : i32
    %sign3A_741 = arith.cmpi slt, %add3A_734, %sign3A_740 : i32
    %sign3A_742 = arith.extui %sign3A_741 : i1 to i32
    %sign3A_743 = arith.subi %sign3A_739, %sign3A_742 : i32
    %sign3A_744 = arith.constant 0 : i32
    %sign3A_745 = arith.cmpi sgt, %jit3A_735, %sign3A_744 : i32
    %sign3A_746 = arith.extui %sign3A_745 : i1 to i32
    %sign3A_747 = arith.constant 0 : i32
    %sign3A_748 = arith.cmpi slt, %jit3A_735, %sign3A_747 : i32
    %sign3A_749 = arith.extui %sign3A_748 : i1 to i32
    %sign3A_750 = arith.subi %sign3A_746, %sign3A_749 : i32
    %ne3A_751 = arith.cmpi ne, %sign3A_743, %sign3A_750 : i32
    %rem3A_752 = arith.remsi %add3A_734, %jit3A_735 : i32
    %ne3A_753 = arith.constant 0 : i32
    %ne3A_754 = arith.cmpi ne, %rem3A_752, %ne3A_753 : i32
    %and3A_755 = arith.andi %ne3A_751, %ne3A_754 : i1
    %sub3A_756 = arith.constant 1 : i32
    %sub3A_757 = arith.subi %div3A_736, %sub3A_756 : i32
    %select_n3A_758 = arith.select %and3A_755, %sub3A_757, %div3A_736 : i32
    %jit3A_759 = arith.constant 128 : i32
    %eq3A_760 = arith.constant 0 : i32
    %eq3A_761 = arith.cmpi eq, %jit3A_759, %eq3A_760 : i32
    %jit3A_762 = arith.constant 1 : i32
    %select_n3A_763 = arith.select %eq3A_761, %jit3A_762, %jit3A_759 : i32
    %rem3A_764 = arith.remsi %add3A_734, %select_n3A_763 : i32
    %ne3A_765 = arith.constant 0 : i32
    %ne3A_766 = arith.cmpi ne, %rem3A_764, %ne3A_765 : i32
    %lt3A_767 = arith.constant 0 : i32
    %lt3A_768 = arith.cmpi slt, %rem3A_764, %lt3A_767 : i32
    %lt3A_769 = arith.constant 0 : i32
    %lt3A_770 = arith.cmpi slt, %select_n3A_763, %lt3A_769 : i32
    %ne3A_771 = arith.xori %lt3A_768, %lt3A_770 : i1
    %and3A_772 = arith.andi %ne3A_771, %ne3A_766 : i1
    %add3A_773 = arith.addi %rem3A_764, %select_n3A_763 : i32
    %select_n3A_774 = arith.select %and3A_772, %add3A_773, %rem3A_764 : i32
    %mul3A_775 = arith.constant 128 : i32
    %mul3A_776 = arith.muli %select_n3A_774, %mul3A_775 : i32
    %dma_start3A_777 = arith.constant 13 : i32
    %dma_start3A_778 = arith.constant 0 : i32
    %dma_start3A_779 = tpu.memref_slice %arg5[%dma_start3A_777, %dma_start3A_778] : memref<20x128xi32, #tpu.memory_space<vmem>> -> memref<1x128xi32, #tpu.memory_space<vmem>>
    %dma_start3A_780 = tpu.memref_squeeze %dma_start3A_779 : memref<1x128xi32, #tpu.memory_space<vmem>> -> memref<128xi32, #tpu.memory_space<vmem>>
    %dma_start3A_781 = tpu.memref_slice %arg2[%select_n3A_758, %mul3A_776] : memref<5x16384xi32, #tpu.memory_space<hbm>> -> memref<1x128xi32, #tpu.memory_space<hbm>>
    %dma_start3A_782 = tpu.memref_squeeze %dma_start3A_781 : memref<1x128xi32, #tpu.memory_space<hbm>> -> memref<128xi32, #tpu.memory_space<hbm>>
    %dma_start3A_783 = arith.constant 0 : i32
    %dma_start3A_784 = tpu.memref_slice %arg5[%dma_start3A_777, %dma_start3A_783] : memref<20x128xi32, #tpu.memory_space<vmem>> -> memref<1x128xi32, #tpu.memory_space<vmem>>
    %dma_start3A_785 = tpu.memref_squeeze %dma_start3A_784 : memref<1x128xi32, #tpu.memory_space<vmem>> -> memref<128xi32, #tpu.memory_space<vmem>>
    %dma_start3A_786 = tpu.memref_slice %arg2[%select_n3A_758, %mul3A_776] : memref<5x16384xi32, #tpu.memory_space<hbm>> -> memref<1x128xi32, #tpu.memory_space<hbm>>
    %dma_start3A_787 = tpu.memref_squeeze %dma_start3A_786 : memref<1x128xi32, #tpu.memory_space<hbm>> -> memref<128xi32, #tpu.memory_space<hbm>>
    tpu.enqueue_dma source(%dma_start3A_787 : memref<128xi32, #tpu.memory_space<hbm>>) target(%dma_start3A_785 : memref<128xi32, #tpu.memory_space<vmem>>) target_semaphore(%arg7 : memref<!tpu.dma_semaphore, #tpu.memory_space<semaphore_mem>>)
    %mul3A_788 = arith.constant 20 : i32
    %mul3A_789 = arith.muli %add3A, %mul3A_788 : i32
    %add3A_790 = arith.constant 14 : i32
    %add3A_791 = arith.addi %mul3A_789, %add3A_790 : i32
    %jit3A_792 = arith.constant 128 : i32
    %div3A_793 = arith.divsi %add3A_791, %jit3A_792 : i32
    %sign3A_794 = arith.constant 0 : i32
    %sign3A_795 = arith.cmpi sgt, %add3A_791, %sign3A_794 : i32
    %sign3A_796 = arith.extui %sign3A_795 : i1 to i32
    %sign3A_797 = arith.constant 0 : i32
    %sign3A_798 = arith.cmpi slt, %add3A_791, %sign3A_797 : i32
    %sign3A_799 = arith.extui %sign3A_798 : i1 to i32
    %sign3A_800 = arith.subi %sign3A_796, %sign3A_799 : i32
    %sign3A_801 = arith.constant 0 : i32
    %sign3A_802 = arith.cmpi sgt, %jit3A_792, %sign3A_801 : i32
    %sign3A_803 = arith.extui %sign3A_802 : i1 to i32
    %sign3A_804 = arith.constant 0 : i32
    %sign3A_805 = arith.cmpi slt, %jit3A_792, %sign3A_804 : i32
    %sign3A_806 = arith.extui %sign3A_805 : i1 to i32
    %sign3A_807 = arith.subi %sign3A_803, %sign3A_806 : i32
    %ne3A_808 = arith.cmpi ne, %sign3A_800, %sign3A_807 : i32
    %rem3A_809 = arith.remsi %add3A_791, %jit3A_792 : i32
    %ne3A_810 = arith.constant 0 : i32
    %ne3A_811 = arith.cmpi ne, %rem3A_809, %ne3A_810 : i32
    %and3A_812 = arith.andi %ne3A_808, %ne3A_811 : i1
    %sub3A_813 = arith.constant 1 : i32
    %sub3A_814 = arith.subi %div3A_793, %sub3A_813 : i32
    %select_n3A_815 = arith.select %and3A_812, %sub3A_814, %div3A_793 : i32
    %jit3A_816 = arith.constant 128 : i32
    %eq3A_817 = arith.constant 0 : i32
    %eq3A_818 = arith.cmpi eq, %jit3A_816, %eq3A_817 : i32
    %jit3A_819 = arith.constant 1 : i32
    %select_n3A_820 = arith.select %eq3A_818, %jit3A_819, %jit3A_816 : i32
    %rem3A_821 = arith.remsi %add3A_791, %select_n3A_820 : i32
    %ne3A_822 = arith.constant 0 : i32
    %ne3A_823 = arith.cmpi ne, %rem3A_821, %ne3A_822 : i32
    %lt3A_824 = arith.constant 0 : i32
    %lt3A_825 = arith.cmpi slt, %rem3A_821, %lt3A_824 : i32
    %lt3A_826 = arith.constant 0 : i32
    %lt3A_827 = arith.cmpi slt, %select_n3A_820, %lt3A_826 : i32
    %ne3A_828 = arith.xori %lt3A_825, %lt3A_827 : i1
    %and3A_829 = arith.andi %ne3A_828, %ne3A_823 : i1
    %add3A_830 = arith.addi %rem3A_821, %select_n3A_820 : i32
    %select_n3A_831 = arith.select %and3A_829, %add3A_830, %rem3A_821 : i32
    %mul3A_832 = arith.constant 128 : i32
    %mul3A_833 = arith.muli %select_n3A_831, %mul3A_832 : i32
    %dma_start3A_834 = arith.constant 14 : i32
    %dma_start3A_835 = arith.constant 0 : i32
    %dma_start3A_836 = tpu.memref_slice %arg5[%dma_start3A_834, %dma_start3A_835] : memref<20x128xi32, #tpu.memory_space<vmem>> -> memref<1x128xi32, #tpu.memory_space<vmem>>
    %dma_start3A_837 = tpu.memref_squeeze %dma_start3A_836 : memref<1x128xi32, #tpu.memory_space<vmem>> -> memref<128xi32, #tpu.memory_space<vmem>>
    %dma_start3A_838 = tpu.memref_slice %arg2[%select_n3A_815, %mul3A_833] : memref<5x16384xi32, #tpu.memory_space<hbm>> -> memref<1x128xi32, #tpu.memory_space<hbm>>
    %dma_start3A_839 = tpu.memref_squeeze %dma_start3A_838 : memref<1x128xi32, #tpu.memory_space<hbm>> -> memref<128xi32, #tpu.memory_space<hbm>>
    %dma_start3A_840 = arith.constant 0 : i32
    %dma_start3A_841 = tpu.memref_slice %arg5[%dma_start3A_834, %dma_start3A_840] : memref<20x128xi32, #tpu.memory_space<vmem>> -> memref<1x128xi32, #tpu.memory_space<vmem>>
    %dma_start3A_842 = tpu.memref_squeeze %dma_start3A_841 : memref<1x128xi32, #tpu.memory_space<vmem>> -> memref<128xi32, #tpu.memory_space<vmem>>
    %dma_start3A_843 = tpu.memref_slice %arg2[%select_n3A_815, %mul3A_833] : memref<5x16384xi32, #tpu.memory_space<hbm>> -> memref<1x128xi32, #tpu.memory_space<hbm>>
    %dma_start3A_844 = tpu.memref_squeeze %dma_start3A_843 : memref<1x128xi32, #tpu.memory_space<hbm>> -> memref<128xi32, #tpu.memory_space<hbm>>
    tpu.enqueue_dma source(%dma_start3A_844 : memref<128xi32, #tpu.memory_space<hbm>>) target(%dma_start3A_842 : memref<128xi32, #tpu.memory_space<vmem>>) target_semaphore(%arg7 : memref<!tpu.dma_semaphore, #tpu.memory_space<semaphore_mem>>)
    %mul3A_845 = arith.constant 20 : i32
    %mul3A_846 = arith.muli %add3A, %mul3A_845 : i32
    %add3A_847 = arith.constant 15 : i32
    %add3A_848 = arith.addi %mul3A_846, %add3A_847 : i32
    %jit3A_849 = arith.constant 128 : i32
    %div3A_850 = arith.divsi %add3A_848, %jit3A_849 : i32
    %sign3A_851 = arith.constant 0 : i32
    %sign3A_852 = arith.cmpi sgt, %add3A_848, %sign3A_851 : i32
    %sign3A_853 = arith.extui %sign3A_852 : i1 to i32
    %sign3A_854 = arith.constant 0 : i32
    %sign3A_855 = arith.cmpi slt, %add3A_848, %sign3A_854 : i32
    %sign3A_856 = arith.extui %sign3A_855 : i1 to i32
    %sign3A_857 = arith.subi %sign3A_853, %sign3A_856 : i32
    %sign3A_858 = arith.constant 0 : i32
    %sign3A_859 = arith.cmpi sgt, %jit3A_849, %sign3A_858 : i32
    %sign3A_860 = arith.extui %sign3A_859 : i1 to i32
    %sign3A_861 = arith.constant 0 : i32
    %sign3A_862 = arith.cmpi slt, %jit3A_849, %sign3A_861 : i32
    %sign3A_863 = arith.extui %sign3A_862 : i1 to i32
    %sign3A_864 = arith.subi %sign3A_860, %sign3A_863 : i32
    %ne3A_865 = arith.cmpi ne, %sign3A_857, %sign3A_864 : i32
    %rem3A_866 = arith.remsi %add3A_848, %jit3A_849 : i32
    %ne3A_867 = arith.constant 0 : i32
    %ne3A_868 = arith.cmpi ne, %rem3A_866, %ne3A_867 : i32
    %and3A_869 = arith.andi %ne3A_865, %ne3A_868 : i1
    %sub3A_870 = arith.constant 1 : i32
    %sub3A_871 = arith.subi %div3A_850, %sub3A_870 : i32
    %select_n3A_872 = arith.select %and3A_869, %sub3A_871, %div3A_850 : i32
    %jit3A_873 = arith.constant 128 : i32
    %eq3A_874 = arith.constant 0 : i32
    %eq3A_875 = arith.cmpi eq, %jit3A_873, %eq3A_874 : i32
    %jit3A_876 = arith.constant 1 : i32
    %select_n3A_877 = arith.select %eq3A_875, %jit3A_876, %jit3A_873 : i32
    %rem3A_878 = arith.remsi %add3A_848, %select_n3A_877 : i32
    %ne3A_879 = arith.constant 0 : i32
    %ne3A_880 = arith.cmpi ne, %rem3A_878, %ne3A_879 : i32
    %lt3A_881 = arith.constant 0 : i32
    %lt3A_882 = arith.cmpi slt, %rem3A_878, %lt3A_881 : i32
    %lt3A_883 = arith.constant 0 : i32
    %lt3A_884 = arith.cmpi slt, %select_n3A_877, %lt3A_883 : i32
    %ne3A_885 = arith.xori %lt3A_882, %lt3A_884 : i1
    %and3A_886 = arith.andi %ne3A_885, %ne3A_880 : i1
    %add3A_887 = arith.addi %rem3A_878, %select_n3A_877 : i32
    %select_n3A_888 = arith.select %and3A_886, %add3A_887, %rem3A_878 : i32
    %mul3A_889 = arith.constant 128 : i32
    %mul3A_890 = arith.muli %select_n3A_888, %mul3A_889 : i32
    %dma_start3A_891 = arith.constant 15 : i32
    %dma_start3A_892 = arith.constant 0 : i32
    %dma_start3A_893 = tpu.memref_slice %arg5[%dma_start3A_891, %dma_start3A_892] : memref<20x128xi32, #tpu.memory_space<vmem>> -> memref<1x128xi32, #tpu.memory_space<vmem>>
    %dma_start3A_894 = tpu.memref_squeeze %dma_start3A_893 : memref<1x128xi32, #tpu.memory_space<vmem>> -> memref<128xi32, #tpu.memory_space<vmem>>
    %dma_start3A_895 = tpu.memref_slice %arg2[%select_n3A_872, %mul3A_890] : memref<5x16384xi32, #tpu.memory_space<hbm>> -> memref<1x128xi32, #tpu.memory_space<hbm>>
    %dma_start3A_896 = tpu.memref_squeeze %dma_start3A_895 : memref<1x128xi32, #tpu.memory_space<hbm>> -> memref<128xi32, #tpu.memory_space<hbm>>
    %dma_start3A_897 = arith.constant 0 : i32
    %dma_start3A_898 = tpu.memref_slice %arg5[%dma_start3A_891, %dma_start3A_897] : memref<20x128xi32, #tpu.memory_space<vmem>> -> memref<1x128xi32, #tpu.memory_space<vmem>>
    %dma_start3A_899 = tpu.memref_squeeze %dma_start3A_898 : memref<1x128xi32, #tpu.memory_space<vmem>> -> memref<128xi32, #tpu.memory_space<vmem>>
    %dma_start3A_900 = tpu.memref_slice %arg2[%select_n3A_872, %mul3A_890] : memref<5x16384xi32, #tpu.memory_space<hbm>> -> memref<1x128xi32, #tpu.memory_space<hbm>>
    %dma_start3A_901 = tpu.memref_squeeze %dma_start3A_900 : memref<1x128xi32, #tpu.memory_space<hbm>> -> memref<128xi32, #tpu.memory_space<hbm>>
    tpu.enqueue_dma source(%dma_start3A_901 : memref<128xi32, #tpu.memory_space<hbm>>) target(%dma_start3A_899 : memref<128xi32, #tpu.memory_space<vmem>>) target_semaphore(%arg7 : memref<!tpu.dma_semaphore, #tpu.memory_space<semaphore_mem>>)
    %mul3A_902 = arith.constant 20 : i32
    %mul3A_903 = arith.muli %add3A, %mul3A_902 : i32
    %add3A_904 = arith.constant 16 : i32
    %add3A_905 = arith.addi %mul3A_903, %add3A_904 : i32
    %jit3A_906 = arith.constant 128 : i32
    %div3A_907 = arith.divsi %add3A_905, %jit3A_906 : i32
    %sign3A_908 = arith.constant 0 : i32
    %sign3A_909 = arith.cmpi sgt, %add3A_905, %sign3A_908 : i32
    %sign3A_910 = arith.extui %sign3A_909 : i1 to i32
    %sign3A_911 = arith.constant 0 : i32
    %sign3A_912 = arith.cmpi slt, %add3A_905, %sign3A_911 : i32
    %sign3A_913 = arith.extui %sign3A_912 : i1 to i32
    %sign3A_914 = arith.subi %sign3A_910, %sign3A_913 : i32
    %sign3A_915 = arith.constant 0 : i32
    %sign3A_916 = arith.cmpi sgt, %jit3A_906, %sign3A_915 : i32
    %sign3A_917 = arith.extui %sign3A_916 : i1 to i32
    %sign3A_918 = arith.constant 0 : i32
    %sign3A_919 = arith.cmpi slt, %jit3A_906, %sign3A_918 : i32
    %sign3A_920 = arith.extui %sign3A_919 : i1 to i32
    %sign3A_921 = arith.subi %sign3A_917, %sign3A_920 : i32
    %ne3A_922 = arith.cmpi ne, %sign3A_914, %sign3A_921 : i32
    %rem3A_923 = arith.remsi %add3A_905, %jit3A_906 : i32
    %ne3A_924 = arith.constant 0 : i32
    %ne3A_925 = arith.cmpi ne, %rem3A_923, %ne3A_924 : i32
    %and3A_926 = arith.andi %ne3A_922, %ne3A_925 : i1
    %sub3A_927 = arith.constant 1 : i32
    %sub3A_928 = arith.subi %div3A_907, %sub3A_927 : i32
    %select_n3A_929 = arith.select %and3A_926, %sub3A_928, %div3A_907 : i32
    %jit3A_930 = arith.constant 128 : i32
    %eq3A_931 = arith.constant 0 : i32
    %eq3A_932 = arith.cmpi eq, %jit3A_930, %eq3A_931 : i32
    %jit3A_933 = arith.constant 1 : i32
    %select_n3A_934 = arith.select %eq3A_932, %jit3A_933, %jit3A_930 : i32
    %rem3A_935 = arith.remsi %add3A_905, %select_n3A_934 : i32
    %ne3A_936 = arith.constant 0 : i32
    %ne3A_937 = arith.cmpi ne, %rem3A_935, %ne3A_936 : i32
    %lt3A_938 = arith.constant 0 : i32
    %lt3A_939 = arith.cmpi slt, %rem3A_935, %lt3A_938 : i32
    %lt3A_940 = arith.constant 0 : i32
    %lt3A_941 = arith.cmpi slt, %select_n3A_934, %lt3A_940 : i32
    %ne3A_942 = arith.xori %lt3A_939, %lt3A_941 : i1
    %and3A_943 = arith.andi %ne3A_942, %ne3A_937 : i1
    %add3A_944 = arith.addi %rem3A_935, %select_n3A_934 : i32
    %select_n3A_945 = arith.select %and3A_943, %add3A_944, %rem3A_935 : i32
    %mul3A_946 = arith.constant 128 : i32
    %mul3A_947 = arith.muli %select_n3A_945, %mul3A_946 : i32
    %dma_start3A_948 = arith.constant 16 : i32
    %dma_start3A_949 = arith.constant 0 : i32
    %dma_start3A_950 = tpu.memref_slice %arg5[%dma_start3A_948, %dma_start3A_949] : memref<20x128xi32, #tpu.memory_space<vmem>> -> memref<1x128xi32, #tpu.memory_space<vmem>>
    %dma_start3A_951 = tpu.memref_squeeze %dma_start3A_950 : memref<1x128xi32, #tpu.memory_space<vmem>> -> memref<128xi32, #tpu.memory_space<vmem>>
    %dma_start3A_952 = tpu.memref_slice %arg2[%select_n3A_929, %mul3A_947] : memref<5x16384xi32, #tpu.memory_space<hbm>> -> memref<1x128xi32, #tpu.memory_space<hbm>>
    %dma_start3A_953 = tpu.memref_squeeze %dma_start3A_952 : memref<1x128xi32, #tpu.memory_space<hbm>> -> memref<128xi32, #tpu.memory_space<hbm>>
    %dma_start3A_954 = arith.constant 0 : i32
    %dma_start3A_955 = tpu.memref_slice %arg5[%dma_start3A_948, %dma_start3A_954] : memref<20x128xi32, #tpu.memory_space<vmem>> -> memref<1x128xi32, #tpu.memory_space<vmem>>
    %dma_start3A_956 = tpu.memref_squeeze %dma_start3A_955 : memref<1x128xi32, #tpu.memory_space<vmem>> -> memref<128xi32, #tpu.memory_space<vmem>>
    %dma_start3A_957 = tpu.memref_slice %arg2[%select_n3A_929, %mul3A_947] : memref<5x16384xi32, #tpu.memory_space<hbm>> -> memref<1x128xi32, #tpu.memory_space<hbm>>
    %dma_start3A_958 = tpu.memref_squeeze %dma_start3A_957 : memref<1x128xi32, #tpu.memory_space<hbm>> -> memref<128xi32, #tpu.memory_space<hbm>>
    tpu.enqueue_dma source(%dma_start3A_958 : memref<128xi32, #tpu.memory_space<hbm>>) target(%dma_start3A_956 : memref<128xi32, #tpu.memory_space<vmem>>) target_semaphore(%arg7 : memref<!tpu.dma_semaphore, #tpu.memory_space<semaphore_mem>>)
    %mul3A_959 = arith.constant 20 : i32
    %mul3A_960 = arith.muli %add3A, %mul3A_959 : i32
    %add3A_961 = arith.constant 17 : i32
    %add3A_962 = arith.addi %mul3A_960, %add3A_961 : i32
    %jit3A_963 = arith.constant 128 : i32
    %div3A_964 = arith.divsi %add3A_962, %jit3A_963 : i32
    %sign3A_965 = arith.constant 0 : i32
    %sign3A_966 = arith.cmpi sgt, %add3A_962, %sign3A_965 : i32
    %sign3A_967 = arith.extui %sign3A_966 : i1 to i32
    %sign3A_968 = arith.constant 0 : i32
    %sign3A_969 = arith.cmpi slt, %add3A_962, %sign3A_968 : i32
    %sign3A_970 = arith.extui %sign3A_969 : i1 to i32
    %sign3A_971 = arith.subi %sign3A_967, %sign3A_970 : i32
    %sign3A_972 = arith.constant 0 : i32
    %sign3A_973 = arith.cmpi sgt, %jit3A_963, %sign3A_972 : i32
    %sign3A_974 = arith.extui %sign3A_973 : i1 to i32
    %sign3A_975 = arith.constant 0 : i32
    %sign3A_976 = arith.cmpi slt, %jit3A_963, %sign3A_975 : i32
    %sign3A_977 = arith.extui %sign3A_976 : i1 to i32
    %sign3A_978 = arith.subi %sign3A_974, %sign3A_977 : i32
    %ne3A_979 = arith.cmpi ne, %sign3A_971, %sign3A_978 : i32
    %rem3A_980 = arith.remsi %add3A_962, %jit3A_963 : i32
    %ne3A_981 = arith.constant 0 : i32
    %ne3A_982 = arith.cmpi ne, %rem3A_980, %ne3A_981 : i32
    %and3A_983 = arith.andi %ne3A_979, %ne3A_982 : i1
    %sub3A_984 = arith.constant 1 : i32
    %sub3A_985 = arith.subi %div3A_964, %sub3A_984 : i32
    %select_n3A_986 = arith.select %and3A_983, %sub3A_985, %div3A_964 : i32
    %jit3A_987 = arith.constant 128 : i32
    %eq3A_988 = arith.constant 0 : i32
    %eq3A_989 = arith.cmpi eq, %jit3A_987, %eq3A_988 : i32
    %jit3A_990 = arith.constant 1 : i32
    %select_n3A_991 = arith.select %eq3A_989, %jit3A_990, %jit3A_987 : i32
    %rem3A_992 = arith.remsi %add3A_962, %select_n3A_991 : i32
    %ne3A_993 = arith.constant 0 : i32
    %ne3A_994 = arith.cmpi ne, %rem3A_992, %ne3A_993 : i32
    %lt3A_995 = arith.constant 0 : i32
    %lt3A_996 = arith.cmpi slt, %rem3A_992, %lt3A_995 : i32
    %lt3A_997 = arith.constant 0 : i32
    %lt3A_998 = arith.cmpi slt, %select_n3A_991, %lt3A_997 : i32
    %ne3A_999 = arith.xori %lt3A_996, %lt3A_998 : i1
    %and3A_1000 = arith.andi %ne3A_999, %ne3A_994 : i1
    %add3A_1001 = arith.addi %rem3A_992, %select_n3A_991 : i32
    %select_n3A_1002 = arith.select %and3A_1000, %add3A_1001, %rem3A_992 : i32
    %mul3A_1003 = arith.constant 128 : i32
    %mul3A_1004 = arith.muli %select_n3A_1002, %mul3A_1003 : i32
    %dma_start3A_1005 = arith.constant 17 : i32
    %dma_start3A_1006 = arith.constant 0 : i32
    %dma_start3A_1007 = tpu.memref_slice %arg5[%dma_start3A_1005, %dma_start3A_1006] : memref<20x128xi32, #tpu.memory_space<vmem>> -> memref<1x128xi32, #tpu.memory_space<vmem>>
    %dma_start3A_1008 = tpu.memref_squeeze %dma_start3A_1007 : memref<1x128xi32, #tpu.memory_space<vmem>> -> memref<128xi32, #tpu.memory_space<vmem>>
    %dma_start3A_1009 = tpu.memref_slice %arg2[%select_n3A_986, %mul3A_1004] : memref<5x16384xi32, #tpu.memory_space<hbm>> -> memref<1x128xi32, #tpu.memory_space<hbm>>
    %dma_start3A_1010 = tpu.memref_squeeze %dma_start3A_1009 : memref<1x128xi32, #tpu.memory_space<hbm>> -> memref<128xi32, #tpu.memory_space<hbm>>
    %dma_start3A_1011 = arith.constant 0 : i32
    %dma_start3A_1012 = tpu.memref_slice %arg5[%dma_start3A_1005, %dma_start3A_1011] : memref<20x128xi32, #tpu.memory_space<vmem>> -> memref<1x128xi32, #tpu.memory_space<vmem>>
    %dma_start3A_1013 = tpu.memref_squeeze %dma_start3A_1012 : memref<1x128xi32, #tpu.memory_space<vmem>> -> memref<128xi32, #tpu.memory_space<vmem>>
    %dma_start3A_1014 = tpu.memref_slice %arg2[%select_n3A_986, %mul3A_1004] : memref<5x16384xi32, #tpu.memory_space<hbm>> -> memref<1x128xi32, #tpu.memory_space<hbm>>
    %dma_start3A_1015 = tpu.memref_squeeze %dma_start3A_1014 : memref<1x128xi32, #tpu.memory_space<hbm>> -> memref<128xi32, #tpu.memory_space<hbm>>
    tpu.enqueue_dma source(%dma_start3A_1015 : memref<128xi32, #tpu.memory_space<hbm>>) target(%dma_start3A_1013 : memref<128xi32, #tpu.memory_space<vmem>>) target_semaphore(%arg7 : memref<!tpu.dma_semaphore, #tpu.memory_space<semaphore_mem>>)
    %mul3A_1016 = arith.constant 20 : i32
    %mul3A_1017 = arith.muli %add3A, %mul3A_1016 : i32
    %add3A_1018 = arith.constant 18 : i32
    %add3A_1019 = arith.addi %mul3A_1017, %add3A_1018 : i32
    %jit3A_1020 = arith.constant 128 : i32
    %div3A_1021 = arith.divsi %add3A_1019, %jit3A_1020 : i32
    %sign3A_1022 = arith.constant 0 : i32
    %sign3A_1023 = arith.cmpi sgt, %add3A_1019, %sign3A_1022 : i32
    %sign3A_1024 = arith.extui %sign3A_1023 : i1 to i32
    %sign3A_1025 = arith.constant 0 : i32
    %sign3A_1026 = arith.cmpi slt, %add3A_1019, %sign3A_1025 : i32
    %sign3A_1027 = arith.extui %sign3A_1026 : i1 to i32
    %sign3A_1028 = arith.subi %sign3A_1024, %sign3A_1027 : i32
    %sign3A_1029 = arith.constant 0 : i32
    %sign3A_1030 = arith.cmpi sgt, %jit3A_1020, %sign3A_1029 : i32
    %sign3A_1031 = arith.extui %sign3A_1030 : i1 to i32
    %sign3A_1032 = arith.constant 0 : i32
    %sign3A_1033 = arith.cmpi slt, %jit3A_1020, %sign3A_1032 : i32
    %sign3A_1034 = arith.extui %sign3A_1033 : i1 to i32
    %sign3A_1035 = arith.subi %sign3A_1031, %sign3A_1034 : i32
    %ne3A_1036 = arith.cmpi ne, %sign3A_1028, %sign3A_1035 : i32
    %rem3A_1037 = arith.remsi %add3A_1019, %jit3A_1020 : i32
    %ne3A_1038 = arith.constant 0 : i32
    %ne3A_1039 = arith.cmpi ne, %rem3A_1037, %ne3A_1038 : i32
    %and3A_1040 = arith.andi %ne3A_1036, %ne3A_1039 : i1
    %sub3A_1041 = arith.constant 1 : i32
    %sub3A_1042 = arith.subi %div3A_1021, %sub3A_1041 : i32
    %select_n3A_1043 = arith.select %and3A_1040, %sub3A_1042, %div3A_1021 : i32
    %jit3A_1044 = arith.constant 128 : i32
    %eq3A_1045 = arith.constant 0 : i32
    %eq3A_1046 = arith.cmpi eq, %jit3A_1044, %eq3A_1045 : i32
    %jit3A_1047 = arith.constant 1 : i32
    %select_n3A_1048 = arith.select %eq3A_1046, %jit3A_1047, %jit3A_1044 : i32
    %rem3A_1049 = arith.remsi %add3A_1019, %select_n3A_1048 : i32
    %ne3A_1050 = arith.constant 0 : i32
    %ne3A_1051 = arith.cmpi ne, %rem3A_1049, %ne3A_1050 : i32
    %lt3A_1052 = arith.constant 0 : i32
    %lt3A_1053 = arith.cmpi slt, %rem3A_1049, %lt3A_1052 : i32
    %lt3A_1054 = arith.constant 0 : i32
    %lt3A_1055 = arith.cmpi slt, %select_n3A_1048, %lt3A_1054 : i32
    %ne3A_1056 = arith.xori %lt3A_1053, %lt3A_1055 : i1
    %and3A_1057 = arith.andi %ne3A_1056, %ne3A_1051 : i1
    %add3A_1058 = arith.addi %rem3A_1049, %select_n3A_1048 : i32
    %select_n3A_1059 = arith.select %and3A_1057, %add3A_1058, %rem3A_1049 : i32
    %mul3A_1060 = arith.constant 128 : i32
    %mul3A_1061 = arith.muli %select_n3A_1059, %mul3A_1060 : i32
    %dma_start3A_1062 = arith.constant 18 : i32
    %dma_start3A_1063 = arith.constant 0 : i32
    %dma_start3A_1064 = tpu.memref_slice %arg5[%dma_start3A_1062, %dma_start3A_1063] : memref<20x128xi32, #tpu.memory_space<vmem>> -> memref<1x128xi32, #tpu.memory_space<vmem>>
    %dma_start3A_1065 = tpu.memref_squeeze %dma_start3A_1064 : memref<1x128xi32, #tpu.memory_space<vmem>> -> memref<128xi32, #tpu.memory_space<vmem>>
    %dma_start3A_1066 = tpu.memref_slice %arg2[%select_n3A_1043, %mul3A_1061] : memref<5x16384xi32, #tpu.memory_space<hbm>> -> memref<1x128xi32, #tpu.memory_space<hbm>>
    %dma_start3A_1067 = tpu.memref_squeeze %dma_start3A_1066 : memref<1x128xi32, #tpu.memory_space<hbm>> -> memref<128xi32, #tpu.memory_space<hbm>>
    %dma_start3A_1068 = arith.constant 0 : i32
    %dma_start3A_1069 = tpu.memref_slice %arg5[%dma_start3A_1062, %dma_start3A_1068] : memref<20x128xi32, #tpu.memory_space<vmem>> -> memref<1x128xi32, #tpu.memory_space<vmem>>
    %dma_start3A_1070 = tpu.memref_squeeze %dma_start3A_1069 : memref<1x128xi32, #tpu.memory_space<vmem>> -> memref<128xi32, #tpu.memory_space<vmem>>
    %dma_start3A_1071 = tpu.memref_slice %arg2[%select_n3A_1043, %mul3A_1061] : memref<5x16384xi32, #tpu.memory_space<hbm>> -> memref<1x128xi32, #tpu.memory_space<hbm>>
    %dma_start3A_1072 = tpu.memref_squeeze %dma_start3A_1071 : memref<1x128xi32, #tpu.memory_space<hbm>> -> memref<128xi32, #tpu.memory_space<hbm>>
    tpu.enqueue_dma source(%dma_start3A_1072 : memref<128xi32, #tpu.memory_space<hbm>>) target(%dma_start3A_1070 : memref<128xi32, #tpu.memory_space<vmem>>) target_semaphore(%arg7 : memref<!tpu.dma_semaphore, #tpu.memory_space<semaphore_mem>>)
    %mul3A_1073 = arith.constant 20 : i32
    %mul3A_1074 = arith.muli %add3A, %mul3A_1073 : i32
    %add3A_1075 = arith.constant 19 : i32
    %add3A_1076 = arith.addi %mul3A_1074, %add3A_1075 : i32
    %jit3A_1077 = arith.constant 128 : i32
    %div3A_1078 = arith.divsi %add3A_1076, %jit3A_1077 : i32
    %sign3A_1079 = arith.constant 0 : i32
    %sign3A_1080 = arith.cmpi sgt, %add3A_1076, %sign3A_1079 : i32
    %sign3A_1081 = arith.extui %sign3A_1080 : i1 to i32
    %sign3A_1082 = arith.constant 0 : i32
    %sign3A_1083 = arith.cmpi slt, %add3A_1076, %sign3A_1082 : i32
    %sign3A_1084 = arith.extui %sign3A_1083 : i1 to i32
    %sign3A_1085 = arith.subi %sign3A_1081, %sign3A_1084 : i32
    %sign3A_1086 = arith.constant 0 : i32
    %sign3A_1087 = arith.cmpi sgt, %jit3A_1077, %sign3A_1086 : i32
    %sign3A_1088 = arith.extui %sign3A_1087 : i1 to i32
    %sign3A_1089 = arith.constant 0 : i32
    %sign3A_1090 = arith.cmpi slt, %jit3A_1077, %sign3A_1089 : i32
    %sign3A_1091 = arith.extui %sign3A_1090 : i1 to i32
    %sign3A_1092 = arith.subi %sign3A_1088, %sign3A_1091 : i32
    %ne3A_1093 = arith.cmpi ne, %sign3A_1085, %sign3A_1092 : i32
    %rem3A_1094 = arith.remsi %add3A_1076, %jit3A_1077 : i32
    %ne3A_1095 = arith.constant 0 : i32
    %ne3A_1096 = arith.cmpi ne, %rem3A_1094, %ne3A_1095 : i32
    %and3A_1097 = arith.andi %ne3A_1093, %ne3A_1096 : i1
    %sub3A_1098 = arith.constant 1 : i32
    %sub3A_1099 = arith.subi %div3A_1078, %sub3A_1098 : i32
    %select_n3A_1100 = arith.select %and3A_1097, %sub3A_1099, %div3A_1078 : i32
    %jit3A_1101 = arith.constant 128 : i32
    %eq3A_1102 = arith.constant 0 : i32
    %eq3A_1103 = arith.cmpi eq, %jit3A_1101, %eq3A_1102 : i32
    %jit3A_1104 = arith.constant 1 : i32
    %select_n3A_1105 = arith.select %eq3A_1103, %jit3A_1104, %jit3A_1101 : i32
    %rem3A_1106 = arith.remsi %add3A_1076, %select_n3A_1105 : i32
    %ne3A_1107 = arith.constant 0 : i32
    %ne3A_1108 = arith.cmpi ne, %rem3A_1106, %ne3A_1107 : i32
    %lt3A_1109 = arith.constant 0 : i32
    %lt3A_1110 = arith.cmpi slt, %rem3A_1106, %lt3A_1109 : i32
    %lt3A_1111 = arith.constant 0 : i32
    %lt3A_1112 = arith.cmpi slt, %select_n3A_1105, %lt3A_1111 : i32
    %ne3A_1113 = arith.xori %lt3A_1110, %lt3A_1112 : i1
    %and3A_1114 = arith.andi %ne3A_1113, %ne3A_1108 : i1
    %add3A_1115 = arith.addi %rem3A_1106, %select_n3A_1105 : i32
    %select_n3A_1116 = arith.select %and3A_1114, %add3A_1115, %rem3A_1106 : i32
    %mul3A_1117 = arith.constant 128 : i32
    %mul3A_1118 = arith.muli %select_n3A_1116, %mul3A_1117 : i32
    %dma_start3A_1119 = arith.constant 19 : i32
    %dma_start3A_1120 = arith.constant 0 : i32
    %dma_start3A_1121 = tpu.memref_slice %arg5[%dma_start3A_1119, %dma_start3A_1120] : memref<20x128xi32, #tpu.memory_space<vmem>> -> memref<1x128xi32, #tpu.memory_space<vmem>>
    %dma_start3A_1122 = tpu.memref_squeeze %dma_start3A_1121 : memref<1x128xi32, #tpu.memory_space<vmem>> -> memref<128xi32, #tpu.memory_space<vmem>>
    %dma_start3A_1123 = tpu.memref_slice %arg2[%select_n3A_1100, %mul3A_1118] : memref<5x16384xi32, #tpu.memory_space<hbm>> -> memref<1x128xi32, #tpu.memory_space<hbm>>
    %dma_start3A_1124 = tpu.memref_squeeze %dma_start3A_1123 : memref<1x128xi32, #tpu.memory_space<hbm>> -> memref<128xi32, #tpu.memory_space<hbm>>
    %dma_start3A_1125 = arith.constant 0 : i32
    %dma_start3A_1126 = tpu.memref_slice %arg5[%dma_start3A_1119, %dma_start3A_1125] : memref<20x128xi32, #tpu.memory_space<vmem>> -> memref<1x128xi32, #tpu.memory_space<vmem>>
    %dma_start3A_1127 = tpu.memref_squeeze %dma_start3A_1126 : memref<1x128xi32, #tpu.memory_space<vmem>> -> memref<128xi32, #tpu.memory_space<vmem>>
    %dma_start3A_1128 = tpu.memref_slice %arg2[%select_n3A_1100, %mul3A_1118] : memref<5x16384xi32, #tpu.memory_space<hbm>> -> memref<1x128xi32, #tpu.memory_space<hbm>>
    %dma_start3A_1129 = tpu.memref_squeeze %dma_start3A_1128 : memref<1x128xi32, #tpu.memory_space<hbm>> -> memref<128xi32, #tpu.memory_space<hbm>>
    tpu.enqueue_dma source(%dma_start3A_1129 : memref<128xi32, #tpu.memory_space<hbm>>) target(%dma_start3A_1127 : memref<128xi32, #tpu.memory_space<vmem>>) target_semaphore(%arg7 : memref<!tpu.dma_semaphore, #tpu.memory_space<semaphore_mem>>)
    %dma_wait3A = arith.constant 0 : i32
    %dma_wait3A_1130 = arith.constant 0 : i32
    %dma_wait3A_1131 = tpu.memref_slice %arg5[%dma_wait3A, %dma_wait3A_1130] : memref<20x128xi32, #tpu.memory_space<vmem>> -> memref<1x128xi32, #tpu.memory_space<vmem>>
    %dma_wait3A_1132 = tpu.memref_squeeze %dma_wait3A_1131 : memref<1x128xi32, #tpu.memory_space<vmem>> -> memref<128xi32, #tpu.memory_space<vmem>>
    %dma_wait3A_1133 = tpu.memref_slice %arg2[%select_n3A, %mul3A_36] : memref<5x16384xi32, #tpu.memory_space<hbm>> -> memref<1x128xi32, #tpu.memory_space<hbm>>
    %dma_wait3A_1134 = tpu.memref_squeeze %dma_wait3A_1133 : memref<1x128xi32, #tpu.memory_space<hbm>> -> memref<128xi32, #tpu.memory_space<hbm>>
    %dma_wait3A_1135 = arith.constant 0 : i32
    %dma_wait3A_1136 = tpu.memref_slice %arg5[%dma_wait3A, %dma_wait3A_1135] : memref<20x128xi32, #tpu.memory_space<vmem>> -> memref<1x128xi32, #tpu.memory_space<vmem>>
    %dma_wait3A_1137 = tpu.memref_squeeze %dma_wait3A_1136 : memref<1x128xi32, #tpu.memory_space<vmem>> -> memref<128xi32, #tpu.memory_space<vmem>>
    %dma_wait3A_1138 = tpu.memref_slice %arg2[%select_n3A, %mul3A_36] : memref<5x16384xi32, #tpu.memory_space<hbm>> -> memref<1x128xi32, #tpu.memory_space<hbm>>
    %dma_wait3A_1139 = tpu.memref_squeeze %dma_wait3A_1138 : memref<1x128xi32, #tpu.memory_space<hbm>> -> memref<128xi32, #tpu.memory_space<hbm>>
    tpu.wait_dma2 semaphore(%arg7 : memref<!tpu.dma_semaphore, #tpu.memory_space<semaphore_mem>>) src(%dma_wait3A_1139 : memref<128xi32, #tpu.memory_space<hbm>>) dst(%dma_wait3A_1137 : memref<128xi32, #tpu.memory_space<vmem>>)
    %dma_wait3A_1140 = arith.constant 1 : i32
    %dma_wait3A_1141 = arith.constant 0 : i32
    %dma_wait3A_1142 = tpu.memref_slice %arg5[%dma_wait3A_1140, %dma_wait3A_1141] : memref<20x128xi32, #tpu.memory_space<vmem>> -> memref<1x128xi32, #tpu.memory_space<vmem>>
    %dma_wait3A_1143 = tpu.memref_squeeze %dma_wait3A_1142 : memref<1x128xi32, #tpu.memory_space<vmem>> -> memref<128xi32, #tpu.memory_space<vmem>>
    %dma_wait3A_1144 = tpu.memref_slice %arg2[%select_n3A_74, %mul3A_92] : memref<5x16384xi32, #tpu.memory_space<hbm>> -> memref<1x128xi32, #tpu.memory_space<hbm>>
    %dma_wait3A_1145 = tpu.memref_squeeze %dma_wait3A_1144 : memref<1x128xi32, #tpu.memory_space<hbm>> -> memref<128xi32, #tpu.memory_space<hbm>>
    %dma_wait3A_1146 = arith.constant 0 : i32
    %dma_wait3A_1147 = tpu.memref_slice %arg5[%dma_wait3A_1140, %dma_wait3A_1146] : memref<20x128xi32, #tpu.memory_space<vmem>> -> memref<1x128xi32, #tpu.memory_space<vmem>>
    %dma_wait3A_1148 = tpu.memref_squeeze %dma_wait3A_1147 : memref<1x128xi32, #tpu.memory_space<vmem>> -> memref<128xi32, #tpu.memory_space<vmem>>
    %dma_wait3A_1149 = tpu.memref_slice %arg2[%select_n3A_74, %mul3A_92] : memref<5x16384xi32, #tpu.memory_space<hbm>> -> memref<1x128xi32, #tpu.memory_space<hbm>>
    %dma_wait3A_1150 = tpu.memref_squeeze %dma_wait3A_1149 : memref<1x128xi32, #tpu.memory_space<hbm>> -> memref<128xi32, #tpu.memory_space<hbm>>
    tpu.wait_dma2 semaphore(%arg7 : memref<!tpu.dma_semaphore, #tpu.memory_space<semaphore_mem>>) src(%dma_wait3A_1150 : memref<128xi32, #tpu.memory_space<hbm>>) dst(%dma_wait3A_1148 : memref<128xi32, #tpu.memory_space<vmem>>)
    %dma_wait3A_1151 = arith.constant 2 : i32
    %dma_wait3A_1152 = arith.constant 0 : i32
    %dma_wait3A_1153 = tpu.memref_slice %arg5[%dma_wait3A_1151, %dma_wait3A_1152] : memref<20x128xi32, #tpu.memory_space<vmem>> -> memref<1x128xi32, #tpu.memory_space<vmem>>
    %dma_wait3A_1154 = tpu.memref_squeeze %dma_wait3A_1153 : memref<1x128xi32, #tpu.memory_space<vmem>> -> memref<128xi32, #tpu.memory_space<vmem>>
    %dma_wait3A_1155 = tpu.memref_slice %arg2[%select_n3A_131, %mul3A_149] : memref<5x16384xi32, #tpu.memory_space<hbm>> -> memref<1x128xi32, #tpu.memory_space<hbm>>
    %dma_wait3A_1156 = tpu.memref_squeeze %dma_wait3A_1155 : memref<1x128xi32, #tpu.memory_space<hbm>> -> memref<128xi32, #tpu.memory_space<hbm>>
    %dma_wait3A_1157 = arith.constant 0 : i32
    %dma_wait3A_1158 = tpu.memref_slice %arg5[%dma_wait3A_1151, %dma_wait3A_1157] : memref<20x128xi32, #tpu.memory_space<vmem>> -> memref<1x128xi32, #tpu.memory_space<vmem>>
    %dma_wait3A_1159 = tpu.memref_squeeze %dma_wait3A_1158 : memref<1x128xi32, #tpu.memory_space<vmem>> -> memref<128xi32, #tpu.memory_space<vmem>>
    %dma_wait3A_1160 = tpu.memref_slice %arg2[%select_n3A_131, %mul3A_149] : memref<5x16384xi32, #tpu.memory_space<hbm>> -> memref<1x128xi32, #tpu.memory_space<hbm>>
    %dma_wait3A_1161 = tpu.memref_squeeze %dma_wait3A_1160 : memref<1x128xi32, #tpu.memory_space<hbm>> -> memref<128xi32, #tpu.memory_space<hbm>>
    tpu.wait_dma2 semaphore(%arg7 : memref<!tpu.dma_semaphore, #tpu.memory_space<semaphore_mem>>) src(%dma_wait3A_1161 : memref<128xi32, #tpu.memory_space<hbm>>) dst(%dma_wait3A_1159 : memref<128xi32, #tpu.memory_space<vmem>>)
    %dma_wait3A_1162 = arith.constant 3 : i32
    %dma_wait3A_1163 = arith.constant 0 : i32
    %dma_wait3A_1164 = tpu.memref_slice %arg5[%dma_wait3A_1162, %dma_wait3A_1163] : memref<20x128xi32, #tpu.memory_space<vmem>> -> memref<1x128xi32, #tpu.memory_space<vmem>>
    %dma_wait3A_1165 = tpu.memref_squeeze %dma_wait3A_1164 : memref<1x128xi32, #tpu.memory_space<vmem>> -> memref<128xi32, #tpu.memory_space<vmem>>
    %dma_wait3A_1166 = tpu.memref_slice %arg2[%select_n3A_188, %mul3A_206] : memref<5x16384xi32, #tpu.memory_space<hbm>> -> memref<1x128xi32, #tpu.memory_space<hbm>>
    %dma_wait3A_1167 = tpu.memref_squeeze %dma_wait3A_1166 : memref<1x128xi32, #tpu.memory_space<hbm>> -> memref<128xi32, #tpu.memory_space<hbm>>
    %dma_wait3A_1168 = arith.constant 0 : i32
    %dma_wait3A_1169 = tpu.memref_slice %arg5[%dma_wait3A_1162, %dma_wait3A_1168] : memref<20x128xi32, #tpu.memory_space<vmem>> -> memref<1x128xi32, #tpu.memory_space<vmem>>
    %dma_wait3A_1170 = tpu.memref_squeeze %dma_wait3A_1169 : memref<1x128xi32, #tpu.memory_space<vmem>> -> memref<128xi32, #tpu.memory_space<vmem>>
    %dma_wait3A_1171 = tpu.memref_slice %arg2[%select_n3A_188, %mul3A_206] : memref<5x16384xi32, #tpu.memory_space<hbm>> -> memref<1x128xi32, #tpu.memory_space<hbm>>
    %dma_wait3A_1172 = tpu.memref_squeeze %dma_wait3A_1171 : memref<1x128xi32, #tpu.memory_space<hbm>> -> memref<128xi32, #tpu.memory_space<hbm>>
    tpu.wait_dma2 semaphore(%arg7 : memref<!tpu.dma_semaphore, #tpu.memory_space<semaphore_mem>>) src(%dma_wait3A_1172 : memref<128xi32, #tpu.memory_space<hbm>>) dst(%dma_wait3A_1170 : memref<128xi32, #tpu.memory_space<vmem>>)
    %dma_wait3A_1173 = arith.constant 4 : i32
    %dma_wait3A_1174 = arith.constant 0 : i32
    %dma_wait3A_1175 = tpu.memref_slice %arg5[%dma_wait3A_1173, %dma_wait3A_1174] : memref<20x128xi32, #tpu.memory_space<vmem>> -> memref<1x128xi32, #tpu.memory_space<vmem>>
    %dma_wait3A_1176 = tpu.memref_squeeze %dma_wait3A_1175 : memref<1x128xi32, #tpu.memory_space<vmem>> -> memref<128xi32, #tpu.memory_space<vmem>>
    %dma_wait3A_1177 = tpu.memref_slice %arg2[%select_n3A_245, %mul3A_263] : memref<5x16384xi32, #tpu.memory_space<hbm>> -> memref<1x128xi32, #tpu.memory_space<hbm>>
    %dma_wait3A_1178 = tpu.memref_squeeze %dma_wait3A_1177 : memref<1x128xi32, #tpu.memory_space<hbm>> -> memref<128xi32, #tpu.memory_space<hbm>>
    %dma_wait3A_1179 = arith.constant 0 : i32
    %dma_wait3A_1180 = tpu.memref_slice %arg5[%dma_wait3A_1173, %dma_wait3A_1179] : memref<20x128xi32, #tpu.memory_space<vmem>> -> memref<1x128xi32, #tpu.memory_space<vmem>>
    %dma_wait3A_1181 = tpu.memref_squeeze %dma_wait3A_1180 : memref<1x128xi32, #tpu.memory_space<vmem>> -> memref<128xi32, #tpu.memory_space<vmem>>
    %dma_wait3A_1182 = tpu.memref_slice %arg2[%select_n3A_245, %mul3A_263] : memref<5x16384xi32, #tpu.memory_space<hbm>> -> memref<1x128xi32, #tpu.memory_space<hbm>>
    %dma_wait3A_1183 = tpu.memref_squeeze %dma_wait3A_1182 : memref<1x128xi32, #tpu.memory_space<hbm>> -> memref<128xi32, #tpu.memory_space<hbm>>
    tpu.wait_dma2 semaphore(%arg7 : memref<!tpu.dma_semaphore, #tpu.memory_space<semaphore_mem>>) src(%dma_wait3A_1183 : memref<128xi32, #tpu.memory_space<hbm>>) dst(%dma_wait3A_1181 : memref<128xi32, #tpu.memory_space<vmem>>)
    %dma_wait3A_1184 = arith.constant 5 : i32
    %dma_wait3A_1185 = arith.constant 0 : i32
    %dma_wait3A_1186 = tpu.memref_slice %arg5[%dma_wait3A_1184, %dma_wait3A_1185] : memref<20x128xi32, #tpu.memory_space<vmem>> -> memref<1x128xi32, #tpu.memory_space<vmem>>
    %dma_wait3A_1187 = tpu.memref_squeeze %dma_wait3A_1186 : memref<1x128xi32, #tpu.memory_space<vmem>> -> memref<128xi32, #tpu.memory_space<vmem>>
    %dma_wait3A_1188 = tpu.memref_slice %arg2[%select_n3A_302, %mul3A_320] : memref<5x16384xi32, #tpu.memory_space<hbm>> -> memref<1x128xi32, #tpu.memory_space<hbm>>
    %dma_wait3A_1189 = tpu.memref_squeeze %dma_wait3A_1188 : memref<1x128xi32, #tpu.memory_space<hbm>> -> memref<128xi32, #tpu.memory_space<hbm>>
    %dma_wait3A_1190 = arith.constant 0 : i32
    %dma_wait3A_1191 = tpu.memref_slice %arg5[%dma_wait3A_1184, %dma_wait3A_1190] : memref<20x128xi32, #tpu.memory_space<vmem>> -> memref<1x128xi32, #tpu.memory_space<vmem>>
    %dma_wait3A_1192 = tpu.memref_squeeze %dma_wait3A_1191 : memref<1x128xi32, #tpu.memory_space<vmem>> -> memref<128xi32, #tpu.memory_space<vmem>>
    %dma_wait3A_1193 = tpu.memref_slice %arg2[%select_n3A_302, %mul3A_320] : memref<5x16384xi32, #tpu.memory_space<hbm>> -> memref<1x128xi32, #tpu.memory_space<hbm>>
    %dma_wait3A_1194 = tpu.memref_squeeze %dma_wait3A_1193 : memref<1x128xi32, #tpu.memory_space<hbm>> -> memref<128xi32, #tpu.memory_space<hbm>>
    tpu.wait_dma2 semaphore(%arg7 : memref<!tpu.dma_semaphore, #tpu.memory_space<semaphore_mem>>) src(%dma_wait3A_1194 : memref<128xi32, #tpu.memory_space<hbm>>) dst(%dma_wait3A_1192 : memref<128xi32, #tpu.memory_space<vmem>>)
    %dma_wait3A_1195 = arith.constant 6 : i32
    %dma_wait3A_1196 = arith.constant 0 : i32
    %dma_wait3A_1197 = tpu.memref_slice %arg5[%dma_wait3A_1195, %dma_wait3A_1196] : memref<20x128xi32, #tpu.memory_space<vmem>> -> memref<1x128xi32, #tpu.memory_space<vmem>>
    %dma_wait3A_1198 = tpu.memref_squeeze %dma_wait3A_1197 : memref<1x128xi32, #tpu.memory_space<vmem>> -> memref<128xi32, #tpu.memory_space<vmem>>
    %dma_wait3A_1199 = tpu.memref_slice %arg2[%select_n3A_359, %mul3A_377] : memref<5x16384xi32, #tpu.memory_space<hbm>> -> memref<1x128xi32, #tpu.memory_space<hbm>>
    %dma_wait3A_1200 = tpu.memref_squeeze %dma_wait3A_1199 : memref<1x128xi32, #tpu.memory_space<hbm>> -> memref<128xi32, #tpu.memory_space<hbm>>
    %dma_wait3A_1201 = arith.constant 0 : i32
    %dma_wait3A_1202 = tpu.memref_slice %arg5[%dma_wait3A_1195, %dma_wait3A_1201] : memref<20x128xi32, #tpu.memory_space<vmem>> -> memref<1x128xi32, #tpu.memory_space<vmem>>
    %dma_wait3A_1203 = tpu.memref_squeeze %dma_wait3A_1202 : memref<1x128xi32, #tpu.memory_space<vmem>> -> memref<128xi32, #tpu.memory_space<vmem>>
    %dma_wait3A_1204 = tpu.memref_slice %arg2[%select_n3A_359, %mul3A_377] : memref<5x16384xi32, #tpu.memory_space<hbm>> -> memref<1x128xi32, #tpu.memory_space<hbm>>
    %dma_wait3A_1205 = tpu.memref_squeeze %dma_wait3A_1204 : memref<1x128xi32, #tpu.memory_space<hbm>> -> memref<128xi32, #tpu.memory_space<hbm>>
    tpu.wait_dma2 semaphore(%arg7 : memref<!tpu.dma_semaphore, #tpu.memory_space<semaphore_mem>>) src(%dma_wait3A_1205 : memref<128xi32, #tpu.memory_space<hbm>>) dst(%dma_wait3A_1203 : memref<128xi32, #tpu.memory_space<vmem>>)
    %dma_wait3A_1206 = arith.constant 7 : i32
    %dma_wait3A_1207 = arith.constant 0 : i32
    %dma_wait3A_1208 = tpu.memref_slice %arg5[%dma_wait3A_1206, %dma_wait3A_1207] : memref<20x128xi32, #tpu.memory_space<vmem>> -> memref<1x128xi32, #tpu.memory_space<vmem>>
    %dma_wait3A_1209 = tpu.memref_squeeze %dma_wait3A_1208 : memref<1x128xi32, #tpu.memory_space<vmem>> -> memref<128xi32, #tpu.memory_space<vmem>>
    %dma_wait3A_1210 = tpu.memref_slice %arg2[%select_n3A_416, %mul3A_434] : memref<5x16384xi32, #tpu.memory_space<hbm>> -> memref<1x128xi32, #tpu.memory_space<hbm>>
    %dma_wait3A_1211 = tpu.memref_squeeze %dma_wait3A_1210 : memref<1x128xi32, #tpu.memory_space<hbm>> -> memref<128xi32, #tpu.memory_space<hbm>>
    %dma_wait3A_1212 = arith.constant 0 : i32
    %dma_wait3A_1213 = tpu.memref_slice %arg5[%dma_wait3A_1206, %dma_wait3A_1212] : memref<20x128xi32, #tpu.memory_space<vmem>> -> memref<1x128xi32, #tpu.memory_space<vmem>>
    %dma_wait3A_1214 = tpu.memref_squeeze %dma_wait3A_1213 : memref<1x128xi32, #tpu.memory_space<vmem>> -> memref<128xi32, #tpu.memory_space<vmem>>
    %dma_wait3A_1215 = tpu.memref_slice %arg2[%select_n3A_416, %mul3A_434] : memref<5x16384xi32, #tpu.memory_space<hbm>> -> memref<1x128xi32, #tpu.memory_space<hbm>>
    %dma_wait3A_1216 = tpu.memref_squeeze %dma_wait3A_1215 : memref<1x128xi32, #tpu.memory_space<hbm>> -> memref<128xi32, #tpu.memory_space<hbm>>
    tpu.wait_dma2 semaphore(%arg7 : memref<!tpu.dma_semaphore, #tpu.memory_space<semaphore_mem>>) src(%dma_wait3A_1216 : memref<128xi32, #tpu.memory_space<hbm>>) dst(%dma_wait3A_1214 : memref<128xi32, #tpu.memory_space<vmem>>)
    %dma_wait3A_1217 = arith.constant 8 : i32
    %dma_wait3A_1218 = arith.constant 0 : i32
    %dma_wait3A_1219 = tpu.memref_slice %arg5[%dma_wait3A_1217, %dma_wait3A_1218] : memref<20x128xi32, #tpu.memory_space<vmem>> -> memref<1x128xi32, #tpu.memory_space<vmem>>
    %dma_wait3A_1220 = tpu.memref_squeeze %dma_wait3A_1219 : memref<1x128xi32, #tpu.memory_space<vmem>> -> memref<128xi32, #tpu.memory_space<vmem>>
    %dma_wait3A_1221 = tpu.memref_slice %arg2[%select_n3A_473, %mul3A_491] : memref<5x16384xi32, #tpu.memory_space<hbm>> -> memref<1x128xi32, #tpu.memory_space<hbm>>
    %dma_wait3A_1222 = tpu.memref_squeeze %dma_wait3A_1221 : memref<1x128xi32, #tpu.memory_space<hbm>> -> memref<128xi32, #tpu.memory_space<hbm>>
    %dma_wait3A_1223 = arith.constant 0 : i32
    %dma_wait3A_1224 = tpu.memref_slice %arg5[%dma_wait3A_1217, %dma_wait3A_1223] : memref<20x128xi32, #tpu.memory_space<vmem>> -> memref<1x128xi32, #tpu.memory_space<vmem>>
    %dma_wait3A_1225 = tpu.memref_squeeze %dma_wait3A_1224 : memref<1x128xi32, #tpu.memory_space<vmem>> -> memref<128xi32, #tpu.memory_space<vmem>>
    %dma_wait3A_1226 = tpu.memref_slice %arg2[%select_n3A_473, %mul3A_491] : memref<5x16384xi32, #tpu.memory_space<hbm>> -> memref<1x128xi32, #tpu.memory_space<hbm>>
    %dma_wait3A_1227 = tpu.memref_squeeze %dma_wait3A_1226 : memref<1x128xi32, #tpu.memory_space<hbm>> -> memref<128xi32, #tpu.memory_space<hbm>>
    tpu.wait_dma2 semaphore(%arg7 : memref<!tpu.dma_semaphore, #tpu.memory_space<semaphore_mem>>) src(%dma_wait3A_1227 : memref<128xi32, #tpu.memory_space<hbm>>) dst(%dma_wait3A_1225 : memref<128xi32, #tpu.memory_space<vmem>>)
    %dma_wait3A_1228 = arith.constant 9 : i32
    %dma_wait3A_1229 = arith.constant 0 : i32
    %dma_wait3A_1230 = tpu.memref_slice %arg5[%dma_wait3A_1228, %dma_wait3A_1229] : memref<20x128xi32, #tpu.memory_space<vmem>> -> memref<1x128xi32, #tpu.memory_space<vmem>>
    %dma_wait3A_1231 = tpu.memref_squeeze %dma_wait3A_1230 : memref<1x128xi32, #tpu.memory_space<vmem>> -> memref<128xi32, #tpu.memory_space<vmem>>
    %dma_wait3A_1232 = tpu.memref_slice %arg2[%select_n3A_530, %mul3A_548] : memref<5x16384xi32, #tpu.memory_space<hbm>> -> memref<1x128xi32, #tpu.memory_space<hbm>>
    %dma_wait3A_1233 = tpu.memref_squeeze %dma_wait3A_1232 : memref<1x128xi32, #tpu.memory_space<hbm>> -> memref<128xi32, #tpu.memory_space<hbm>>
    %dma_wait3A_1234 = arith.constant 0 : i32
    %dma_wait3A_1235 = tpu.memref_slice %arg5[%dma_wait3A_1228, %dma_wait3A_1234] : memref<20x128xi32, #tpu.memory_space<vmem>> -> memref<1x128xi32, #tpu.memory_space<vmem>>
    %dma_wait3A_1236 = tpu.memref_squeeze %dma_wait3A_1235 : memref<1x128xi32, #tpu.memory_space<vmem>> -> memref<128xi32, #tpu.memory_space<vmem>>
    %dma_wait3A_1237 = tpu.memref_slice %arg2[%select_n3A_530, %mul3A_548] : memref<5x16384xi32, #tpu.memory_space<hbm>> -> memref<1x128xi32, #tpu.memory_space<hbm>>
    %dma_wait3A_1238 = tpu.memref_squeeze %dma_wait3A_1237 : memref<1x128xi32, #tpu.memory_space<hbm>> -> memref<128xi32, #tpu.memory_space<hbm>>
    tpu.wait_dma2 semaphore(%arg7 : memref<!tpu.dma_semaphore, #tpu.memory_space<semaphore_mem>>) src(%dma_wait3A_1238 : memref<128xi32, #tpu.memory_space<hbm>>) dst(%dma_wait3A_1236 : memref<128xi32, #tpu.memory_space<vmem>>)
    %dma_wait3A_1239 = arith.constant 10 : i32
    %dma_wait3A_1240 = arith.constant 0 : i32
    %dma_wait3A_1241 = tpu.memref_slice %arg5[%dma_wait3A_1239, %dma_wait3A_1240] : memref<20x128xi32, #tpu.memory_space<vmem>> -> memref<1x128xi32, #tpu.memory_space<vmem>>
    %dma_wait3A_1242 = tpu.memref_squeeze %dma_wait3A_1241 : memref<1x128xi32, #tpu.memory_space<vmem>> -> memref<128xi32, #tpu.memory_space<vmem>>
    %dma_wait3A_1243 = tpu.memref_slice %arg2[%select_n3A_587, %mul3A_605] : memref<5x16384xi32, #tpu.memory_space<hbm>> -> memref<1x128xi32, #tpu.memory_space<hbm>>
    %dma_wait3A_1244 = tpu.memref_squeeze %dma_wait3A_1243 : memref<1x128xi32, #tpu.memory_space<hbm>> -> memref<128xi32, #tpu.memory_space<hbm>>
    %dma_wait3A_1245 = arith.constant 0 : i32
    %dma_wait3A_1246 = tpu.memref_slice %arg5[%dma_wait3A_1239, %dma_wait3A_1245] : memref<20x128xi32, #tpu.memory_space<vmem>> -> memref<1x128xi32, #tpu.memory_space<vmem>>
    %dma_wait3A_1247 = tpu.memref_squeeze %dma_wait3A_1246 : memref<1x128xi32, #tpu.memory_space<vmem>> -> memref<128xi32, #tpu.memory_space<vmem>>
    %dma_wait3A_1248 = tpu.memref_slice %arg2[%select_n3A_587, %mul3A_605] : memref<5x16384xi32, #tpu.memory_space<hbm>> -> memref<1x128xi32, #tpu.memory_space<hbm>>
    %dma_wait3A_1249 = tpu.memref_squeeze %dma_wait3A_1248 : memref<1x128xi32, #tpu.memory_space<hbm>> -> memref<128xi32, #tpu.memory_space<hbm>>
    tpu.wait_dma2 semaphore(%arg7 : memref<!tpu.dma_semaphore, #tpu.memory_space<semaphore_mem>>) src(%dma_wait3A_1249 : memref<128xi32, #tpu.memory_space<hbm>>) dst(%dma_wait3A_1247 : memref<128xi32, #tpu.memory_space<vmem>>)
    %dma_wait3A_1250 = arith.constant 11 : i32
    %dma_wait3A_1251 = arith.constant 0 : i32
    %dma_wait3A_1252 = tpu.memref_slice %arg5[%dma_wait3A_1250, %dma_wait3A_1251] : memref<20x128xi32, #tpu.memory_space<vmem>> -> memref<1x128xi32, #tpu.memory_space<vmem>>
    %dma_wait3A_1253 = tpu.memref_squeeze %dma_wait3A_1252 : memref<1x128xi32, #tpu.memory_space<vmem>> -> memref<128xi32, #tpu.memory_space<vmem>>
    %dma_wait3A_1254 = tpu.memref_slice %arg2[%select_n3A_644, %mul3A_662] : memref<5x16384xi32, #tpu.memory_space<hbm>> -> memref<1x128xi32, #tpu.memory_space<hbm>>
    %dma_wait3A_1255 = tpu.memref_squeeze %dma_wait3A_1254 : memref<1x128xi32, #tpu.memory_space<hbm>> -> memref<128xi32, #tpu.memory_space<hbm>>
    %dma_wait3A_1256 = arith.constant 0 : i32
    %dma_wait3A_1257 = tpu.memref_slice %arg5[%dma_wait3A_1250, %dma_wait3A_1256] : memref<20x128xi32, #tpu.memory_space<vmem>> -> memref<1x128xi32, #tpu.memory_space<vmem>>
    %dma_wait3A_1258 = tpu.memref_squeeze %dma_wait3A_1257 : memref<1x128xi32, #tpu.memory_space<vmem>> -> memref<128xi32, #tpu.memory_space<vmem>>
    %dma_wait3A_1259 = tpu.memref_slice %arg2[%select_n3A_644, %mul3A_662] : memref<5x16384xi32, #tpu.memory_space<hbm>> -> memref<1x128xi32, #tpu.memory_space<hbm>>
    %dma_wait3A_1260 = tpu.memref_squeeze %dma_wait3A_1259 : memref<1x128xi32, #tpu.memory_space<hbm>> -> memref<128xi32, #tpu.memory_space<hbm>>
    tpu.wait_dma2 semaphore(%arg7 : memref<!tpu.dma_semaphore, #tpu.memory_space<semaphore_mem>>) src(%dma_wait3A_1260 : memref<128xi32, #tpu.memory_space<hbm>>) dst(%dma_wait3A_1258 : memref<128xi32, #tpu.memory_space<vmem>>)
    %dma_wait3A_1261 = arith.constant 12 : i32
    %dma_wait3A_1262 = arith.constant 0 : i32
    %dma_wait3A_1263 = tpu.memref_slice %arg5[%dma_wait3A_1261, %dma_wait3A_1262] : memref<20x128xi32, #tpu.memory_space<vmem>> -> memref<1x128xi32, #tpu.memory_space<vmem>>
    %dma_wait3A_1264 = tpu.memref_squeeze %dma_wait3A_1263 : memref<1x128xi32, #tpu.memory_space<vmem>> -> memref<128xi32, #tpu.memory_space<vmem>>
    %dma_wait3A_1265 = tpu.memref_slice %arg2[%select_n3A_701, %mul3A_719] : memref<5x16384xi32, #tpu.memory_space<hbm>> -> memref<1x128xi32, #tpu.memory_space<hbm>>
    %dma_wait3A_1266 = tpu.memref_squeeze %dma_wait3A_1265 : memref<1x128xi32, #tpu.memory_space<hbm>> -> memref<128xi32, #tpu.memory_space<hbm>>
    %dma_wait3A_1267 = arith.constant 0 : i32
    %dma_wait3A_1268 = tpu.memref_slice %arg5[%dma_wait3A_1261, %dma_wait3A_1267] : memref<20x128xi32, #tpu.memory_space<vmem>> -> memref<1x128xi32, #tpu.memory_space<vmem>>
    %dma_wait3A_1269 = tpu.memref_squeeze %dma_wait3A_1268 : memref<1x128xi32, #tpu.memory_space<vmem>> -> memref<128xi32, #tpu.memory_space<vmem>>
    %dma_wait3A_1270 = tpu.memref_slice %arg2[%select_n3A_701, %mul3A_719] : memref<5x16384xi32, #tpu.memory_space<hbm>> -> memref<1x128xi32, #tpu.memory_space<hbm>>
    %dma_wait3A_1271 = tpu.memref_squeeze %dma_wait3A_1270 : memref<1x128xi32, #tpu.memory_space<hbm>> -> memref<128xi32, #tpu.memory_space<hbm>>
    tpu.wait_dma2 semaphore(%arg7 : memref<!tpu.dma_semaphore, #tpu.memory_space<semaphore_mem>>) src(%dma_wait3A_1271 : memref<128xi32, #tpu.memory_space<hbm>>) dst(%dma_wait3A_1269 : memref<128xi32, #tpu.memory_space<vmem>>)
    %dma_wait3A_1272 = arith.constant 13 : i32
    %dma_wait3A_1273 = arith.constant 0 : i32
    %dma_wait3A_1274 = tpu.memref_slice %arg5[%dma_wait3A_1272, %dma_wait3A_1273] : memref<20x128xi32, #tpu.memory_space<vmem>> -> memref<1x128xi32, #tpu.memory_space<vmem>>
    %dma_wait3A_1275 = tpu.memref_squeeze %dma_wait3A_1274 : memref<1x128xi32, #tpu.memory_space<vmem>> -> memref<128xi32, #tpu.memory_space<vmem>>
    %dma_wait3A_1276 = tpu.memref_slice %arg2[%select_n3A_758, %mul3A_776] : memref<5x16384xi32, #tpu.memory_space<hbm>> -> memref<1x128xi32, #tpu.memory_space<hbm>>
    %dma_wait3A_1277 = tpu.memref_squeeze %dma_wait3A_1276 : memref<1x128xi32, #tpu.memory_space<hbm>> -> memref<128xi32, #tpu.memory_space<hbm>>
    %dma_wait3A_1278 = arith.constant 0 : i32
    %dma_wait3A_1279 = tpu.memref_slice %arg5[%dma_wait3A_1272, %dma_wait3A_1278] : memref<20x128xi32, #tpu.memory_space<vmem>> -> memref<1x128xi32, #tpu.memory_space<vmem>>
    %dma_wait3A_1280 = tpu.memref_squeeze %dma_wait3A_1279 : memref<1x128xi32, #tpu.memory_space<vmem>> -> memref<128xi32, #tpu.memory_space<vmem>>
    %dma_wait3A_1281 = tpu.memref_slice %arg2[%select_n3A_758, %mul3A_776] : memref<5x16384xi32, #tpu.memory_space<hbm>> -> memref<1x128xi32, #tpu.memory_space<hbm>>
    %dma_wait3A_1282 = tpu.memref_squeeze %dma_wait3A_1281 : memref<1x128xi32, #tpu.memory_space<hbm>> -> memref<128xi32, #tpu.memory_space<hbm>>
    tpu.wait_dma2 semaphore(%arg7 : memref<!tpu.dma_semaphore, #tpu.memory_space<semaphore_mem>>) src(%dma_wait3A_1282 : memref<128xi32, #tpu.memory_space<hbm>>) dst(%dma_wait3A_1280 : memref<128xi32, #tpu.memory_space<vmem>>)
    %dma_wait3A_1283 = arith.constant 14 : i32
    %dma_wait3A_1284 = arith.constant 0 : i32
    %dma_wait3A_1285 = tpu.memref_slice %arg5[%dma_wait3A_1283, %dma_wait3A_1284] : memref<20x128xi32, #tpu.memory_space<vmem>> -> memref<1x128xi32, #tpu.memory_space<vmem>>
    %dma_wait3A_1286 = tpu.memref_squeeze %dma_wait3A_1285 : memref<1x128xi32, #tpu.memory_space<vmem>> -> memref<128xi32, #tpu.memory_space<vmem>>
    %dma_wait3A_1287 = tpu.memref_slice %arg2[%select_n3A_815, %mul3A_833] : memref<5x16384xi32, #tpu.memory_space<hbm>> -> memref<1x128xi32, #tpu.memory_space<hbm>>
    %dma_wait3A_1288 = tpu.memref_squeeze %dma_wait3A_1287 : memref<1x128xi32, #tpu.memory_space<hbm>> -> memref<128xi32, #tpu.memory_space<hbm>>
    %dma_wait3A_1289 = arith.constant 0 : i32
    %dma_wait3A_1290 = tpu.memref_slice %arg5[%dma_wait3A_1283, %dma_wait3A_1289] : memref<20x128xi32, #tpu.memory_space<vmem>> -> memref<1x128xi32, #tpu.memory_space<vmem>>
    %dma_wait3A_1291 = tpu.memref_squeeze %dma_wait3A_1290 : memref<1x128xi32, #tpu.memory_space<vmem>> -> memref<128xi32, #tpu.memory_space<vmem>>
    %dma_wait3A_1292 = tpu.memref_slice %arg2[%select_n3A_815, %mul3A_833] : memref<5x16384xi32, #tpu.memory_space<hbm>> -> memref<1x128xi32, #tpu.memory_space<hbm>>
    %dma_wait3A_1293 = tpu.memref_squeeze %dma_wait3A_1292 : memref<1x128xi32, #tpu.memory_space<hbm>> -> memref<128xi32, #tpu.memory_space<hbm>>
    tpu.wait_dma2 semaphore(%arg7 : memref<!tpu.dma_semaphore, #tpu.memory_space<semaphore_mem>>) src(%dma_wait3A_1293 : memref<128xi32, #tpu.memory_space<hbm>>) dst(%dma_wait3A_1291 : memref<128xi32, #tpu.memory_space<vmem>>)
    %dma_wait3A_1294 = arith.constant 15 : i32
    %dma_wait3A_1295 = arith.constant 0 : i32
    %dma_wait3A_1296 = tpu.memref_slice %arg5[%dma_wait3A_1294, %dma_wait3A_1295] : memref<20x128xi32, #tpu.memory_space<vmem>> -> memref<1x128xi32, #tpu.memory_space<vmem>>
    %dma_wait3A_1297 = tpu.memref_squeeze %dma_wait3A_1296 : memref<1x128xi32, #tpu.memory_space<vmem>> -> memref<128xi32, #tpu.memory_space<vmem>>
    %dma_wait3A_1298 = tpu.memref_slice %arg2[%select_n3A_872, %mul3A_890] : memref<5x16384xi32, #tpu.memory_space<hbm>> -> memref<1x128xi32, #tpu.memory_space<hbm>>
    %dma_wait3A_1299 = tpu.memref_squeeze %dma_wait3A_1298 : memref<1x128xi32, #tpu.memory_space<hbm>> -> memref<128xi32, #tpu.memory_space<hbm>>
    %dma_wait3A_1300 = arith.constant 0 : i32
    %dma_wait3A_1301 = tpu.memref_slice %arg5[%dma_wait3A_1294, %dma_wait3A_1300] : memref<20x128xi32, #tpu.memory_space<vmem>> -> memref<1x128xi32, #tpu.memory_space<vmem>>
    %dma_wait3A_1302 = tpu.memref_squeeze %dma_wait3A_1301 : memref<1x128xi32, #tpu.memory_space<vmem>> -> memref<128xi32, #tpu.memory_space<vmem>>
    %dma_wait3A_1303 = tpu.memref_slice %arg2[%select_n3A_872, %mul3A_890] : memref<5x16384xi32, #tpu.memory_space<hbm>> -> memref<1x128xi32, #tpu.memory_space<hbm>>
    %dma_wait3A_1304 = tpu.memref_squeeze %dma_wait3A_1303 : memref<1x128xi32, #tpu.memory_space<hbm>> -> memref<128xi32, #tpu.memory_space<hbm>>
    tpu.wait_dma2 semaphore(%arg7 : memref<!tpu.dma_semaphore, #tpu.memory_space<semaphore_mem>>) src(%dma_wait3A_1304 : memref<128xi32, #tpu.memory_space<hbm>>) dst(%dma_wait3A_1302 : memref<128xi32, #tpu.memory_space<vmem>>)
    %dma_wait3A_1305 = arith.constant 16 : i32
    %dma_wait3A_1306 = arith.constant 0 : i32
    %dma_wait3A_1307 = tpu.memref_slice %arg5[%dma_wait3A_1305, %dma_wait3A_1306] : memref<20x128xi32, #tpu.memory_space<vmem>> -> memref<1x128xi32, #tpu.memory_space<vmem>>
    %dma_wait3A_1308 = tpu.memref_squeeze %dma_wait3A_1307 : memref<1x128xi32, #tpu.memory_space<vmem>> -> memref<128xi32, #tpu.memory_space<vmem>>
    %dma_wait3A_1309 = tpu.memref_slice %arg2[%select_n3A_929, %mul3A_947] : memref<5x16384xi32, #tpu.memory_space<hbm>> -> memref<1x128xi32, #tpu.memory_space<hbm>>
    %dma_wait3A_1310 = tpu.memref_squeeze %dma_wait3A_1309 : memref<1x128xi32, #tpu.memory_space<hbm>> -> memref<128xi32, #tpu.memory_space<hbm>>
    %dma_wait3A_1311 = arith.constant 0 : i32
    %dma_wait3A_1312 = tpu.memref_slice %arg5[%dma_wait3A_1305, %dma_wait3A_1311] : memref<20x128xi32, #tpu.memory_space<vmem>> -> memref<1x128xi32, #tpu.memory_space<vmem>>
    %dma_wait3A_1313 = tpu.memref_squeeze %dma_wait3A_1312 : memref<1x128xi32, #tpu.memory_space<vmem>> -> memref<128xi32, #tpu.memory_space<vmem>>
    %dma_wait3A_1314 = tpu.memref_slice %arg2[%select_n3A_929, %mul3A_947] : memref<5x16384xi32, #tpu.memory_space<hbm>> -> memref<1x128xi32, #tpu.memory_space<hbm>>
    %dma_wait3A_1315 = tpu.memref_squeeze %dma_wait3A_1314 : memref<1x128xi32, #tpu.memory_space<hbm>> -> memref<128xi32, #tpu.memory_space<hbm>>
    tpu.wait_dma2 semaphore(%arg7 : memref<!tpu.dma_semaphore, #tpu.memory_space<semaphore_mem>>) src(%dma_wait3A_1315 : memref<128xi32, #tpu.memory_space<hbm>>) dst(%dma_wait3A_1313 : memref<128xi32, #tpu.memory_space<vmem>>)
    %dma_wait3A_1316 = arith.constant 17 : i32
    %dma_wait3A_1317 = arith.constant 0 : i32
    %dma_wait3A_1318 = tpu.memref_slice %arg5[%dma_wait3A_1316, %dma_wait3A_1317] : memref<20x128xi32, #tpu.memory_space<vmem>> -> memref<1x128xi32, #tpu.memory_space<vmem>>
    %dma_wait3A_1319 = tpu.memref_squeeze %dma_wait3A_1318 : memref<1x128xi32, #tpu.memory_space<vmem>> -> memref<128xi32, #tpu.memory_space<vmem>>
    %dma_wait3A_1320 = tpu.memref_slice %arg2[%select_n3A_986, %mul3A_1004] : memref<5x16384xi32, #tpu.memory_space<hbm>> -> memref<1x128xi32, #tpu.memory_space<hbm>>
    %dma_wait3A_1321 = tpu.memref_squeeze %dma_wait3A_1320 : memref<1x128xi32, #tpu.memory_space<hbm>> -> memref<128xi32, #tpu.memory_space<hbm>>
    %dma_wait3A_1322 = arith.constant 0 : i32
    %dma_wait3A_1323 = tpu.memref_slice %arg5[%dma_wait3A_1316, %dma_wait3A_1322] : memref<20x128xi32, #tpu.memory_space<vmem>> -> memref<1x128xi32, #tpu.memory_space<vmem>>
    %dma_wait3A_1324 = tpu.memref_squeeze %dma_wait3A_1323 : memref<1x128xi32, #tpu.memory_space<vmem>> -> memref<128xi32, #tpu.memory_space<vmem>>
    %dma_wait3A_1325 = tpu.memref_slice %arg2[%select_n3A_986, %mul3A_1004] : memref<5x16384xi32, #tpu.memory_space<hbm>> -> memref<1x128xi32, #tpu.memory_space<hbm>>
    %dma_wait3A_1326 = tpu.memref_squeeze %dma_wait3A_1325 : memref<1x128xi32, #tpu.memory_space<hbm>> -> memref<128xi32, #tpu.memory_space<hbm>>
    tpu.wait_dma2 semaphore(%arg7 : memref<!tpu.dma_semaphore, #tpu.memory_space<semaphore_mem>>) src(%dma_wait3A_1326 : memref<128xi32, #tpu.memory_space<hbm>>) dst(%dma_wait3A_1324 : memref<128xi32, #tpu.memory_space<vmem>>)
    %dma_wait3A_1327 = arith.constant 18 : i32
    %dma_wait3A_1328 = arith.constant 0 : i32
    %dma_wait3A_1329 = tpu.memref_slice %arg5[%dma_wait3A_1327, %dma_wait3A_1328] : memref<20x128xi32, #tpu.memory_space<vmem>> -> memref<1x128xi32, #tpu.memory_space<vmem>>
    %dma_wait3A_1330 = tpu.memref_squeeze %dma_wait3A_1329 : memref<1x128xi32, #tpu.memory_space<vmem>> -> memref<128xi32, #tpu.memory_space<vmem>>
    %dma_wait3A_1331 = tpu.memref_slice %arg2[%select_n3A_1043, %mul3A_1061] : memref<5x16384xi32, #tpu.memory_space<hbm>> -> memref<1x128xi32, #tpu.memory_space<hbm>>
    %dma_wait3A_1332 = tpu.memref_squeeze %dma_wait3A_1331 : memref<1x128xi32, #tpu.memory_space<hbm>> -> memref<128xi32, #tpu.memory_space<hbm>>
    %dma_wait3A_1333 = arith.constant 0 : i32
    %dma_wait3A_1334 = tpu.memref_slice %arg5[%dma_wait3A_1327, %dma_wait3A_1333] : memref<20x128xi32, #tpu.memory_space<vmem>> -> memref<1x128xi32, #tpu.memory_space<vmem>>
    %dma_wait3A_1335 = tpu.memref_squeeze %dma_wait3A_1334 : memref<1x128xi32, #tpu.memory_space<vmem>> -> memref<128xi32, #tpu.memory_space<vmem>>
    %dma_wait3A_1336 = tpu.memref_slice %arg2[%select_n3A_1043, %mul3A_1061] : memref<5x16384xi32, #tpu.memory_space<hbm>> -> memref<1x128xi32, #tpu.memory_space<hbm>>
    %dma_wait3A_1337 = tpu.memref_squeeze %dma_wait3A_1336 : memref<1x128xi32, #tpu.memory_space<hbm>> -> memref<128xi32, #tpu.memory_space<hbm>>
    tpu.wait_dma2 semaphore(%arg7 : memref<!tpu.dma_semaphore, #tpu.memory_space<semaphore_mem>>) src(%dma_wait3A_1337 : memref<128xi32, #tpu.memory_space<hbm>>) dst(%dma_wait3A_1335 : memref<128xi32, #tpu.memory_space<vmem>>)
    %dma_wait3A_1338 = arith.constant 19 : i32
    %dma_wait3A_1339 = arith.constant 0 : i32
    %dma_wait3A_1340 = tpu.memref_slice %arg5[%dma_wait3A_1338, %dma_wait3A_1339] : memref<20x128xi32, #tpu.memory_space<vmem>> -> memref<1x128xi32, #tpu.memory_space<vmem>>
    %dma_wait3A_1341 = tpu.memref_squeeze %dma_wait3A_1340 : memref<1x128xi32, #tpu.memory_space<vmem>> -> memref<128xi32, #tpu.memory_space<vmem>>
    %dma_wait3A_1342 = tpu.memref_slice %arg2[%select_n3A_1100, %mul3A_1118] : memref<5x16384xi32, #tpu.memory_space<hbm>> -> memref<1x128xi32, #tpu.memory_space<hbm>>
    %dma_wait3A_1343 = tpu.memref_squeeze %dma_wait3A_1342 : memref<1x128xi32, #tpu.memory_space<hbm>> -> memref<128xi32, #tpu.memory_space<hbm>>
    %dma_wait3A_1344 = arith.constant 0 : i32
    %dma_wait3A_1345 = tpu.memref_slice %arg5[%dma_wait3A_1338, %dma_wait3A_1344] : memref<20x128xi32, #tpu.memory_space<vmem>> -> memref<1x128xi32, #tpu.memory_space<vmem>>
    %dma_wait3A_1346 = tpu.memref_squeeze %dma_wait3A_1345 : memref<1x128xi32, #tpu.memory_space<vmem>> -> memref<128xi32, #tpu.memory_space<vmem>>
    %dma_wait3A_1347 = tpu.memref_slice %arg2[%select_n3A_1100, %mul3A_1118] : memref<5x16384xi32, #tpu.memory_space<hbm>> -> memref<1x128xi32, #tpu.memory_space<hbm>>
    %dma_wait3A_1348 = tpu.memref_squeeze %dma_wait3A_1347 : memref<1x128xi32, #tpu.memory_space<hbm>> -> memref<128xi32, #tpu.memory_space<hbm>>
    tpu.wait_dma2 semaphore(%arg7 : memref<!tpu.dma_semaphore, #tpu.memory_space<semaphore_mem>>) src(%dma_wait3A_1348 : memref<128xi32, #tpu.memory_space<hbm>>) dst(%dma_wait3A_1346 : memref<128xi32, #tpu.memory_space<vmem>>)
    %dma_start3A_1349 = arith.constant 0 : i32
    %dma_start3A_1350 = arith.constant 0 : i32
    %dma_start3A_1351 = arith.constant 0 : i32
    %dma_start3A_1352 = tpu.memref_slice %arg6[%dma_start3A_1350, %dma_start3A_1351] : memref<2560x32xf32, #tpu.memory_space<vmem>> -> memref<128x32xf32, #tpu.memory_space<vmem>>
    %dma_start3A_1353 = arith.constant 0 : i32
    %dma_start3A_1354 = tpu.memref_slice %arg5[%dma_start3A_1349, %dma_start3A_1353] : memref<20x128xi32, #tpu.memory_space<vmem>> -> memref<1x128xi32, #tpu.memory_space<vmem>>
    %dma_start3A_1355 = tpu.memref_squeeze %dma_start3A_1354 : memref<1x128xi32, #tpu.memory_space<vmem>> -> memref<128xi32, #tpu.memory_space<vmem>>
    %dma_start3A_1356 = arith.constant 0 : i32
    %dma_start3A_1357 = arith.constant 0 : i32
    %dma_start3A_1358 = tpu.memref_slice %arg3[%dma_start3A_1356, %dma_start3A_1357] : memref<34304x32xf32, #tpu.memory_space<hbm>> -> memref<34304x32xf32, #tpu.memory_space<hbm>>
    tpu.enqueue_indirect_dma source(%dma_start3A_1358 : memref<34304x32xf32, #tpu.memory_space<hbm>>) target(%dma_start3A_1352 : memref<128x32xf32, #tpu.memory_space<vmem>>) offsets(%dma_start3A_1355 : memref<128xi32, #tpu.memory_space<vmem>>) semaphore(%arg8 : memref<!tpu.dma_semaphore, #tpu.memory_space<semaphore_mem>>)
    %dma_start3A_1359 = arith.constant 1 : i32
    %dma_start3A_1360 = arith.constant 128 : i32
    %dma_start3A_1361 = arith.constant 0 : i32
    %dma_start3A_1362 = tpu.memref_slice %arg6[%dma_start3A_1360, %dma_start3A_1361] : memref<2560x32xf32, #tpu.memory_space<vmem>> -> memref<128x32xf32, #tpu.memory_space<vmem>>
    %dma_start3A_1363 = arith.constant 0 : i32
    %dma_start3A_1364 = tpu.memref_slice %arg5[%dma_start3A_1359, %dma_start3A_1363] : memref<20x128xi32, #tpu.memory_space<vmem>> -> memref<1x128xi32, #tpu.memory_space<vmem>>
    %dma_start3A_1365 = tpu.memref_squeeze %dma_start3A_1364 : memref<1x128xi32, #tpu.memory_space<vmem>> -> memref<128xi32, #tpu.memory_space<vmem>>
    %dma_start3A_1366 = arith.constant 0 : i32
    %dma_start3A_1367 = arith.constant 0 : i32
    %dma_start3A_1368 = tpu.memref_slice %arg3[%dma_start3A_1366, %dma_start3A_1367] : memref<34304x32xf32, #tpu.memory_space<hbm>> -> memref<34304x32xf32, #tpu.memory_space<hbm>>
    tpu.enqueue_indirect_dma source(%dma_start3A_1368 : memref<34304x32xf32, #tpu.memory_space<hbm>>) target(%dma_start3A_1362 : memref<128x32xf32, #tpu.memory_space<vmem>>) offsets(%dma_start3A_1365 : memref<128xi32, #tpu.memory_space<vmem>>) semaphore(%arg8 : memref<!tpu.dma_semaphore, #tpu.memory_space<semaphore_mem>>)
    %dma_start3A_1369 = arith.constant 2 : i32
    %dma_start3A_1370 = arith.constant 256 : i32
    %dma_start3A_1371 = arith.constant 0 : i32
    %dma_start3A_1372 = tpu.memref_slice %arg6[%dma_start3A_1370, %dma_start3A_1371] : memref<2560x32xf32, #tpu.memory_space<vmem>> -> memref<128x32xf32, #tpu.memory_space<vmem>>
    %dma_start3A_1373 = arith.constant 0 : i32
    %dma_start3A_1374 = tpu.memref_slice %arg5[%dma_start3A_1369, %dma_start3A_1373] : memref<20x128xi32, #tpu.memory_space<vmem>> -> memref<1x128xi32, #tpu.memory_space<vmem>>
    %dma_start3A_1375 = tpu.memref_squeeze %dma_start3A_1374 : memref<1x128xi32, #tpu.memory_space<vmem>> -> memref<128xi32, #tpu.memory_space<vmem>>
    %dma_start3A_1376 = arith.constant 0 : i32
    %dma_start3A_1377 = arith.constant 0 : i32
    %dma_start3A_1378 = tpu.memref_slice %arg3[%dma_start3A_1376, %dma_start3A_1377] : memref<34304x32xf32, #tpu.memory_space<hbm>> -> memref<34304x32xf32, #tpu.memory_space<hbm>>
    tpu.enqueue_indirect_dma source(%dma_start3A_1378 : memref<34304x32xf32, #tpu.memory_space<hbm>>) target(%dma_start3A_1372 : memref<128x32xf32, #tpu.memory_space<vmem>>) offsets(%dma_start3A_1375 : memref<128xi32, #tpu.memory_space<vmem>>) semaphore(%arg8 : memref<!tpu.dma_semaphore, #tpu.memory_space<semaphore_mem>>)
    %dma_start3A_1379 = arith.constant 3 : i32
    %dma_start3A_1380 = arith.constant 384 : i32
    %dma_start3A_1381 = arith.constant 0 : i32
    %dma_start3A_1382 = tpu.memref_slice %arg6[%dma_start3A_1380, %dma_start3A_1381] : memref<2560x32xf32, #tpu.memory_space<vmem>> -> memref<128x32xf32, #tpu.memory_space<vmem>>
    %dma_start3A_1383 = arith.constant 0 : i32
    %dma_start3A_1384 = tpu.memref_slice %arg5[%dma_start3A_1379, %dma_start3A_1383] : memref<20x128xi32, #tpu.memory_space<vmem>> -> memref<1x128xi32, #tpu.memory_space<vmem>>
    %dma_start3A_1385 = tpu.memref_squeeze %dma_start3A_1384 : memref<1x128xi32, #tpu.memory_space<vmem>> -> memref<128xi32, #tpu.memory_space<vmem>>
    %dma_start3A_1386 = arith.constant 0 : i32
    %dma_start3A_1387 = arith.constant 0 : i32
    %dma_start3A_1388 = tpu.memref_slice %arg3[%dma_start3A_1386, %dma_start3A_1387] : memref<34304x32xf32, #tpu.memory_space<hbm>> -> memref<34304x32xf32, #tpu.memory_space<hbm>>
    tpu.enqueue_indirect_dma source(%dma_start3A_1388 : memref<34304x32xf32, #tpu.memory_space<hbm>>) target(%dma_start3A_1382 : memref<128x32xf32, #tpu.memory_space<vmem>>) offsets(%dma_start3A_1385 : memref<128xi32, #tpu.memory_space<vmem>>) semaphore(%arg8 : memref<!tpu.dma_semaphore, #tpu.memory_space<semaphore_mem>>)
    %dma_start3A_1389 = arith.constant 4 : i32
    %dma_start3A_1390 = arith.constant 512 : i32
    %dma_start3A_1391 = arith.constant 0 : i32
    %dma_start3A_1392 = tpu.memref_slice %arg6[%dma_start3A_1390, %dma_start3A_1391] : memref<2560x32xf32, #tpu.memory_space<vmem>> -> memref<128x32xf32, #tpu.memory_space<vmem>>
    %dma_start3A_1393 = arith.constant 0 : i32
    %dma_start3A_1394 = tpu.memref_slice %arg5[%dma_start3A_1389, %dma_start3A_1393] : memref<20x128xi32, #tpu.memory_space<vmem>> -> memref<1x128xi32, #tpu.memory_space<vmem>>
    %dma_start3A_1395 = tpu.memref_squeeze %dma_start3A_1394 : memref<1x128xi32, #tpu.memory_space<vmem>> -> memref<128xi32, #tpu.memory_space<vmem>>
    %dma_start3A_1396 = arith.constant 0 : i32
    %dma_start3A_1397 = arith.constant 0 : i32
    %dma_start3A_1398 = tpu.memref_slice %arg3[%dma_start3A_1396, %dma_start3A_1397] : memref<34304x32xf32, #tpu.memory_space<hbm>> -> memref<34304x32xf32, #tpu.memory_space<hbm>>
    tpu.enqueue_indirect_dma source(%dma_start3A_1398 : memref<34304x32xf32, #tpu.memory_space<hbm>>) target(%dma_start3A_1392 : memref<128x32xf32, #tpu.memory_space<vmem>>) offsets(%dma_start3A_1395 : memref<128xi32, #tpu.memory_space<vmem>>) semaphore(%arg8 : memref<!tpu.dma_semaphore, #tpu.memory_space<semaphore_mem>>)
    %dma_start3A_1399 = arith.constant 5 : i32
    %dma_start3A_1400 = arith.constant 640 : i32
    %dma_start3A_1401 = arith.constant 0 : i32
    %dma_start3A_1402 = tpu.memref_slice %arg6[%dma_start3A_1400, %dma_start3A_1401] : memref<2560x32xf32, #tpu.memory_space<vmem>> -> memref<128x32xf32, #tpu.memory_space<vmem>>
    %dma_start3A_1403 = arith.constant 0 : i32
    %dma_start3A_1404 = tpu.memref_slice %arg5[%dma_start3A_1399, %dma_start3A_1403] : memref<20x128xi32, #tpu.memory_space<vmem>> -> memref<1x128xi32, #tpu.memory_space<vmem>>
    %dma_start3A_1405 = tpu.memref_squeeze %dma_start3A_1404 : memref<1x128xi32, #tpu.memory_space<vmem>> -> memref<128xi32, #tpu.memory_space<vmem>>
    %dma_start3A_1406 = arith.constant 0 : i32
    %dma_start3A_1407 = arith.constant 0 : i32
    %dma_start3A_1408 = tpu.memref_slice %arg3[%dma_start3A_1406, %dma_start3A_1407] : memref<34304x32xf32, #tpu.memory_space<hbm>> -> memref<34304x32xf32, #tpu.memory_space<hbm>>
    tpu.enqueue_indirect_dma source(%dma_start3A_1408 : memref<34304x32xf32, #tpu.memory_space<hbm>>) target(%dma_start3A_1402 : memref<128x32xf32, #tpu.memory_space<vmem>>) offsets(%dma_start3A_1405 : memref<128xi32, #tpu.memory_space<vmem>>) semaphore(%arg8 : memref<!tpu.dma_semaphore, #tpu.memory_space<semaphore_mem>>)
    %dma_start3A_1409 = arith.constant 6 : i32
    %dma_start3A_1410 = arith.constant 768 : i32
    %dma_start3A_1411 = arith.constant 0 : i32
    %dma_start3A_1412 = tpu.memref_slice %arg6[%dma_start3A_1410, %dma_start3A_1411] : memref<2560x32xf32, #tpu.memory_space<vmem>> -> memref<128x32xf32, #tpu.memory_space<vmem>>
    %dma_start3A_1413 = arith.constant 0 : i32
    %dma_start3A_1414 = tpu.memref_slice %arg5[%dma_start3A_1409, %dma_start3A_1413] : memref<20x128xi32, #tpu.memory_space<vmem>> -> memref<1x128xi32, #tpu.memory_space<vmem>>
    %dma_start3A_1415 = tpu.memref_squeeze %dma_start3A_1414 : memref<1x128xi32, #tpu.memory_space<vmem>> -> memref<128xi32, #tpu.memory_space<vmem>>
    %dma_start3A_1416 = arith.constant 0 : i32
    %dma_start3A_1417 = arith.constant 0 : i32
    %dma_start3A_1418 = tpu.memref_slice %arg3[%dma_start3A_1416, %dma_start3A_1417] : memref<34304x32xf32, #tpu.memory_space<hbm>> -> memref<34304x32xf32, #tpu.memory_space<hbm>>
    tpu.enqueue_indirect_dma source(%dma_start3A_1418 : memref<34304x32xf32, #tpu.memory_space<hbm>>) target(%dma_start3A_1412 : memref<128x32xf32, #tpu.memory_space<vmem>>) offsets(%dma_start3A_1415 : memref<128xi32, #tpu.memory_space<vmem>>) semaphore(%arg8 : memref<!tpu.dma_semaphore, #tpu.memory_space<semaphore_mem>>)
    %dma_start3A_1419 = arith.constant 7 : i32
    %dma_start3A_1420 = arith.constant 896 : i32
    %dma_start3A_1421 = arith.constant 0 : i32
    %dma_start3A_1422 = tpu.memref_slice %arg6[%dma_start3A_1420, %dma_start3A_1421] : memref<2560x32xf32, #tpu.memory_space<vmem>> -> memref<128x32xf32, #tpu.memory_space<vmem>>
    %dma_start3A_1423 = arith.constant 0 : i32
    %dma_start3A_1424 = tpu.memref_slice %arg5[%dma_start3A_1419, %dma_start3A_1423] : memref<20x128xi32, #tpu.memory_space<vmem>> -> memref<1x128xi32, #tpu.memory_space<vmem>>
    %dma_start3A_1425 = tpu.memref_squeeze %dma_start3A_1424 : memref<1x128xi32, #tpu.memory_space<vmem>> -> memref<128xi32, #tpu.memory_space<vmem>>
    %dma_start3A_1426 = arith.constant 0 : i32
    %dma_start3A_1427 = arith.constant 0 : i32
    %dma_start3A_1428 = tpu.memref_slice %arg3[%dma_start3A_1426, %dma_start3A_1427] : memref<34304x32xf32, #tpu.memory_space<hbm>> -> memref<34304x32xf32, #tpu.memory_space<hbm>>
    tpu.enqueue_indirect_dma source(%dma_start3A_1428 : memref<34304x32xf32, #tpu.memory_space<hbm>>) target(%dma_start3A_1422 : memref<128x32xf32, #tpu.memory_space<vmem>>) offsets(%dma_start3A_1425 : memref<128xi32, #tpu.memory_space<vmem>>) semaphore(%arg8 : memref<!tpu.dma_semaphore, #tpu.memory_space<semaphore_mem>>)
    %dma_start3A_1429 = arith.constant 8 : i32
    %dma_start3A_1430 = arith.constant 1024 : i32
    %dma_start3A_1431 = arith.constant 0 : i32
    %dma_start3A_1432 = tpu.memref_slice %arg6[%dma_start3A_1430, %dma_start3A_1431] : memref<2560x32xf32, #tpu.memory_space<vmem>> -> memref<128x32xf32, #tpu.memory_space<vmem>>
    %dma_start3A_1433 = arith.constant 0 : i32
    %dma_start3A_1434 = tpu.memref_slice %arg5[%dma_start3A_1429, %dma_start3A_1433] : memref<20x128xi32, #tpu.memory_space<vmem>> -> memref<1x128xi32, #tpu.memory_space<vmem>>
    %dma_start3A_1435 = tpu.memref_squeeze %dma_start3A_1434 : memref<1x128xi32, #tpu.memory_space<vmem>> -> memref<128xi32, #tpu.memory_space<vmem>>
    %dma_start3A_1436 = arith.constant 0 : i32
    %dma_start3A_1437 = arith.constant 0 : i32
    %dma_start3A_1438 = tpu.memref_slice %arg3[%dma_start3A_1436, %dma_start3A_1437] : memref<34304x32xf32, #tpu.memory_space<hbm>> -> memref<34304x32xf32, #tpu.memory_space<hbm>>
    tpu.enqueue_indirect_dma source(%dma_start3A_1438 : memref<34304x32xf32, #tpu.memory_space<hbm>>) target(%dma_start3A_1432 : memref<128x32xf32, #tpu.memory_space<vmem>>) offsets(%dma_start3A_1435 : memref<128xi32, #tpu.memory_space<vmem>>) semaphore(%arg8 : memref<!tpu.dma_semaphore, #tpu.memory_space<semaphore_mem>>)
    %dma_start3A_1439 = arith.constant 9 : i32
    %dma_start3A_1440 = arith.constant 1152 : i32
    %dma_start3A_1441 = arith.constant 0 : i32
    %dma_start3A_1442 = tpu.memref_slice %arg6[%dma_start3A_1440, %dma_start3A_1441] : memref<2560x32xf32, #tpu.memory_space<vmem>> -> memref<128x32xf32, #tpu.memory_space<vmem>>
    %dma_start3A_1443 = arith.constant 0 : i32
    %dma_start3A_1444 = tpu.memref_slice %arg5[%dma_start3A_1439, %dma_start3A_1443] : memref<20x128xi32, #tpu.memory_space<vmem>> -> memref<1x128xi32, #tpu.memory_space<vmem>>
    %dma_start3A_1445 = tpu.memref_squeeze %dma_start3A_1444 : memref<1x128xi32, #tpu.memory_space<vmem>> -> memref<128xi32, #tpu.memory_space<vmem>>
    %dma_start3A_1446 = arith.constant 0 : i32
    %dma_start3A_1447 = arith.constant 0 : i32
    %dma_start3A_1448 = tpu.memref_slice %arg3[%dma_start3A_1446, %dma_start3A_1447] : memref<34304x32xf32, #tpu.memory_space<hbm>> -> memref<34304x32xf32, #tpu.memory_space<hbm>>
    tpu.enqueue_indirect_dma source(%dma_start3A_1448 : memref<34304x32xf32, #tpu.memory_space<hbm>>) target(%dma_start3A_1442 : memref<128x32xf32, #tpu.memory_space<vmem>>) offsets(%dma_start3A_1445 : memref<128xi32, #tpu.memory_space<vmem>>) semaphore(%arg8 : memref<!tpu.dma_semaphore, #tpu.memory_space<semaphore_mem>>)
    %dma_start3A_1449 = arith.constant 10 : i32
    %dma_start3A_1450 = arith.constant 1280 : i32
    %dma_start3A_1451 = arith.constant 0 : i32
    %dma_start3A_1452 = tpu.memref_slice %arg6[%dma_start3A_1450, %dma_start3A_1451] : memref<2560x32xf32, #tpu.memory_space<vmem>> -> memref<128x32xf32, #tpu.memory_space<vmem>>
    %dma_start3A_1453 = arith.constant 0 : i32
    %dma_start3A_1454 = tpu.memref_slice %arg5[%dma_start3A_1449, %dma_start3A_1453] : memref<20x128xi32, #tpu.memory_space<vmem>> -> memref<1x128xi32, #tpu.memory_space<vmem>>
    %dma_start3A_1455 = tpu.memref_squeeze %dma_start3A_1454 : memref<1x128xi32, #tpu.memory_space<vmem>> -> memref<128xi32, #tpu.memory_space<vmem>>
    %dma_start3A_1456 = arith.constant 0 : i32
    %dma_start3A_1457 = arith.constant 0 : i32
    %dma_start3A_1458 = tpu.memref_slice %arg3[%dma_start3A_1456, %dma_start3A_1457] : memref<34304x32xf32, #tpu.memory_space<hbm>> -> memref<34304x32xf32, #tpu.memory_space<hbm>>
    tpu.enqueue_indirect_dma source(%dma_start3A_1458 : memref<34304x32xf32, #tpu.memory_space<hbm>>) target(%dma_start3A_1452 : memref<128x32xf32, #tpu.memory_space<vmem>>) offsets(%dma_start3A_1455 : memref<128xi32, #tpu.memory_space<vmem>>) semaphore(%arg8 : memref<!tpu.dma_semaphore, #tpu.memory_space<semaphore_mem>>)
    %dma_start3A_1459 = arith.constant 11 : i32
    %dma_start3A_1460 = arith.constant 1408 : i32
    %dma_start3A_1461 = arith.constant 0 : i32
    %dma_start3A_1462 = tpu.memref_slice %arg6[%dma_start3A_1460, %dma_start3A_1461] : memref<2560x32xf32, #tpu.memory_space<vmem>> -> memref<128x32xf32, #tpu.memory_space<vmem>>
    %dma_start3A_1463 = arith.constant 0 : i32
    %dma_start3A_1464 = tpu.memref_slice %arg5[%dma_start3A_1459, %dma_start3A_1463] : memref<20x128xi32, #tpu.memory_space<vmem>> -> memref<1x128xi32, #tpu.memory_space<vmem>>
    %dma_start3A_1465 = tpu.memref_squeeze %dma_start3A_1464 : memref<1x128xi32, #tpu.memory_space<vmem>> -> memref<128xi32, #tpu.memory_space<vmem>>
    %dma_start3A_1466 = arith.constant 0 : i32
    %dma_start3A_1467 = arith.constant 0 : i32
    %dma_start3A_1468 = tpu.memref_slice %arg3[%dma_start3A_1466, %dma_start3A_1467] : memref<34304x32xf32, #tpu.memory_space<hbm>> -> memref<34304x32xf32, #tpu.memory_space<hbm>>
    tpu.enqueue_indirect_dma source(%dma_start3A_1468 : memref<34304x32xf32, #tpu.memory_space<hbm>>) target(%dma_start3A_1462 : memref<128x32xf32, #tpu.memory_space<vmem>>) offsets(%dma_start3A_1465 : memref<128xi32, #tpu.memory_space<vmem>>) semaphore(%arg8 : memref<!tpu.dma_semaphore, #tpu.memory_space<semaphore_mem>>)
    %dma_start3A_1469 = arith.constant 12 : i32
    %dma_start3A_1470 = arith.constant 1536 : i32
    %dma_start3A_1471 = arith.constant 0 : i32
    %dma_start3A_1472 = tpu.memref_slice %arg6[%dma_start3A_1470, %dma_start3A_1471] : memref<2560x32xf32, #tpu.memory_space<vmem>> -> memref<128x32xf32, #tpu.memory_space<vmem>>
    %dma_start3A_1473 = arith.constant 0 : i32
    %dma_start3A_1474 = tpu.memref_slice %arg5[%dma_start3A_1469, %dma_start3A_1473] : memref<20x128xi32, #tpu.memory_space<vmem>> -> memref<1x128xi32, #tpu.memory_space<vmem>>
    %dma_start3A_1475 = tpu.memref_squeeze %dma_start3A_1474 : memref<1x128xi32, #tpu.memory_space<vmem>> -> memref<128xi32, #tpu.memory_space<vmem>>
    %dma_start3A_1476 = arith.constant 0 : i32
    %dma_start3A_1477 = arith.constant 0 : i32
    %dma_start3A_1478 = tpu.memref_slice %arg3[%dma_start3A_1476, %dma_start3A_1477] : memref<34304x32xf32, #tpu.memory_space<hbm>> -> memref<34304x32xf32, #tpu.memory_space<hbm>>
    tpu.enqueue_indirect_dma source(%dma_start3A_1478 : memref<34304x32xf32, #tpu.memory_space<hbm>>) target(%dma_start3A_1472 : memref<128x32xf32, #tpu.memory_space<vmem>>) offsets(%dma_start3A_1475 : memref<128xi32, #tpu.memory_space<vmem>>) semaphore(%arg8 : memref<!tpu.dma_semaphore, #tpu.memory_space<semaphore_mem>>)
    %dma_start3A_1479 = arith.constant 13 : i32
    %dma_start3A_1480 = arith.constant 1664 : i32
    %dma_start3A_1481 = arith.constant 0 : i32
    %dma_start3A_1482 = tpu.memref_slice %arg6[%dma_start3A_1480, %dma_start3A_1481] : memref<2560x32xf32, #tpu.memory_space<vmem>> -> memref<128x32xf32, #tpu.memory_space<vmem>>
    %dma_start3A_1483 = arith.constant 0 : i32
    %dma_start3A_1484 = tpu.memref_slice %arg5[%dma_start3A_1479, %dma_start3A_1483] : memref<20x128xi32, #tpu.memory_space<vmem>> -> memref<1x128xi32, #tpu.memory_space<vmem>>
    %dma_start3A_1485 = tpu.memref_squeeze %dma_start3A_1484 : memref<1x128xi32, #tpu.memory_space<vmem>> -> memref<128xi32, #tpu.memory_space<vmem>>
    %dma_start3A_1486 = arith.constant 0 : i32
    %dma_start3A_1487 = arith.constant 0 : i32
    %dma_start3A_1488 = tpu.memref_slice %arg3[%dma_start3A_1486, %dma_start3A_1487] : memref<34304x32xf32, #tpu.memory_space<hbm>> -> memref<34304x32xf32, #tpu.memory_space<hbm>>
    tpu.enqueue_indirect_dma source(%dma_start3A_1488 : memref<34304x32xf32, #tpu.memory_space<hbm>>) target(%dma_start3A_1482 : memref<128x32xf32, #tpu.memory_space<vmem>>) offsets(%dma_start3A_1485 : memref<128xi32, #tpu.memory_space<vmem>>) semaphore(%arg8 : memref<!tpu.dma_semaphore, #tpu.memory_space<semaphore_mem>>)
    %dma_start3A_1489 = arith.constant 14 : i32
    %dma_start3A_1490 = arith.constant 1792 : i32
    %dma_start3A_1491 = arith.constant 0 : i32
    %dma_start3A_1492 = tpu.memref_slice %arg6[%dma_start3A_1490, %dma_start3A_1491] : memref<2560x32xf32, #tpu.memory_space<vmem>> -> memref<128x32xf32, #tpu.memory_space<vmem>>
    %dma_start3A_1493 = arith.constant 0 : i32
    %dma_start3A_1494 = tpu.memref_slice %arg5[%dma_start3A_1489, %dma_start3A_1493] : memref<20x128xi32, #tpu.memory_space<vmem>> -> memref<1x128xi32, #tpu.memory_space<vmem>>
    %dma_start3A_1495 = tpu.memref_squeeze %dma_start3A_1494 : memref<1x128xi32, #tpu.memory_space<vmem>> -> memref<128xi32, #tpu.memory_space<vmem>>
    %dma_start3A_1496 = arith.constant 0 : i32
    %dma_start3A_1497 = arith.constant 0 : i32
    %dma_start3A_1498 = tpu.memref_slice %arg3[%dma_start3A_1496, %dma_start3A_1497] : memref<34304x32xf32, #tpu.memory_space<hbm>> -> memref<34304x32xf32, #tpu.memory_space<hbm>>
    tpu.enqueue_indirect_dma source(%dma_start3A_1498 : memref<34304x32xf32, #tpu.memory_space<hbm>>) target(%dma_start3A_1492 : memref<128x32xf32, #tpu.memory_space<vmem>>) offsets(%dma_start3A_1495 : memref<128xi32, #tpu.memory_space<vmem>>) semaphore(%arg8 : memref<!tpu.dma_semaphore, #tpu.memory_space<semaphore_mem>>)
    %dma_start3A_1499 = arith.constant 15 : i32
    %dma_start3A_1500 = arith.constant 1920 : i32
    %dma_start3A_1501 = arith.constant 0 : i32
    %dma_start3A_1502 = tpu.memref_slice %arg6[%dma_start3A_1500, %dma_start3A_1501] : memref<2560x32xf32, #tpu.memory_space<vmem>> -> memref<128x32xf32, #tpu.memory_space<vmem>>
    %dma_start3A_1503 = arith.constant 0 : i32
    %dma_start3A_1504 = tpu.memref_slice %arg5[%dma_start3A_1499, %dma_start3A_1503] : memref<20x128xi32, #tpu.memory_space<vmem>> -> memref<1x128xi32, #tpu.memory_space<vmem>>
    %dma_start3A_1505 = tpu.memref_squeeze %dma_start3A_1504 : memref<1x128xi32, #tpu.memory_space<vmem>> -> memref<128xi32, #tpu.memory_space<vmem>>
    %dma_start3A_1506 = arith.constant 0 : i32
    %dma_start3A_1507 = arith.constant 0 : i32
    %dma_start3A_1508 = tpu.memref_slice %arg3[%dma_start3A_1506, %dma_start3A_1507] : memref<34304x32xf32, #tpu.memory_space<hbm>> -> memref<34304x32xf32, #tpu.memory_space<hbm>>
    tpu.enqueue_indirect_dma source(%dma_start3A_1508 : memref<34304x32xf32, #tpu.memory_space<hbm>>) target(%dma_start3A_1502 : memref<128x32xf32, #tpu.memory_space<vmem>>) offsets(%dma_start3A_1505 : memref<128xi32, #tpu.memory_space<vmem>>) semaphore(%arg8 : memref<!tpu.dma_semaphore, #tpu.memory_space<semaphore_mem>>)
    %dma_start3A_1509 = arith.constant 16 : i32
    %dma_start3A_1510 = arith.constant 2048 : i32
    %dma_start3A_1511 = arith.constant 0 : i32
    %dma_start3A_1512 = tpu.memref_slice %arg6[%dma_start3A_1510, %dma_start3A_1511] : memref<2560x32xf32, #tpu.memory_space<vmem>> -> memref<128x32xf32, #tpu.memory_space<vmem>>
    %dma_start3A_1513 = arith.constant 0 : i32
    %dma_start3A_1514 = tpu.memref_slice %arg5[%dma_start3A_1509, %dma_start3A_1513] : memref<20x128xi32, #tpu.memory_space<vmem>> -> memref<1x128xi32, #tpu.memory_space<vmem>>
    %dma_start3A_1515 = tpu.memref_squeeze %dma_start3A_1514 : memref<1x128xi32, #tpu.memory_space<vmem>> -> memref<128xi32, #tpu.memory_space<vmem>>
    %dma_start3A_1516 = arith.constant 0 : i32
    %dma_start3A_1517 = arith.constant 0 : i32
    %dma_start3A_1518 = tpu.memref_slice %arg3[%dma_start3A_1516, %dma_start3A_1517] : memref<34304x32xf32, #tpu.memory_space<hbm>> -> memref<34304x32xf32, #tpu.memory_space<hbm>>
    tpu.enqueue_indirect_dma source(%dma_start3A_1518 : memref<34304x32xf32, #tpu.memory_space<hbm>>) target(%dma_start3A_1512 : memref<128x32xf32, #tpu.memory_space<vmem>>) offsets(%dma_start3A_1515 : memref<128xi32, #tpu.memory_space<vmem>>) semaphore(%arg8 : memref<!tpu.dma_semaphore, #tpu.memory_space<semaphore_mem>>)
    %dma_start3A_1519 = arith.constant 17 : i32
    %dma_start3A_1520 = arith.constant 2176 : i32
    %dma_start3A_1521 = arith.constant 0 : i32
    %dma_start3A_1522 = tpu.memref_slice %arg6[%dma_start3A_1520, %dma_start3A_1521] : memref<2560x32xf32, #tpu.memory_space<vmem>> -> memref<128x32xf32, #tpu.memory_space<vmem>>
    %dma_start3A_1523 = arith.constant 0 : i32
    %dma_start3A_1524 = tpu.memref_slice %arg5[%dma_start3A_1519, %dma_start3A_1523] : memref<20x128xi32, #tpu.memory_space<vmem>> -> memref<1x128xi32, #tpu.memory_space<vmem>>
    %dma_start3A_1525 = tpu.memref_squeeze %dma_start3A_1524 : memref<1x128xi32, #tpu.memory_space<vmem>> -> memref<128xi32, #tpu.memory_space<vmem>>
    %dma_start3A_1526 = arith.constant 0 : i32
    %dma_start3A_1527 = arith.constant 0 : i32
    %dma_start3A_1528 = tpu.memref_slice %arg3[%dma_start3A_1526, %dma_start3A_1527] : memref<34304x32xf32, #tpu.memory_space<hbm>> -> memref<34304x32xf32, #tpu.memory_space<hbm>>
    tpu.enqueue_indirect_dma source(%dma_start3A_1528 : memref<34304x32xf32, #tpu.memory_space<hbm>>) target(%dma_start3A_1522 : memref<128x32xf32, #tpu.memory_space<vmem>>) offsets(%dma_start3A_1525 : memref<128xi32, #tpu.memory_space<vmem>>) semaphore(%arg8 : memref<!tpu.dma_semaphore, #tpu.memory_space<semaphore_mem>>)
    %dma_start3A_1529 = arith.constant 18 : i32
    %dma_start3A_1530 = arith.constant 2304 : i32
    %dma_start3A_1531 = arith.constant 0 : i32
    %dma_start3A_1532 = tpu.memref_slice %arg6[%dma_start3A_1530, %dma_start3A_1531] : memref<2560x32xf32, #tpu.memory_space<vmem>> -> memref<128x32xf32, #tpu.memory_space<vmem>>
    %dma_start3A_1533 = arith.constant 0 : i32
    %dma_start3A_1534 = tpu.memref_slice %arg5[%dma_start3A_1529, %dma_start3A_1533] : memref<20x128xi32, #tpu.memory_space<vmem>> -> memref<1x128xi32, #tpu.memory_space<vmem>>
    %dma_start3A_1535 = tpu.memref_squeeze %dma_start3A_1534 : memref<1x128xi32, #tpu.memory_space<vmem>> -> memref<128xi32, #tpu.memory_space<vmem>>
    %dma_start3A_1536 = arith.constant 0 : i32
    %dma_start3A_1537 = arith.constant 0 : i32
    %dma_start3A_1538 = tpu.memref_slice %arg3[%dma_start3A_1536, %dma_start3A_1537] : memref<34304x32xf32, #tpu.memory_space<hbm>> -> memref<34304x32xf32, #tpu.memory_space<hbm>>
    tpu.enqueue_indirect_dma source(%dma_start3A_1538 : memref<34304x32xf32, #tpu.memory_space<hbm>>) target(%dma_start3A_1532 : memref<128x32xf32, #tpu.memory_space<vmem>>) offsets(%dma_start3A_1535 : memref<128xi32, #tpu.memory_space<vmem>>) semaphore(%arg8 : memref<!tpu.dma_semaphore, #tpu.memory_space<semaphore_mem>>)
    %dma_start3A_1539 = arith.constant 19 : i32
    %dma_start3A_1540 = arith.constant 2432 : i32
    %dma_start3A_1541 = arith.constant 0 : i32
    %dma_start3A_1542 = tpu.memref_slice %arg6[%dma_start3A_1540, %dma_start3A_1541] : memref<2560x32xf32, #tpu.memory_space<vmem>> -> memref<128x32xf32, #tpu.memory_space<vmem>>
    %dma_start3A_1543 = arith.constant 0 : i32
    %dma_start3A_1544 = tpu.memref_slice %arg5[%dma_start3A_1539, %dma_start3A_1543] : memref<20x128xi32, #tpu.memory_space<vmem>> -> memref<1x128xi32, #tpu.memory_space<vmem>>
    %dma_start3A_1545 = tpu.memref_squeeze %dma_start3A_1544 : memref<1x128xi32, #tpu.memory_space<vmem>> -> memref<128xi32, #tpu.memory_space<vmem>>
    %dma_start3A_1546 = arith.constant 0 : i32
    %dma_start3A_1547 = arith.constant 0 : i32
    %dma_start3A_1548 = tpu.memref_slice %arg3[%dma_start3A_1546, %dma_start3A_1547] : memref<34304x32xf32, #tpu.memory_space<hbm>> -> memref<34304x32xf32, #tpu.memory_space<hbm>>
    tpu.enqueue_indirect_dma source(%dma_start3A_1548 : memref<34304x32xf32, #tpu.memory_space<hbm>>) target(%dma_start3A_1542 : memref<128x32xf32, #tpu.memory_space<vmem>>) offsets(%dma_start3A_1545 : memref<128xi32, #tpu.memory_space<vmem>>) semaphore(%arg8 : memref<!tpu.dma_semaphore, #tpu.memory_space<semaphore_mem>>)
    %dma_wait3A_1549 = arith.constant 0 : i32
    %dma_wait3A_1550 = arith.constant 0 : i32
    %dma_wait3A_1551 = arith.constant 0 : i32
    %dma_wait3A_1552 = tpu.memref_slice %arg6[%dma_wait3A_1550, %dma_wait3A_1551] : memref<2560x32xf32, #tpu.memory_space<vmem>> -> memref<128x32xf32, #tpu.memory_space<vmem>>
    %dma_wait3A_1553 = arith.constant 0 : i32
    %dma_wait3A_1554 = tpu.memref_slice %arg5[%dma_wait3A_1549, %dma_wait3A_1553] : memref<20x128xi32, #tpu.memory_space<vmem>> -> memref<1x128xi32, #tpu.memory_space<vmem>>
    %dma_wait3A_1555 = tpu.memref_squeeze %dma_wait3A_1554 : memref<1x128xi32, #tpu.memory_space<vmem>> -> memref<128xi32, #tpu.memory_space<vmem>>
    %dma_wait3A_1556 = arith.constant 0 : i32
    %dma_wait3A_1557 = arith.constant 0 : i32
    %dma_wait3A_1558 = tpu.memref_slice %arg3[%dma_wait3A_1556, %dma_wait3A_1557] : memref<34304x32xf32, #tpu.memory_space<hbm>> -> memref<34304x32xf32, #tpu.memory_space<hbm>>
    tpu.wait_indirect_dma semaphore(%arg8 : memref<!tpu.dma_semaphore, #tpu.memory_space<semaphore_mem>>) src(%dma_wait3A_1558 : memref<34304x32xf32, #tpu.memory_space<hbm>>) dst(%dma_wait3A_1552 : memref<128x32xf32, #tpu.memory_space<vmem>>)
    %dma_wait3A_1559 = arith.constant 1 : i32
    %dma_wait3A_1560 = arith.constant 128 : i32
    %dma_wait3A_1561 = arith.constant 0 : i32
    %dma_wait3A_1562 = tpu.memref_slice %arg6[%dma_wait3A_1560, %dma_wait3A_1561] : memref<2560x32xf32, #tpu.memory_space<vmem>> -> memref<128x32xf32, #tpu.memory_space<vmem>>
    %dma_wait3A_1563 = arith.constant 0 : i32
    %dma_wait3A_1564 = tpu.memref_slice %arg5[%dma_wait3A_1559, %dma_wait3A_1563] : memref<20x128xi32, #tpu.memory_space<vmem>> -> memref<1x128xi32, #tpu.memory_space<vmem>>
    %dma_wait3A_1565 = tpu.memref_squeeze %dma_wait3A_1564 : memref<1x128xi32, #tpu.memory_space<vmem>> -> memref<128xi32, #tpu.memory_space<vmem>>
    %dma_wait3A_1566 = arith.constant 0 : i32
    %dma_wait3A_1567 = arith.constant 0 : i32
    %dma_wait3A_1568 = tpu.memref_slice %arg3[%dma_wait3A_1566, %dma_wait3A_1567] : memref<34304x32xf32, #tpu.memory_space<hbm>> -> memref<34304x32xf32, #tpu.memory_space<hbm>>
    tpu.wait_indirect_dma semaphore(%arg8 : memref<!tpu.dma_semaphore, #tpu.memory_space<semaphore_mem>>) src(%dma_wait3A_1568 : memref<34304x32xf32, #tpu.memory_space<hbm>>) dst(%dma_wait3A_1562 : memref<128x32xf32, #tpu.memory_space<vmem>>)
    %dma_wait3A_1569 = arith.constant 2 : i32
    %dma_wait3A_1570 = arith.constant 256 : i32
    %dma_wait3A_1571 = arith.constant 0 : i32
    %dma_wait3A_1572 = tpu.memref_slice %arg6[%dma_wait3A_1570, %dma_wait3A_1571] : memref<2560x32xf32, #tpu.memory_space<vmem>> -> memref<128x32xf32, #tpu.memory_space<vmem>>
    %dma_wait3A_1573 = arith.constant 0 : i32
    %dma_wait3A_1574 = tpu.memref_slice %arg5[%dma_wait3A_1569, %dma_wait3A_1573] : memref<20x128xi32, #tpu.memory_space<vmem>> -> memref<1x128xi32, #tpu.memory_space<vmem>>
    %dma_wait3A_1575 = tpu.memref_squeeze %dma_wait3A_1574 : memref<1x128xi32, #tpu.memory_space<vmem>> -> memref<128xi32, #tpu.memory_space<vmem>>
    %dma_wait3A_1576 = arith.constant 0 : i32
    %dma_wait3A_1577 = arith.constant 0 : i32
    %dma_wait3A_1578 = tpu.memref_slice %arg3[%dma_wait3A_1576, %dma_wait3A_1577] : memref<34304x32xf32, #tpu.memory_space<hbm>> -> memref<34304x32xf32, #tpu.memory_space<hbm>>
    tpu.wait_indirect_dma semaphore(%arg8 : memref<!tpu.dma_semaphore, #tpu.memory_space<semaphore_mem>>) src(%dma_wait3A_1578 : memref<34304x32xf32, #tpu.memory_space<hbm>>) dst(%dma_wait3A_1572 : memref<128x32xf32, #tpu.memory_space<vmem>>)
    %dma_wait3A_1579 = arith.constant 3 : i32
    %dma_wait3A_1580 = arith.constant 384 : i32
    %dma_wait3A_1581 = arith.constant 0 : i32
    %dma_wait3A_1582 = tpu.memref_slice %arg6[%dma_wait3A_1580, %dma_wait3A_1581] : memref<2560x32xf32, #tpu.memory_space<vmem>> -> memref<128x32xf32, #tpu.memory_space<vmem>>
    %dma_wait3A_1583 = arith.constant 0 : i32
    %dma_wait3A_1584 = tpu.memref_slice %arg5[%dma_wait3A_1579, %dma_wait3A_1583] : memref<20x128xi32, #tpu.memory_space<vmem>> -> memref<1x128xi32, #tpu.memory_space<vmem>>
    %dma_wait3A_1585 = tpu.memref_squeeze %dma_wait3A_1584 : memref<1x128xi32, #tpu.memory_space<vmem>> -> memref<128xi32, #tpu.memory_space<vmem>>
    %dma_wait3A_1586 = arith.constant 0 : i32
    %dma_wait3A_1587 = arith.constant 0 : i32
    %dma_wait3A_1588 = tpu.memref_slice %arg3[%dma_wait3A_1586, %dma_wait3A_1587] : memref<34304x32xf32, #tpu.memory_space<hbm>> -> memref<34304x32xf32, #tpu.memory_space<hbm>>
    tpu.wait_indirect_dma semaphore(%arg8 : memref<!tpu.dma_semaphore, #tpu.memory_space<semaphore_mem>>) src(%dma_wait3A_1588 : memref<34304x32xf32, #tpu.memory_space<hbm>>) dst(%dma_wait3A_1582 : memref<128x32xf32, #tpu.memory_space<vmem>>)
    %dma_wait3A_1589 = arith.constant 4 : i32
    %dma_wait3A_1590 = arith.constant 512 : i32
    %dma_wait3A_1591 = arith.constant 0 : i32
    %dma_wait3A_1592 = tpu.memref_slice %arg6[%dma_wait3A_1590, %dma_wait3A_1591] : memref<2560x32xf32, #tpu.memory_space<vmem>> -> memref<128x32xf32, #tpu.memory_space<vmem>>
    %dma_wait3A_1593 = arith.constant 0 : i32
    %dma_wait3A_1594 = tpu.memref_slice %arg5[%dma_wait3A_1589, %dma_wait3A_1593] : memref<20x128xi32, #tpu.memory_space<vmem>> -> memref<1x128xi32, #tpu.memory_space<vmem>>
    %dma_wait3A_1595 = tpu.memref_squeeze %dma_wait3A_1594 : memref<1x128xi32, #tpu.memory_space<vmem>> -> memref<128xi32, #tpu.memory_space<vmem>>
    %dma_wait3A_1596 = arith.constant 0 : i32
    %dma_wait3A_1597 = arith.constant 0 : i32
    %dma_wait3A_1598 = tpu.memref_slice %arg3[%dma_wait3A_1596, %dma_wait3A_1597] : memref<34304x32xf32, #tpu.memory_space<hbm>> -> memref<34304x32xf32, #tpu.memory_space<hbm>>
    tpu.wait_indirect_dma semaphore(%arg8 : memref<!tpu.dma_semaphore, #tpu.memory_space<semaphore_mem>>) src(%dma_wait3A_1598 : memref<34304x32xf32, #tpu.memory_space<hbm>>) dst(%dma_wait3A_1592 : memref<128x32xf32, #tpu.memory_space<vmem>>)
    %dma_wait3A_1599 = arith.constant 5 : i32
    %dma_wait3A_1600 = arith.constant 640 : i32
    %dma_wait3A_1601 = arith.constant 0 : i32
    %dma_wait3A_1602 = tpu.memref_slice %arg6[%dma_wait3A_1600, %dma_wait3A_1601] : memref<2560x32xf32, #tpu.memory_space<vmem>> -> memref<128x32xf32, #tpu.memory_space<vmem>>
    %dma_wait3A_1603 = arith.constant 0 : i32
    %dma_wait3A_1604 = tpu.memref_slice %arg5[%dma_wait3A_1599, %dma_wait3A_1603] : memref<20x128xi32, #tpu.memory_space<vmem>> -> memref<1x128xi32, #tpu.memory_space<vmem>>
    %dma_wait3A_1605 = tpu.memref_squeeze %dma_wait3A_1604 : memref<1x128xi32, #tpu.memory_space<vmem>> -> memref<128xi32, #tpu.memory_space<vmem>>
    %dma_wait3A_1606 = arith.constant 0 : i32
    %dma_wait3A_1607 = arith.constant 0 : i32
    %dma_wait3A_1608 = tpu.memref_slice %arg3[%dma_wait3A_1606, %dma_wait3A_1607] : memref<34304x32xf32, #tpu.memory_space<hbm>> -> memref<34304x32xf32, #tpu.memory_space<hbm>>
    tpu.wait_indirect_dma semaphore(%arg8 : memref<!tpu.dma_semaphore, #tpu.memory_space<semaphore_mem>>) src(%dma_wait3A_1608 : memref<34304x32xf32, #tpu.memory_space<hbm>>) dst(%dma_wait3A_1602 : memref<128x32xf32, #tpu.memory_space<vmem>>)
    %dma_wait3A_1609 = arith.constant 6 : i32
    %dma_wait3A_1610 = arith.constant 768 : i32
    %dma_wait3A_1611 = arith.constant 0 : i32
    %dma_wait3A_1612 = tpu.memref_slice %arg6[%dma_wait3A_1610, %dma_wait3A_1611] : memref<2560x32xf32, #tpu.memory_space<vmem>> -> memref<128x32xf32, #tpu.memory_space<vmem>>
    %dma_wait3A_1613 = arith.constant 0 : i32
    %dma_wait3A_1614 = tpu.memref_slice %arg5[%dma_wait3A_1609, %dma_wait3A_1613] : memref<20x128xi32, #tpu.memory_space<vmem>> -> memref<1x128xi32, #tpu.memory_space<vmem>>
    %dma_wait3A_1615 = tpu.memref_squeeze %dma_wait3A_1614 : memref<1x128xi32, #tpu.memory_space<vmem>> -> memref<128xi32, #tpu.memory_space<vmem>>
    %dma_wait3A_1616 = arith.constant 0 : i32
    %dma_wait3A_1617 = arith.constant 0 : i32
    %dma_wait3A_1618 = tpu.memref_slice %arg3[%dma_wait3A_1616, %dma_wait3A_1617] : memref<34304x32xf32, #tpu.memory_space<hbm>> -> memref<34304x32xf32, #tpu.memory_space<hbm>>
    tpu.wait_indirect_dma semaphore(%arg8 : memref<!tpu.dma_semaphore, #tpu.memory_space<semaphore_mem>>) src(%dma_wait3A_1618 : memref<34304x32xf32, #tpu.memory_space<hbm>>) dst(%dma_wait3A_1612 : memref<128x32xf32, #tpu.memory_space<vmem>>)
    %dma_wait3A_1619 = arith.constant 7 : i32
    %dma_wait3A_1620 = arith.constant 896 : i32
    %dma_wait3A_1621 = arith.constant 0 : i32
    %dma_wait3A_1622 = tpu.memref_slice %arg6[%dma_wait3A_1620, %dma_wait3A_1621] : memref<2560x32xf32, #tpu.memory_space<vmem>> -> memref<128x32xf32, #tpu.memory_space<vmem>>
    %dma_wait3A_1623 = arith.constant 0 : i32
    %dma_wait3A_1624 = tpu.memref_slice %arg5[%dma_wait3A_1619, %dma_wait3A_1623] : memref<20x128xi32, #tpu.memory_space<vmem>> -> memref<1x128xi32, #tpu.memory_space<vmem>>
    %dma_wait3A_1625 = tpu.memref_squeeze %dma_wait3A_1624 : memref<1x128xi32, #tpu.memory_space<vmem>> -> memref<128xi32, #tpu.memory_space<vmem>>
    %dma_wait3A_1626 = arith.constant 0 : i32
    %dma_wait3A_1627 = arith.constant 0 : i32
    %dma_wait3A_1628 = tpu.memref_slice %arg3[%dma_wait3A_1626, %dma_wait3A_1627] : memref<34304x32xf32, #tpu.memory_space<hbm>> -> memref<34304x32xf32, #tpu.memory_space<hbm>>
    tpu.wait_indirect_dma semaphore(%arg8 : memref<!tpu.dma_semaphore, #tpu.memory_space<semaphore_mem>>) src(%dma_wait3A_1628 : memref<34304x32xf32, #tpu.memory_space<hbm>>) dst(%dma_wait3A_1622 : memref<128x32xf32, #tpu.memory_space<vmem>>)
    %dma_wait3A_1629 = arith.constant 8 : i32
    %dma_wait3A_1630 = arith.constant 1024 : i32
    %dma_wait3A_1631 = arith.constant 0 : i32
    %dma_wait3A_1632 = tpu.memref_slice %arg6[%dma_wait3A_1630, %dma_wait3A_1631] : memref<2560x32xf32, #tpu.memory_space<vmem>> -> memref<128x32xf32, #tpu.memory_space<vmem>>
    %dma_wait3A_1633 = arith.constant 0 : i32
    %dma_wait3A_1634 = tpu.memref_slice %arg5[%dma_wait3A_1629, %dma_wait3A_1633] : memref<20x128xi32, #tpu.memory_space<vmem>> -> memref<1x128xi32, #tpu.memory_space<vmem>>
    %dma_wait3A_1635 = tpu.memref_squeeze %dma_wait3A_1634 : memref<1x128xi32, #tpu.memory_space<vmem>> -> memref<128xi32, #tpu.memory_space<vmem>>
    %dma_wait3A_1636 = arith.constant 0 : i32
    %dma_wait3A_1637 = arith.constant 0 : i32
    %dma_wait3A_1638 = tpu.memref_slice %arg3[%dma_wait3A_1636, %dma_wait3A_1637] : memref<34304x32xf32, #tpu.memory_space<hbm>> -> memref<34304x32xf32, #tpu.memory_space<hbm>>
    tpu.wait_indirect_dma semaphore(%arg8 : memref<!tpu.dma_semaphore, #tpu.memory_space<semaphore_mem>>) src(%dma_wait3A_1638 : memref<34304x32xf32, #tpu.memory_space<hbm>>) dst(%dma_wait3A_1632 : memref<128x32xf32, #tpu.memory_space<vmem>>)
    %dma_wait3A_1639 = arith.constant 9 : i32
    %dma_wait3A_1640 = arith.constant 1152 : i32
    %dma_wait3A_1641 = arith.constant 0 : i32
    %dma_wait3A_1642 = tpu.memref_slice %arg6[%dma_wait3A_1640, %dma_wait3A_1641] : memref<2560x32xf32, #tpu.memory_space<vmem>> -> memref<128x32xf32, #tpu.memory_space<vmem>>
    %dma_wait3A_1643 = arith.constant 0 : i32
    %dma_wait3A_1644 = tpu.memref_slice %arg5[%dma_wait3A_1639, %dma_wait3A_1643] : memref<20x128xi32, #tpu.memory_space<vmem>> -> memref<1x128xi32, #tpu.memory_space<vmem>>
    %dma_wait3A_1645 = tpu.memref_squeeze %dma_wait3A_1644 : memref<1x128xi32, #tpu.memory_space<vmem>> -> memref<128xi32, #tpu.memory_space<vmem>>
    %dma_wait3A_1646 = arith.constant 0 : i32
    %dma_wait3A_1647 = arith.constant 0 : i32
    %dma_wait3A_1648 = tpu.memref_slice %arg3[%dma_wait3A_1646, %dma_wait3A_1647] : memref<34304x32xf32, #tpu.memory_space<hbm>> -> memref<34304x32xf32, #tpu.memory_space<hbm>>
    tpu.wait_indirect_dma semaphore(%arg8 : memref<!tpu.dma_semaphore, #tpu.memory_space<semaphore_mem>>) src(%dma_wait3A_1648 : memref<34304x32xf32, #tpu.memory_space<hbm>>) dst(%dma_wait3A_1642 : memref<128x32xf32, #tpu.memory_space<vmem>>)
    %dma_wait3A_1649 = arith.constant 10 : i32
    %dma_wait3A_1650 = arith.constant 1280 : i32
    %dma_wait3A_1651 = arith.constant 0 : i32
    %dma_wait3A_1652 = tpu.memref_slice %arg6[%dma_wait3A_1650, %dma_wait3A_1651] : memref<2560x32xf32, #tpu.memory_space<vmem>> -> memref<128x32xf32, #tpu.memory_space<vmem>>
    %dma_wait3A_1653 = arith.constant 0 : i32
    %dma_wait3A_1654 = tpu.memref_slice %arg5[%dma_wait3A_1649, %dma_wait3A_1653] : memref<20x128xi32, #tpu.memory_space<vmem>> -> memref<1x128xi32, #tpu.memory_space<vmem>>
    %dma_wait3A_1655 = tpu.memref_squeeze %dma_wait3A_1654 : memref<1x128xi32, #tpu.memory_space<vmem>> -> memref<128xi32, #tpu.memory_space<vmem>>
    %dma_wait3A_1656 = arith.constant 0 : i32
    %dma_wait3A_1657 = arith.constant 0 : i32
    %dma_wait3A_1658 = tpu.memref_slice %arg3[%dma_wait3A_1656, %dma_wait3A_1657] : memref<34304x32xf32, #tpu.memory_space<hbm>> -> memref<34304x32xf32, #tpu.memory_space<hbm>>
    tpu.wait_indirect_dma semaphore(%arg8 : memref<!tpu.dma_semaphore, #tpu.memory_space<semaphore_mem>>) src(%dma_wait3A_1658 : memref<34304x32xf32, #tpu.memory_space<hbm>>) dst(%dma_wait3A_1652 : memref<128x32xf32, #tpu.memory_space<vmem>>)
    %dma_wait3A_1659 = arith.constant 11 : i32
    %dma_wait3A_1660 = arith.constant 1408 : i32
    %dma_wait3A_1661 = arith.constant 0 : i32
    %dma_wait3A_1662 = tpu.memref_slice %arg6[%dma_wait3A_1660, %dma_wait3A_1661] : memref<2560x32xf32, #tpu.memory_space<vmem>> -> memref<128x32xf32, #tpu.memory_space<vmem>>
    %dma_wait3A_1663 = arith.constant 0 : i32
    %dma_wait3A_1664 = tpu.memref_slice %arg5[%dma_wait3A_1659, %dma_wait3A_1663] : memref<20x128xi32, #tpu.memory_space<vmem>> -> memref<1x128xi32, #tpu.memory_space<vmem>>
    %dma_wait3A_1665 = tpu.memref_squeeze %dma_wait3A_1664 : memref<1x128xi32, #tpu.memory_space<vmem>> -> memref<128xi32, #tpu.memory_space<vmem>>
    %dma_wait3A_1666 = arith.constant 0 : i32
    %dma_wait3A_1667 = arith.constant 0 : i32
    %dma_wait3A_1668 = tpu.memref_slice %arg3[%dma_wait3A_1666, %dma_wait3A_1667] : memref<34304x32xf32, #tpu.memory_space<hbm>> -> memref<34304x32xf32, #tpu.memory_space<hbm>>
    tpu.wait_indirect_dma semaphore(%arg8 : memref<!tpu.dma_semaphore, #tpu.memory_space<semaphore_mem>>) src(%dma_wait3A_1668 : memref<34304x32xf32, #tpu.memory_space<hbm>>) dst(%dma_wait3A_1662 : memref<128x32xf32, #tpu.memory_space<vmem>>)
    %dma_wait3A_1669 = arith.constant 12 : i32
    %dma_wait3A_1670 = arith.constant 1536 : i32
    %dma_wait3A_1671 = arith.constant 0 : i32
    %dma_wait3A_1672 = tpu.memref_slice %arg6[%dma_wait3A_1670, %dma_wait3A_1671] : memref<2560x32xf32, #tpu.memory_space<vmem>> -> memref<128x32xf32, #tpu.memory_space<vmem>>
    %dma_wait3A_1673 = arith.constant 0 : i32
    %dma_wait3A_1674 = tpu.memref_slice %arg5[%dma_wait3A_1669, %dma_wait3A_1673] : memref<20x128xi32, #tpu.memory_space<vmem>> -> memref<1x128xi32, #tpu.memory_space<vmem>>
    %dma_wait3A_1675 = tpu.memref_squeeze %dma_wait3A_1674 : memref<1x128xi32, #tpu.memory_space<vmem>> -> memref<128xi32, #tpu.memory_space<vmem>>
    %dma_wait3A_1676 = arith.constant 0 : i32
    %dma_wait3A_1677 = arith.constant 0 : i32
    %dma_wait3A_1678 = tpu.memref_slice %arg3[%dma_wait3A_1676, %dma_wait3A_1677] : memref<34304x32xf32, #tpu.memory_space<hbm>> -> memref<34304x32xf32, #tpu.memory_space<hbm>>
    tpu.wait_indirect_dma semaphore(%arg8 : memref<!tpu.dma_semaphore, #tpu.memory_space<semaphore_mem>>) src(%dma_wait3A_1678 : memref<34304x32xf32, #tpu.memory_space<hbm>>) dst(%dma_wait3A_1672 : memref<128x32xf32, #tpu.memory_space<vmem>>)
    %dma_wait3A_1679 = arith.constant 13 : i32
    %dma_wait3A_1680 = arith.constant 1664 : i32
    %dma_wait3A_1681 = arith.constant 0 : i32
    %dma_wait3A_1682 = tpu.memref_slice %arg6[%dma_wait3A_1680, %dma_wait3A_1681] : memref<2560x32xf32, #tpu.memory_space<vmem>> -> memref<128x32xf32, #tpu.memory_space<vmem>>
    %dma_wait3A_1683 = arith.constant 0 : i32
    %dma_wait3A_1684 = tpu.memref_slice %arg5[%dma_wait3A_1679, %dma_wait3A_1683] : memref<20x128xi32, #tpu.memory_space<vmem>> -> memref<1x128xi32, #tpu.memory_space<vmem>>
    %dma_wait3A_1685 = tpu.memref_squeeze %dma_wait3A_1684 : memref<1x128xi32, #tpu.memory_space<vmem>> -> memref<128xi32, #tpu.memory_space<vmem>>
    %dma_wait3A_1686 = arith.constant 0 : i32
    %dma_wait3A_1687 = arith.constant 0 : i32
    %dma_wait3A_1688 = tpu.memref_slice %arg3[%dma_wait3A_1686, %dma_wait3A_1687] : memref<34304x32xf32, #tpu.memory_space<hbm>> -> memref<34304x32xf32, #tpu.memory_space<hbm>>
    tpu.wait_indirect_dma semaphore(%arg8 : memref<!tpu.dma_semaphore, #tpu.memory_space<semaphore_mem>>) src(%dma_wait3A_1688 : memref<34304x32xf32, #tpu.memory_space<hbm>>) dst(%dma_wait3A_1682 : memref<128x32xf32, #tpu.memory_space<vmem>>)
    %dma_wait3A_1689 = arith.constant 14 : i32
    %dma_wait3A_1690 = arith.constant 1792 : i32
    %dma_wait3A_1691 = arith.constant 0 : i32
    %dma_wait3A_1692 = tpu.memref_slice %arg6[%dma_wait3A_1690, %dma_wait3A_1691] : memref<2560x32xf32, #tpu.memory_space<vmem>> -> memref<128x32xf32, #tpu.memory_space<vmem>>
    %dma_wait3A_1693 = arith.constant 0 : i32
    %dma_wait3A_1694 = tpu.memref_slice %arg5[%dma_wait3A_1689, %dma_wait3A_1693] : memref<20x128xi32, #tpu.memory_space<vmem>> -> memref<1x128xi32, #tpu.memory_space<vmem>>
    %dma_wait3A_1695 = tpu.memref_squeeze %dma_wait3A_1694 : memref<1x128xi32, #tpu.memory_space<vmem>> -> memref<128xi32, #tpu.memory_space<vmem>>
    %dma_wait3A_1696 = arith.constant 0 : i32
    %dma_wait3A_1697 = arith.constant 0 : i32
    %dma_wait3A_1698 = tpu.memref_slice %arg3[%dma_wait3A_1696, %dma_wait3A_1697] : memref<34304x32xf32, #tpu.memory_space<hbm>> -> memref<34304x32xf32, #tpu.memory_space<hbm>>
    tpu.wait_indirect_dma semaphore(%arg8 : memref<!tpu.dma_semaphore, #tpu.memory_space<semaphore_mem>>) src(%dma_wait3A_1698 : memref<34304x32xf32, #tpu.memory_space<hbm>>) dst(%dma_wait3A_1692 : memref<128x32xf32, #tpu.memory_space<vmem>>)
    %dma_wait3A_1699 = arith.constant 15 : i32
    %dma_wait3A_1700 = arith.constant 1920 : i32
    %dma_wait3A_1701 = arith.constant 0 : i32
    %dma_wait3A_1702 = tpu.memref_slice %arg6[%dma_wait3A_1700, %dma_wait3A_1701] : memref<2560x32xf32, #tpu.memory_space<vmem>> -> memref<128x32xf32, #tpu.memory_space<vmem>>
    %dma_wait3A_1703 = arith.constant 0 : i32
    %dma_wait3A_1704 = tpu.memref_slice %arg5[%dma_wait3A_1699, %dma_wait3A_1703] : memref<20x128xi32, #tpu.memory_space<vmem>> -> memref<1x128xi32, #tpu.memory_space<vmem>>
    %dma_wait3A_1705 = tpu.memref_squeeze %dma_wait3A_1704 : memref<1x128xi32, #tpu.memory_space<vmem>> -> memref<128xi32, #tpu.memory_space<vmem>>
    %dma_wait3A_1706 = arith.constant 0 : i32
    %dma_wait3A_1707 = arith.constant 0 : i32
    %dma_wait3A_1708 = tpu.memref_slice %arg3[%dma_wait3A_1706, %dma_wait3A_1707] : memref<34304x32xf32, #tpu.memory_space<hbm>> -> memref<34304x32xf32, #tpu.memory_space<hbm>>
    tpu.wait_indirect_dma semaphore(%arg8 : memref<!tpu.dma_semaphore, #tpu.memory_space<semaphore_mem>>) src(%dma_wait3A_1708 : memref<34304x32xf32, #tpu.memory_space<hbm>>) dst(%dma_wait3A_1702 : memref<128x32xf32, #tpu.memory_space<vmem>>)
    %dma_wait3A_1709 = arith.constant 16 : i32
    %dma_wait3A_1710 = arith.constant 2048 : i32
    %dma_wait3A_1711 = arith.constant 0 : i32
    %dma_wait3A_1712 = tpu.memref_slice %arg6[%dma_wait3A_1710, %dma_wait3A_1711] : memref<2560x32xf32, #tpu.memory_space<vmem>> -> memref<128x32xf32, #tpu.memory_space<vmem>>
    %dma_wait3A_1713 = arith.constant 0 : i32
    %dma_wait3A_1714 = tpu.memref_slice %arg5[%dma_wait3A_1709, %dma_wait3A_1713] : memref<20x128xi32, #tpu.memory_space<vmem>> -> memref<1x128xi32, #tpu.memory_space<vmem>>
    %dma_wait3A_1715 = tpu.memref_squeeze %dma_wait3A_1714 : memref<1x128xi32, #tpu.memory_space<vmem>> -> memref<128xi32, #tpu.memory_space<vmem>>
    %dma_wait3A_1716 = arith.constant 0 : i32
    %dma_wait3A_1717 = arith.constant 0 : i32
    %dma_wait3A_1718 = tpu.memref_slice %arg3[%dma_wait3A_1716, %dma_wait3A_1717] : memref<34304x32xf32, #tpu.memory_space<hbm>> -> memref<34304x32xf32, #tpu.memory_space<hbm>>
    tpu.wait_indirect_dma semaphore(%arg8 : memref<!tpu.dma_semaphore, #tpu.memory_space<semaphore_mem>>) src(%dma_wait3A_1718 : memref<34304x32xf32, #tpu.memory_space<hbm>>) dst(%dma_wait3A_1712 : memref<128x32xf32, #tpu.memory_space<vmem>>)
    %dma_wait3A_1719 = arith.constant 17 : i32
    %dma_wait3A_1720 = arith.constant 2176 : i32
    %dma_wait3A_1721 = arith.constant 0 : i32
    %dma_wait3A_1722 = tpu.memref_slice %arg6[%dma_wait3A_1720, %dma_wait3A_1721] : memref<2560x32xf32, #tpu.memory_space<vmem>> -> memref<128x32xf32, #tpu.memory_space<vmem>>
    %dma_wait3A_1723 = arith.constant 0 : i32
    %dma_wait3A_1724 = tpu.memref_slice %arg5[%dma_wait3A_1719, %dma_wait3A_1723] : memref<20x128xi32, #tpu.memory_space<vmem>> -> memref<1x128xi32, #tpu.memory_space<vmem>>
    %dma_wait3A_1725 = tpu.memref_squeeze %dma_wait3A_1724 : memref<1x128xi32, #tpu.memory_space<vmem>> -> memref<128xi32, #tpu.memory_space<vmem>>
    %dma_wait3A_1726 = arith.constant 0 : i32
    %dma_wait3A_1727 = arith.constant 0 : i32
    %dma_wait3A_1728 = tpu.memref_slice %arg3[%dma_wait3A_1726, %dma_wait3A_1727] : memref<34304x32xf32, #tpu.memory_space<hbm>> -> memref<34304x32xf32, #tpu.memory_space<hbm>>
    tpu.wait_indirect_dma semaphore(%arg8 : memref<!tpu.dma_semaphore, #tpu.memory_space<semaphore_mem>>) src(%dma_wait3A_1728 : memref<34304x32xf32, #tpu.memory_space<hbm>>) dst(%dma_wait3A_1722 : memref<128x32xf32, #tpu.memory_space<vmem>>)
    %dma_wait3A_1729 = arith.constant 18 : i32
    %dma_wait3A_1730 = arith.constant 2304 : i32
    %dma_wait3A_1731 = arith.constant 0 : i32
    %dma_wait3A_1732 = tpu.memref_slice %arg6[%dma_wait3A_1730, %dma_wait3A_1731] : memref<2560x32xf32, #tpu.memory_space<vmem>> -> memref<128x32xf32, #tpu.memory_space<vmem>>
    %dma_wait3A_1733 = arith.constant 0 : i32
    %dma_wait3A_1734 = tpu.memref_slice %arg5[%dma_wait3A_1729, %dma_wait3A_1733] : memref<20x128xi32, #tpu.memory_space<vmem>> -> memref<1x128xi32, #tpu.memory_space<vmem>>
    %dma_wait3A_1735 = tpu.memref_squeeze %dma_wait3A_1734 : memref<1x128xi32, #tpu.memory_space<vmem>> -> memref<128xi32, #tpu.memory_space<vmem>>
    %dma_wait3A_1736 = arith.constant 0 : i32
    %dma_wait3A_1737 = arith.constant 0 : i32
    %dma_wait3A_1738 = tpu.memref_slice %arg3[%dma_wait3A_1736, %dma_wait3A_1737] : memref<34304x32xf32, #tpu.memory_space<hbm>> -> memref<34304x32xf32, #tpu.memory_space<hbm>>
    tpu.wait_indirect_dma semaphore(%arg8 : memref<!tpu.dma_semaphore, #tpu.memory_space<semaphore_mem>>) src(%dma_wait3A_1738 : memref<34304x32xf32, #tpu.memory_space<hbm>>) dst(%dma_wait3A_1732 : memref<128x32xf32, #tpu.memory_space<vmem>>)
    %dma_wait3A_1739 = arith.constant 19 : i32
    %dma_wait3A_1740 = arith.constant 2432 : i32
    %dma_wait3A_1741 = arith.constant 0 : i32
    %dma_wait3A_1742 = tpu.memref_slice %arg6[%dma_wait3A_1740, %dma_wait3A_1741] : memref<2560x32xf32, #tpu.memory_space<vmem>> -> memref<128x32xf32, #tpu.memory_space<vmem>>
    %dma_wait3A_1743 = arith.constant 0 : i32
    %dma_wait3A_1744 = tpu.memref_slice %arg5[%dma_wait3A_1739, %dma_wait3A_1743] : memref<20x128xi32, #tpu.memory_space<vmem>> -> memref<1x128xi32, #tpu.memory_space<vmem>>
    %dma_wait3A_1745 = tpu.memref_squeeze %dma_wait3A_1744 : memref<1x128xi32, #tpu.memory_space<vmem>> -> memref<128xi32, #tpu.memory_space<vmem>>
    %dma_wait3A_1746 = arith.constant 0 : i32
    %dma_wait3A_1747 = arith.constant 0 : i32
    %dma_wait3A_1748 = tpu.memref_slice %arg3[%dma_wait3A_1746, %dma_wait3A_1747] : memref<34304x32xf32, #tpu.memory_space<hbm>> -> memref<34304x32xf32, #tpu.memory_space<hbm>>
    tpu.wait_indirect_dma semaphore(%arg8 : memref<!tpu.dma_semaphore, #tpu.memory_space<semaphore_mem>>) src(%dma_wait3A_1748 : memref<34304x32xf32, #tpu.memory_space<hbm>>) dst(%dma_wait3A_1742 : memref<128x32xf32, #tpu.memory_space<vmem>>)
    %mul3A_1749 = arith.constant 20 : i32
    %mul3A_1750 = arith.muli %add3A, %mul3A_1749 : i32
    %add3A_1751 = arith.constant 0 : i32
    %add3A_1752 = arith.addi %mul3A_1750, %add3A_1751 : i32
    %jit3A_1753 = arith.constant 128 : i32
    %div3A_1754 = arith.divsi %add3A_1752, %jit3A_1753 : i32
    %sign3A_1755 = arith.constant 0 : i32
    %sign3A_1756 = arith.cmpi sgt, %add3A_1752, %sign3A_1755 : i32
    %sign3A_1757 = arith.extui %sign3A_1756 : i1 to i32
    %sign3A_1758 = arith.constant 0 : i32
    %sign3A_1759 = arith.cmpi slt, %add3A_1752, %sign3A_1758 : i32
    %sign3A_1760 = arith.extui %sign3A_1759 : i1 to i32
    %sign3A_1761 = arith.subi %sign3A_1757, %sign3A_1760 : i32
    %sign3A_1762 = arith.constant 0 : i32
    %sign3A_1763 = arith.cmpi sgt, %jit3A_1753, %sign3A_1762 : i32
    %sign3A_1764 = arith.extui %sign3A_1763 : i1 to i32
    %sign3A_1765 = arith.constant 0 : i32
    %sign3A_1766 = arith.cmpi slt, %jit3A_1753, %sign3A_1765 : i32
    %sign3A_1767 = arith.extui %sign3A_1766 : i1 to i32
    %sign3A_1768 = arith.subi %sign3A_1764, %sign3A_1767 : i32
    %ne3A_1769 = arith.cmpi ne, %sign3A_1761, %sign3A_1768 : i32
    %rem3A_1770 = arith.remsi %add3A_1752, %jit3A_1753 : i32
    %ne3A_1771 = arith.constant 0 : i32
    %ne3A_1772 = arith.cmpi ne, %rem3A_1770, %ne3A_1771 : i32
    %and3A_1773 = arith.andi %ne3A_1769, %ne3A_1772 : i1
    %sub3A_1774 = arith.constant 1 : i32
    %sub3A_1775 = arith.subi %div3A_1754, %sub3A_1774 : i32
    %select_n3A_1776 = arith.select %and3A_1773, %sub3A_1775, %div3A_1754 : i32
    %jit3A_1777 = arith.constant 128 : i32
    %eq3A_1778 = arith.constant 0 : i32
    %eq3A_1779 = arith.cmpi eq, %jit3A_1777, %eq3A_1778 : i32
    %jit3A_1780 = arith.constant 1 : i32
    %select_n3A_1781 = arith.select %eq3A_1779, %jit3A_1780, %jit3A_1777 : i32
    %rem3A_1782 = arith.remsi %add3A_1752, %select_n3A_1781 : i32
    %ne3A_1783 = arith.constant 0 : i32
    %ne3A_1784 = arith.cmpi ne, %rem3A_1782, %ne3A_1783 : i32
    %lt3A_1785 = arith.constant 0 : i32
    %lt3A_1786 = arith.cmpi slt, %rem3A_1782, %lt3A_1785 : i32
    %lt3A_1787 = arith.constant 0 : i32
    %lt3A_1788 = arith.cmpi slt, %select_n3A_1781, %lt3A_1787 : i32
    %ne3A_1789 = arith.xori %lt3A_1786, %lt3A_1788 : i1
    %and3A_1790 = arith.andi %ne3A_1789, %ne3A_1784 : i1
    %add3A_1791 = arith.addi %rem3A_1782, %select_n3A_1781 : i32
    %select_n3A_1792 = arith.select %and3A_1790, %add3A_1791, %rem3A_1782 : i32
    %mul3A_1793 = arith.constant 128 : i32
    %mul3A_1794 = arith.muli %select_n3A_1792, %mul3A_1793 : i32
    %dma_start3A_1795 = arith.constant 0 : i32
    %dma_start3A_1796 = arith.constant 0 : i32
    %dma_start3A_1797 = tpu.memref_slice %arg6[%dma_start3A_1795, %dma_start3A_1796] : memref<2560x32xf32, #tpu.memory_space<vmem>> -> memref<128x32xf32, #tpu.memory_space<vmem>>
    %dma_start3A_1798 = arith.constant 0 : i32
    %dma_start3A_1799 = tpu.memref_slice %arg4[%select_n3A_1776, %mul3A_1794, %dma_start3A_1798] : memref<5x16384x128xf32, #tpu.memory_space<hbm>> -> memref<1x128x32xf32, #tpu.memory_space<hbm>>
    %dma_start3A_1800 = tpu.memref_squeeze %dma_start3A_1799 : memref<1x128x32xf32, #tpu.memory_space<hbm>> -> memref<128x32xf32, #tpu.memory_space<hbm>>
    %dma_start3A_1801 = arith.constant 0 : i32
    %dma_start3A_1802 = tpu.memref_slice %arg4[%select_n3A_1776, %mul3A_1794, %dma_start3A_1801] : memref<5x16384x128xf32, #tpu.memory_space<hbm>> -> memref<1x128x32xf32, #tpu.memory_space<hbm>>
    %dma_start3A_1803 = tpu.memref_squeeze %dma_start3A_1802 : memref<1x128x32xf32, #tpu.memory_space<hbm>> -> memref<128x32xf32, #tpu.memory_space<hbm>>
    %dma_start3A_1804 = arith.constant 0 : i32
    %dma_start3A_1805 = arith.constant 0 : i32
    %dma_start3A_1806 = tpu.memref_slice %arg6[%dma_start3A_1804, %dma_start3A_1805] : memref<2560x32xf32, #tpu.memory_space<vmem>> -> memref<128x32xf32, #tpu.memory_space<vmem>>
    tpu.enqueue_dma source(%dma_start3A_1806 : memref<128x32xf32, #tpu.memory_space<vmem>>) target(%dma_start3A_1803 : memref<128x32xf32, #tpu.memory_space<hbm>>) target_semaphore(%arg7 : memref<!tpu.dma_semaphore, #tpu.memory_space<semaphore_mem>>)
    %mul3A_1807 = arith.constant 20 : i32
    %mul3A_1808 = arith.muli %add3A, %mul3A_1807 : i32
    %add3A_1809 = arith.constant 1 : i32
    %add3A_1810 = arith.addi %mul3A_1808, %add3A_1809 : i32
    %jit3A_1811 = arith.constant 128 : i32
    %div3A_1812 = arith.divsi %add3A_1810, %jit3A_1811 : i32
    %sign3A_1813 = arith.constant 0 : i32
    %sign3A_1814 = arith.cmpi sgt, %add3A_1810, %sign3A_1813 : i32
    %sign3A_1815 = arith.extui %sign3A_1814 : i1 to i32
    %sign3A_1816 = arith.constant 0 : i32
    %sign3A_1817 = arith.cmpi slt, %add3A_1810, %sign3A_1816 : i32
    %sign3A_1818 = arith.extui %sign3A_1817 : i1 to i32
    %sign3A_1819 = arith.subi %sign3A_1815, %sign3A_1818 : i32
    %sign3A_1820 = arith.constant 0 : i32
    %sign3A_1821 = arith.cmpi sgt, %jit3A_1811, %sign3A_1820 : i32
    %sign3A_1822 = arith.extui %sign3A_1821 : i1 to i32
    %sign3A_1823 = arith.constant 0 : i32
    %sign3A_1824 = arith.cmpi slt, %jit3A_1811, %sign3A_1823 : i32
    %sign3A_1825 = arith.extui %sign3A_1824 : i1 to i32
    %sign3A_1826 = arith.subi %sign3A_1822, %sign3A_1825 : i32
    %ne3A_1827 = arith.cmpi ne, %sign3A_1819, %sign3A_1826 : i32
    %rem3A_1828 = arith.remsi %add3A_1810, %jit3A_1811 : i32
    %ne3A_1829 = arith.constant 0 : i32
    %ne3A_1830 = arith.cmpi ne, %rem3A_1828, %ne3A_1829 : i32
    %and3A_1831 = arith.andi %ne3A_1827, %ne3A_1830 : i1
    %sub3A_1832 = arith.constant 1 : i32
    %sub3A_1833 = arith.subi %div3A_1812, %sub3A_1832 : i32
    %select_n3A_1834 = arith.select %and3A_1831, %sub3A_1833, %div3A_1812 : i32
    %jit3A_1835 = arith.constant 128 : i32
    %eq3A_1836 = arith.constant 0 : i32
    %eq3A_1837 = arith.cmpi eq, %jit3A_1835, %eq3A_1836 : i32
    %jit3A_1838 = arith.constant 1 : i32
    %select_n3A_1839 = arith.select %eq3A_1837, %jit3A_1838, %jit3A_1835 : i32
    %rem3A_1840 = arith.remsi %add3A_1810, %select_n3A_1839 : i32
    %ne3A_1841 = arith.constant 0 : i32
    %ne3A_1842 = arith.cmpi ne, %rem3A_1840, %ne3A_1841 : i32
    %lt3A_1843 = arith.constant 0 : i32
    %lt3A_1844 = arith.cmpi slt, %rem3A_1840, %lt3A_1843 : i32
    %lt3A_1845 = arith.constant 0 : i32
    %lt3A_1846 = arith.cmpi slt, %select_n3A_1839, %lt3A_1845 : i32
    %ne3A_1847 = arith.xori %lt3A_1844, %lt3A_1846 : i1
    %and3A_1848 = arith.andi %ne3A_1847, %ne3A_1842 : i1
    %add3A_1849 = arith.addi %rem3A_1840, %select_n3A_1839 : i32
    %select_n3A_1850 = arith.select %and3A_1848, %add3A_1849, %rem3A_1840 : i32
    %mul3A_1851 = arith.constant 128 : i32
    %mul3A_1852 = arith.muli %select_n3A_1850, %mul3A_1851 : i32
    %dma_start3A_1853 = arith.constant 128 : i32
    %dma_start3A_1854 = arith.constant 0 : i32
    %dma_start3A_1855 = tpu.memref_slice %arg6[%dma_start3A_1853, %dma_start3A_1854] : memref<2560x32xf32, #tpu.memory_space<vmem>> -> memref<128x32xf32, #tpu.memory_space<vmem>>
    %dma_start3A_1856 = arith.constant 0 : i32
    %dma_start3A_1857 = tpu.memref_slice %arg4[%select_n3A_1834, %mul3A_1852, %dma_start3A_1856] : memref<5x16384x128xf32, #tpu.memory_space<hbm>> -> memref<1x128x32xf32, #tpu.memory_space<hbm>>
    %dma_start3A_1858 = tpu.memref_squeeze %dma_start3A_1857 : memref<1x128x32xf32, #tpu.memory_space<hbm>> -> memref<128x32xf32, #tpu.memory_space<hbm>>
    %dma_start3A_1859 = arith.constant 0 : i32
    %dma_start3A_1860 = tpu.memref_slice %arg4[%select_n3A_1834, %mul3A_1852, %dma_start3A_1859] : memref<5x16384x128xf32, #tpu.memory_space<hbm>> -> memref<1x128x32xf32, #tpu.memory_space<hbm>>
    %dma_start3A_1861 = tpu.memref_squeeze %dma_start3A_1860 : memref<1x128x32xf32, #tpu.memory_space<hbm>> -> memref<128x32xf32, #tpu.memory_space<hbm>>
    %dma_start3A_1862 = arith.constant 128 : i32
    %dma_start3A_1863 = arith.constant 0 : i32
    %dma_start3A_1864 = tpu.memref_slice %arg6[%dma_start3A_1862, %dma_start3A_1863] : memref<2560x32xf32, #tpu.memory_space<vmem>> -> memref<128x32xf32, #tpu.memory_space<vmem>>
    tpu.enqueue_dma source(%dma_start3A_1864 : memref<128x32xf32, #tpu.memory_space<vmem>>) target(%dma_start3A_1861 : memref<128x32xf32, #tpu.memory_space<hbm>>) target_semaphore(%arg7 : memref<!tpu.dma_semaphore, #tpu.memory_space<semaphore_mem>>)
    %mul3A_1865 = arith.constant 20 : i32
    %mul3A_1866 = arith.muli %add3A, %mul3A_1865 : i32
    %add3A_1867 = arith.constant 2 : i32
    %add3A_1868 = arith.addi %mul3A_1866, %add3A_1867 : i32
    %jit3A_1869 = arith.constant 128 : i32
    %div3A_1870 = arith.divsi %add3A_1868, %jit3A_1869 : i32
    %sign3A_1871 = arith.constant 0 : i32
    %sign3A_1872 = arith.cmpi sgt, %add3A_1868, %sign3A_1871 : i32
    %sign3A_1873 = arith.extui %sign3A_1872 : i1 to i32
    %sign3A_1874 = arith.constant 0 : i32
    %sign3A_1875 = arith.cmpi slt, %add3A_1868, %sign3A_1874 : i32
    %sign3A_1876 = arith.extui %sign3A_1875 : i1 to i32
    %sign3A_1877 = arith.subi %sign3A_1873, %sign3A_1876 : i32
    %sign3A_1878 = arith.constant 0 : i32
    %sign3A_1879 = arith.cmpi sgt, %jit3A_1869, %sign3A_1878 : i32
    %sign3A_1880 = arith.extui %sign3A_1879 : i1 to i32
    %sign3A_1881 = arith.constant 0 : i32
    %sign3A_1882 = arith.cmpi slt, %jit3A_1869, %sign3A_1881 : i32
    %sign3A_1883 = arith.extui %sign3A_1882 : i1 to i32
    %sign3A_1884 = arith.subi %sign3A_1880, %sign3A_1883 : i32
    %ne3A_1885 = arith.cmpi ne, %sign3A_1877, %sign3A_1884 : i32
    %rem3A_1886 = arith.remsi %add3A_1868, %jit3A_1869 : i32
    %ne3A_1887 = arith.constant 0 : i32
    %ne3A_1888 = arith.cmpi ne, %rem3A_1886, %ne3A_1887 : i32
    %and3A_1889 = arith.andi %ne3A_1885, %ne3A_1888 : i1
    %sub3A_1890 = arith.constant 1 : i32
    %sub3A_1891 = arith.subi %div3A_1870, %sub3A_1890 : i32
    %select_n3A_1892 = arith.select %and3A_1889, %sub3A_1891, %div3A_1870 : i32
    %jit3A_1893 = arith.constant 128 : i32
    %eq3A_1894 = arith.constant 0 : i32
    %eq3A_1895 = arith.cmpi eq, %jit3A_1893, %eq3A_1894 : i32
    %jit3A_1896 = arith.constant 1 : i32
    %select_n3A_1897 = arith.select %eq3A_1895, %jit3A_1896, %jit3A_1893 : i32
    %rem3A_1898 = arith.remsi %add3A_1868, %select_n3A_1897 : i32
    %ne3A_1899 = arith.constant 0 : i32
    %ne3A_1900 = arith.cmpi ne, %rem3A_1898, %ne3A_1899 : i32
    %lt3A_1901 = arith.constant 0 : i32
    %lt3A_1902 = arith.cmpi slt, %rem3A_1898, %lt3A_1901 : i32
    %lt3A_1903 = arith.constant 0 : i32
    %lt3A_1904 = arith.cmpi slt, %select_n3A_1897, %lt3A_1903 : i32
    %ne3A_1905 = arith.xori %lt3A_1902, %lt3A_1904 : i1
    %and3A_1906 = arith.andi %ne3A_1905, %ne3A_1900 : i1
    %add3A_1907 = arith.addi %rem3A_1898, %select_n3A_1897 : i32
    %select_n3A_1908 = arith.select %and3A_1906, %add3A_1907, %rem3A_1898 : i32
    %mul3A_1909 = arith.constant 128 : i32
    %mul3A_1910 = arith.muli %select_n3A_1908, %mul3A_1909 : i32
    %dma_start3A_1911 = arith.constant 256 : i32
    %dma_start3A_1912 = arith.constant 0 : i32
    %dma_start3A_1913 = tpu.memref_slice %arg6[%dma_start3A_1911, %dma_start3A_1912] : memref<2560x32xf32, #tpu.memory_space<vmem>> -> memref<128x32xf32, #tpu.memory_space<vmem>>
    %dma_start3A_1914 = arith.constant 0 : i32
    %dma_start3A_1915 = tpu.memref_slice %arg4[%select_n3A_1892, %mul3A_1910, %dma_start3A_1914] : memref<5x16384x128xf32, #tpu.memory_space<hbm>> -> memref<1x128x32xf32, #tpu.memory_space<hbm>>
    %dma_start3A_1916 = tpu.memref_squeeze %dma_start3A_1915 : memref<1x128x32xf32, #tpu.memory_space<hbm>> -> memref<128x32xf32, #tpu.memory_space<hbm>>
    %dma_start3A_1917 = arith.constant 0 : i32
    %dma_start3A_1918 = tpu.memref_slice %arg4[%select_n3A_1892, %mul3A_1910, %dma_start3A_1917] : memref<5x16384x128xf32, #tpu.memory_space<hbm>> -> memref<1x128x32xf32, #tpu.memory_space<hbm>>
    %dma_start3A_1919 = tpu.memref_squeeze %dma_start3A_1918 : memref<1x128x32xf32, #tpu.memory_space<hbm>> -> memref<128x32xf32, #tpu.memory_space<hbm>>
    %dma_start3A_1920 = arith.constant 256 : i32
    %dma_start3A_1921 = arith.constant 0 : i32
    %dma_start3A_1922 = tpu.memref_slice %arg6[%dma_start3A_1920, %dma_start3A_1921] : memref<2560x32xf32, #tpu.memory_space<vmem>> -> memref<128x32xf32, #tpu.memory_space<vmem>>
    tpu.enqueue_dma source(%dma_start3A_1922 : memref<128x32xf32, #tpu.memory_space<vmem>>) target(%dma_start3A_1919 : memref<128x32xf32, #tpu.memory_space<hbm>>) target_semaphore(%arg7 : memref<!tpu.dma_semaphore, #tpu.memory_space<semaphore_mem>>)
    %mul3A_1923 = arith.constant 20 : i32
    %mul3A_1924 = arith.muli %add3A, %mul3A_1923 : i32
    %add3A_1925 = arith.constant 3 : i32
    %add3A_1926 = arith.addi %mul3A_1924, %add3A_1925 : i32
    %jit3A_1927 = arith.constant 128 : i32
    %div3A_1928 = arith.divsi %add3A_1926, %jit3A_1927 : i32
    %sign3A_1929 = arith.constant 0 : i32
    %sign3A_1930 = arith.cmpi sgt, %add3A_1926, %sign3A_1929 : i32
    %sign3A_1931 = arith.extui %sign3A_1930 : i1 to i32
    %sign3A_1932 = arith.constant 0 : i32
    %sign3A_1933 = arith.cmpi slt, %add3A_1926, %sign3A_1932 : i32
    %sign3A_1934 = arith.extui %sign3A_1933 : i1 to i32
    %sign3A_1935 = arith.subi %sign3A_1931, %sign3A_1934 : i32
    %sign3A_1936 = arith.constant 0 : i32
    %sign3A_1937 = arith.cmpi sgt, %jit3A_1927, %sign3A_1936 : i32
    %sign3A_1938 = arith.extui %sign3A_1937 : i1 to i32
    %sign3A_1939 = arith.constant 0 : i32
    %sign3A_1940 = arith.cmpi slt, %jit3A_1927, %sign3A_1939 : i32
    %sign3A_1941 = arith.extui %sign3A_1940 : i1 to i32
    %sign3A_1942 = arith.subi %sign3A_1938, %sign3A_1941 : i32
    %ne3A_1943 = arith.cmpi ne, %sign3A_1935, %sign3A_1942 : i32
    %rem3A_1944 = arith.remsi %add3A_1926, %jit3A_1927 : i32
    %ne3A_1945 = arith.constant 0 : i32
    %ne3A_1946 = arith.cmpi ne, %rem3A_1944, %ne3A_1945 : i32
    %and3A_1947 = arith.andi %ne3A_1943, %ne3A_1946 : i1
    %sub3A_1948 = arith.constant 1 : i32
    %sub3A_1949 = arith.subi %div3A_1928, %sub3A_1948 : i32
    %select_n3A_1950 = arith.select %and3A_1947, %sub3A_1949, %div3A_1928 : i32
    %jit3A_1951 = arith.constant 128 : i32
    %eq3A_1952 = arith.constant 0 : i32
    %eq3A_1953 = arith.cmpi eq, %jit3A_1951, %eq3A_1952 : i32
    %jit3A_1954 = arith.constant 1 : i32
    %select_n3A_1955 = arith.select %eq3A_1953, %jit3A_1954, %jit3A_1951 : i32
    %rem3A_1956 = arith.remsi %add3A_1926, %select_n3A_1955 : i32
    %ne3A_1957 = arith.constant 0 : i32
    %ne3A_1958 = arith.cmpi ne, %rem3A_1956, %ne3A_1957 : i32
    %lt3A_1959 = arith.constant 0 : i32
    %lt3A_1960 = arith.cmpi slt, %rem3A_1956, %lt3A_1959 : i32
    %lt3A_1961 = arith.constant 0 : i32
    %lt3A_1962 = arith.cmpi slt, %select_n3A_1955, %lt3A_1961 : i32
    %ne3A_1963 = arith.xori %lt3A_1960, %lt3A_1962 : i1
    %and3A_1964 = arith.andi %ne3A_1963, %ne3A_1958 : i1
    %add3A_1965 = arith.addi %rem3A_1956, %select_n3A_1955 : i32
    %select_n3A_1966 = arith.select %and3A_1964, %add3A_1965, %rem3A_1956 : i32
    %mul3A_1967 = arith.constant 128 : i32
    %mul3A_1968 = arith.muli %select_n3A_1966, %mul3A_1967 : i32
    %dma_start3A_1969 = arith.constant 384 : i32
    %dma_start3A_1970 = arith.constant 0 : i32
    %dma_start3A_1971 = tpu.memref_slice %arg6[%dma_start3A_1969, %dma_start3A_1970] : memref<2560x32xf32, #tpu.memory_space<vmem>> -> memref<128x32xf32, #tpu.memory_space<vmem>>
    %dma_start3A_1972 = arith.constant 0 : i32
    %dma_start3A_1973 = tpu.memref_slice %arg4[%select_n3A_1950, %mul3A_1968, %dma_start3A_1972] : memref<5x16384x128xf32, #tpu.memory_space<hbm>> -> memref<1x128x32xf32, #tpu.memory_space<hbm>>
    %dma_start3A_1974 = tpu.memref_squeeze %dma_start3A_1973 : memref<1x128x32xf32, #tpu.memory_space<hbm>> -> memref<128x32xf32, #tpu.memory_space<hbm>>
    %dma_start3A_1975 = arith.constant 0 : i32
    %dma_start3A_1976 = tpu.memref_slice %arg4[%select_n3A_1950, %mul3A_1968, %dma_start3A_1975] : memref<5x16384x128xf32, #tpu.memory_space<hbm>> -> memref<1x128x32xf32, #tpu.memory_space<hbm>>
    %dma_start3A_1977 = tpu.memref_squeeze %dma_start3A_1976 : memref<1x128x32xf32, #tpu.memory_space<hbm>> -> memref<128x32xf32, #tpu.memory_space<hbm>>
    %dma_start3A_1978 = arith.constant 384 : i32
    %dma_start3A_1979 = arith.constant 0 : i32
    %dma_start3A_1980 = tpu.memref_slice %arg6[%dma_start3A_1978, %dma_start3A_1979] : memref<2560x32xf32, #tpu.memory_space<vmem>> -> memref<128x32xf32, #tpu.memory_space<vmem>>
    tpu.enqueue_dma source(%dma_start3A_1980 : memref<128x32xf32, #tpu.memory_space<vmem>>) target(%dma_start3A_1977 : memref<128x32xf32, #tpu.memory_space<hbm>>) target_semaphore(%arg7 : memref<!tpu.dma_semaphore, #tpu.memory_space<semaphore_mem>>)
    %mul3A_1981 = arith.constant 20 : i32
    %mul3A_1982 = arith.muli %add3A, %mul3A_1981 : i32
    %add3A_1983 = arith.constant 4 : i32
    %add3A_1984 = arith.addi %mul3A_1982, %add3A_1983 : i32
    %jit3A_1985 = arith.constant 128 : i32
    %div3A_1986 = arith.divsi %add3A_1984, %jit3A_1985 : i32
    %sign3A_1987 = arith.constant 0 : i32
    %sign3A_1988 = arith.cmpi sgt, %add3A_1984, %sign3A_1987 : i32
    %sign3A_1989 = arith.extui %sign3A_1988 : i1 to i32
    %sign3A_1990 = arith.constant 0 : i32
    %sign3A_1991 = arith.cmpi slt, %add3A_1984, %sign3A_1990 : i32
    %sign3A_1992 = arith.extui %sign3A_1991 : i1 to i32
    %sign3A_1993 = arith.subi %sign3A_1989, %sign3A_1992 : i32
    %sign3A_1994 = arith.constant 0 : i32
    %sign3A_1995 = arith.cmpi sgt, %jit3A_1985, %sign3A_1994 : i32
    %sign3A_1996 = arith.extui %sign3A_1995 : i1 to i32
    %sign3A_1997 = arith.constant 0 : i32
    %sign3A_1998 = arith.cmpi slt, %jit3A_1985, %sign3A_1997 : i32
    %sign3A_1999 = arith.extui %sign3A_1998 : i1 to i32
    %sign3A_2000 = arith.subi %sign3A_1996, %sign3A_1999 : i32
    %ne3A_2001 = arith.cmpi ne, %sign3A_1993, %sign3A_2000 : i32
    %rem3A_2002 = arith.remsi %add3A_1984, %jit3A_1985 : i32
    %ne3A_2003 = arith.constant 0 : i32
    %ne3A_2004 = arith.cmpi ne, %rem3A_2002, %ne3A_2003 : i32
    %and3A_2005 = arith.andi %ne3A_2001, %ne3A_2004 : i1
    %sub3A_2006 = arith.constant 1 : i32
    %sub3A_2007 = arith.subi %div3A_1986, %sub3A_2006 : i32
    %select_n3A_2008 = arith.select %and3A_2005, %sub3A_2007, %div3A_1986 : i32
    %jit3A_2009 = arith.constant 128 : i32
    %eq3A_2010 = arith.constant 0 : i32
    %eq3A_2011 = arith.cmpi eq, %jit3A_2009, %eq3A_2010 : i32
    %jit3A_2012 = arith.constant 1 : i32
    %select_n3A_2013 = arith.select %eq3A_2011, %jit3A_2012, %jit3A_2009 : i32
    %rem3A_2014 = arith.remsi %add3A_1984, %select_n3A_2013 : i32
    %ne3A_2015 = arith.constant 0 : i32
    %ne3A_2016 = arith.cmpi ne, %rem3A_2014, %ne3A_2015 : i32
    %lt3A_2017 = arith.constant 0 : i32
    %lt3A_2018 = arith.cmpi slt, %rem3A_2014, %lt3A_2017 : i32
    %lt3A_2019 = arith.constant 0 : i32
    %lt3A_2020 = arith.cmpi slt, %select_n3A_2013, %lt3A_2019 : i32
    %ne3A_2021 = arith.xori %lt3A_2018, %lt3A_2020 : i1
    %and3A_2022 = arith.andi %ne3A_2021, %ne3A_2016 : i1
    %add3A_2023 = arith.addi %rem3A_2014, %select_n3A_2013 : i32
    %select_n3A_2024 = arith.select %and3A_2022, %add3A_2023, %rem3A_2014 : i32
    %mul3A_2025 = arith.constant 128 : i32
    %mul3A_2026 = arith.muli %select_n3A_2024, %mul3A_2025 : i32
    %dma_start3A_2027 = arith.constant 512 : i32
    %dma_start3A_2028 = arith.constant 0 : i32
    %dma_start3A_2029 = tpu.memref_slice %arg6[%dma_start3A_2027, %dma_start3A_2028] : memref<2560x32xf32, #tpu.memory_space<vmem>> -> memref<128x32xf32, #tpu.memory_space<vmem>>
    %dma_start3A_2030 = arith.constant 0 : i32
    %dma_start3A_2031 = tpu.memref_slice %arg4[%select_n3A_2008, %mul3A_2026, %dma_start3A_2030] : memref<5x16384x128xf32, #tpu.memory_space<hbm>> -> memref<1x128x32xf32, #tpu.memory_space<hbm>>
    %dma_start3A_2032 = tpu.memref_squeeze %dma_start3A_2031 : memref<1x128x32xf32, #tpu.memory_space<hbm>> -> memref<128x32xf32, #tpu.memory_space<hbm>>
    %dma_start3A_2033 = arith.constant 0 : i32
    %dma_start3A_2034 = tpu.memref_slice %arg4[%select_n3A_2008, %mul3A_2026, %dma_start3A_2033] : memref<5x16384x128xf32, #tpu.memory_space<hbm>> -> memref<1x128x32xf32, #tpu.memory_space<hbm>>
    %dma_start3A_2035 = tpu.memref_squeeze %dma_start3A_2034 : memref<1x128x32xf32, #tpu.memory_space<hbm>> -> memref<128x32xf32, #tpu.memory_space<hbm>>
    %dma_start3A_2036 = arith.constant 512 : i32
    %dma_start3A_2037 = arith.constant 0 : i32
    %dma_start3A_2038 = tpu.memref_slice %arg6[%dma_start3A_2036, %dma_start3A_2037] : memref<2560x32xf32, #tpu.memory_space<vmem>> -> memref<128x32xf32, #tpu.memory_space<vmem>>
    tpu.enqueue_dma source(%dma_start3A_2038 : memref<128x32xf32, #tpu.memory_space<vmem>>) target(%dma_start3A_2035 : memref<128x32xf32, #tpu.memory_space<hbm>>) target_semaphore(%arg7 : memref<!tpu.dma_semaphore, #tpu.memory_space<semaphore_mem>>)
    %mul3A_2039 = arith.constant 20 : i32
    %mul3A_2040 = arith.muli %add3A, %mul3A_2039 : i32
    %add3A_2041 = arith.constant 5 : i32
    %add3A_2042 = arith.addi %mul3A_2040, %add3A_2041 : i32
    %jit3A_2043 = arith.constant 128 : i32
    %div3A_2044 = arith.divsi %add3A_2042, %jit3A_2043 : i32
    %sign3A_2045 = arith.constant 0 : i32
    %sign3A_2046 = arith.cmpi sgt, %add3A_2042, %sign3A_2045 : i32
    %sign3A_2047 = arith.extui %sign3A_2046 : i1 to i32
    %sign3A_2048 = arith.constant 0 : i32
    %sign3A_2049 = arith.cmpi slt, %add3A_2042, %sign3A_2048 : i32
    %sign3A_2050 = arith.extui %sign3A_2049 : i1 to i32
    %sign3A_2051 = arith.subi %sign3A_2047, %sign3A_2050 : i32
    %sign3A_2052 = arith.constant 0 : i32
    %sign3A_2053 = arith.cmpi sgt, %jit3A_2043, %sign3A_2052 : i32
    %sign3A_2054 = arith.extui %sign3A_2053 : i1 to i32
    %sign3A_2055 = arith.constant 0 : i32
    %sign3A_2056 = arith.cmpi slt, %jit3A_2043, %sign3A_2055 : i32
    %sign3A_2057 = arith.extui %sign3A_2056 : i1 to i32
    %sign3A_2058 = arith.subi %sign3A_2054, %sign3A_2057 : i32
    %ne3A_2059 = arith.cmpi ne, %sign3A_2051, %sign3A_2058 : i32
    %rem3A_2060 = arith.remsi %add3A_2042, %jit3A_2043 : i32
    %ne3A_2061 = arith.constant 0 : i32
    %ne3A_2062 = arith.cmpi ne, %rem3A_2060, %ne3A_2061 : i32
    %and3A_2063 = arith.andi %ne3A_2059, %ne3A_2062 : i1
    %sub3A_2064 = arith.constant 1 : i32
    %sub3A_2065 = arith.subi %div3A_2044, %sub3A_2064 : i32
    %select_n3A_2066 = arith.select %and3A_2063, %sub3A_2065, %div3A_2044 : i32
    %jit3A_2067 = arith.constant 128 : i32
    %eq3A_2068 = arith.constant 0 : i32
    %eq3A_2069 = arith.cmpi eq, %jit3A_2067, %eq3A_2068 : i32
    %jit3A_2070 = arith.constant 1 : i32
    %select_n3A_2071 = arith.select %eq3A_2069, %jit3A_2070, %jit3A_2067 : i32
    %rem3A_2072 = arith.remsi %add3A_2042, %select_n3A_2071 : i32
    %ne3A_2073 = arith.constant 0 : i32
    %ne3A_2074 = arith.cmpi ne, %rem3A_2072, %ne3A_2073 : i32
    %lt3A_2075 = arith.constant 0 : i32
    %lt3A_2076 = arith.cmpi slt, %rem3A_2072, %lt3A_2075 : i32
    %lt3A_2077 = arith.constant 0 : i32
    %lt3A_2078 = arith.cmpi slt, %select_n3A_2071, %lt3A_2077 : i32
    %ne3A_2079 = arith.xori %lt3A_2076, %lt3A_2078 : i1
    %and3A_2080 = arith.andi %ne3A_2079, %ne3A_2074 : i1
    %add3A_2081 = arith.addi %rem3A_2072, %select_n3A_2071 : i32
    %select_n3A_2082 = arith.select %and3A_2080, %add3A_2081, %rem3A_2072 : i32
    %mul3A_2083 = arith.constant 128 : i32
    %mul3A_2084 = arith.muli %select_n3A_2082, %mul3A_2083 : i32
    %dma_start3A_2085 = arith.constant 640 : i32
    %dma_start3A_2086 = arith.constant 0 : i32
    %dma_start3A_2087 = tpu.memref_slice %arg6[%dma_start3A_2085, %dma_start3A_2086] : memref<2560x32xf32, #tpu.memory_space<vmem>> -> memref<128x32xf32, #tpu.memory_space<vmem>>
    %dma_start3A_2088 = arith.constant 0 : i32
    %dma_start3A_2089 = tpu.memref_slice %arg4[%select_n3A_2066, %mul3A_2084, %dma_start3A_2088] : memref<5x16384x128xf32, #tpu.memory_space<hbm>> -> memref<1x128x32xf32, #tpu.memory_space<hbm>>
    %dma_start3A_2090 = tpu.memref_squeeze %dma_start3A_2089 : memref<1x128x32xf32, #tpu.memory_space<hbm>> -> memref<128x32xf32, #tpu.memory_space<hbm>>
    %dma_start3A_2091 = arith.constant 0 : i32
    %dma_start3A_2092 = tpu.memref_slice %arg4[%select_n3A_2066, %mul3A_2084, %dma_start3A_2091] : memref<5x16384x128xf32, #tpu.memory_space<hbm>> -> memref<1x128x32xf32, #tpu.memory_space<hbm>>
    %dma_start3A_2093 = tpu.memref_squeeze %dma_start3A_2092 : memref<1x128x32xf32, #tpu.memory_space<hbm>> -> memref<128x32xf32, #tpu.memory_space<hbm>>
    %dma_start3A_2094 = arith.constant 640 : i32
    %dma_start3A_2095 = arith.constant 0 : i32
    %dma_start3A_2096 = tpu.memref_slice %arg6[%dma_start3A_2094, %dma_start3A_2095] : memref<2560x32xf32, #tpu.memory_space<vmem>> -> memref<128x32xf32, #tpu.memory_space<vmem>>
    tpu.enqueue_dma source(%dma_start3A_2096 : memref<128x32xf32, #tpu.memory_space<vmem>>) target(%dma_start3A_2093 : memref<128x32xf32, #tpu.memory_space<hbm>>) target_semaphore(%arg7 : memref<!tpu.dma_semaphore, #tpu.memory_space<semaphore_mem>>)
    %mul3A_2097 = arith.constant 20 : i32
    %mul3A_2098 = arith.muli %add3A, %mul3A_2097 : i32
    %add3A_2099 = arith.constant 6 : i32
    %add3A_2100 = arith.addi %mul3A_2098, %add3A_2099 : i32
    %jit3A_2101 = arith.constant 128 : i32
    %div3A_2102 = arith.divsi %add3A_2100, %jit3A_2101 : i32
    %sign3A_2103 = arith.constant 0 : i32
    %sign3A_2104 = arith.cmpi sgt, %add3A_2100, %sign3A_2103 : i32
    %sign3A_2105 = arith.extui %sign3A_2104 : i1 to i32
    %sign3A_2106 = arith.constant 0 : i32
    %sign3A_2107 = arith.cmpi slt, %add3A_2100, %sign3A_2106 : i32
    %sign3A_2108 = arith.extui %sign3A_2107 : i1 to i32
    %sign3A_2109 = arith.subi %sign3A_2105, %sign3A_2108 : i32
    %sign3A_2110 = arith.constant 0 : i32
    %sign3A_2111 = arith.cmpi sgt, %jit3A_2101, %sign3A_2110 : i32
    %sign3A_2112 = arith.extui %sign3A_2111 : i1 to i32
    %sign3A_2113 = arith.constant 0 : i32
    %sign3A_2114 = arith.cmpi slt, %jit3A_2101, %sign3A_2113 : i32
    %sign3A_2115 = arith.extui %sign3A_2114 : i1 to i32
    %sign3A_2116 = arith.subi %sign3A_2112, %sign3A_2115 : i32
    %ne3A_2117 = arith.cmpi ne, %sign3A_2109, %sign3A_2116 : i32
    %rem3A_2118 = arith.remsi %add3A_2100, %jit3A_2101 : i32
    %ne3A_2119 = arith.constant 0 : i32
    %ne3A_2120 = arith.cmpi ne, %rem3A_2118, %ne3A_2119 : i32
    %and3A_2121 = arith.andi %ne3A_2117, %ne3A_2120 : i1
    %sub3A_2122 = arith.constant 1 : i32
    %sub3A_2123 = arith.subi %div3A_2102, %sub3A_2122 : i32
    %select_n3A_2124 = arith.select %and3A_2121, %sub3A_2123, %div3A_2102 : i32
    %jit3A_2125 = arith.constant 128 : i32
    %eq3A_2126 = arith.constant 0 : i32
    %eq3A_2127 = arith.cmpi eq, %jit3A_2125, %eq3A_2126 : i32
    %jit3A_2128 = arith.constant 1 : i32
    %select_n3A_2129 = arith.select %eq3A_2127, %jit3A_2128, %jit3A_2125 : i32
    %rem3A_2130 = arith.remsi %add3A_2100, %select_n3A_2129 : i32
    %ne3A_2131 = arith.constant 0 : i32
    %ne3A_2132 = arith.cmpi ne, %rem3A_2130, %ne3A_2131 : i32
    %lt3A_2133 = arith.constant 0 : i32
    %lt3A_2134 = arith.cmpi slt, %rem3A_2130, %lt3A_2133 : i32
    %lt3A_2135 = arith.constant 0 : i32
    %lt3A_2136 = arith.cmpi slt, %select_n3A_2129, %lt3A_2135 : i32
    %ne3A_2137 = arith.xori %lt3A_2134, %lt3A_2136 : i1
    %and3A_2138 = arith.andi %ne3A_2137, %ne3A_2132 : i1
    %add3A_2139 = arith.addi %rem3A_2130, %select_n3A_2129 : i32
    %select_n3A_2140 = arith.select %and3A_2138, %add3A_2139, %rem3A_2130 : i32
    %mul3A_2141 = arith.constant 128 : i32
    %mul3A_2142 = arith.muli %select_n3A_2140, %mul3A_2141 : i32
    %dma_start3A_2143 = arith.constant 768 : i32
    %dma_start3A_2144 = arith.constant 0 : i32
    %dma_start3A_2145 = tpu.memref_slice %arg6[%dma_start3A_2143, %dma_start3A_2144] : memref<2560x32xf32, #tpu.memory_space<vmem>> -> memref<128x32xf32, #tpu.memory_space<vmem>>
    %dma_start3A_2146 = arith.constant 0 : i32
    %dma_start3A_2147 = tpu.memref_slice %arg4[%select_n3A_2124, %mul3A_2142, %dma_start3A_2146] : memref<5x16384x128xf32, #tpu.memory_space<hbm>> -> memref<1x128x32xf32, #tpu.memory_space<hbm>>
    %dma_start3A_2148 = tpu.memref_squeeze %dma_start3A_2147 : memref<1x128x32xf32, #tpu.memory_space<hbm>> -> memref<128x32xf32, #tpu.memory_space<hbm>>
    %dma_start3A_2149 = arith.constant 0 : i32
    %dma_start3A_2150 = tpu.memref_slice %arg4[%select_n3A_2124, %mul3A_2142, %dma_start3A_2149] : memref<5x16384x128xf32, #tpu.memory_space<hbm>> -> memref<1x128x32xf32, #tpu.memory_space<hbm>>
    %dma_start3A_2151 = tpu.memref_squeeze %dma_start3A_2150 : memref<1x128x32xf32, #tpu.memory_space<hbm>> -> memref<128x32xf32, #tpu.memory_space<hbm>>
    %dma_start3A_2152 = arith.constant 768 : i32
    %dma_start3A_2153 = arith.constant 0 : i32
    %dma_start3A_2154 = tpu.memref_slice %arg6[%dma_start3A_2152, %dma_start3A_2153] : memref<2560x32xf32, #tpu.memory_space<vmem>> -> memref<128x32xf32, #tpu.memory_space<vmem>>
    tpu.enqueue_dma source(%dma_start3A_2154 : memref<128x32xf32, #tpu.memory_space<vmem>>) target(%dma_start3A_2151 : memref<128x32xf32, #tpu.memory_space<hbm>>) target_semaphore(%arg7 : memref<!tpu.dma_semaphore, #tpu.memory_space<semaphore_mem>>)
    %mul3A_2155 = arith.constant 20 : i32
    %mul3A_2156 = arith.muli %add3A, %mul3A_2155 : i32
    %add3A_2157 = arith.constant 7 : i32
    %add3A_2158 = arith.addi %mul3A_2156, %add3A_2157 : i32
    %jit3A_2159 = arith.constant 128 : i32
    %div3A_2160 = arith.divsi %add3A_2158, %jit3A_2159 : i32
    %sign3A_2161 = arith.constant 0 : i32
    %sign3A_2162 = arith.cmpi sgt, %add3A_2158, %sign3A_2161 : i32
    %sign3A_2163 = arith.extui %sign3A_2162 : i1 to i32
    %sign3A_2164 = arith.constant 0 : i32
    %sign3A_2165 = arith.cmpi slt, %add3A_2158, %sign3A_2164 : i32
    %sign3A_2166 = arith.extui %sign3A_2165 : i1 to i32
    %sign3A_2167 = arith.subi %sign3A_2163, %sign3A_2166 : i32
    %sign3A_2168 = arith.constant 0 : i32
    %sign3A_2169 = arith.cmpi sgt, %jit3A_2159, %sign3A_2168 : i32
    %sign3A_2170 = arith.extui %sign3A_2169 : i1 to i32
    %sign3A_2171 = arith.constant 0 : i32
    %sign3A_2172 = arith.cmpi slt, %jit3A_2159, %sign3A_2171 : i32
    %sign3A_2173 = arith.extui %sign3A_2172 : i1 to i32
    %sign3A_2174 = arith.subi %sign3A_2170, %sign3A_2173 : i32
    %ne3A_2175 = arith.cmpi ne, %sign3A_2167, %sign3A_2174 : i32
    %rem3A_2176 = arith.remsi %add3A_2158, %jit3A_2159 : i32
    %ne3A_2177 = arith.constant 0 : i32
    %ne3A_2178 = arith.cmpi ne, %rem3A_2176, %ne3A_2177 : i32
    %and3A_2179 = arith.andi %ne3A_2175, %ne3A_2178 : i1
    %sub3A_2180 = arith.constant 1 : i32
    %sub3A_2181 = arith.subi %div3A_2160, %sub3A_2180 : i32
    %select_n3A_2182 = arith.select %and3A_2179, %sub3A_2181, %div3A_2160 : i32
    %jit3A_2183 = arith.constant 128 : i32
    %eq3A_2184 = arith.constant 0 : i32
    %eq3A_2185 = arith.cmpi eq, %jit3A_2183, %eq3A_2184 : i32
    %jit3A_2186 = arith.constant 1 : i32
    %select_n3A_2187 = arith.select %eq3A_2185, %jit3A_2186, %jit3A_2183 : i32
    %rem3A_2188 = arith.remsi %add3A_2158, %select_n3A_2187 : i32
    %ne3A_2189 = arith.constant 0 : i32
    %ne3A_2190 = arith.cmpi ne, %rem3A_2188, %ne3A_2189 : i32
    %lt3A_2191 = arith.constant 0 : i32
    %lt3A_2192 = arith.cmpi slt, %rem3A_2188, %lt3A_2191 : i32
    %lt3A_2193 = arith.constant 0 : i32
    %lt3A_2194 = arith.cmpi slt, %select_n3A_2187, %lt3A_2193 : i32
    %ne3A_2195 = arith.xori %lt3A_2192, %lt3A_2194 : i1
    %and3A_2196 = arith.andi %ne3A_2195, %ne3A_2190 : i1
    %add3A_2197 = arith.addi %rem3A_2188, %select_n3A_2187 : i32
    %select_n3A_2198 = arith.select %and3A_2196, %add3A_2197, %rem3A_2188 : i32
    %mul3A_2199 = arith.constant 128 : i32
    %mul3A_2200 = arith.muli %select_n3A_2198, %mul3A_2199 : i32
    %dma_start3A_2201 = arith.constant 896 : i32
    %dma_start3A_2202 = arith.constant 0 : i32
    %dma_start3A_2203 = tpu.memref_slice %arg6[%dma_start3A_2201, %dma_start3A_2202] : memref<2560x32xf32, #tpu.memory_space<vmem>> -> memref<128x32xf32, #tpu.memory_space<vmem>>
    %dma_start3A_2204 = arith.constant 0 : i32
    %dma_start3A_2205 = tpu.memref_slice %arg4[%select_n3A_2182, %mul3A_2200, %dma_start3A_2204] : memref<5x16384x128xf32, #tpu.memory_space<hbm>> -> memref<1x128x32xf32, #tpu.memory_space<hbm>>
    %dma_start3A_2206 = tpu.memref_squeeze %dma_start3A_2205 : memref<1x128x32xf32, #tpu.memory_space<hbm>> -> memref<128x32xf32, #tpu.memory_space<hbm>>
    %dma_start3A_2207 = arith.constant 0 : i32
    %dma_start3A_2208 = tpu.memref_slice %arg4[%select_n3A_2182, %mul3A_2200, %dma_start3A_2207] : memref<5x16384x128xf32, #tpu.memory_space<hbm>> -> memref<1x128x32xf32, #tpu.memory_space<hbm>>
    %dma_start3A_2209 = tpu.memref_squeeze %dma_start3A_2208 : memref<1x128x32xf32, #tpu.memory_space<hbm>> -> memref<128x32xf32, #tpu.memory_space<hbm>>
    %dma_start3A_2210 = arith.constant 896 : i32
    %dma_start3A_2211 = arith.constant 0 : i32
    %dma_start3A_2212 = tpu.memref_slice %arg6[%dma_start3A_2210, %dma_start3A_2211] : memref<2560x32xf32, #tpu.memory_space<vmem>> -> memref<128x32xf32, #tpu.memory_space<vmem>>
    tpu.enqueue_dma source(%dma_start3A_2212 : memref<128x32xf32, #tpu.memory_space<vmem>>) target(%dma_start3A_2209 : memref<128x32xf32, #tpu.memory_space<hbm>>) target_semaphore(%arg7 : memref<!tpu.dma_semaphore, #tpu.memory_space<semaphore_mem>>)
    %mul3A_2213 = arith.constant 20 : i32
    %mul3A_2214 = arith.muli %add3A, %mul3A_2213 : i32
    %add3A_2215 = arith.constant 8 : i32
    %add3A_2216 = arith.addi %mul3A_2214, %add3A_2215 : i32
    %jit3A_2217 = arith.constant 128 : i32
    %div3A_2218 = arith.divsi %add3A_2216, %jit3A_2217 : i32
    %sign3A_2219 = arith.constant 0 : i32
    %sign3A_2220 = arith.cmpi sgt, %add3A_2216, %sign3A_2219 : i32
    %sign3A_2221 = arith.extui %sign3A_2220 : i1 to i32
    %sign3A_2222 = arith.constant 0 : i32
    %sign3A_2223 = arith.cmpi slt, %add3A_2216, %sign3A_2222 : i32
    %sign3A_2224 = arith.extui %sign3A_2223 : i1 to i32
    %sign3A_2225 = arith.subi %sign3A_2221, %sign3A_2224 : i32
    %sign3A_2226 = arith.constant 0 : i32
    %sign3A_2227 = arith.cmpi sgt, %jit3A_2217, %sign3A_2226 : i32
    %sign3A_2228 = arith.extui %sign3A_2227 : i1 to i32
    %sign3A_2229 = arith.constant 0 : i32
    %sign3A_2230 = arith.cmpi slt, %jit3A_2217, %sign3A_2229 : i32
    %sign3A_2231 = arith.extui %sign3A_2230 : i1 to i32
    %sign3A_2232 = arith.subi %sign3A_2228, %sign3A_2231 : i32
    %ne3A_2233 = arith.cmpi ne, %sign3A_2225, %sign3A_2232 : i32
    %rem3A_2234 = arith.remsi %add3A_2216, %jit3A_2217 : i32
    %ne3A_2235 = arith.constant 0 : i32
    %ne3A_2236 = arith.cmpi ne, %rem3A_2234, %ne3A_2235 : i32
    %and3A_2237 = arith.andi %ne3A_2233, %ne3A_2236 : i1
    %sub3A_2238 = arith.constant 1 : i32
    %sub3A_2239 = arith.subi %div3A_2218, %sub3A_2238 : i32
    %select_n3A_2240 = arith.select %and3A_2237, %sub3A_2239, %div3A_2218 : i32
    %jit3A_2241 = arith.constant 128 : i32
    %eq3A_2242 = arith.constant 0 : i32
    %eq3A_2243 = arith.cmpi eq, %jit3A_2241, %eq3A_2242 : i32
    %jit3A_2244 = arith.constant 1 : i32
    %select_n3A_2245 = arith.select %eq3A_2243, %jit3A_2244, %jit3A_2241 : i32
    %rem3A_2246 = arith.remsi %add3A_2216, %select_n3A_2245 : i32
    %ne3A_2247 = arith.constant 0 : i32
    %ne3A_2248 = arith.cmpi ne, %rem3A_2246, %ne3A_2247 : i32
    %lt3A_2249 = arith.constant 0 : i32
    %lt3A_2250 = arith.cmpi slt, %rem3A_2246, %lt3A_2249 : i32
    %lt3A_2251 = arith.constant 0 : i32
    %lt3A_2252 = arith.cmpi slt, %select_n3A_2245, %lt3A_2251 : i32
    %ne3A_2253 = arith.xori %lt3A_2250, %lt3A_2252 : i1
    %and3A_2254 = arith.andi %ne3A_2253, %ne3A_2248 : i1
    %add3A_2255 = arith.addi %rem3A_2246, %select_n3A_2245 : i32
    %select_n3A_2256 = arith.select %and3A_2254, %add3A_2255, %rem3A_2246 : i32
    %mul3A_2257 = arith.constant 128 : i32
    %mul3A_2258 = arith.muli %select_n3A_2256, %mul3A_2257 : i32
    %dma_start3A_2259 = arith.constant 1024 : i32
    %dma_start3A_2260 = arith.constant 0 : i32
    %dma_start3A_2261 = tpu.memref_slice %arg6[%dma_start3A_2259, %dma_start3A_2260] : memref<2560x32xf32, #tpu.memory_space<vmem>> -> memref<128x32xf32, #tpu.memory_space<vmem>>
    %dma_start3A_2262 = arith.constant 0 : i32
    %dma_start3A_2263 = tpu.memref_slice %arg4[%select_n3A_2240, %mul3A_2258, %dma_start3A_2262] : memref<5x16384x128xf32, #tpu.memory_space<hbm>> -> memref<1x128x32xf32, #tpu.memory_space<hbm>>
    %dma_start3A_2264 = tpu.memref_squeeze %dma_start3A_2263 : memref<1x128x32xf32, #tpu.memory_space<hbm>> -> memref<128x32xf32, #tpu.memory_space<hbm>>
    %dma_start3A_2265 = arith.constant 0 : i32
    %dma_start3A_2266 = tpu.memref_slice %arg4[%select_n3A_2240, %mul3A_2258, %dma_start3A_2265] : memref<5x16384x128xf32, #tpu.memory_space<hbm>> -> memref<1x128x32xf32, #tpu.memory_space<hbm>>
    %dma_start3A_2267 = tpu.memref_squeeze %dma_start3A_2266 : memref<1x128x32xf32, #tpu.memory_space<hbm>> -> memref<128x32xf32, #tpu.memory_space<hbm>>
    %dma_start3A_2268 = arith.constant 1024 : i32
    %dma_start3A_2269 = arith.constant 0 : i32
    %dma_start3A_2270 = tpu.memref_slice %arg6[%dma_start3A_2268, %dma_start3A_2269] : memref<2560x32xf32, #tpu.memory_space<vmem>> -> memref<128x32xf32, #tpu.memory_space<vmem>>
    tpu.enqueue_dma source(%dma_start3A_2270 : memref<128x32xf32, #tpu.memory_space<vmem>>) target(%dma_start3A_2267 : memref<128x32xf32, #tpu.memory_space<hbm>>) target_semaphore(%arg7 : memref<!tpu.dma_semaphore, #tpu.memory_space<semaphore_mem>>)
    %mul3A_2271 = arith.constant 20 : i32
    %mul3A_2272 = arith.muli %add3A, %mul3A_2271 : i32
    %add3A_2273 = arith.constant 9 : i32
    %add3A_2274 = arith.addi %mul3A_2272, %add3A_2273 : i32
    %jit3A_2275 = arith.constant 128 : i32
    %div3A_2276 = arith.divsi %add3A_2274, %jit3A_2275 : i32
    %sign3A_2277 = arith.constant 0 : i32
    %sign3A_2278 = arith.cmpi sgt, %add3A_2274, %sign3A_2277 : i32
    %sign3A_2279 = arith.extui %sign3A_2278 : i1 to i32
    %sign3A_2280 = arith.constant 0 : i32
    %sign3A_2281 = arith.cmpi slt, %add3A_2274, %sign3A_2280 : i32
    %sign3A_2282 = arith.extui %sign3A_2281 : i1 to i32
    %sign3A_2283 = arith.subi %sign3A_2279, %sign3A_2282 : i32
    %sign3A_2284 = arith.constant 0 : i32
    %sign3A_2285 = arith.cmpi sgt, %jit3A_2275, %sign3A_2284 : i32
    %sign3A_2286 = arith.extui %sign3A_2285 : i1 to i32
    %sign3A_2287 = arith.constant 0 : i32
    %sign3A_2288 = arith.cmpi slt, %jit3A_2275, %sign3A_2287 : i32
    %sign3A_2289 = arith.extui %sign3A_2288 : i1 to i32
    %sign3A_2290 = arith.subi %sign3A_2286, %sign3A_2289 : i32
    %ne3A_2291 = arith.cmpi ne, %sign3A_2283, %sign3A_2290 : i32
    %rem3A_2292 = arith.remsi %add3A_2274, %jit3A_2275 : i32
    %ne3A_2293 = arith.constant 0 : i32
    %ne3A_2294 = arith.cmpi ne, %rem3A_2292, %ne3A_2293 : i32
    %and3A_2295 = arith.andi %ne3A_2291, %ne3A_2294 : i1
    %sub3A_2296 = arith.constant 1 : i32
    %sub3A_2297 = arith.subi %div3A_2276, %sub3A_2296 : i32
    %select_n3A_2298 = arith.select %and3A_2295, %sub3A_2297, %div3A_2276 : i32
    %jit3A_2299 = arith.constant 128 : i32
    %eq3A_2300 = arith.constant 0 : i32
    %eq3A_2301 = arith.cmpi eq, %jit3A_2299, %eq3A_2300 : i32
    %jit3A_2302 = arith.constant 1 : i32
    %select_n3A_2303 = arith.select %eq3A_2301, %jit3A_2302, %jit3A_2299 : i32
    %rem3A_2304 = arith.remsi %add3A_2274, %select_n3A_2303 : i32
    %ne3A_2305 = arith.constant 0 : i32
    %ne3A_2306 = arith.cmpi ne, %rem3A_2304, %ne3A_2305 : i32
    %lt3A_2307 = arith.constant 0 : i32
    %lt3A_2308 = arith.cmpi slt, %rem3A_2304, %lt3A_2307 : i32
    %lt3A_2309 = arith.constant 0 : i32
    %lt3A_2310 = arith.cmpi slt, %select_n3A_2303, %lt3A_2309 : i32
    %ne3A_2311 = arith.xori %lt3A_2308, %lt3A_2310 : i1
    %and3A_2312 = arith.andi %ne3A_2311, %ne3A_2306 : i1
    %add3A_2313 = arith.addi %rem3A_2304, %select_n3A_2303 : i32
    %select_n3A_2314 = arith.select %and3A_2312, %add3A_2313, %rem3A_2304 : i32
    %mul3A_2315 = arith.constant 128 : i32
    %mul3A_2316 = arith.muli %select_n3A_2314, %mul3A_2315 : i32
    %dma_start3A_2317 = arith.constant 1152 : i32
    %dma_start3A_2318 = arith.constant 0 : i32
    %dma_start3A_2319 = tpu.memref_slice %arg6[%dma_start3A_2317, %dma_start3A_2318] : memref<2560x32xf32, #tpu.memory_space<vmem>> -> memref<128x32xf32, #tpu.memory_space<vmem>>
    %dma_start3A_2320 = arith.constant 0 : i32
    %dma_start3A_2321 = tpu.memref_slice %arg4[%select_n3A_2298, %mul3A_2316, %dma_start3A_2320] : memref<5x16384x128xf32, #tpu.memory_space<hbm>> -> memref<1x128x32xf32, #tpu.memory_space<hbm>>
    %dma_start3A_2322 = tpu.memref_squeeze %dma_start3A_2321 : memref<1x128x32xf32, #tpu.memory_space<hbm>> -> memref<128x32xf32, #tpu.memory_space<hbm>>
    %dma_start3A_2323 = arith.constant 0 : i32
    %dma_start3A_2324 = tpu.memref_slice %arg4[%select_n3A_2298, %mul3A_2316, %dma_start3A_2323] : memref<5x16384x128xf32, #tpu.memory_space<hbm>> -> memref<1x128x32xf32, #tpu.memory_space<hbm>>
    %dma_start3A_2325 = tpu.memref_squeeze %dma_start3A_2324 : memref<1x128x32xf32, #tpu.memory_space<hbm>> -> memref<128x32xf32, #tpu.memory_space<hbm>>
    %dma_start3A_2326 = arith.constant 1152 : i32
    %dma_start3A_2327 = arith.constant 0 : i32
    %dma_start3A_2328 = tpu.memref_slice %arg6[%dma_start3A_2326, %dma_start3A_2327] : memref<2560x32xf32, #tpu.memory_space<vmem>> -> memref<128x32xf32, #tpu.memory_space<vmem>>
    tpu.enqueue_dma source(%dma_start3A_2328 : memref<128x32xf32, #tpu.memory_space<vmem>>) target(%dma_start3A_2325 : memref<128x32xf32, #tpu.memory_space<hbm>>) target_semaphore(%arg7 : memref<!tpu.dma_semaphore, #tpu.memory_space<semaphore_mem>>)
    %mul3A_2329 = arith.constant 20 : i32
    %mul3A_2330 = arith.muli %add3A, %mul3A_2329 : i32
    %add3A_2331 = arith.constant 10 : i32
    %add3A_2332 = arith.addi %mul3A_2330, %add3A_2331 : i32
    %jit3A_2333 = arith.constant 128 : i32
    %div3A_2334 = arith.divsi %add3A_2332, %jit3A_2333 : i32
    %sign3A_2335 = arith.constant 0 : i32
    %sign3A_2336 = arith.cmpi sgt, %add3A_2332, %sign3A_2335 : i32
    %sign3A_2337 = arith.extui %sign3A_2336 : i1 to i32
    %sign3A_2338 = arith.constant 0 : i32
    %sign3A_2339 = arith.cmpi slt, %add3A_2332, %sign3A_2338 : i32
    %sign3A_2340 = arith.extui %sign3A_2339 : i1 to i32
    %sign3A_2341 = arith.subi %sign3A_2337, %sign3A_2340 : i32
    %sign3A_2342 = arith.constant 0 : i32
    %sign3A_2343 = arith.cmpi sgt, %jit3A_2333, %sign3A_2342 : i32
    %sign3A_2344 = arith.extui %sign3A_2343 : i1 to i32
    %sign3A_2345 = arith.constant 0 : i32
    %sign3A_2346 = arith.cmpi slt, %jit3A_2333, %sign3A_2345 : i32
    %sign3A_2347 = arith.extui %sign3A_2346 : i1 to i32
    %sign3A_2348 = arith.subi %sign3A_2344, %sign3A_2347 : i32
    %ne3A_2349 = arith.cmpi ne, %sign3A_2341, %sign3A_2348 : i32
    %rem3A_2350 = arith.remsi %add3A_2332, %jit3A_2333 : i32
    %ne3A_2351 = arith.constant 0 : i32
    %ne3A_2352 = arith.cmpi ne, %rem3A_2350, %ne3A_2351 : i32
    %and3A_2353 = arith.andi %ne3A_2349, %ne3A_2352 : i1
    %sub3A_2354 = arith.constant 1 : i32
    %sub3A_2355 = arith.subi %div3A_2334, %sub3A_2354 : i32
    %select_n3A_2356 = arith.select %and3A_2353, %sub3A_2355, %div3A_2334 : i32
    %jit3A_2357 = arith.constant 128 : i32
    %eq3A_2358 = arith.constant 0 : i32
    %eq3A_2359 = arith.cmpi eq, %jit3A_2357, %eq3A_2358 : i32
    %jit3A_2360 = arith.constant 1 : i32
    %select_n3A_2361 = arith.select %eq3A_2359, %jit3A_2360, %jit3A_2357 : i32
    %rem3A_2362 = arith.remsi %add3A_2332, %select_n3A_2361 : i32
    %ne3A_2363 = arith.constant 0 : i32
    %ne3A_2364 = arith.cmpi ne, %rem3A_2362, %ne3A_2363 : i32
    %lt3A_2365 = arith.constant 0 : i32
    %lt3A_2366 = arith.cmpi slt, %rem3A_2362, %lt3A_2365 : i32
    %lt3A_2367 = arith.constant 0 : i32
    %lt3A_2368 = arith.cmpi slt, %select_n3A_2361, %lt3A_2367 : i32
    %ne3A_2369 = arith.xori %lt3A_2366, %lt3A_2368 : i1
    %and3A_2370 = arith.andi %ne3A_2369, %ne3A_2364 : i1
    %add3A_2371 = arith.addi %rem3A_2362, %select_n3A_2361 : i32
    %select_n3A_2372 = arith.select %and3A_2370, %add3A_2371, %rem3A_2362 : i32
    %mul3A_2373 = arith.constant 128 : i32
    %mul3A_2374 = arith.muli %select_n3A_2372, %mul3A_2373 : i32
    %dma_start3A_2375 = arith.constant 1280 : i32
    %dma_start3A_2376 = arith.constant 0 : i32
    %dma_start3A_2377 = tpu.memref_slice %arg6[%dma_start3A_2375, %dma_start3A_2376] : memref<2560x32xf32, #tpu.memory_space<vmem>> -> memref<128x32xf32, #tpu.memory_space<vmem>>
    %dma_start3A_2378 = arith.constant 0 : i32
    %dma_start3A_2379 = tpu.memref_slice %arg4[%select_n3A_2356, %mul3A_2374, %dma_start3A_2378] : memref<5x16384x128xf32, #tpu.memory_space<hbm>> -> memref<1x128x32xf32, #tpu.memory_space<hbm>>
    %dma_start3A_2380 = tpu.memref_squeeze %dma_start3A_2379 : memref<1x128x32xf32, #tpu.memory_space<hbm>> -> memref<128x32xf32, #tpu.memory_space<hbm>>
    %dma_start3A_2381 = arith.constant 0 : i32
    %dma_start3A_2382 = tpu.memref_slice %arg4[%select_n3A_2356, %mul3A_2374, %dma_start3A_2381] : memref<5x16384x128xf32, #tpu.memory_space<hbm>> -> memref<1x128x32xf32, #tpu.memory_space<hbm>>
    %dma_start3A_2383 = tpu.memref_squeeze %dma_start3A_2382 : memref<1x128x32xf32, #tpu.memory_space<hbm>> -> memref<128x32xf32, #tpu.memory_space<hbm>>
    %dma_start3A_2384 = arith.constant 1280 : i32
    %dma_start3A_2385 = arith.constant 0 : i32
    %dma_start3A_2386 = tpu.memref_slice %arg6[%dma_start3A_2384, %dma_start3A_2385] : memref<2560x32xf32, #tpu.memory_space<vmem>> -> memref<128x32xf32, #tpu.memory_space<vmem>>
    tpu.enqueue_dma source(%dma_start3A_2386 : memref<128x32xf32, #tpu.memory_space<vmem>>) target(%dma_start3A_2383 : memref<128x32xf32, #tpu.memory_space<hbm>>) target_semaphore(%arg7 : memref<!tpu.dma_semaphore, #tpu.memory_space<semaphore_mem>>)
    %mul3A_2387 = arith.constant 20 : i32
    %mul3A_2388 = arith.muli %add3A, %mul3A_2387 : i32
    %add3A_2389 = arith.constant 11 : i32
    %add3A_2390 = arith.addi %mul3A_2388, %add3A_2389 : i32
    %jit3A_2391 = arith.constant 128 : i32
    %div3A_2392 = arith.divsi %add3A_2390, %jit3A_2391 : i32
    %sign3A_2393 = arith.constant 0 : i32
    %sign3A_2394 = arith.cmpi sgt, %add3A_2390, %sign3A_2393 : i32
    %sign3A_2395 = arith.extui %sign3A_2394 : i1 to i32
    %sign3A_2396 = arith.constant 0 : i32
    %sign3A_2397 = arith.cmpi slt, %add3A_2390, %sign3A_2396 : i32
    %sign3A_2398 = arith.extui %sign3A_2397 : i1 to i32
    %sign3A_2399 = arith.subi %sign3A_2395, %sign3A_2398 : i32
    %sign3A_2400 = arith.constant 0 : i32
    %sign3A_2401 = arith.cmpi sgt, %jit3A_2391, %sign3A_2400 : i32
    %sign3A_2402 = arith.extui %sign3A_2401 : i1 to i32
    %sign3A_2403 = arith.constant 0 : i32
    %sign3A_2404 = arith.cmpi slt, %jit3A_2391, %sign3A_2403 : i32
    %sign3A_2405 = arith.extui %sign3A_2404 : i1 to i32
    %sign3A_2406 = arith.subi %sign3A_2402, %sign3A_2405 : i32
    %ne3A_2407 = arith.cmpi ne, %sign3A_2399, %sign3A_2406 : i32
    %rem3A_2408 = arith.remsi %add3A_2390, %jit3A_2391 : i32
    %ne3A_2409 = arith.constant 0 : i32
    %ne3A_2410 = arith.cmpi ne, %rem3A_2408, %ne3A_2409 : i32
    %and3A_2411 = arith.andi %ne3A_2407, %ne3A_2410 : i1
    %sub3A_2412 = arith.constant 1 : i32
    %sub3A_2413 = arith.subi %div3A_2392, %sub3A_2412 : i32
    %select_n3A_2414 = arith.select %and3A_2411, %sub3A_2413, %div3A_2392 : i32
    %jit3A_2415 = arith.constant 128 : i32
    %eq3A_2416 = arith.constant 0 : i32
    %eq3A_2417 = arith.cmpi eq, %jit3A_2415, %eq3A_2416 : i32
    %jit3A_2418 = arith.constant 1 : i32
    %select_n3A_2419 = arith.select %eq3A_2417, %jit3A_2418, %jit3A_2415 : i32
    %rem3A_2420 = arith.remsi %add3A_2390, %select_n3A_2419 : i32
    %ne3A_2421 = arith.constant 0 : i32
    %ne3A_2422 = arith.cmpi ne, %rem3A_2420, %ne3A_2421 : i32
    %lt3A_2423 = arith.constant 0 : i32
    %lt3A_2424 = arith.cmpi slt, %rem3A_2420, %lt3A_2423 : i32
    %lt3A_2425 = arith.constant 0 : i32
    %lt3A_2426 = arith.cmpi slt, %select_n3A_2419, %lt3A_2425 : i32
    %ne3A_2427 = arith.xori %lt3A_2424, %lt3A_2426 : i1
    %and3A_2428 = arith.andi %ne3A_2427, %ne3A_2422 : i1
    %add3A_2429 = arith.addi %rem3A_2420, %select_n3A_2419 : i32
    %select_n3A_2430 = arith.select %and3A_2428, %add3A_2429, %rem3A_2420 : i32
    %mul3A_2431 = arith.constant 128 : i32
    %mul3A_2432 = arith.muli %select_n3A_2430, %mul3A_2431 : i32
    %dma_start3A_2433 = arith.constant 1408 : i32
    %dma_start3A_2434 = arith.constant 0 : i32
    %dma_start3A_2435 = tpu.memref_slice %arg6[%dma_start3A_2433, %dma_start3A_2434] : memref<2560x32xf32, #tpu.memory_space<vmem>> -> memref<128x32xf32, #tpu.memory_space<vmem>>
    %dma_start3A_2436 = arith.constant 0 : i32
    %dma_start3A_2437 = tpu.memref_slice %arg4[%select_n3A_2414, %mul3A_2432, %dma_start3A_2436] : memref<5x16384x128xf32, #tpu.memory_space<hbm>> -> memref<1x128x32xf32, #tpu.memory_space<hbm>>
    %dma_start3A_2438 = tpu.memref_squeeze %dma_start3A_2437 : memref<1x128x32xf32, #tpu.memory_space<hbm>> -> memref<128x32xf32, #tpu.memory_space<hbm>>
    %dma_start3A_2439 = arith.constant 0 : i32
    %dma_start3A_2440 = tpu.memref_slice %arg4[%select_n3A_2414, %mul3A_2432, %dma_start3A_2439] : memref<5x16384x128xf32, #tpu.memory_space<hbm>> -> memref<1x128x32xf32, #tpu.memory_space<hbm>>
    %dma_start3A_2441 = tpu.memref_squeeze %dma_start3A_2440 : memref<1x128x32xf32, #tpu.memory_space<hbm>> -> memref<128x32xf32, #tpu.memory_space<hbm>>
    %dma_start3A_2442 = arith.constant 1408 : i32
    %dma_start3A_2443 = arith.constant 0 : i32
    %dma_start3A_2444 = tpu.memref_slice %arg6[%dma_start3A_2442, %dma_start3A_2443] : memref<2560x32xf32, #tpu.memory_space<vmem>> -> memref<128x32xf32, #tpu.memory_space<vmem>>
    tpu.enqueue_dma source(%dma_start3A_2444 : memref<128x32xf32, #tpu.memory_space<vmem>>) target(%dma_start3A_2441 : memref<128x32xf32, #tpu.memory_space<hbm>>) target_semaphore(%arg7 : memref<!tpu.dma_semaphore, #tpu.memory_space<semaphore_mem>>)
    %mul3A_2445 = arith.constant 20 : i32
    %mul3A_2446 = arith.muli %add3A, %mul3A_2445 : i32
    %add3A_2447 = arith.constant 12 : i32
    %add3A_2448 = arith.addi %mul3A_2446, %add3A_2447 : i32
    %jit3A_2449 = arith.constant 128 : i32
    %div3A_2450 = arith.divsi %add3A_2448, %jit3A_2449 : i32
    %sign3A_2451 = arith.constant 0 : i32
    %sign3A_2452 = arith.cmpi sgt, %add3A_2448, %sign3A_2451 : i32
    %sign3A_2453 = arith.extui %sign3A_2452 : i1 to i32
    %sign3A_2454 = arith.constant 0 : i32
    %sign3A_2455 = arith.cmpi slt, %add3A_2448, %sign3A_2454 : i32
    %sign3A_2456 = arith.extui %sign3A_2455 : i1 to i32
    %sign3A_2457 = arith.subi %sign3A_2453, %sign3A_2456 : i32
    %sign3A_2458 = arith.constant 0 : i32
    %sign3A_2459 = arith.cmpi sgt, %jit3A_2449, %sign3A_2458 : i32
    %sign3A_2460 = arith.extui %sign3A_2459 : i1 to i32
    %sign3A_2461 = arith.constant 0 : i32
    %sign3A_2462 = arith.cmpi slt, %jit3A_2449, %sign3A_2461 : i32
    %sign3A_2463 = arith.extui %sign3A_2462 : i1 to i32
    %sign3A_2464 = arith.subi %sign3A_2460, %sign3A_2463 : i32
    %ne3A_2465 = arith.cmpi ne, %sign3A_2457, %sign3A_2464 : i32
    %rem3A_2466 = arith.remsi %add3A_2448, %jit3A_2449 : i32
    %ne3A_2467 = arith.constant 0 : i32
    %ne3A_2468 = arith.cmpi ne, %rem3A_2466, %ne3A_2467 : i32
    %and3A_2469 = arith.andi %ne3A_2465, %ne3A_2468 : i1
    %sub3A_2470 = arith.constant 1 : i32
    %sub3A_2471 = arith.subi %div3A_2450, %sub3A_2470 : i32
    %select_n3A_2472 = arith.select %and3A_2469, %sub3A_2471, %div3A_2450 : i32
    %jit3A_2473 = arith.constant 128 : i32
    %eq3A_2474 = arith.constant 0 : i32
    %eq3A_2475 = arith.cmpi eq, %jit3A_2473, %eq3A_2474 : i32
    %jit3A_2476 = arith.constant 1 : i32
    %select_n3A_2477 = arith.select %eq3A_2475, %jit3A_2476, %jit3A_2473 : i32
    %rem3A_2478 = arith.remsi %add3A_2448, %select_n3A_2477 : i32
    %ne3A_2479 = arith.constant 0 : i32
    %ne3A_2480 = arith.cmpi ne, %rem3A_2478, %ne3A_2479 : i32
    %lt3A_2481 = arith.constant 0 : i32
    %lt3A_2482 = arith.cmpi slt, %rem3A_2478, %lt3A_2481 : i32
    %lt3A_2483 = arith.constant 0 : i32
    %lt3A_2484 = arith.cmpi slt, %select_n3A_2477, %lt3A_2483 : i32
    %ne3A_2485 = arith.xori %lt3A_2482, %lt3A_2484 : i1
    %and3A_2486 = arith.andi %ne3A_2485, %ne3A_2480 : i1
    %add3A_2487 = arith.addi %rem3A_2478, %select_n3A_2477 : i32
    %select_n3A_2488 = arith.select %and3A_2486, %add3A_2487, %rem3A_2478 : i32
    %mul3A_2489 = arith.constant 128 : i32
    %mul3A_2490 = arith.muli %select_n3A_2488, %mul3A_2489 : i32
    %dma_start3A_2491 = arith.constant 1536 : i32
    %dma_start3A_2492 = arith.constant 0 : i32
    %dma_start3A_2493 = tpu.memref_slice %arg6[%dma_start3A_2491, %dma_start3A_2492] : memref<2560x32xf32, #tpu.memory_space<vmem>> -> memref<128x32xf32, #tpu.memory_space<vmem>>
    %dma_start3A_2494 = arith.constant 0 : i32
    %dma_start3A_2495 = tpu.memref_slice %arg4[%select_n3A_2472, %mul3A_2490, %dma_start3A_2494] : memref<5x16384x128xf32, #tpu.memory_space<hbm>> -> memref<1x128x32xf32, #tpu.memory_space<hbm>>
    %dma_start3A_2496 = tpu.memref_squeeze %dma_start3A_2495 : memref<1x128x32xf32, #tpu.memory_space<hbm>> -> memref<128x32xf32, #tpu.memory_space<hbm>>
    %dma_start3A_2497 = arith.constant 0 : i32
    %dma_start3A_2498 = tpu.memref_slice %arg4[%select_n3A_2472, %mul3A_2490, %dma_start3A_2497] : memref<5x16384x128xf32, #tpu.memory_space<hbm>> -> memref<1x128x32xf32, #tpu.memory_space<hbm>>
    %dma_start3A_2499 = tpu.memref_squeeze %dma_start3A_2498 : memref<1x128x32xf32, #tpu.memory_space<hbm>> -> memref<128x32xf32, #tpu.memory_space<hbm>>
    %dma_start3A_2500 = arith.constant 1536 : i32
    %dma_start3A_2501 = arith.constant 0 : i32
    %dma_start3A_2502 = tpu.memref_slice %arg6[%dma_start3A_2500, %dma_start3A_2501] : memref<2560x32xf32, #tpu.memory_space<vmem>> -> memref<128x32xf32, #tpu.memory_space<vmem>>
    tpu.enqueue_dma source(%dma_start3A_2502 : memref<128x32xf32, #tpu.memory_space<vmem>>) target(%dma_start3A_2499 : memref<128x32xf32, #tpu.memory_space<hbm>>) target_semaphore(%arg7 : memref<!tpu.dma_semaphore, #tpu.memory_space<semaphore_mem>>)
    %mul3A_2503 = arith.constant 20 : i32
    %mul3A_2504 = arith.muli %add3A, %mul3A_2503 : i32
    %add3A_2505 = arith.constant 13 : i32
    %add3A_2506 = arith.addi %mul3A_2504, %add3A_2505 : i32
    %jit3A_2507 = arith.constant 128 : i32
    %div3A_2508 = arith.divsi %add3A_2506, %jit3A_2507 : i32
    %sign3A_2509 = arith.constant 0 : i32
    %sign3A_2510 = arith.cmpi sgt, %add3A_2506, %sign3A_2509 : i32
    %sign3A_2511 = arith.extui %sign3A_2510 : i1 to i32
    %sign3A_2512 = arith.constant 0 : i32
    %sign3A_2513 = arith.cmpi slt, %add3A_2506, %sign3A_2512 : i32
    %sign3A_2514 = arith.extui %sign3A_2513 : i1 to i32
    %sign3A_2515 = arith.subi %sign3A_2511, %sign3A_2514 : i32
    %sign3A_2516 = arith.constant 0 : i32
    %sign3A_2517 = arith.cmpi sgt, %jit3A_2507, %sign3A_2516 : i32
    %sign3A_2518 = arith.extui %sign3A_2517 : i1 to i32
    %sign3A_2519 = arith.constant 0 : i32
    %sign3A_2520 = arith.cmpi slt, %jit3A_2507, %sign3A_2519 : i32
    %sign3A_2521 = arith.extui %sign3A_2520 : i1 to i32
    %sign3A_2522 = arith.subi %sign3A_2518, %sign3A_2521 : i32
    %ne3A_2523 = arith.cmpi ne, %sign3A_2515, %sign3A_2522 : i32
    %rem3A_2524 = arith.remsi %add3A_2506, %jit3A_2507 : i32
    %ne3A_2525 = arith.constant 0 : i32
    %ne3A_2526 = arith.cmpi ne, %rem3A_2524, %ne3A_2525 : i32
    %and3A_2527 = arith.andi %ne3A_2523, %ne3A_2526 : i1
    %sub3A_2528 = arith.constant 1 : i32
    %sub3A_2529 = arith.subi %div3A_2508, %sub3A_2528 : i32
    %select_n3A_2530 = arith.select %and3A_2527, %sub3A_2529, %div3A_2508 : i32
    %jit3A_2531 = arith.constant 128 : i32
    %eq3A_2532 = arith.constant 0 : i32
    %eq3A_2533 = arith.cmpi eq, %jit3A_2531, %eq3A_2532 : i32
    %jit3A_2534 = arith.constant 1 : i32
    %select_n3A_2535 = arith.select %eq3A_2533, %jit3A_2534, %jit3A_2531 : i32
    %rem3A_2536 = arith.remsi %add3A_2506, %select_n3A_2535 : i32
    %ne3A_2537 = arith.constant 0 : i32
    %ne3A_2538 = arith.cmpi ne, %rem3A_2536, %ne3A_2537 : i32
    %lt3A_2539 = arith.constant 0 : i32
    %lt3A_2540 = arith.cmpi slt, %rem3A_2536, %lt3A_2539 : i32
    %lt3A_2541 = arith.constant 0 : i32
    %lt3A_2542 = arith.cmpi slt, %select_n3A_2535, %lt3A_2541 : i32
    %ne3A_2543 = arith.xori %lt3A_2540, %lt3A_2542 : i1
    %and3A_2544 = arith.andi %ne3A_2543, %ne3A_2538 : i1
    %add3A_2545 = arith.addi %rem3A_2536, %select_n3A_2535 : i32
    %select_n3A_2546 = arith.select %and3A_2544, %add3A_2545, %rem3A_2536 : i32
    %mul3A_2547 = arith.constant 128 : i32
    %mul3A_2548 = arith.muli %select_n3A_2546, %mul3A_2547 : i32
    %dma_start3A_2549 = arith.constant 1664 : i32
    %dma_start3A_2550 = arith.constant 0 : i32
    %dma_start3A_2551 = tpu.memref_slice %arg6[%dma_start3A_2549, %dma_start3A_2550] : memref<2560x32xf32, #tpu.memory_space<vmem>> -> memref<128x32xf32, #tpu.memory_space<vmem>>
    %dma_start3A_2552 = arith.constant 0 : i32
    %dma_start3A_2553 = tpu.memref_slice %arg4[%select_n3A_2530, %mul3A_2548, %dma_start3A_2552] : memref<5x16384x128xf32, #tpu.memory_space<hbm>> -> memref<1x128x32xf32, #tpu.memory_space<hbm>>
    %dma_start3A_2554 = tpu.memref_squeeze %dma_start3A_2553 : memref<1x128x32xf32, #tpu.memory_space<hbm>> -> memref<128x32xf32, #tpu.memory_space<hbm>>
    %dma_start3A_2555 = arith.constant 0 : i32
    %dma_start3A_2556 = tpu.memref_slice %arg4[%select_n3A_2530, %mul3A_2548, %dma_start3A_2555] : memref<5x16384x128xf32, #tpu.memory_space<hbm>> -> memref<1x128x32xf32, #tpu.memory_space<hbm>>
    %dma_start3A_2557 = tpu.memref_squeeze %dma_start3A_2556 : memref<1x128x32xf32, #tpu.memory_space<hbm>> -> memref<128x32xf32, #tpu.memory_space<hbm>>
    %dma_start3A_2558 = arith.constant 1664 : i32
    %dma_start3A_2559 = arith.constant 0 : i32
    %dma_start3A_2560 = tpu.memref_slice %arg6[%dma_start3A_2558, %dma_start3A_2559] : memref<2560x32xf32, #tpu.memory_space<vmem>> -> memref<128x32xf32, #tpu.memory_space<vmem>>
    tpu.enqueue_dma source(%dma_start3A_2560 : memref<128x32xf32, #tpu.memory_space<vmem>>) target(%dma_start3A_2557 : memref<128x32xf32, #tpu.memory_space<hbm>>) target_semaphore(%arg7 : memref<!tpu.dma_semaphore, #tpu.memory_space<semaphore_mem>>)
    %mul3A_2561 = arith.constant 20 : i32
    %mul3A_2562 = arith.muli %add3A, %mul3A_2561 : i32
    %add3A_2563 = arith.constant 14 : i32
    %add3A_2564 = arith.addi %mul3A_2562, %add3A_2563 : i32
    %jit3A_2565 = arith.constant 128 : i32
    %div3A_2566 = arith.divsi %add3A_2564, %jit3A_2565 : i32
    %sign3A_2567 = arith.constant 0 : i32
    %sign3A_2568 = arith.cmpi sgt, %add3A_2564, %sign3A_2567 : i32
    %sign3A_2569 = arith.extui %sign3A_2568 : i1 to i32
    %sign3A_2570 = arith.constant 0 : i32
    %sign3A_2571 = arith.cmpi slt, %add3A_2564, %sign3A_2570 : i32
    %sign3A_2572 = arith.extui %sign3A_2571 : i1 to i32
    %sign3A_2573 = arith.subi %sign3A_2569, %sign3A_2572 : i32
    %sign3A_2574 = arith.constant 0 : i32
    %sign3A_2575 = arith.cmpi sgt, %jit3A_2565, %sign3A_2574 : i32
    %sign3A_2576 = arith.extui %sign3A_2575 : i1 to i32
    %sign3A_2577 = arith.constant 0 : i32
    %sign3A_2578 = arith.cmpi slt, %jit3A_2565, %sign3A_2577 : i32
    %sign3A_2579 = arith.extui %sign3A_2578 : i1 to i32
    %sign3A_2580 = arith.subi %sign3A_2576, %sign3A_2579 : i32
    %ne3A_2581 = arith.cmpi ne, %sign3A_2573, %sign3A_2580 : i32
    %rem3A_2582 = arith.remsi %add3A_2564, %jit3A_2565 : i32
    %ne3A_2583 = arith.constant 0 : i32
    %ne3A_2584 = arith.cmpi ne, %rem3A_2582, %ne3A_2583 : i32
    %and3A_2585 = arith.andi %ne3A_2581, %ne3A_2584 : i1
    %sub3A_2586 = arith.constant 1 : i32
    %sub3A_2587 = arith.subi %div3A_2566, %sub3A_2586 : i32
    %select_n3A_2588 = arith.select %and3A_2585, %sub3A_2587, %div3A_2566 : i32
    %jit3A_2589 = arith.constant 128 : i32
    %eq3A_2590 = arith.constant 0 : i32
    %eq3A_2591 = arith.cmpi eq, %jit3A_2589, %eq3A_2590 : i32
    %jit3A_2592 = arith.constant 1 : i32
    %select_n3A_2593 = arith.select %eq3A_2591, %jit3A_2592, %jit3A_2589 : i32
    %rem3A_2594 = arith.remsi %add3A_2564, %select_n3A_2593 : i32
    %ne3A_2595 = arith.constant 0 : i32
    %ne3A_2596 = arith.cmpi ne, %rem3A_2594, %ne3A_2595 : i32
    %lt3A_2597 = arith.constant 0 : i32
    %lt3A_2598 = arith.cmpi slt, %rem3A_2594, %lt3A_2597 : i32
    %lt3A_2599 = arith.constant 0 : i32
    %lt3A_2600 = arith.cmpi slt, %select_n3A_2593, %lt3A_2599 : i32
    %ne3A_2601 = arith.xori %lt3A_2598, %lt3A_2600 : i1
    %and3A_2602 = arith.andi %ne3A_2601, %ne3A_2596 : i1
    %add3A_2603 = arith.addi %rem3A_2594, %select_n3A_2593 : i32
    %select_n3A_2604 = arith.select %and3A_2602, %add3A_2603, %rem3A_2594 : i32
    %mul3A_2605 = arith.constant 128 : i32
    %mul3A_2606 = arith.muli %select_n3A_2604, %mul3A_2605 : i32
    %dma_start3A_2607 = arith.constant 1792 : i32
    %dma_start3A_2608 = arith.constant 0 : i32
    %dma_start3A_2609 = tpu.memref_slice %arg6[%dma_start3A_2607, %dma_start3A_2608] : memref<2560x32xf32, #tpu.memory_space<vmem>> -> memref<128x32xf32, #tpu.memory_space<vmem>>
    %dma_start3A_2610 = arith.constant 0 : i32
    %dma_start3A_2611 = tpu.memref_slice %arg4[%select_n3A_2588, %mul3A_2606, %dma_start3A_2610] : memref<5x16384x128xf32, #tpu.memory_space<hbm>> -> memref<1x128x32xf32, #tpu.memory_space<hbm>>
    %dma_start3A_2612 = tpu.memref_squeeze %dma_start3A_2611 : memref<1x128x32xf32, #tpu.memory_space<hbm>> -> memref<128x32xf32, #tpu.memory_space<hbm>>
    %dma_start3A_2613 = arith.constant 0 : i32
    %dma_start3A_2614 = tpu.memref_slice %arg4[%select_n3A_2588, %mul3A_2606, %dma_start3A_2613] : memref<5x16384x128xf32, #tpu.memory_space<hbm>> -> memref<1x128x32xf32, #tpu.memory_space<hbm>>
    %dma_start3A_2615 = tpu.memref_squeeze %dma_start3A_2614 : memref<1x128x32xf32, #tpu.memory_space<hbm>> -> memref<128x32xf32, #tpu.memory_space<hbm>>
    %dma_start3A_2616 = arith.constant 1792 : i32
    %dma_start3A_2617 = arith.constant 0 : i32
    %dma_start3A_2618 = tpu.memref_slice %arg6[%dma_start3A_2616, %dma_start3A_2617] : memref<2560x32xf32, #tpu.memory_space<vmem>> -> memref<128x32xf32, #tpu.memory_space<vmem>>
    tpu.enqueue_dma source(%dma_start3A_2618 : memref<128x32xf32, #tpu.memory_space<vmem>>) target(%dma_start3A_2615 : memref<128x32xf32, #tpu.memory_space<hbm>>) target_semaphore(%arg7 : memref<!tpu.dma_semaphore, #tpu.memory_space<semaphore_mem>>)
    %mul3A_2619 = arith.constant 20 : i32
    %mul3A_2620 = arith.muli %add3A, %mul3A_2619 : i32
    %add3A_2621 = arith.constant 15 : i32
    %add3A_2622 = arith.addi %mul3A_2620, %add3A_2621 : i32
    %jit3A_2623 = arith.constant 128 : i32
    %div3A_2624 = arith.divsi %add3A_2622, %jit3A_2623 : i32
    %sign3A_2625 = arith.constant 0 : i32
    %sign3A_2626 = arith.cmpi sgt, %add3A_2622, %sign3A_2625 : i32
    %sign3A_2627 = arith.extui %sign3A_2626 : i1 to i32
    %sign3A_2628 = arith.constant 0 : i32
    %sign3A_2629 = arith.cmpi slt, %add3A_2622, %sign3A_2628 : i32
    %sign3A_2630 = arith.extui %sign3A_2629 : i1 to i32
    %sign3A_2631 = arith.subi %sign3A_2627, %sign3A_2630 : i32
    %sign3A_2632 = arith.constant 0 : i32
    %sign3A_2633 = arith.cmpi sgt, %jit3A_2623, %sign3A_2632 : i32
    %sign3A_2634 = arith.extui %sign3A_2633 : i1 to i32
    %sign3A_2635 = arith.constant 0 : i32
    %sign3A_2636 = arith.cmpi slt, %jit3A_2623, %sign3A_2635 : i32
    %sign3A_2637 = arith.extui %sign3A_2636 : i1 to i32
    %sign3A_2638 = arith.subi %sign3A_2634, %sign3A_2637 : i32
    %ne3A_2639 = arith.cmpi ne, %sign3A_2631, %sign3A_2638 : i32
    %rem3A_2640 = arith.remsi %add3A_2622, %jit3A_2623 : i32
    %ne3A_2641 = arith.constant 0 : i32
    %ne3A_2642 = arith.cmpi ne, %rem3A_2640, %ne3A_2641 : i32
    %and3A_2643 = arith.andi %ne3A_2639, %ne3A_2642 : i1
    %sub3A_2644 = arith.constant 1 : i32
    %sub3A_2645 = arith.subi %div3A_2624, %sub3A_2644 : i32
    %select_n3A_2646 = arith.select %and3A_2643, %sub3A_2645, %div3A_2624 : i32
    %jit3A_2647 = arith.constant 128 : i32
    %eq3A_2648 = arith.constant 0 : i32
    %eq3A_2649 = arith.cmpi eq, %jit3A_2647, %eq3A_2648 : i32
    %jit3A_2650 = arith.constant 1 : i32
    %select_n3A_2651 = arith.select %eq3A_2649, %jit3A_2650, %jit3A_2647 : i32
    %rem3A_2652 = arith.remsi %add3A_2622, %select_n3A_2651 : i32
    %ne3A_2653 = arith.constant 0 : i32
    %ne3A_2654 = arith.cmpi ne, %rem3A_2652, %ne3A_2653 : i32
    %lt3A_2655 = arith.constant 0 : i32
    %lt3A_2656 = arith.cmpi slt, %rem3A_2652, %lt3A_2655 : i32
    %lt3A_2657 = arith.constant 0 : i32
    %lt3A_2658 = arith.cmpi slt, %select_n3A_2651, %lt3A_2657 : i32
    %ne3A_2659 = arith.xori %lt3A_2656, %lt3A_2658 : i1
    %and3A_2660 = arith.andi %ne3A_2659, %ne3A_2654 : i1
    %add3A_2661 = arith.addi %rem3A_2652, %select_n3A_2651 : i32
    %select_n3A_2662 = arith.select %and3A_2660, %add3A_2661, %rem3A_2652 : i32
    %mul3A_2663 = arith.constant 128 : i32
    %mul3A_2664 = arith.muli %select_n3A_2662, %mul3A_2663 : i32
    %dma_start3A_2665 = arith.constant 1920 : i32
    %dma_start3A_2666 = arith.constant 0 : i32
    %dma_start3A_2667 = tpu.memref_slice %arg6[%dma_start3A_2665, %dma_start3A_2666] : memref<2560x32xf32, #tpu.memory_space<vmem>> -> memref<128x32xf32, #tpu.memory_space<vmem>>
    %dma_start3A_2668 = arith.constant 0 : i32
    %dma_start3A_2669 = tpu.memref_slice %arg4[%select_n3A_2646, %mul3A_2664, %dma_start3A_2668] : memref<5x16384x128xf32, #tpu.memory_space<hbm>> -> memref<1x128x32xf32, #tpu.memory_space<hbm>>
    %dma_start3A_2670 = tpu.memref_squeeze %dma_start3A_2669 : memref<1x128x32xf32, #tpu.memory_space<hbm>> -> memref<128x32xf32, #tpu.memory_space<hbm>>
    %dma_start3A_2671 = arith.constant 0 : i32
    %dma_start3A_2672 = tpu.memref_slice %arg4[%select_n3A_2646, %mul3A_2664, %dma_start3A_2671] : memref<5x16384x128xf32, #tpu.memory_space<hbm>> -> memref<1x128x32xf32, #tpu.memory_space<hbm>>
    %dma_start3A_2673 = tpu.memref_squeeze %dma_start3A_2672 : memref<1x128x32xf32, #tpu.memory_space<hbm>> -> memref<128x32xf32, #tpu.memory_space<hbm>>
    %dma_start3A_2674 = arith.constant 1920 : i32
    %dma_start3A_2675 = arith.constant 0 : i32
    %dma_start3A_2676 = tpu.memref_slice %arg6[%dma_start3A_2674, %dma_start3A_2675] : memref<2560x32xf32, #tpu.memory_space<vmem>> -> memref<128x32xf32, #tpu.memory_space<vmem>>
    tpu.enqueue_dma source(%dma_start3A_2676 : memref<128x32xf32, #tpu.memory_space<vmem>>) target(%dma_start3A_2673 : memref<128x32xf32, #tpu.memory_space<hbm>>) target_semaphore(%arg7 : memref<!tpu.dma_semaphore, #tpu.memory_space<semaphore_mem>>)
    %mul3A_2677 = arith.constant 20 : i32
    %mul3A_2678 = arith.muli %add3A, %mul3A_2677 : i32
    %add3A_2679 = arith.constant 16 : i32
    %add3A_2680 = arith.addi %mul3A_2678, %add3A_2679 : i32
    %jit3A_2681 = arith.constant 128 : i32
    %div3A_2682 = arith.divsi %add3A_2680, %jit3A_2681 : i32
    %sign3A_2683 = arith.constant 0 : i32
    %sign3A_2684 = arith.cmpi sgt, %add3A_2680, %sign3A_2683 : i32
    %sign3A_2685 = arith.extui %sign3A_2684 : i1 to i32
    %sign3A_2686 = arith.constant 0 : i32
    %sign3A_2687 = arith.cmpi slt, %add3A_2680, %sign3A_2686 : i32
    %sign3A_2688 = arith.extui %sign3A_2687 : i1 to i32
    %sign3A_2689 = arith.subi %sign3A_2685, %sign3A_2688 : i32
    %sign3A_2690 = arith.constant 0 : i32
    %sign3A_2691 = arith.cmpi sgt, %jit3A_2681, %sign3A_2690 : i32
    %sign3A_2692 = arith.extui %sign3A_2691 : i1 to i32
    %sign3A_2693 = arith.constant 0 : i32
    %sign3A_2694 = arith.cmpi slt, %jit3A_2681, %sign3A_2693 : i32
    %sign3A_2695 = arith.extui %sign3A_2694 : i1 to i32
    %sign3A_2696 = arith.subi %sign3A_2692, %sign3A_2695 : i32
    %ne3A_2697 = arith.cmpi ne, %sign3A_2689, %sign3A_2696 : i32
    %rem3A_2698 = arith.remsi %add3A_2680, %jit3A_2681 : i32
    %ne3A_2699 = arith.constant 0 : i32
    %ne3A_2700 = arith.cmpi ne, %rem3A_2698, %ne3A_2699 : i32
    %and3A_2701 = arith.andi %ne3A_2697, %ne3A_2700 : i1
    %sub3A_2702 = arith.constant 1 : i32
    %sub3A_2703 = arith.subi %div3A_2682, %sub3A_2702 : i32
    %select_n3A_2704 = arith.select %and3A_2701, %sub3A_2703, %div3A_2682 : i32
    %jit3A_2705 = arith.constant 128 : i32
    %eq3A_2706 = arith.constant 0 : i32
    %eq3A_2707 = arith.cmpi eq, %jit3A_2705, %eq3A_2706 : i32
    %jit3A_2708 = arith.constant 1 : i32
    %select_n3A_2709 = arith.select %eq3A_2707, %jit3A_2708, %jit3A_2705 : i32
    %rem3A_2710 = arith.remsi %add3A_2680, %select_n3A_2709 : i32
    %ne3A_2711 = arith.constant 0 : i32
    %ne3A_2712 = arith.cmpi ne, %rem3A_2710, %ne3A_2711 : i32
    %lt3A_2713 = arith.constant 0 : i32
    %lt3A_2714 = arith.cmpi slt, %rem3A_2710, %lt3A_2713 : i32
    %lt3A_2715 = arith.constant 0 : i32
    %lt3A_2716 = arith.cmpi slt, %select_n3A_2709, %lt3A_2715 : i32
    %ne3A_2717 = arith.xori %lt3A_2714, %lt3A_2716 : i1
    %and3A_2718 = arith.andi %ne3A_2717, %ne3A_2712 : i1
    %add3A_2719 = arith.addi %rem3A_2710, %select_n3A_2709 : i32
    %select_n3A_2720 = arith.select %and3A_2718, %add3A_2719, %rem3A_2710 : i32
    %mul3A_2721 = arith.constant 128 : i32
    %mul3A_2722 = arith.muli %select_n3A_2720, %mul3A_2721 : i32
    %dma_start3A_2723 = arith.constant 2048 : i32
    %dma_start3A_2724 = arith.constant 0 : i32
    %dma_start3A_2725 = tpu.memref_slice %arg6[%dma_start3A_2723, %dma_start3A_2724] : memref<2560x32xf32, #tpu.memory_space<vmem>> -> memref<128x32xf32, #tpu.memory_space<vmem>>
    %dma_start3A_2726 = arith.constant 0 : i32
    %dma_start3A_2727 = tpu.memref_slice %arg4[%select_n3A_2704, %mul3A_2722, %dma_start3A_2726] : memref<5x16384x128xf32, #tpu.memory_space<hbm>> -> memref<1x128x32xf32, #tpu.memory_space<hbm>>
    %dma_start3A_2728 = tpu.memref_squeeze %dma_start3A_2727 : memref<1x128x32xf32, #tpu.memory_space<hbm>> -> memref<128x32xf32, #tpu.memory_space<hbm>>
    %dma_start3A_2729 = arith.constant 0 : i32
    %dma_start3A_2730 = tpu.memref_slice %arg4[%select_n3A_2704, %mul3A_2722, %dma_start3A_2729] : memref<5x16384x128xf32, #tpu.memory_space<hbm>> -> memref<1x128x32xf32, #tpu.memory_space<hbm>>
    %dma_start3A_2731 = tpu.memref_squeeze %dma_start3A_2730 : memref<1x128x32xf32, #tpu.memory_space<hbm>> -> memref<128x32xf32, #tpu.memory_space<hbm>>
    %dma_start3A_2732 = arith.constant 2048 : i32
    %dma_start3A_2733 = arith.constant 0 : i32
    %dma_start3A_2734 = tpu.memref_slice %arg6[%dma_start3A_2732, %dma_start3A_2733] : memref<2560x32xf32, #tpu.memory_space<vmem>> -> memref<128x32xf32, #tpu.memory_space<vmem>>
    tpu.enqueue_dma source(%dma_start3A_2734 : memref<128x32xf32, #tpu.memory_space<vmem>>) target(%dma_start3A_2731 : memref<128x32xf32, #tpu.memory_space<hbm>>) target_semaphore(%arg7 : memref<!tpu.dma_semaphore, #tpu.memory_space<semaphore_mem>>)
    %mul3A_2735 = arith.constant 20 : i32
    %mul3A_2736 = arith.muli %add3A, %mul3A_2735 : i32
    %add3A_2737 = arith.constant 17 : i32
    %add3A_2738 = arith.addi %mul3A_2736, %add3A_2737 : i32
    %jit3A_2739 = arith.constant 128 : i32
    %div3A_2740 = arith.divsi %add3A_2738, %jit3A_2739 : i32
    %sign3A_2741 = arith.constant 0 : i32
    %sign3A_2742 = arith.cmpi sgt, %add3A_2738, %sign3A_2741 : i32
    %sign3A_2743 = arith.extui %sign3A_2742 : i1 to i32
    %sign3A_2744 = arith.constant 0 : i32
    %sign3A_2745 = arith.cmpi slt, %add3A_2738, %sign3A_2744 : i32
    %sign3A_2746 = arith.extui %sign3A_2745 : i1 to i32
    %sign3A_2747 = arith.subi %sign3A_2743, %sign3A_2746 : i32
    %sign3A_2748 = arith.constant 0 : i32
    %sign3A_2749 = arith.cmpi sgt, %jit3A_2739, %sign3A_2748 : i32
    %sign3A_2750 = arith.extui %sign3A_2749 : i1 to i32
    %sign3A_2751 = arith.constant 0 : i32
    %sign3A_2752 = arith.cmpi slt, %jit3A_2739, %sign3A_2751 : i32
    %sign3A_2753 = arith.extui %sign3A_2752 : i1 to i32
    %sign3A_2754 = arith.subi %sign3A_2750, %sign3A_2753 : i32
    %ne3A_2755 = arith.cmpi ne, %sign3A_2747, %sign3A_2754 : i32
    %rem3A_2756 = arith.remsi %add3A_2738, %jit3A_2739 : i32
    %ne3A_2757 = arith.constant 0 : i32
    %ne3A_2758 = arith.cmpi ne, %rem3A_2756, %ne3A_2757 : i32
    %and3A_2759 = arith.andi %ne3A_2755, %ne3A_2758 : i1
    %sub3A_2760 = arith.constant 1 : i32
    %sub3A_2761 = arith.subi %div3A_2740, %sub3A_2760 : i32
    %select_n3A_2762 = arith.select %and3A_2759, %sub3A_2761, %div3A_2740 : i32
    %jit3A_2763 = arith.constant 128 : i32
    %eq3A_2764 = arith.constant 0 : i32
    %eq3A_2765 = arith.cmpi eq, %jit3A_2763, %eq3A_2764 : i32
    %jit3A_2766 = arith.constant 1 : i32
    %select_n3A_2767 = arith.select %eq3A_2765, %jit3A_2766, %jit3A_2763 : i32
    %rem3A_2768 = arith.remsi %add3A_2738, %select_n3A_2767 : i32
    %ne3A_2769 = arith.constant 0 : i32
    %ne3A_2770 = arith.cmpi ne, %rem3A_2768, %ne3A_2769 : i32
    %lt3A_2771 = arith.constant 0 : i32
    %lt3A_2772 = arith.cmpi slt, %rem3A_2768, %lt3A_2771 : i32
    %lt3A_2773 = arith.constant 0 : i32
    %lt3A_2774 = arith.cmpi slt, %select_n3A_2767, %lt3A_2773 : i32
    %ne3A_2775 = arith.xori %lt3A_2772, %lt3A_2774 : i1
    %and3A_2776 = arith.andi %ne3A_2775, %ne3A_2770 : i1
    %add3A_2777 = arith.addi %rem3A_2768, %select_n3A_2767 : i32
    %select_n3A_2778 = arith.select %and3A_2776, %add3A_2777, %rem3A_2768 : i32
    %mul3A_2779 = arith.constant 128 : i32
    %mul3A_2780 = arith.muli %select_n3A_2778, %mul3A_2779 : i32
    %dma_start3A_2781 = arith.constant 2176 : i32
    %dma_start3A_2782 = arith.constant 0 : i32
    %dma_start3A_2783 = tpu.memref_slice %arg6[%dma_start3A_2781, %dma_start3A_2782] : memref<2560x32xf32, #tpu.memory_space<vmem>> -> memref<128x32xf32, #tpu.memory_space<vmem>>
    %dma_start3A_2784 = arith.constant 0 : i32
    %dma_start3A_2785 = tpu.memref_slice %arg4[%select_n3A_2762, %mul3A_2780, %dma_start3A_2784] : memref<5x16384x128xf32, #tpu.memory_space<hbm>> -> memref<1x128x32xf32, #tpu.memory_space<hbm>>
    %dma_start3A_2786 = tpu.memref_squeeze %dma_start3A_2785 : memref<1x128x32xf32, #tpu.memory_space<hbm>> -> memref<128x32xf32, #tpu.memory_space<hbm>>
    %dma_start3A_2787 = arith.constant 0 : i32
    %dma_start3A_2788 = tpu.memref_slice %arg4[%select_n3A_2762, %mul3A_2780, %dma_start3A_2787] : memref<5x16384x128xf32, #tpu.memory_space<hbm>> -> memref<1x128x32xf32, #tpu.memory_space<hbm>>
    %dma_start3A_2789 = tpu.memref_squeeze %dma_start3A_2788 : memref<1x128x32xf32, #tpu.memory_space<hbm>> -> memref<128x32xf32, #tpu.memory_space<hbm>>
    %dma_start3A_2790 = arith.constant 2176 : i32
    %dma_start3A_2791 = arith.constant 0 : i32
    %dma_start3A_2792 = tpu.memref_slice %arg6[%dma_start3A_2790, %dma_start3A_2791] : memref<2560x32xf32, #tpu.memory_space<vmem>> -> memref<128x32xf32, #tpu.memory_space<vmem>>
    tpu.enqueue_dma source(%dma_start3A_2792 : memref<128x32xf32, #tpu.memory_space<vmem>>) target(%dma_start3A_2789 : memref<128x32xf32, #tpu.memory_space<hbm>>) target_semaphore(%arg7 : memref<!tpu.dma_semaphore, #tpu.memory_space<semaphore_mem>>)
    %mul3A_2793 = arith.constant 20 : i32
    %mul3A_2794 = arith.muli %add3A, %mul3A_2793 : i32
    %add3A_2795 = arith.constant 18 : i32
    %add3A_2796 = arith.addi %mul3A_2794, %add3A_2795 : i32
    %jit3A_2797 = arith.constant 128 : i32
    %div3A_2798 = arith.divsi %add3A_2796, %jit3A_2797 : i32
    %sign3A_2799 = arith.constant 0 : i32
    %sign3A_2800 = arith.cmpi sgt, %add3A_2796, %sign3A_2799 : i32
    %sign3A_2801 = arith.extui %sign3A_2800 : i1 to i32
    %sign3A_2802 = arith.constant 0 : i32
    %sign3A_2803 = arith.cmpi slt, %add3A_2796, %sign3A_2802 : i32
    %sign3A_2804 = arith.extui %sign3A_2803 : i1 to i32
    %sign3A_2805 = arith.subi %sign3A_2801, %sign3A_2804 : i32
    %sign3A_2806 = arith.constant 0 : i32
    %sign3A_2807 = arith.cmpi sgt, %jit3A_2797, %sign3A_2806 : i32
    %sign3A_2808 = arith.extui %sign3A_2807 : i1 to i32
    %sign3A_2809 = arith.constant 0 : i32
    %sign3A_2810 = arith.cmpi slt, %jit3A_2797, %sign3A_2809 : i32
    %sign3A_2811 = arith.extui %sign3A_2810 : i1 to i32
    %sign3A_2812 = arith.subi %sign3A_2808, %sign3A_2811 : i32
    %ne3A_2813 = arith.cmpi ne, %sign3A_2805, %sign3A_2812 : i32
    %rem3A_2814 = arith.remsi %add3A_2796, %jit3A_2797 : i32
    %ne3A_2815 = arith.constant 0 : i32
    %ne3A_2816 = arith.cmpi ne, %rem3A_2814, %ne3A_2815 : i32
    %and3A_2817 = arith.andi %ne3A_2813, %ne3A_2816 : i1
    %sub3A_2818 = arith.constant 1 : i32
    %sub3A_2819 = arith.subi %div3A_2798, %sub3A_2818 : i32
    %select_n3A_2820 = arith.select %and3A_2817, %sub3A_2819, %div3A_2798 : i32
    %jit3A_2821 = arith.constant 128 : i32
    %eq3A_2822 = arith.constant 0 : i32
    %eq3A_2823 = arith.cmpi eq, %jit3A_2821, %eq3A_2822 : i32
    %jit3A_2824 = arith.constant 1 : i32
    %select_n3A_2825 = arith.select %eq3A_2823, %jit3A_2824, %jit3A_2821 : i32
    %rem3A_2826 = arith.remsi %add3A_2796, %select_n3A_2825 : i32
    %ne3A_2827 = arith.constant 0 : i32
    %ne3A_2828 = arith.cmpi ne, %rem3A_2826, %ne3A_2827 : i32
    %lt3A_2829 = arith.constant 0 : i32
    %lt3A_2830 = arith.cmpi slt, %rem3A_2826, %lt3A_2829 : i32
    %lt3A_2831 = arith.constant 0 : i32
    %lt3A_2832 = arith.cmpi slt, %select_n3A_2825, %lt3A_2831 : i32
    %ne3A_2833 = arith.xori %lt3A_2830, %lt3A_2832 : i1
    %and3A_2834 = arith.andi %ne3A_2833, %ne3A_2828 : i1
    %add3A_2835 = arith.addi %rem3A_2826, %select_n3A_2825 : i32
    %select_n3A_2836 = arith.select %and3A_2834, %add3A_2835, %rem3A_2826 : i32
    %mul3A_2837 = arith.constant 128 : i32
    %mul3A_2838 = arith.muli %select_n3A_2836, %mul3A_2837 : i32
    %dma_start3A_2839 = arith.constant 2304 : i32
    %dma_start3A_2840 = arith.constant 0 : i32
    %dma_start3A_2841 = tpu.memref_slice %arg6[%dma_start3A_2839, %dma_start3A_2840] : memref<2560x32xf32, #tpu.memory_space<vmem>> -> memref<128x32xf32, #tpu.memory_space<vmem>>
    %dma_start3A_2842 = arith.constant 0 : i32
    %dma_start3A_2843 = tpu.memref_slice %arg4[%select_n3A_2820, %mul3A_2838, %dma_start3A_2842] : memref<5x16384x128xf32, #tpu.memory_space<hbm>> -> memref<1x128x32xf32, #tpu.memory_space<hbm>>
    %dma_start3A_2844 = tpu.memref_squeeze %dma_start3A_2843 : memref<1x128x32xf32, #tpu.memory_space<hbm>> -> memref<128x32xf32, #tpu.memory_space<hbm>>
    %dma_start3A_2845 = arith.constant 0 : i32
    %dma_start3A_2846 = tpu.memref_slice %arg4[%select_n3A_2820, %mul3A_2838, %dma_start3A_2845] : memref<5x16384x128xf32, #tpu.memory_space<hbm>> -> memref<1x128x32xf32, #tpu.memory_space<hbm>>
    %dma_start3A_2847 = tpu.memref_squeeze %dma_start3A_2846 : memref<1x128x32xf32, #tpu.memory_space<hbm>> -> memref<128x32xf32, #tpu.memory_space<hbm>>
    %dma_start3A_2848 = arith.constant 2304 : i32
    %dma_start3A_2849 = arith.constant 0 : i32
    %dma_start3A_2850 = tpu.memref_slice %arg6[%dma_start3A_2848, %dma_start3A_2849] : memref<2560x32xf32, #tpu.memory_space<vmem>> -> memref<128x32xf32, #tpu.memory_space<vmem>>
    tpu.enqueue_dma source(%dma_start3A_2850 : memref<128x32xf32, #tpu.memory_space<vmem>>) target(%dma_start3A_2847 : memref<128x32xf32, #tpu.memory_space<hbm>>) target_semaphore(%arg7 : memref<!tpu.dma_semaphore, #tpu.memory_space<semaphore_mem>>)
    %mul3A_2851 = arith.constant 20 : i32
    %mul3A_2852 = arith.muli %add3A, %mul3A_2851 : i32
    %add3A_2853 = arith.constant 19 : i32
    %add3A_2854 = arith.addi %mul3A_2852, %add3A_2853 : i32
    %jit3A_2855 = arith.constant 128 : i32
    %div3A_2856 = arith.divsi %add3A_2854, %jit3A_2855 : i32
    %sign3A_2857 = arith.constant 0 : i32
    %sign3A_2858 = arith.cmpi sgt, %add3A_2854, %sign3A_2857 : i32
    %sign3A_2859 = arith.extui %sign3A_2858 : i1 to i32
    %sign3A_2860 = arith.constant 0 : i32
    %sign3A_2861 = arith.cmpi slt, %add3A_2854, %sign3A_2860 : i32
    %sign3A_2862 = arith.extui %sign3A_2861 : i1 to i32
    %sign3A_2863 = arith.subi %sign3A_2859, %sign3A_2862 : i32
    %sign3A_2864 = arith.constant 0 : i32
    %sign3A_2865 = arith.cmpi sgt, %jit3A_2855, %sign3A_2864 : i32
    %sign3A_2866 = arith.extui %sign3A_2865 : i1 to i32
    %sign3A_2867 = arith.constant 0 : i32
    %sign3A_2868 = arith.cmpi slt, %jit3A_2855, %sign3A_2867 : i32
    %sign3A_2869 = arith.extui %sign3A_2868 : i1 to i32
    %sign3A_2870 = arith.subi %sign3A_2866, %sign3A_2869 : i32
    %ne3A_2871 = arith.cmpi ne, %sign3A_2863, %sign3A_2870 : i32
    %rem3A_2872 = arith.remsi %add3A_2854, %jit3A_2855 : i32
    %ne3A_2873 = arith.constant 0 : i32
    %ne3A_2874 = arith.cmpi ne, %rem3A_2872, %ne3A_2873 : i32
    %and3A_2875 = arith.andi %ne3A_2871, %ne3A_2874 : i1
    %sub3A_2876 = arith.constant 1 : i32
    %sub3A_2877 = arith.subi %div3A_2856, %sub3A_2876 : i32
    %select_n3A_2878 = arith.select %and3A_2875, %sub3A_2877, %div3A_2856 : i32
    %jit3A_2879 = arith.constant 128 : i32
    %eq3A_2880 = arith.constant 0 : i32
    %eq3A_2881 = arith.cmpi eq, %jit3A_2879, %eq3A_2880 : i32
    %jit3A_2882 = arith.constant 1 : i32
    %select_n3A_2883 = arith.select %eq3A_2881, %jit3A_2882, %jit3A_2879 : i32
    %rem3A_2884 = arith.remsi %add3A_2854, %select_n3A_2883 : i32
    %ne3A_2885 = arith.constant 0 : i32
    %ne3A_2886 = arith.cmpi ne, %rem3A_2884, %ne3A_2885 : i32
    %lt3A_2887 = arith.constant 0 : i32
    %lt3A_2888 = arith.cmpi slt, %rem3A_2884, %lt3A_2887 : i32
    %lt3A_2889 = arith.constant 0 : i32
    %lt3A_2890 = arith.cmpi slt, %select_n3A_2883, %lt3A_2889 : i32
    %ne3A_2891 = arith.xori %lt3A_2888, %lt3A_2890 : i1
    %and3A_2892 = arith.andi %ne3A_2891, %ne3A_2886 : i1
    %add3A_2893 = arith.addi %rem3A_2884, %select_n3A_2883 : i32
    %select_n3A_2894 = arith.select %and3A_2892, %add3A_2893, %rem3A_2884 : i32
    %mul3A_2895 = arith.constant 128 : i32
    %mul3A_2896 = arith.muli %select_n3A_2894, %mul3A_2895 : i32
    %dma_start3A_2897 = arith.constant 2432 : i32
    %dma_start3A_2898 = arith.constant 0 : i32
    %dma_start3A_2899 = tpu.memref_slice %arg6[%dma_start3A_2897, %dma_start3A_2898] : memref<2560x32xf32, #tpu.memory_space<vmem>> -> memref<128x32xf32, #tpu.memory_space<vmem>>
    %dma_start3A_2900 = arith.constant 0 : i32
    %dma_start3A_2901 = tpu.memref_slice %arg4[%select_n3A_2878, %mul3A_2896, %dma_start3A_2900] : memref<5x16384x128xf32, #tpu.memory_space<hbm>> -> memref<1x128x32xf32, #tpu.memory_space<hbm>>
    %dma_start3A_2902 = tpu.memref_squeeze %dma_start3A_2901 : memref<1x128x32xf32, #tpu.memory_space<hbm>> -> memref<128x32xf32, #tpu.memory_space<hbm>>
    %dma_start3A_2903 = arith.constant 0 : i32
    %dma_start3A_2904 = tpu.memref_slice %arg4[%select_n3A_2878, %mul3A_2896, %dma_start3A_2903] : memref<5x16384x128xf32, #tpu.memory_space<hbm>> -> memref<1x128x32xf32, #tpu.memory_space<hbm>>
    %dma_start3A_2905 = tpu.memref_squeeze %dma_start3A_2904 : memref<1x128x32xf32, #tpu.memory_space<hbm>> -> memref<128x32xf32, #tpu.memory_space<hbm>>
    %dma_start3A_2906 = arith.constant 2432 : i32
    %dma_start3A_2907 = arith.constant 0 : i32
    %dma_start3A_2908 = tpu.memref_slice %arg6[%dma_start3A_2906, %dma_start3A_2907] : memref<2560x32xf32, #tpu.memory_space<vmem>> -> memref<128x32xf32, #tpu.memory_space<vmem>>
    tpu.enqueue_dma source(%dma_start3A_2908 : memref<128x32xf32, #tpu.memory_space<vmem>>) target(%dma_start3A_2905 : memref<128x32xf32, #tpu.memory_space<hbm>>) target_semaphore(%arg7 : memref<!tpu.dma_semaphore, #tpu.memory_space<semaphore_mem>>)
    %dma_wait3A_2909 = arith.constant 0 : i32
    %dma_wait3A_2910 = arith.constant 0 : i32
    %dma_wait3A_2911 = tpu.memref_slice %arg6[%dma_wait3A_2909, %dma_wait3A_2910] : memref<2560x32xf32, #tpu.memory_space<vmem>> -> memref<128x32xf32, #tpu.memory_space<vmem>>
    %dma_wait3A_2912 = arith.constant 0 : i32
    %dma_wait3A_2913 = tpu.memref_slice %arg4[%select_n3A_1776, %mul3A_1794, %dma_wait3A_2912] : memref<5x16384x128xf32, #tpu.memory_space<hbm>> -> memref<1x128x32xf32, #tpu.memory_space<hbm>>
    %dma_wait3A_2914 = tpu.memref_squeeze %dma_wait3A_2913 : memref<1x128x32xf32, #tpu.memory_space<hbm>> -> memref<128x32xf32, #tpu.memory_space<hbm>>
    %dma_wait3A_2915 = arith.constant 0 : i32
    %dma_wait3A_2916 = tpu.memref_slice %arg4[%select_n3A_1776, %mul3A_1794, %dma_wait3A_2915] : memref<5x16384x128xf32, #tpu.memory_space<hbm>> -> memref<1x128x32xf32, #tpu.memory_space<hbm>>
    %dma_wait3A_2917 = tpu.memref_squeeze %dma_wait3A_2916 : memref<1x128x32xf32, #tpu.memory_space<hbm>> -> memref<128x32xf32, #tpu.memory_space<hbm>>
    %dma_wait3A_2918 = arith.constant 0 : i32
    %dma_wait3A_2919 = arith.constant 0 : i32
    %dma_wait3A_2920 = tpu.memref_slice %arg6[%dma_wait3A_2918, %dma_wait3A_2919] : memref<2560x32xf32, #tpu.memory_space<vmem>> -> memref<128x32xf32, #tpu.memory_space<vmem>>
    tpu.wait_dma2 semaphore(%arg7 : memref<!tpu.dma_semaphore, #tpu.memory_space<semaphore_mem>>) src(%dma_wait3A_2920 : memref<128x32xf32, #tpu.memory_space<vmem>>) dst(%dma_wait3A_2917 : memref<128x32xf32, #tpu.memory_space<hbm>>)
    %dma_wait3A_2921 = arith.constant 128 : i32
    %dma_wait3A_2922 = arith.constant 0 : i32
    %dma_wait3A_2923 = tpu.memref_slice %arg6[%dma_wait3A_2921, %dma_wait3A_2922] : memref<2560x32xf32, #tpu.memory_space<vmem>> -> memref<128x32xf32, #tpu.memory_space<vmem>>
    %dma_wait3A_2924 = arith.constant 0 : i32
    %dma_wait3A_2925 = tpu.memref_slice %arg4[%select_n3A_1834, %mul3A_1852, %dma_wait3A_2924] : memref<5x16384x128xf32, #tpu.memory_space<hbm>> -> memref<1x128x32xf32, #tpu.memory_space<hbm>>
    %dma_wait3A_2926 = tpu.memref_squeeze %dma_wait3A_2925 : memref<1x128x32xf32, #tpu.memory_space<hbm>> -> memref<128x32xf32, #tpu.memory_space<hbm>>
    %dma_wait3A_2927 = arith.constant 0 : i32
    %dma_wait3A_2928 = tpu.memref_slice %arg4[%select_n3A_1834, %mul3A_1852, %dma_wait3A_2927] : memref<5x16384x128xf32, #tpu.memory_space<hbm>> -> memref<1x128x32xf32, #tpu.memory_space<hbm>>
    %dma_wait3A_2929 = tpu.memref_squeeze %dma_wait3A_2928 : memref<1x128x32xf32, #tpu.memory_space<hbm>> -> memref<128x32xf32, #tpu.memory_space<hbm>>
    %dma_wait3A_2930 = arith.constant 128 : i32
    %dma_wait3A_2931 = arith.constant 0 : i32
    %dma_wait3A_2932 = tpu.memref_slice %arg6[%dma_wait3A_2930, %dma_wait3A_2931] : memref<2560x32xf32, #tpu.memory_space<vmem>> -> memref<128x32xf32, #tpu.memory_space<vmem>>
    tpu.wait_dma2 semaphore(%arg7 : memref<!tpu.dma_semaphore, #tpu.memory_space<semaphore_mem>>) src(%dma_wait3A_2932 : memref<128x32xf32, #tpu.memory_space<vmem>>) dst(%dma_wait3A_2929 : memref<128x32xf32, #tpu.memory_space<hbm>>)
    %dma_wait3A_2933 = arith.constant 256 : i32
    %dma_wait3A_2934 = arith.constant 0 : i32
    %dma_wait3A_2935 = tpu.memref_slice %arg6[%dma_wait3A_2933, %dma_wait3A_2934] : memref<2560x32xf32, #tpu.memory_space<vmem>> -> memref<128x32xf32, #tpu.memory_space<vmem>>
    %dma_wait3A_2936 = arith.constant 0 : i32
    %dma_wait3A_2937 = tpu.memref_slice %arg4[%select_n3A_1892, %mul3A_1910, %dma_wait3A_2936] : memref<5x16384x128xf32, #tpu.memory_space<hbm>> -> memref<1x128x32xf32, #tpu.memory_space<hbm>>
    %dma_wait3A_2938 = tpu.memref_squeeze %dma_wait3A_2937 : memref<1x128x32xf32, #tpu.memory_space<hbm>> -> memref<128x32xf32, #tpu.memory_space<hbm>>
    %dma_wait3A_2939 = arith.constant 0 : i32
    %dma_wait3A_2940 = tpu.memref_slice %arg4[%select_n3A_1892, %mul3A_1910, %dma_wait3A_2939] : memref<5x16384x128xf32, #tpu.memory_space<hbm>> -> memref<1x128x32xf32, #tpu.memory_space<hbm>>
    %dma_wait3A_2941 = tpu.memref_squeeze %dma_wait3A_2940 : memref<1x128x32xf32, #tpu.memory_space<hbm>> -> memref<128x32xf32, #tpu.memory_space<hbm>>
    %dma_wait3A_2942 = arith.constant 256 : i32
    %dma_wait3A_2943 = arith.constant 0 : i32
    %dma_wait3A_2944 = tpu.memref_slice %arg6[%dma_wait3A_2942, %dma_wait3A_2943] : memref<2560x32xf32, #tpu.memory_space<vmem>> -> memref<128x32xf32, #tpu.memory_space<vmem>>
    tpu.wait_dma2 semaphore(%arg7 : memref<!tpu.dma_semaphore, #tpu.memory_space<semaphore_mem>>) src(%dma_wait3A_2944 : memref<128x32xf32, #tpu.memory_space<vmem>>) dst(%dma_wait3A_2941 : memref<128x32xf32, #tpu.memory_space<hbm>>)
    %dma_wait3A_2945 = arith.constant 384 : i32
    %dma_wait3A_2946 = arith.constant 0 : i32
    %dma_wait3A_2947 = tpu.memref_slice %arg6[%dma_wait3A_2945, %dma_wait3A_2946] : memref<2560x32xf32, #tpu.memory_space<vmem>> -> memref<128x32xf32, #tpu.memory_space<vmem>>
    %dma_wait3A_2948 = arith.constant 0 : i32
    %dma_wait3A_2949 = tpu.memref_slice %arg4[%select_n3A_1950, %mul3A_1968, %dma_wait3A_2948] : memref<5x16384x128xf32, #tpu.memory_space<hbm>> -> memref<1x128x32xf32, #tpu.memory_space<hbm>>
    %dma_wait3A_2950 = tpu.memref_squeeze %dma_wait3A_2949 : memref<1x128x32xf32, #tpu.memory_space<hbm>> -> memref<128x32xf32, #tpu.memory_space<hbm>>
    %dma_wait3A_2951 = arith.constant 0 : i32
    %dma_wait3A_2952 = tpu.memref_slice %arg4[%select_n3A_1950, %mul3A_1968, %dma_wait3A_2951] : memref<5x16384x128xf32, #tpu.memory_space<hbm>> -> memref<1x128x32xf32, #tpu.memory_space<hbm>>
    %dma_wait3A_2953 = tpu.memref_squeeze %dma_wait3A_2952 : memref<1x128x32xf32, #tpu.memory_space<hbm>> -> memref<128x32xf32, #tpu.memory_space<hbm>>
    %dma_wait3A_2954 = arith.constant 384 : i32
    %dma_wait3A_2955 = arith.constant 0 : i32
    %dma_wait3A_2956 = tpu.memref_slice %arg6[%dma_wait3A_2954, %dma_wait3A_2955] : memref<2560x32xf32, #tpu.memory_space<vmem>> -> memref<128x32xf32, #tpu.memory_space<vmem>>
    tpu.wait_dma2 semaphore(%arg7 : memref<!tpu.dma_semaphore, #tpu.memory_space<semaphore_mem>>) src(%dma_wait3A_2956 : memref<128x32xf32, #tpu.memory_space<vmem>>) dst(%dma_wait3A_2953 : memref<128x32xf32, #tpu.memory_space<hbm>>)
    %dma_wait3A_2957 = arith.constant 512 : i32
    %dma_wait3A_2958 = arith.constant 0 : i32
    %dma_wait3A_2959 = tpu.memref_slice %arg6[%dma_wait3A_2957, %dma_wait3A_2958] : memref<2560x32xf32, #tpu.memory_space<vmem>> -> memref<128x32xf32, #tpu.memory_space<vmem>>
    %dma_wait3A_2960 = arith.constant 0 : i32
    %dma_wait3A_2961 = tpu.memref_slice %arg4[%select_n3A_2008, %mul3A_2026, %dma_wait3A_2960] : memref<5x16384x128xf32, #tpu.memory_space<hbm>> -> memref<1x128x32xf32, #tpu.memory_space<hbm>>
    %dma_wait3A_2962 = tpu.memref_squeeze %dma_wait3A_2961 : memref<1x128x32xf32, #tpu.memory_space<hbm>> -> memref<128x32xf32, #tpu.memory_space<hbm>>
    %dma_wait3A_2963 = arith.constant 0 : i32
    %dma_wait3A_2964 = tpu.memref_slice %arg4[%select_n3A_2008, %mul3A_2026, %dma_wait3A_2963] : memref<5x16384x128xf32, #tpu.memory_space<hbm>> -> memref<1x128x32xf32, #tpu.memory_space<hbm>>
    %dma_wait3A_2965 = tpu.memref_squeeze %dma_wait3A_2964 : memref<1x128x32xf32, #tpu.memory_space<hbm>> -> memref<128x32xf32, #tpu.memory_space<hbm>>
    %dma_wait3A_2966 = arith.constant 512 : i32
    %dma_wait3A_2967 = arith.constant 0 : i32
    %dma_wait3A_2968 = tpu.memref_slice %arg6[%dma_wait3A_2966, %dma_wait3A_2967] : memref<2560x32xf32, #tpu.memory_space<vmem>> -> memref<128x32xf32, #tpu.memory_space<vmem>>
    tpu.wait_dma2 semaphore(%arg7 : memref<!tpu.dma_semaphore, #tpu.memory_space<semaphore_mem>>) src(%dma_wait3A_2968 : memref<128x32xf32, #tpu.memory_space<vmem>>) dst(%dma_wait3A_2965 : memref<128x32xf32, #tpu.memory_space<hbm>>)
    %dma_wait3A_2969 = arith.constant 640 : i32
    %dma_wait3A_2970 = arith.constant 0 : i32
    %dma_wait3A_2971 = tpu.memref_slice %arg6[%dma_wait3A_2969, %dma_wait3A_2970] : memref<2560x32xf32, #tpu.memory_space<vmem>> -> memref<128x32xf32, #tpu.memory_space<vmem>>
    %dma_wait3A_2972 = arith.constant 0 : i32
    %dma_wait3A_2973 = tpu.memref_slice %arg4[%select_n3A_2066, %mul3A_2084, %dma_wait3A_2972] : memref<5x16384x128xf32, #tpu.memory_space<hbm>> -> memref<1x128x32xf32, #tpu.memory_space<hbm>>
    %dma_wait3A_2974 = tpu.memref_squeeze %dma_wait3A_2973 : memref<1x128x32xf32, #tpu.memory_space<hbm>> -> memref<128x32xf32, #tpu.memory_space<hbm>>
    %dma_wait3A_2975 = arith.constant 0 : i32
    %dma_wait3A_2976 = tpu.memref_slice %arg4[%select_n3A_2066, %mul3A_2084, %dma_wait3A_2975] : memref<5x16384x128xf32, #tpu.memory_space<hbm>> -> memref<1x128x32xf32, #tpu.memory_space<hbm>>
    %dma_wait3A_2977 = tpu.memref_squeeze %dma_wait3A_2976 : memref<1x128x32xf32, #tpu.memory_space<hbm>> -> memref<128x32xf32, #tpu.memory_space<hbm>>
    %dma_wait3A_2978 = arith.constant 640 : i32
    %dma_wait3A_2979 = arith.constant 0 : i32
    %dma_wait3A_2980 = tpu.memref_slice %arg6[%dma_wait3A_2978, %dma_wait3A_2979] : memref<2560x32xf32, #tpu.memory_space<vmem>> -> memref<128x32xf32, #tpu.memory_space<vmem>>
    tpu.wait_dma2 semaphore(%arg7 : memref<!tpu.dma_semaphore, #tpu.memory_space<semaphore_mem>>) src(%dma_wait3A_2980 : memref<128x32xf32, #tpu.memory_space<vmem>>) dst(%dma_wait3A_2977 : memref<128x32xf32, #tpu.memory_space<hbm>>)
    %dma_wait3A_2981 = arith.constant 768 : i32
    %dma_wait3A_2982 = arith.constant 0 : i32
    %dma_wait3A_2983 = tpu.memref_slice %arg6[%dma_wait3A_2981, %dma_wait3A_2982] : memref<2560x32xf32, #tpu.memory_space<vmem>> -> memref<128x32xf32, #tpu.memory_space<vmem>>
    %dma_wait3A_2984 = arith.constant 0 : i32
    %dma_wait3A_2985 = tpu.memref_slice %arg4[%select_n3A_2124, %mul3A_2142, %dma_wait3A_2984] : memref<5x16384x128xf32, #tpu.memory_space<hbm>> -> memref<1x128x32xf32, #tpu.memory_space<hbm>>
    %dma_wait3A_2986 = tpu.memref_squeeze %dma_wait3A_2985 : memref<1x128x32xf32, #tpu.memory_space<hbm>> -> memref<128x32xf32, #tpu.memory_space<hbm>>
    %dma_wait3A_2987 = arith.constant 0 : i32
    %dma_wait3A_2988 = tpu.memref_slice %arg4[%select_n3A_2124, %mul3A_2142, %dma_wait3A_2987] : memref<5x16384x128xf32, #tpu.memory_space<hbm>> -> memref<1x128x32xf32, #tpu.memory_space<hbm>>
    %dma_wait3A_2989 = tpu.memref_squeeze %dma_wait3A_2988 : memref<1x128x32xf32, #tpu.memory_space<hbm>> -> memref<128x32xf32, #tpu.memory_space<hbm>>
    %dma_wait3A_2990 = arith.constant 768 : i32
    %dma_wait3A_2991 = arith.constant 0 : i32
    %dma_wait3A_2992 = tpu.memref_slice %arg6[%dma_wait3A_2990, %dma_wait3A_2991] : memref<2560x32xf32, #tpu.memory_space<vmem>> -> memref<128x32xf32, #tpu.memory_space<vmem>>
    tpu.wait_dma2 semaphore(%arg7 : memref<!tpu.dma_semaphore, #tpu.memory_space<semaphore_mem>>) src(%dma_wait3A_2992 : memref<128x32xf32, #tpu.memory_space<vmem>>) dst(%dma_wait3A_2989 : memref<128x32xf32, #tpu.memory_space<hbm>>)
    %dma_wait3A_2993 = arith.constant 896 : i32
    %dma_wait3A_2994 = arith.constant 0 : i32
    %dma_wait3A_2995 = tpu.memref_slice %arg6[%dma_wait3A_2993, %dma_wait3A_2994] : memref<2560x32xf32, #tpu.memory_space<vmem>> -> memref<128x32xf32, #tpu.memory_space<vmem>>
    %dma_wait3A_2996 = arith.constant 0 : i32
    %dma_wait3A_2997 = tpu.memref_slice %arg4[%select_n3A_2182, %mul3A_2200, %dma_wait3A_2996] : memref<5x16384x128xf32, #tpu.memory_space<hbm>> -> memref<1x128x32xf32, #tpu.memory_space<hbm>>
    %dma_wait3A_2998 = tpu.memref_squeeze %dma_wait3A_2997 : memref<1x128x32xf32, #tpu.memory_space<hbm>> -> memref<128x32xf32, #tpu.memory_space<hbm>>
    %dma_wait3A_2999 = arith.constant 0 : i32
    %dma_wait3A_3000 = tpu.memref_slice %arg4[%select_n3A_2182, %mul3A_2200, %dma_wait3A_2999] : memref<5x16384x128xf32, #tpu.memory_space<hbm>> -> memref<1x128x32xf32, #tpu.memory_space<hbm>>
    %dma_wait3A_3001 = tpu.memref_squeeze %dma_wait3A_3000 : memref<1x128x32xf32, #tpu.memory_space<hbm>> -> memref<128x32xf32, #tpu.memory_space<hbm>>
    %dma_wait3A_3002 = arith.constant 896 : i32
    %dma_wait3A_3003 = arith.constant 0 : i32
    %dma_wait3A_3004 = tpu.memref_slice %arg6[%dma_wait3A_3002, %dma_wait3A_3003] : memref<2560x32xf32, #tpu.memory_space<vmem>> -> memref<128x32xf32, #tpu.memory_space<vmem>>
    tpu.wait_dma2 semaphore(%arg7 : memref<!tpu.dma_semaphore, #tpu.memory_space<semaphore_mem>>) src(%dma_wait3A_3004 : memref<128x32xf32, #tpu.memory_space<vmem>>) dst(%dma_wait3A_3001 : memref<128x32xf32, #tpu.memory_space<hbm>>)
    %dma_wait3A_3005 = arith.constant 1024 : i32
    %dma_wait3A_3006 = arith.constant 0 : i32
    %dma_wait3A_3007 = tpu.memref_slice %arg6[%dma_wait3A_3005, %dma_wait3A_3006] : memref<2560x32xf32, #tpu.memory_space<vmem>> -> memref<128x32xf32, #tpu.memory_space<vmem>>
    %dma_wait3A_3008 = arith.constant 0 : i32
    %dma_wait3A_3009 = tpu.memref_slice %arg4[%select_n3A_2240, %mul3A_2258, %dma_wait3A_3008] : memref<5x16384x128xf32, #tpu.memory_space<hbm>> -> memref<1x128x32xf32, #tpu.memory_space<hbm>>
    %dma_wait3A_3010 = tpu.memref_squeeze %dma_wait3A_3009 : memref<1x128x32xf32, #tpu.memory_space<hbm>> -> memref<128x32xf32, #tpu.memory_space<hbm>>
    %dma_wait3A_3011 = arith.constant 0 : i32
    %dma_wait3A_3012 = tpu.memref_slice %arg4[%select_n3A_2240, %mul3A_2258, %dma_wait3A_3011] : memref<5x16384x128xf32, #tpu.memory_space<hbm>> -> memref<1x128x32xf32, #tpu.memory_space<hbm>>
    %dma_wait3A_3013 = tpu.memref_squeeze %dma_wait3A_3012 : memref<1x128x32xf32, #tpu.memory_space<hbm>> -> memref<128x32xf32, #tpu.memory_space<hbm>>
    %dma_wait3A_3014 = arith.constant 1024 : i32
    %dma_wait3A_3015 = arith.constant 0 : i32
    %dma_wait3A_3016 = tpu.memref_slice %arg6[%dma_wait3A_3014, %dma_wait3A_3015] : memref<2560x32xf32, #tpu.memory_space<vmem>> -> memref<128x32xf32, #tpu.memory_space<vmem>>
    tpu.wait_dma2 semaphore(%arg7 : memref<!tpu.dma_semaphore, #tpu.memory_space<semaphore_mem>>) src(%dma_wait3A_3016 : memref<128x32xf32, #tpu.memory_space<vmem>>) dst(%dma_wait3A_3013 : memref<128x32xf32, #tpu.memory_space<hbm>>)
    %dma_wait3A_3017 = arith.constant 1152 : i32
    %dma_wait3A_3018 = arith.constant 0 : i32
    %dma_wait3A_3019 = tpu.memref_slice %arg6[%dma_wait3A_3017, %dma_wait3A_3018] : memref<2560x32xf32, #tpu.memory_space<vmem>> -> memref<128x32xf32, #tpu.memory_space<vmem>>
    %dma_wait3A_3020 = arith.constant 0 : i32
    %dma_wait3A_3021 = tpu.memref_slice %arg4[%select_n3A_2298, %mul3A_2316, %dma_wait3A_3020] : memref<5x16384x128xf32, #tpu.memory_space<hbm>> -> memref<1x128x32xf32, #tpu.memory_space<hbm>>
    %dma_wait3A_3022 = tpu.memref_squeeze %dma_wait3A_3021 : memref<1x128x32xf32, #tpu.memory_space<hbm>> -> memref<128x32xf32, #tpu.memory_space<hbm>>
    %dma_wait3A_3023 = arith.constant 0 : i32
    %dma_wait3A_3024 = tpu.memref_slice %arg4[%select_n3A_2298, %mul3A_2316, %dma_wait3A_3023] : memref<5x16384x128xf32, #tpu.memory_space<hbm>> -> memref<1x128x32xf32, #tpu.memory_space<hbm>>
    %dma_wait3A_3025 = tpu.memref_squeeze %dma_wait3A_3024 : memref<1x128x32xf32, #tpu.memory_space<hbm>> -> memref<128x32xf32, #tpu.memory_space<hbm>>
    %dma_wait3A_3026 = arith.constant 1152 : i32
    %dma_wait3A_3027 = arith.constant 0 : i32
    %dma_wait3A_3028 = tpu.memref_slice %arg6[%dma_wait3A_3026, %dma_wait3A_3027] : memref<2560x32xf32, #tpu.memory_space<vmem>> -> memref<128x32xf32, #tpu.memory_space<vmem>>
    tpu.wait_dma2 semaphore(%arg7 : memref<!tpu.dma_semaphore, #tpu.memory_space<semaphore_mem>>) src(%dma_wait3A_3028 : memref<128x32xf32, #tpu.memory_space<vmem>>) dst(%dma_wait3A_3025 : memref<128x32xf32, #tpu.memory_space<hbm>>)
    %dma_wait3A_3029 = arith.constant 1280 : i32
    %dma_wait3A_3030 = arith.constant 0 : i32
    %dma_wait3A_3031 = tpu.memref_slice %arg6[%dma_wait3A_3029, %dma_wait3A_3030] : memref<2560x32xf32, #tpu.memory_space<vmem>> -> memref<128x32xf32, #tpu.memory_space<vmem>>
    %dma_wait3A_3032 = arith.constant 0 : i32
    %dma_wait3A_3033 = tpu.memref_slice %arg4[%select_n3A_2356, %mul3A_2374, %dma_wait3A_3032] : memref<5x16384x128xf32, #tpu.memory_space<hbm>> -> memref<1x128x32xf32, #tpu.memory_space<hbm>>
    %dma_wait3A_3034 = tpu.memref_squeeze %dma_wait3A_3033 : memref<1x128x32xf32, #tpu.memory_space<hbm>> -> memref<128x32xf32, #tpu.memory_space<hbm>>
    %dma_wait3A_3035 = arith.constant 0 : i32
    %dma_wait3A_3036 = tpu.memref_slice %arg4[%select_n3A_2356, %mul3A_2374, %dma_wait3A_3035] : memref<5x16384x128xf32, #tpu.memory_space<hbm>> -> memref<1x128x32xf32, #tpu.memory_space<hbm>>
    %dma_wait3A_3037 = tpu.memref_squeeze %dma_wait3A_3036 : memref<1x128x32xf32, #tpu.memory_space<hbm>> -> memref<128x32xf32, #tpu.memory_space<hbm>>
    %dma_wait3A_3038 = arith.constant 1280 : i32
    %dma_wait3A_3039 = arith.constant 0 : i32
    %dma_wait3A_3040 = tpu.memref_slice %arg6[%dma_wait3A_3038, %dma_wait3A_3039] : memref<2560x32xf32, #tpu.memory_space<vmem>> -> memref<128x32xf32, #tpu.memory_space<vmem>>
    tpu.wait_dma2 semaphore(%arg7 : memref<!tpu.dma_semaphore, #tpu.memory_space<semaphore_mem>>) src(%dma_wait3A_3040 : memref<128x32xf32, #tpu.memory_space<vmem>>) dst(%dma_wait3A_3037 : memref<128x32xf32, #tpu.memory_space<hbm>>)
    %dma_wait3A_3041 = arith.constant 1408 : i32
    %dma_wait3A_3042 = arith.constant 0 : i32
    %dma_wait3A_3043 = tpu.memref_slice %arg6[%dma_wait3A_3041, %dma_wait3A_3042] : memref<2560x32xf32, #tpu.memory_space<vmem>> -> memref<128x32xf32, #tpu.memory_space<vmem>>
    %dma_wait3A_3044 = arith.constant 0 : i32
    %dma_wait3A_3045 = tpu.memref_slice %arg4[%select_n3A_2414, %mul3A_2432, %dma_wait3A_3044] : memref<5x16384x128xf32, #tpu.memory_space<hbm>> -> memref<1x128x32xf32, #tpu.memory_space<hbm>>
    %dma_wait3A_3046 = tpu.memref_squeeze %dma_wait3A_3045 : memref<1x128x32xf32, #tpu.memory_space<hbm>> -> memref<128x32xf32, #tpu.memory_space<hbm>>
    %dma_wait3A_3047 = arith.constant 0 : i32
    %dma_wait3A_3048 = tpu.memref_slice %arg4[%select_n3A_2414, %mul3A_2432, %dma_wait3A_3047] : memref<5x16384x128xf32, #tpu.memory_space<hbm>> -> memref<1x128x32xf32, #tpu.memory_space<hbm>>
    %dma_wait3A_3049 = tpu.memref_squeeze %dma_wait3A_3048 : memref<1x128x32xf32, #tpu.memory_space<hbm>> -> memref<128x32xf32, #tpu.memory_space<hbm>>
    %dma_wait3A_3050 = arith.constant 1408 : i32
    %dma_wait3A_3051 = arith.constant 0 : i32
    %dma_wait3A_3052 = tpu.memref_slice %arg6[%dma_wait3A_3050, %dma_wait3A_3051] : memref<2560x32xf32, #tpu.memory_space<vmem>> -> memref<128x32xf32, #tpu.memory_space<vmem>>
    tpu.wait_dma2 semaphore(%arg7 : memref<!tpu.dma_semaphore, #tpu.memory_space<semaphore_mem>>) src(%dma_wait3A_3052 : memref<128x32xf32, #tpu.memory_space<vmem>>) dst(%dma_wait3A_3049 : memref<128x32xf32, #tpu.memory_space<hbm>>)
    %dma_wait3A_3053 = arith.constant 1536 : i32
    %dma_wait3A_3054 = arith.constant 0 : i32
    %dma_wait3A_3055 = tpu.memref_slice %arg6[%dma_wait3A_3053, %dma_wait3A_3054] : memref<2560x32xf32, #tpu.memory_space<vmem>> -> memref<128x32xf32, #tpu.memory_space<vmem>>
    %dma_wait3A_3056 = arith.constant 0 : i32
    %dma_wait3A_3057 = tpu.memref_slice %arg4[%select_n3A_2472, %mul3A_2490, %dma_wait3A_3056] : memref<5x16384x128xf32, #tpu.memory_space<hbm>> -> memref<1x128x32xf32, #tpu.memory_space<hbm>>
    %dma_wait3A_3058 = tpu.memref_squeeze %dma_wait3A_3057 : memref<1x128x32xf32, #tpu.memory_space<hbm>> -> memref<128x32xf32, #tpu.memory_space<hbm>>
    %dma_wait3A_3059 = arith.constant 0 : i32
    %dma_wait3A_3060 = tpu.memref_slice %arg4[%select_n3A_2472, %mul3A_2490, %dma_wait3A_3059] : memref<5x16384x128xf32, #tpu.memory_space<hbm>> -> memref<1x128x32xf32, #tpu.memory_space<hbm>>
    %dma_wait3A_3061 = tpu.memref_squeeze %dma_wait3A_3060 : memref<1x128x32xf32, #tpu.memory_space<hbm>> -> memref<128x32xf32, #tpu.memory_space<hbm>>
    %dma_wait3A_3062 = arith.constant 1536 : i32
    %dma_wait3A_3063 = arith.constant 0 : i32
    %dma_wait3A_3064 = tpu.memref_slice %arg6[%dma_wait3A_3062, %dma_wait3A_3063] : memref<2560x32xf32, #tpu.memory_space<vmem>> -> memref<128x32xf32, #tpu.memory_space<vmem>>
    tpu.wait_dma2 semaphore(%arg7 : memref<!tpu.dma_semaphore, #tpu.memory_space<semaphore_mem>>) src(%dma_wait3A_3064 : memref<128x32xf32, #tpu.memory_space<vmem>>) dst(%dma_wait3A_3061 : memref<128x32xf32, #tpu.memory_space<hbm>>)
    %dma_wait3A_3065 = arith.constant 1664 : i32
    %dma_wait3A_3066 = arith.constant 0 : i32
    %dma_wait3A_3067 = tpu.memref_slice %arg6[%dma_wait3A_3065, %dma_wait3A_3066] : memref<2560x32xf32, #tpu.memory_space<vmem>> -> memref<128x32xf32, #tpu.memory_space<vmem>>
    %dma_wait3A_3068 = arith.constant 0 : i32
    %dma_wait3A_3069 = tpu.memref_slice %arg4[%select_n3A_2530, %mul3A_2548, %dma_wait3A_3068] : memref<5x16384x128xf32, #tpu.memory_space<hbm>> -> memref<1x128x32xf32, #tpu.memory_space<hbm>>
    %dma_wait3A_3070 = tpu.memref_squeeze %dma_wait3A_3069 : memref<1x128x32xf32, #tpu.memory_space<hbm>> -> memref<128x32xf32, #tpu.memory_space<hbm>>
    %dma_wait3A_3071 = arith.constant 0 : i32
    %dma_wait3A_3072 = tpu.memref_slice %arg4[%select_n3A_2530, %mul3A_2548, %dma_wait3A_3071] : memref<5x16384x128xf32, #tpu.memory_space<hbm>> -> memref<1x128x32xf32, #tpu.memory_space<hbm>>
    %dma_wait3A_3073 = tpu.memref_squeeze %dma_wait3A_3072 : memref<1x128x32xf32, #tpu.memory_space<hbm>> -> memref<128x32xf32, #tpu.memory_space<hbm>>
    %dma_wait3A_3074 = arith.constant 1664 : i32
    %dma_wait3A_3075 = arith.constant 0 : i32
    %dma_wait3A_3076 = tpu.memref_slice %arg6[%dma_wait3A_3074, %dma_wait3A_3075] : memref<2560x32xf32, #tpu.memory_space<vmem>> -> memref<128x32xf32, #tpu.memory_space<vmem>>
    tpu.wait_dma2 semaphore(%arg7 : memref<!tpu.dma_semaphore, #tpu.memory_space<semaphore_mem>>) src(%dma_wait3A_3076 : memref<128x32xf32, #tpu.memory_space<vmem>>) dst(%dma_wait3A_3073 : memref<128x32xf32, #tpu.memory_space<hbm>>)
    %dma_wait3A_3077 = arith.constant 1792 : i32
    %dma_wait3A_3078 = arith.constant 0 : i32
    %dma_wait3A_3079 = tpu.memref_slice %arg6[%dma_wait3A_3077, %dma_wait3A_3078] : memref<2560x32xf32, #tpu.memory_space<vmem>> -> memref<128x32xf32, #tpu.memory_space<vmem>>
    %dma_wait3A_3080 = arith.constant 0 : i32
    %dma_wait3A_3081 = tpu.memref_slice %arg4[%select_n3A_2588, %mul3A_2606, %dma_wait3A_3080] : memref<5x16384x128xf32, #tpu.memory_space<hbm>> -> memref<1x128x32xf32, #tpu.memory_space<hbm>>
    %dma_wait3A_3082 = tpu.memref_squeeze %dma_wait3A_3081 : memref<1x128x32xf32, #tpu.memory_space<hbm>> -> memref<128x32xf32, #tpu.memory_space<hbm>>
    %dma_wait3A_3083 = arith.constant 0 : i32
    %dma_wait3A_3084 = tpu.memref_slice %arg4[%select_n3A_2588, %mul3A_2606, %dma_wait3A_3083] : memref<5x16384x128xf32, #tpu.memory_space<hbm>> -> memref<1x128x32xf32, #tpu.memory_space<hbm>>
    %dma_wait3A_3085 = tpu.memref_squeeze %dma_wait3A_3084 : memref<1x128x32xf32, #tpu.memory_space<hbm>> -> memref<128x32xf32, #tpu.memory_space<hbm>>
    %dma_wait3A_3086 = arith.constant 1792 : i32
    %dma_wait3A_3087 = arith.constant 0 : i32
    %dma_wait3A_3088 = tpu.memref_slice %arg6[%dma_wait3A_3086, %dma_wait3A_3087] : memref<2560x32xf32, #tpu.memory_space<vmem>> -> memref<128x32xf32, #tpu.memory_space<vmem>>
    tpu.wait_dma2 semaphore(%arg7 : memref<!tpu.dma_semaphore, #tpu.memory_space<semaphore_mem>>) src(%dma_wait3A_3088 : memref<128x32xf32, #tpu.memory_space<vmem>>) dst(%dma_wait3A_3085 : memref<128x32xf32, #tpu.memory_space<hbm>>)
    %dma_wait3A_3089 = arith.constant 1920 : i32
    %dma_wait3A_3090 = arith.constant 0 : i32
    %dma_wait3A_3091 = tpu.memref_slice %arg6[%dma_wait3A_3089, %dma_wait3A_3090] : memref<2560x32xf32, #tpu.memory_space<vmem>> -> memref<128x32xf32, #tpu.memory_space<vmem>>
    %dma_wait3A_3092 = arith.constant 0 : i32
    %dma_wait3A_3093 = tpu.memref_slice %arg4[%select_n3A_2646, %mul3A_2664, %dma_wait3A_3092] : memref<5x16384x128xf32, #tpu.memory_space<hbm>> -> memref<1x128x32xf32, #tpu.memory_space<hbm>>
    %dma_wait3A_3094 = tpu.memref_squeeze %dma_wait3A_3093 : memref<1x128x32xf32, #tpu.memory_space<hbm>> -> memref<128x32xf32, #tpu.memory_space<hbm>>
    %dma_wait3A_3095 = arith.constant 0 : i32
    %dma_wait3A_3096 = tpu.memref_slice %arg4[%select_n3A_2646, %mul3A_2664, %dma_wait3A_3095] : memref<5x16384x128xf32, #tpu.memory_space<hbm>> -> memref<1x128x32xf32, #tpu.memory_space<hbm>>
    %dma_wait3A_3097 = tpu.memref_squeeze %dma_wait3A_3096 : memref<1x128x32xf32, #tpu.memory_space<hbm>> -> memref<128x32xf32, #tpu.memory_space<hbm>>
    %dma_wait3A_3098 = arith.constant 1920 : i32
    %dma_wait3A_3099 = arith.constant 0 : i32
    %dma_wait3A_3100 = tpu.memref_slice %arg6[%dma_wait3A_3098, %dma_wait3A_3099] : memref<2560x32xf32, #tpu.memory_space<vmem>> -> memref<128x32xf32, #tpu.memory_space<vmem>>
    tpu.wait_dma2 semaphore(%arg7 : memref<!tpu.dma_semaphore, #tpu.memory_space<semaphore_mem>>) src(%dma_wait3A_3100 : memref<128x32xf32, #tpu.memory_space<vmem>>) dst(%dma_wait3A_3097 : memref<128x32xf32, #tpu.memory_space<hbm>>)
    %dma_wait3A_3101 = arith.constant 2048 : i32
    %dma_wait3A_3102 = arith.constant 0 : i32
    %dma_wait3A_3103 = tpu.memref_slice %arg6[%dma_wait3A_3101, %dma_wait3A_3102] : memref<2560x32xf32, #tpu.memory_space<vmem>> -> memref<128x32xf32, #tpu.memory_space<vmem>>
    %dma_wait3A_3104 = arith.constant 0 : i32
    %dma_wait3A_3105 = tpu.memref_slice %arg4[%select_n3A_2704, %mul3A_2722, %dma_wait3A_3104] : memref<5x16384x128xf32, #tpu.memory_space<hbm>> -> memref<1x128x32xf32, #tpu.memory_space<hbm>>
    %dma_wait3A_3106 = tpu.memref_squeeze %dma_wait3A_3105 : memref<1x128x32xf32, #tpu.memory_space<hbm>> -> memref<128x32xf32, #tpu.memory_space<hbm>>
    %dma_wait3A_3107 = arith.constant 0 : i32
    %dma_wait3A_3108 = tpu.memref_slice %arg4[%select_n3A_2704, %mul3A_2722, %dma_wait3A_3107] : memref<5x16384x128xf32, #tpu.memory_space<hbm>> -> memref<1x128x32xf32, #tpu.memory_space<hbm>>
    %dma_wait3A_3109 = tpu.memref_squeeze %dma_wait3A_3108 : memref<1x128x32xf32, #tpu.memory_space<hbm>> -> memref<128x32xf32, #tpu.memory_space<hbm>>
    %dma_wait3A_3110 = arith.constant 2048 : i32
    %dma_wait3A_3111 = arith.constant 0 : i32
    %dma_wait3A_3112 = tpu.memref_slice %arg6[%dma_wait3A_3110, %dma_wait3A_3111] : memref<2560x32xf32, #tpu.memory_space<vmem>> -> memref<128x32xf32, #tpu.memory_space<vmem>>
    tpu.wait_dma2 semaphore(%arg7 : memref<!tpu.dma_semaphore, #tpu.memory_space<semaphore_mem>>) src(%dma_wait3A_3112 : memref<128x32xf32, #tpu.memory_space<vmem>>) dst(%dma_wait3A_3109 : memref<128x32xf32, #tpu.memory_space<hbm>>)
    %dma_wait3A_3113 = arith.constant 2176 : i32
    %dma_wait3A_3114 = arith.constant 0 : i32
    %dma_wait3A_3115 = tpu.memref_slice %arg6[%dma_wait3A_3113, %dma_wait3A_3114] : memref<2560x32xf32, #tpu.memory_space<vmem>> -> memref<128x32xf32, #tpu.memory_space<vmem>>
    %dma_wait3A_3116 = arith.constant 0 : i32
    %dma_wait3A_3117 = tpu.memref_slice %arg4[%select_n3A_2762, %mul3A_2780, %dma_wait3A_3116] : memref<5x16384x128xf32, #tpu.memory_space<hbm>> -> memref<1x128x32xf32, #tpu.memory_space<hbm>>
    %dma_wait3A_3118 = tpu.memref_squeeze %dma_wait3A_3117 : memref<1x128x32xf32, #tpu.memory_space<hbm>> -> memref<128x32xf32, #tpu.memory_space<hbm>>
    %dma_wait3A_3119 = arith.constant 0 : i32
    %dma_wait3A_3120 = tpu.memref_slice %arg4[%select_n3A_2762, %mul3A_2780, %dma_wait3A_3119] : memref<5x16384x128xf32, #tpu.memory_space<hbm>> -> memref<1x128x32xf32, #tpu.memory_space<hbm>>
    %dma_wait3A_3121 = tpu.memref_squeeze %dma_wait3A_3120 : memref<1x128x32xf32, #tpu.memory_space<hbm>> -> memref<128x32xf32, #tpu.memory_space<hbm>>
    %dma_wait3A_3122 = arith.constant 2176 : i32
    %dma_wait3A_3123 = arith.constant 0 : i32
    %dma_wait3A_3124 = tpu.memref_slice %arg6[%dma_wait3A_3122, %dma_wait3A_3123] : memref<2560x32xf32, #tpu.memory_space<vmem>> -> memref<128x32xf32, #tpu.memory_space<vmem>>
    tpu.wait_dma2 semaphore(%arg7 : memref<!tpu.dma_semaphore, #tpu.memory_space<semaphore_mem>>) src(%dma_wait3A_3124 : memref<128x32xf32, #tpu.memory_space<vmem>>) dst(%dma_wait3A_3121 : memref<128x32xf32, #tpu.memory_space<hbm>>)
    %dma_wait3A_3125 = arith.constant 2304 : i32
    %dma_wait3A_3126 = arith.constant 0 : i32
    %dma_wait3A_3127 = tpu.memref_slice %arg6[%dma_wait3A_3125, %dma_wait3A_3126] : memref<2560x32xf32, #tpu.memory_space<vmem>> -> memref<128x32xf32, #tpu.memory_space<vmem>>
    %dma_wait3A_3128 = arith.constant 0 : i32
    %dma_wait3A_3129 = tpu.memref_slice %arg4[%select_n3A_2820, %mul3A_2838, %dma_wait3A_3128] : memref<5x16384x128xf32, #tpu.memory_space<hbm>> -> memref<1x128x32xf32, #tpu.memory_space<hbm>>
    %dma_wait3A_3130 = tpu.memref_squeeze %dma_wait3A_3129 : memref<1x128x32xf32, #tpu.memory_space<hbm>> -> memref<128x32xf32, #tpu.memory_space<hbm>>
    %dma_wait3A_3131 = arith.constant 0 : i32
    %dma_wait3A_3132 = tpu.memref_slice %arg4[%select_n3A_2820, %mul3A_2838, %dma_wait3A_3131] : memref<5x16384x128xf32, #tpu.memory_space<hbm>> -> memref<1x128x32xf32, #tpu.memory_space<hbm>>
    %dma_wait3A_3133 = tpu.memref_squeeze %dma_wait3A_3132 : memref<1x128x32xf32, #tpu.memory_space<hbm>> -> memref<128x32xf32, #tpu.memory_space<hbm>>
    %dma_wait3A_3134 = arith.constant 2304 : i32
    %dma_wait3A_3135 = arith.constant 0 : i32
    %dma_wait3A_3136 = tpu.memref_slice %arg6[%dma_wait3A_3134, %dma_wait3A_3135] : memref<2560x32xf32, #tpu.memory_space<vmem>> -> memref<128x32xf32, #tpu.memory_space<vmem>>
    tpu.wait_dma2 semaphore(%arg7 : memref<!tpu.dma_semaphore, #tpu.memory_space<semaphore_mem>>) src(%dma_wait3A_3136 : memref<128x32xf32, #tpu.memory_space<vmem>>) dst(%dma_wait3A_3133 : memref<128x32xf32, #tpu.memory_space<hbm>>)
    %dma_wait3A_3137 = arith.constant 2432 : i32
    %dma_wait3A_3138 = arith.constant 0 : i32
    %dma_wait3A_3139 = tpu.memref_slice %arg6[%dma_wait3A_3137, %dma_wait3A_3138] : memref<2560x32xf32, #tpu.memory_space<vmem>> -> memref<128x32xf32, #tpu.memory_space<vmem>>
    %dma_wait3A_3140 = arith.constant 0 : i32
    %dma_wait3A_3141 = tpu.memref_slice %arg4[%select_n3A_2878, %mul3A_2896, %dma_wait3A_3140] : memref<5x16384x128xf32, #tpu.memory_space<hbm>> -> memref<1x128x32xf32, #tpu.memory_space<hbm>>
    %dma_wait3A_3142 = tpu.memref_squeeze %dma_wait3A_3141 : memref<1x128x32xf32, #tpu.memory_space<hbm>> -> memref<128x32xf32, #tpu.memory_space<hbm>>
    %dma_wait3A_3143 = arith.constant 0 : i32
    %dma_wait3A_3144 = tpu.memref_slice %arg4[%select_n3A_2878, %mul3A_2896, %dma_wait3A_3143] : memref<5x16384x128xf32, #tpu.memory_space<hbm>> -> memref<1x128x32xf32, #tpu.memory_space<hbm>>
    %dma_wait3A_3145 = tpu.memref_squeeze %dma_wait3A_3144 : memref<1x128x32xf32, #tpu.memory_space<hbm>> -> memref<128x32xf32, #tpu.memory_space<hbm>>
    %dma_wait3A_3146 = arith.constant 2432 : i32
    %dma_wait3A_3147 = arith.constant 0 : i32
    %dma_wait3A_3148 = tpu.memref_slice %arg6[%dma_wait3A_3146, %dma_wait3A_3147] : memref<2560x32xf32, #tpu.memory_space<vmem>> -> memref<128x32xf32, #tpu.memory_space<vmem>>
    tpu.wait_dma2 semaphore(%arg7 : memref<!tpu.dma_semaphore, #tpu.memory_space<semaphore_mem>>) src(%dma_wait3A_3148 : memref<128x32xf32, #tpu.memory_space<vmem>>) dst(%dma_wait3A_3145 : memref<128x32xf32, #tpu.memory_space<hbm>>)
    return
  }
}

module attributes {stable_mosaic.version = 14 : i64} {
  func.func @_tc_body(%arg0: i32, %arg1: memref<4096x32xf32, #tpu.memory_space<vmem>>, %arg2: memref<4096x32xf32, #tpu.memory_space<vmem>>, %arg3: memref<4096x32xf32, #tpu.memory_space<vmem>>, %arg4: memref<4096x32xf32, #tpu.memory_space<vmem>>, %arg5: memref<4096x32xf32, #tpu.memory_space<vmem>>, %arg6: memref<512x32xf32, #tpu.memory_space<vmem>>, %arg7: memref<512x32xf32, #tpu.memory_space<vmem>>, %arg8: memref<512x32xf32, #tpu.memory_space<vmem>>, %arg9: memref<512x32xf32, #tpu.memory_space<vmem>>, %arg10: memref<512x32xf32, #tpu.memory_space<vmem>>, %arg11: memref<4096x5xi32, #tpu.memory_space<vmem>>, %arg12: memref<4096x5xi32, #tpu.memory_space<vmem>>, %arg13: memref<1x1xf32, #tpu.memory_space<smem>>) attributes {dimension_semantics = [#tpu.dimension_semantics<arbitrary>], iteration_bounds = array<i64: 4>, scalar_prefetch = 0 : i64, scratch_operands = 0 : i64, tpu.core_type = #tpu.core_type<tc>, window_params = [{transform_indices = @transform_0, window_bounds = array<i64: 4096, 32>}, {transform_indices = @transform_1, window_bounds = array<i64: 4096, 32>}, {transform_indices = @transform_2, window_bounds = array<i64: 4096, 32>}, {transform_indices = @transform_3, window_bounds = array<i64: 4096, 32>}, {transform_indices = @transform_4, window_bounds = array<i64: 4096, 32>}, {pipeline_mode = #tpu.pipeline_mode<synchronous>, transform_indices = @transform_5, window_bounds = array<i64: 512, 32>}, {transform_indices = @transform_6, window_bounds = array<i64: 512, 32>}, {pipeline_mode = #tpu.pipeline_mode<synchronous>, transform_indices = @transform_7, window_bounds = array<i64: 512, 32>}, {transform_indices = @transform_8, window_bounds = array<i64: 512, 32>}, {pipeline_mode = #tpu.pipeline_mode<synchronous>, transform_indices = @transform_9, window_bounds = array<i64: 512, 32>}, {transform_indices = @transform_10, window_bounds = array<i64: 4096, 5>}, {transform_indices = @transform_11, window_bounds = array<i64: 4096, 5>}, {transform_indices = @transform_12, window_bounds = array<i64: 1, 1>}]} {
    %eq3A = arith.constant 0 : i32
    %eq3A_0 = arith.cmpi eq, %arg0, %eq3A : i32
    %convert_element_type3A = arith.extui %eq3A_0 : i1 to i32
    %cond3A = arith.constant 0 : i32
    %cond3A_1 = arith.cmpi ne, %convert_element_type3A, %cond3A : i32
    scf.if %cond3A_1 {
      %swap3A_242 = arith.constant 0.000000e+00 : f32
      %swap3A_243 = arith.constant 0 : index
      %swap3A_244 = arith.constant 0 : index
      %swap3A_245 = memref.load %arg13[%swap3A_243, %swap3A_244] : memref<1x1xf32, #tpu.memory_space<smem>>
      memref.store %swap3A_242, %arg13[%swap3A_243, %swap3A_244] : memref<1x1xf32, #tpu.memory_space<smem>>
    } else {
    }
    %iota3A = tpu.iota {dimensions = array<i32: 1>} : vector<4096x512xi32>
    %convert_element_type3A_2 = arith.sitofp %iota3A : vector<4096x512xi32> to vector<4096x512xf32>
    %get3A = arith.constant 0 : index
    %get3A_3 = arith.constant 0 : index
    %get3A_4 = vector.load %arg1[%get3A, %get3A_3] : memref<4096x32xf32, #tpu.memory_space<vmem>>, vector<4096x32xf32>
    %get3A_5 = arith.constant 0 : index
    %get3A_6 = arith.constant 0 : index
    %get3A_7 = vector.load %arg6[%get3A_5, %get3A_6] : memref<512x32xf32, #tpu.memory_space<vmem>>, vector<512x32xf32>
    %mul3A = arith.mulf %get3A_4, %get3A_4 : vector<4096x32xf32>
    %reduce_sum3A = arith.constant dense<0.000000e+00> : vector<4096xf32>
    %reduce_sum3A_8 = vector.multi_reduction <add>, %mul3A, %reduce_sum3A [1] : vector<4096x32xf32> to vector<4096xf32>
    %broadcast_in_dim3A = vector.shape_cast %reduce_sum3A_8 : vector<4096xf32> to vector<4096x1xf32>
    %mul3A_9 = arith.mulf %get3A_7, %get3A_7 : vector<512x32xf32>
    %reduce_sum3A_10 = arith.constant dense<0.000000e+00> : vector<512xf32>
    %reduce_sum3A_11 = vector.multi_reduction <add>, %mul3A_9, %reduce_sum3A_10 [1] : vector<512x32xf32> to vector<512xf32>
    %add3A = arith.addf %get3A_7, %get3A_7 : vector<512x32xf32>
    %dot_general3A = arith.constant dense<0.000000e+00> : vector<4096x512xf32>
    %dot_general3A_12 = tpu.matmul %get3A_4, %add3A, %dot_general3A {dimension_numbers = #tpu.dot_dimension_numbers<[1], [1], [0], [0], [0, 0, 1, 0], [], []>, transpose_lhs_hint = false} : vector<4096x32xf32>, vector<512x32xf32>, vector<4096x512xf32> -> vector<4096x512xf32>
    %broadcast_in_dim3A_13 = vector.shape_cast %reduce_sum3A_11 : vector<512xf32> to vector<1x512xf32>
    %add3A_14 = vector.broadcast %broadcast_in_dim3A : vector<4096x1xf32> to vector<4096x512xf32>
    %add3A_15 = vector.broadcast %broadcast_in_dim3A_13 : vector<1x512xf32> to vector<4096x512xf32>
    %add3A_16 = arith.addf %add3A_14, %add3A_15 : vector<4096x512xf32>
    %sub3A = arith.subf %add3A_16, %dot_general3A_12 : vector<4096x512xf32>
    %reduce_min3A = arith.constant dense<0x7F800000> : vector<4096xf32>
    %reduce_min3A_17 = vector.multi_reduction <minimumf>, %sub3A, %reduce_min3A [1] : vector<4096x512xf32> to vector<4096xf32>
    %broadcast_in_dim3A_18 = vector.shape_cast %reduce_min3A_17 : vector<4096xf32> to vector<4096x1xf32>
    %eq3A_19 = vector.broadcast %broadcast_in_dim3A_18 : vector<4096x1xf32> to vector<4096x512xf32>
    %eq3A_20 = arith.cmpf oeq, %sub3A, %eq3A_19 : vector<4096x512xf32>
    %jit3A = arith.constant 5.120000e+02 : f32
    %broadcast_in_dim3A_21 = vector.broadcast %jit3A : f32 to vector<4096x512xf32>
    %select_n3A = arith.select %eq3A_20, %convert_element_type3A_2, %broadcast_in_dim3A_21 : vector<4096x512xi1>, vector<4096x512xf32>
    %reduce_min3A_22 = arith.constant dense<0x7F800000> : vector<4096xf32>
    %reduce_min3A_23 = vector.multi_reduction <minimumf>, %select_n3A, %reduce_min3A_22 [1] : vector<4096x512xf32> to vector<4096xf32>
    %broadcast_in_dim3A_24 = vector.shape_cast %reduce_min3A_23 : vector<4096xf32> to vector<4096x1xf32>
    %convert_element_type3A_25 = arith.fptosi %broadcast_in_dim3A_24 : vector<4096x1xf32> to vector<4096x1xi32>
    %swap3A = arith.constant 0 : index
    %swap3A_26 = arith.constant 0 : index
    %swap3A_27 = vector.load %arg11[%swap3A, %swap3A_26] : memref<4096x5xi32, #tpu.memory_space<vmem>>, vector<4096x1xi32>
    tpu.vector_store %arg11[%swap3A, %swap3A_26], %convert_element_type3A_25 {strides = array<i32>} : memref<4096x5xi32, #tpu.memory_space<vmem>>, vector<4096x1xi32>,
    %add3A_28 = arith.constant 0 : i32
    %add3A_29 = vector.broadcast %add3A_28 : i32 to vector<4096x1xi32>
    %add3A_30 = arith.addi %convert_element_type3A_25, %add3A_29 : vector<4096x1xi32>
    %swap3A_31 = arith.constant 0 : index
    %swap3A_32 = arith.constant 0 : index
    %swap3A_33 = vector.load %arg12[%swap3A_31, %swap3A_32] : memref<4096x5xi32, #tpu.memory_space<vmem>>, vector<4096x1xi32>
    tpu.vector_store %arg12[%swap3A_31, %swap3A_32], %add3A_30 {strides = array<i32>} : memref<4096x5xi32, #tpu.memory_space<vmem>>, vector<4096x1xi32>,
    %reduce_sum3A_34 = vector.shape_cast %broadcast_in_dim3A_18 : vector<4096x1xf32> to vector<1x4096x1xf32>
    %reduce_sum3A_35 = arith.constant dense<0.000000e+00> : vector<1xf32>
    %reduce_sum3A_36 = vector.multi_reduction <add>, %reduce_sum3A_34, %reduce_sum3A_35 [1, 2] : vector<1x4096x1xf32> to vector<1xf32>
    %reduce_sum3A_37 = vector.shape_cast %reduce_sum3A_36 : vector<1xf32> to vector<1x1x1xf32>
    %reduce_sum3A_38 = vector.extract %reduce_sum3A_37[0, 0, 0] : f32 from vector<1x1x1xf32>
    %add3A_39 = arith.constant 0.000000e+00 : f32
    %add3A_40 = arith.addf %add3A_39, %reduce_sum3A_38 : f32
    %get3A_41 = arith.constant 0 : index
    %get3A_42 = arith.constant 0 : index
    %get3A_43 = vector.load %arg2[%get3A_41, %get3A_42] : memref<4096x32xf32, #tpu.memory_space<vmem>>, vector<4096x32xf32>
    %get3A_44 = arith.constant 0 : index
    %get3A_45 = arith.constant 0 : index
    %get3A_46 = vector.load %arg7[%get3A_44, %get3A_45] : memref<512x32xf32, #tpu.memory_space<vmem>>, vector<512x32xf32>
    %mul3A_47 = arith.mulf %get3A_43, %get3A_43 : vector<4096x32xf32>
    %reduce_sum3A_48 = arith.constant dense<0.000000e+00> : vector<4096xf32>
    %reduce_sum3A_49 = vector.multi_reduction <add>, %mul3A_47, %reduce_sum3A_48 [1] : vector<4096x32xf32> to vector<4096xf32>
    %broadcast_in_dim3A_50 = vector.shape_cast %reduce_sum3A_49 : vector<4096xf32> to vector<4096x1xf32>
    %mul3A_51 = arith.mulf %get3A_46, %get3A_46 : vector<512x32xf32>
    %reduce_sum3A_52 = arith.constant dense<0.000000e+00> : vector<512xf32>
    %reduce_sum3A_53 = vector.multi_reduction <add>, %mul3A_51, %reduce_sum3A_52 [1] : vector<512x32xf32> to vector<512xf32>
    %add3A_54 = arith.addf %get3A_46, %get3A_46 : vector<512x32xf32>
    %dot_general3A_55 = arith.constant dense<0.000000e+00> : vector<4096x512xf32>
    %dot_general3A_56 = tpu.matmul %get3A_43, %add3A_54, %dot_general3A_55 {dimension_numbers = #tpu.dot_dimension_numbers<[1], [1], [0], [0], [0, 0, 1, 0], [], []>, transpose_lhs_hint = false} : vector<4096x32xf32>, vector<512x32xf32>, vector<4096x512xf32> -> vector<4096x512xf32>
    %broadcast_in_dim3A_57 = vector.shape_cast %reduce_sum3A_53 : vector<512xf32> to vector<1x512xf32>
    %add3A_58 = vector.broadcast %broadcast_in_dim3A_50 : vector<4096x1xf32> to vector<4096x512xf32>
    %add3A_59 = vector.broadcast %broadcast_in_dim3A_57 : vector<1x512xf32> to vector<4096x512xf32>
    %add3A_60 = arith.addf %add3A_58, %add3A_59 : vector<4096x512xf32>
    %sub3A_61 = arith.subf %add3A_60, %dot_general3A_56 : vector<4096x512xf32>
    %reduce_min3A_62 = arith.constant dense<0x7F800000> : vector<4096xf32>
    %reduce_min3A_63 = vector.multi_reduction <minimumf>, %sub3A_61, %reduce_min3A_62 [1] : vector<4096x512xf32> to vector<4096xf32>
    %broadcast_in_dim3A_64 = vector.shape_cast %reduce_min3A_63 : vector<4096xf32> to vector<4096x1xf32>
    %eq3A_65 = vector.broadcast %broadcast_in_dim3A_64 : vector<4096x1xf32> to vector<4096x512xf32>
    %eq3A_66 = arith.cmpf oeq, %sub3A_61, %eq3A_65 : vector<4096x512xf32>
    %jit3A_67 = arith.constant 5.120000e+02 : f32
    %broadcast_in_dim3A_68 = vector.broadcast %jit3A_67 : f32 to vector<4096x512xf32>
    %select_n3A_69 = arith.select %eq3A_66, %convert_element_type3A_2, %broadcast_in_dim3A_68 : vector<4096x512xi1>, vector<4096x512xf32>
    %reduce_min3A_70 = arith.constant dense<0x7F800000> : vector<4096xf32>
    %reduce_min3A_71 = vector.multi_reduction <minimumf>, %select_n3A_69, %reduce_min3A_70 [1] : vector<4096x512xf32> to vector<4096xf32>
    %broadcast_in_dim3A_72 = vector.shape_cast %reduce_min3A_71 : vector<4096xf32> to vector<4096x1xf32>
    %convert_element_type3A_73 = arith.fptosi %broadcast_in_dim3A_72 : vector<4096x1xf32> to vector<4096x1xi32>
    %swap3A_74 = arith.constant 0 : index
    %swap3A_75 = arith.constant 1 : index
    %swap3A_76 = vector.load %arg11[%swap3A_74, %swap3A_75] : memref<4096x5xi32, #tpu.memory_space<vmem>>, vector<4096x1xi32>
    tpu.vector_store %arg11[%swap3A_74, %swap3A_75], %convert_element_type3A_73 {strides = array<i32>} : memref<4096x5xi32, #tpu.memory_space<vmem>>, vector<4096x1xi32>,
    %add3A_77 = arith.constant 512 : i32
    %add3A_78 = vector.broadcast %add3A_77 : i32 to vector<4096x1xi32>
    %add3A_79 = arith.addi %convert_element_type3A_73, %add3A_78 : vector<4096x1xi32>
    %swap3A_80 = arith.constant 0 : index
    %swap3A_81 = arith.constant 1 : index
    %swap3A_82 = vector.load %arg12[%swap3A_80, %swap3A_81] : memref<4096x5xi32, #tpu.memory_space<vmem>>, vector<4096x1xi32>
    tpu.vector_store %arg12[%swap3A_80, %swap3A_81], %add3A_79 {strides = array<i32>} : memref<4096x5xi32, #tpu.memory_space<vmem>>, vector<4096x1xi32>,
    %reduce_sum3A_83 = vector.shape_cast %broadcast_in_dim3A_64 : vector<4096x1xf32> to vector<1x4096x1xf32>
    %reduce_sum3A_84 = arith.constant dense<0.000000e+00> : vector<1xf32>
    %reduce_sum3A_85 = vector.multi_reduction <add>, %reduce_sum3A_83, %reduce_sum3A_84 [1, 2] : vector<1x4096x1xf32> to vector<1xf32>
    %reduce_sum3A_86 = vector.shape_cast %reduce_sum3A_85 : vector<1xf32> to vector<1x1x1xf32>
    %reduce_sum3A_87 = vector.extract %reduce_sum3A_86[0, 0, 0] : f32 from vector<1x1x1xf32>
    %add3A_88 = arith.addf %add3A_40, %reduce_sum3A_87 : f32
    %get3A_89 = arith.constant 0 : index
    %get3A_90 = arith.constant 0 : index
    %get3A_91 = vector.load %arg3[%get3A_89, %get3A_90] : memref<4096x32xf32, #tpu.memory_space<vmem>>, vector<4096x32xf32>
    %get3A_92 = arith.constant 0 : index
    %get3A_93 = arith.constant 0 : index
    %get3A_94 = vector.load %arg8[%get3A_92, %get3A_93] : memref<512x32xf32, #tpu.memory_space<vmem>>, vector<512x32xf32>
    %mul3A_95 = arith.mulf %get3A_91, %get3A_91 : vector<4096x32xf32>
    %reduce_sum3A_96 = arith.constant dense<0.000000e+00> : vector<4096xf32>
    %reduce_sum3A_97 = vector.multi_reduction <add>, %mul3A_95, %reduce_sum3A_96 [1] : vector<4096x32xf32> to vector<4096xf32>
    %broadcast_in_dim3A_98 = vector.shape_cast %reduce_sum3A_97 : vector<4096xf32> to vector<4096x1xf32>
    %mul3A_99 = arith.mulf %get3A_94, %get3A_94 : vector<512x32xf32>
    %reduce_sum3A_100 = arith.constant dense<0.000000e+00> : vector<512xf32>
    %reduce_sum3A_101 = vector.multi_reduction <add>, %mul3A_99, %reduce_sum3A_100 [1] : vector<512x32xf32> to vector<512xf32>
    %add3A_102 = arith.addf %get3A_94, %get3A_94 : vector<512x32xf32>
    %dot_general3A_103 = arith.constant dense<0.000000e+00> : vector<4096x512xf32>
    %dot_general3A_104 = tpu.matmul %get3A_91, %add3A_102, %dot_general3A_103 {dimension_numbers = #tpu.dot_dimension_numbers<[1], [1], [0], [0], [0, 0, 1, 0], [], []>, transpose_lhs_hint = false} : vector<4096x32xf32>, vector<512x32xf32>, vector<4096x512xf32> -> vector<4096x512xf32>
    %broadcast_in_dim3A_105 = vector.shape_cast %reduce_sum3A_101 : vector<512xf32> to vector<1x512xf32>
    %add3A_106 = vector.broadcast %broadcast_in_dim3A_98 : vector<4096x1xf32> to vector<4096x512xf32>
    %add3A_107 = vector.broadcast %broadcast_in_dim3A_105 : vector<1x512xf32> to vector<4096x512xf32>
    %add3A_108 = arith.addf %add3A_106, %add3A_107 : vector<4096x512xf32>
    %sub3A_109 = arith.subf %add3A_108, %dot_general3A_104 : vector<4096x512xf32>
    %reduce_min3A_110 = arith.constant dense<0x7F800000> : vector<4096xf32>
    %reduce_min3A_111 = vector.multi_reduction <minimumf>, %sub3A_109, %reduce_min3A_110 [1] : vector<4096x512xf32> to vector<4096xf32>
    %broadcast_in_dim3A_112 = vector.shape_cast %reduce_min3A_111 : vector<4096xf32> to vector<4096x1xf32>
    %eq3A_113 = vector.broadcast %broadcast_in_dim3A_112 : vector<4096x1xf32> to vector<4096x512xf32>
    %eq3A_114 = arith.cmpf oeq, %sub3A_109, %eq3A_113 : vector<4096x512xf32>
    %jit3A_115 = arith.constant 5.120000e+02 : f32
    %broadcast_in_dim3A_116 = vector.broadcast %jit3A_115 : f32 to vector<4096x512xf32>
    %select_n3A_117 = arith.select %eq3A_114, %convert_element_type3A_2, %broadcast_in_dim3A_116 : vector<4096x512xi1>, vector<4096x512xf32>
    %reduce_min3A_118 = arith.constant dense<0x7F800000> : vector<4096xf32>
    %reduce_min3A_119 = vector.multi_reduction <minimumf>, %select_n3A_117, %reduce_min3A_118 [1] : vector<4096x512xf32> to vector<4096xf32>
    %broadcast_in_dim3A_120 = vector.shape_cast %reduce_min3A_119 : vector<4096xf32> to vector<4096x1xf32>
    %convert_element_type3A_121 = arith.fptosi %broadcast_in_dim3A_120 : vector<4096x1xf32> to vector<4096x1xi32>
    %swap3A_122 = arith.constant 0 : index
    %swap3A_123 = arith.constant 2 : index
    %swap3A_124 = vector.load %arg11[%swap3A_122, %swap3A_123] : memref<4096x5xi32, #tpu.memory_space<vmem>>, vector<4096x1xi32>
    tpu.vector_store %arg11[%swap3A_122, %swap3A_123], %convert_element_type3A_121 {strides = array<i32>} : memref<4096x5xi32, #tpu.memory_space<vmem>>, vector<4096x1xi32>,
    %add3A_125 = arith.constant 1024 : i32
    %add3A_126 = vector.broadcast %add3A_125 : i32 to vector<4096x1xi32>
    %add3A_127 = arith.addi %convert_element_type3A_121, %add3A_126 : vector<4096x1xi32>
    %swap3A_128 = arith.constant 0 : index
    %swap3A_129 = arith.constant 2 : index
    %swap3A_130 = vector.load %arg12[%swap3A_128, %swap3A_129] : memref<4096x5xi32, #tpu.memory_space<vmem>>, vector<4096x1xi32>
    tpu.vector_store %arg12[%swap3A_128, %swap3A_129], %add3A_127 {strides = array<i32>} : memref<4096x5xi32, #tpu.memory_space<vmem>>, vector<4096x1xi32>,
    %reduce_sum3A_131 = vector.shape_cast %broadcast_in_dim3A_112 : vector<4096x1xf32> to vector<1x4096x1xf32>
    %reduce_sum3A_132 = arith.constant dense<0.000000e+00> : vector<1xf32>
    %reduce_sum3A_133 = vector.multi_reduction <add>, %reduce_sum3A_131, %reduce_sum3A_132 [1, 2] : vector<1x4096x1xf32> to vector<1xf32>
    %reduce_sum3A_134 = vector.shape_cast %reduce_sum3A_133 : vector<1xf32> to vector<1x1x1xf32>
    %reduce_sum3A_135 = vector.extract %reduce_sum3A_134[0, 0, 0] : f32 from vector<1x1x1xf32>
    %add3A_136 = arith.addf %add3A_88, %reduce_sum3A_135 : f32
    %get3A_137 = arith.constant 0 : index
    %get3A_138 = arith.constant 0 : index
    %get3A_139 = vector.load %arg4[%get3A_137, %get3A_138] : memref<4096x32xf32, #tpu.memory_space<vmem>>, vector<4096x32xf32>
    %get3A_140 = arith.constant 0 : index
    %get3A_141 = arith.constant 0 : index
    %get3A_142 = vector.load %arg9[%get3A_140, %get3A_141] : memref<512x32xf32, #tpu.memory_space<vmem>>, vector<512x32xf32>
    %mul3A_143 = arith.mulf %get3A_139, %get3A_139 : vector<4096x32xf32>
    %reduce_sum3A_144 = arith.constant dense<0.000000e+00> : vector<4096xf32>
    %reduce_sum3A_145 = vector.multi_reduction <add>, %mul3A_143, %reduce_sum3A_144 [1] : vector<4096x32xf32> to vector<4096xf32>
    %broadcast_in_dim3A_146 = vector.shape_cast %reduce_sum3A_145 : vector<4096xf32> to vector<4096x1xf32>
    %mul3A_147 = arith.mulf %get3A_142, %get3A_142 : vector<512x32xf32>
    %reduce_sum3A_148 = arith.constant dense<0.000000e+00> : vector<512xf32>
    %reduce_sum3A_149 = vector.multi_reduction <add>, %mul3A_147, %reduce_sum3A_148 [1] : vector<512x32xf32> to vector<512xf32>
    %add3A_150 = arith.addf %get3A_142, %get3A_142 : vector<512x32xf32>
    %dot_general3A_151 = arith.constant dense<0.000000e+00> : vector<4096x512xf32>
    %dot_general3A_152 = tpu.matmul %get3A_139, %add3A_150, %dot_general3A_151 {dimension_numbers = #tpu.dot_dimension_numbers<[1], [1], [0], [0], [0, 0, 1, 0], [], []>, transpose_lhs_hint = false} : vector<4096x32xf32>, vector<512x32xf32>, vector<4096x512xf32> -> vector<4096x512xf32>
    %broadcast_in_dim3A_153 = vector.shape_cast %reduce_sum3A_149 : vector<512xf32> to vector<1x512xf32>
    %add3A_154 = vector.broadcast %broadcast_in_dim3A_146 : vector<4096x1xf32> to vector<4096x512xf32>
    %add3A_155 = vector.broadcast %broadcast_in_dim3A_153 : vector<1x512xf32> to vector<4096x512xf32>
    %add3A_156 = arith.addf %add3A_154, %add3A_155 : vector<4096x512xf32>
    %sub3A_157 = arith.subf %add3A_156, %dot_general3A_152 : vector<4096x512xf32>
    %reduce_min3A_158 = arith.constant dense<0x7F800000> : vector<4096xf32>
    %reduce_min3A_159 = vector.multi_reduction <minimumf>, %sub3A_157, %reduce_min3A_158 [1] : vector<4096x512xf32> to vector<4096xf32>
    %broadcast_in_dim3A_160 = vector.shape_cast %reduce_min3A_159 : vector<4096xf32> to vector<4096x1xf32>
    %eq3A_161 = vector.broadcast %broadcast_in_dim3A_160 : vector<4096x1xf32> to vector<4096x512xf32>
    %eq3A_162 = arith.cmpf oeq, %sub3A_157, %eq3A_161 : vector<4096x512xf32>
    %jit3A_163 = arith.constant 5.120000e+02 : f32
    %broadcast_in_dim3A_164 = vector.broadcast %jit3A_163 : f32 to vector<4096x512xf32>
    %select_n3A_165 = arith.select %eq3A_162, %convert_element_type3A_2, %broadcast_in_dim3A_164 : vector<4096x512xi1>, vector<4096x512xf32>
    %reduce_min3A_166 = arith.constant dense<0x7F800000> : vector<4096xf32>
    %reduce_min3A_167 = vector.multi_reduction <minimumf>, %select_n3A_165, %reduce_min3A_166 [1] : vector<4096x512xf32> to vector<4096xf32>
    %broadcast_in_dim3A_168 = vector.shape_cast %reduce_min3A_167 : vector<4096xf32> to vector<4096x1xf32>
    %convert_element_type3A_169 = arith.fptosi %broadcast_in_dim3A_168 : vector<4096x1xf32> to vector<4096x1xi32>
    %swap3A_170 = arith.constant 0 : index
    %swap3A_171 = arith.constant 3 : index
    %swap3A_172 = vector.load %arg11[%swap3A_170, %swap3A_171] : memref<4096x5xi32, #tpu.memory_space<vmem>>, vector<4096x1xi32>
    tpu.vector_store %arg11[%swap3A_170, %swap3A_171], %convert_element_type3A_169 {strides = array<i32>} : memref<4096x5xi32, #tpu.memory_space<vmem>>, vector<4096x1xi32>,
    %add3A_173 = arith.constant 1536 : i32
    %add3A_174 = vector.broadcast %add3A_173 : i32 to vector<4096x1xi32>
    %add3A_175 = arith.addi %convert_element_type3A_169, %add3A_174 : vector<4096x1xi32>
    %swap3A_176 = arith.constant 0 : index
    %swap3A_177 = arith.constant 3 : index
    %swap3A_178 = vector.load %arg12[%swap3A_176, %swap3A_177] : memref<4096x5xi32, #tpu.memory_space<vmem>>, vector<4096x1xi32>
    tpu.vector_store %arg12[%swap3A_176, %swap3A_177], %add3A_175 {strides = array<i32>} : memref<4096x5xi32, #tpu.memory_space<vmem>>, vector<4096x1xi32>,
    %reduce_sum3A_179 = vector.shape_cast %broadcast_in_dim3A_160 : vector<4096x1xf32> to vector<1x4096x1xf32>
    %reduce_sum3A_180 = arith.constant dense<0.000000e+00> : vector<1xf32>
    %reduce_sum3A_181 = vector.multi_reduction <add>, %reduce_sum3A_179, %reduce_sum3A_180 [1, 2] : vector<1x4096x1xf32> to vector<1xf32>
    %reduce_sum3A_182 = vector.shape_cast %reduce_sum3A_181 : vector<1xf32> to vector<1x1x1xf32>
    %reduce_sum3A_183 = vector.extract %reduce_sum3A_182[0, 0, 0] : f32 from vector<1x1x1xf32>
    %add3A_184 = arith.addf %add3A_136, %reduce_sum3A_183 : f32
    %get3A_185 = arith.constant 0 : index
    %get3A_186 = arith.constant 0 : index
    %get3A_187 = vector.load %arg5[%get3A_185, %get3A_186] : memref<4096x32xf32, #tpu.memory_space<vmem>>, vector<4096x32xf32>
    %get3A_188 = arith.constant 0 : index
    %get3A_189 = arith.constant 0 : index
    %get3A_190 = vector.load %arg10[%get3A_188, %get3A_189] : memref<512x32xf32, #tpu.memory_space<vmem>>, vector<512x32xf32>
    %mul3A_191 = arith.mulf %get3A_187, %get3A_187 : vector<4096x32xf32>
    %reduce_sum3A_192 = arith.constant dense<0.000000e+00> : vector<4096xf32>
    %reduce_sum3A_193 = vector.multi_reduction <add>, %mul3A_191, %reduce_sum3A_192 [1] : vector<4096x32xf32> to vector<4096xf32>
    %broadcast_in_dim3A_194 = vector.shape_cast %reduce_sum3A_193 : vector<4096xf32> to vector<4096x1xf32>
    %mul3A_195 = arith.mulf %get3A_190, %get3A_190 : vector<512x32xf32>
    %reduce_sum3A_196 = arith.constant dense<0.000000e+00> : vector<512xf32>
    %reduce_sum3A_197 = vector.multi_reduction <add>, %mul3A_195, %reduce_sum3A_196 [1] : vector<512x32xf32> to vector<512xf32>
    %add3A_198 = arith.addf %get3A_190, %get3A_190 : vector<512x32xf32>
    %dot_general3A_199 = arith.constant dense<0.000000e+00> : vector<4096x512xf32>
    %dot_general3A_200 = tpu.matmul %get3A_187, %add3A_198, %dot_general3A_199 {dimension_numbers = #tpu.dot_dimension_numbers<[1], [1], [0], [0], [0, 0, 1, 0], [], []>, transpose_lhs_hint = false} : vector<4096x32xf32>, vector<512x32xf32>, vector<4096x512xf32> -> vector<4096x512xf32>
    %broadcast_in_dim3A_201 = vector.shape_cast %reduce_sum3A_197 : vector<512xf32> to vector<1x512xf32>
    %add3A_202 = vector.broadcast %broadcast_in_dim3A_194 : vector<4096x1xf32> to vector<4096x512xf32>
    %add3A_203 = vector.broadcast %broadcast_in_dim3A_201 : vector<1x512xf32> to vector<4096x512xf32>
    %add3A_204 = arith.addf %add3A_202, %add3A_203 : vector<4096x512xf32>
    %sub3A_205 = arith.subf %add3A_204, %dot_general3A_200 : vector<4096x512xf32>
    %reduce_min3A_206 = arith.constant dense<0x7F800000> : vector<4096xf32>
    %reduce_min3A_207 = vector.multi_reduction <minimumf>, %sub3A_205, %reduce_min3A_206 [1] : vector<4096x512xf32> to vector<4096xf32>
    %broadcast_in_dim3A_208 = vector.shape_cast %reduce_min3A_207 : vector<4096xf32> to vector<4096x1xf32>
    %eq3A_209 = vector.broadcast %broadcast_in_dim3A_208 : vector<4096x1xf32> to vector<4096x512xf32>
    %eq3A_210 = arith.cmpf oeq, %sub3A_205, %eq3A_209 : vector<4096x512xf32>
    %jit3A_211 = arith.constant 5.120000e+02 : f32
    %broadcast_in_dim3A_212 = vector.broadcast %jit3A_211 : f32 to vector<4096x512xf32>
    %select_n3A_213 = arith.select %eq3A_210, %convert_element_type3A_2, %broadcast_in_dim3A_212 : vector<4096x512xi1>, vector<4096x512xf32>
    %reduce_min3A_214 = arith.constant dense<0x7F800000> : vector<4096xf32>
    %reduce_min3A_215 = vector.multi_reduction <minimumf>, %select_n3A_213, %reduce_min3A_214 [1] : vector<4096x512xf32> to vector<4096xf32>
    %broadcast_in_dim3A_216 = vector.shape_cast %reduce_min3A_215 : vector<4096xf32> to vector<4096x1xf32>
    %convert_element_type3A_217 = arith.fptosi %broadcast_in_dim3A_216 : vector<4096x1xf32> to vector<4096x1xi32>
    %swap3A_218 = arith.constant 0 : index
    %swap3A_219 = arith.constant 4 : index
    %swap3A_220 = vector.load %arg11[%swap3A_218, %swap3A_219] : memref<4096x5xi32, #tpu.memory_space<vmem>>, vector<4096x1xi32>
    tpu.vector_store %arg11[%swap3A_218, %swap3A_219], %convert_element_type3A_217 {strides = array<i32>} : memref<4096x5xi32, #tpu.memory_space<vmem>>, vector<4096x1xi32>,
    %add3A_221 = arith.constant 2048 : i32
    %add3A_222 = vector.broadcast %add3A_221 : i32 to vector<4096x1xi32>
    %add3A_223 = arith.addi %convert_element_type3A_217, %add3A_222 : vector<4096x1xi32>
    %swap3A_224 = arith.constant 0 : index
    %swap3A_225 = arith.constant 4 : index
    %swap3A_226 = vector.load %arg12[%swap3A_224, %swap3A_225] : memref<4096x5xi32, #tpu.memory_space<vmem>>, vector<4096x1xi32>
    tpu.vector_store %arg12[%swap3A_224, %swap3A_225], %add3A_223 {strides = array<i32>} : memref<4096x5xi32, #tpu.memory_space<vmem>>, vector<4096x1xi32>,
    %reduce_sum3A_227 = vector.shape_cast %broadcast_in_dim3A_208 : vector<4096x1xf32> to vector<1x4096x1xf32>
    %reduce_sum3A_228 = arith.constant dense<0.000000e+00> : vector<1xf32>
    %reduce_sum3A_229 = vector.multi_reduction <add>, %reduce_sum3A_227, %reduce_sum3A_228 [1, 2] : vector<1x4096x1xf32> to vector<1xf32>
    %reduce_sum3A_230 = vector.shape_cast %reduce_sum3A_229 : vector<1xf32> to vector<1x1x1xf32>
    %reduce_sum3A_231 = vector.extract %reduce_sum3A_230[0, 0, 0] : f32 from vector<1x1x1xf32>
    %add3A_232 = arith.addf %add3A_184, %reduce_sum3A_231 : f32
    %get3A_233 = arith.constant 0 : index
    %get3A_234 = arith.constant 0 : index
    %get3A_235 = memref.load %arg13[%get3A_233, %get3A_234] : memref<1x1xf32, #tpu.memory_space<smem>>
    %mul3A_236 = arith.constant 2.38418579E-6 : f32
    %mul3A_237 = arith.mulf %add3A_232, %mul3A_236 : f32
    %add3A_238 = arith.addf %get3A_235, %mul3A_237 : f32
    %swap3A_239 = arith.constant 0 : index
    %swap3A_240 = arith.constant 0 : index
    %swap3A_241 = memref.load %arg13[%swap3A_239, %swap3A_240] : memref<1x1xf32, #tpu.memory_space<smem>>
    memref.store %add3A_238, %arg13[%swap3A_239, %swap3A_240] : memref<1x1xf32, #tpu.memory_space<smem>>
    return
  }
  func.func @transform_0(%arg0: i32) -> (i32, i32) {
    %c0_i32 = arith.constant 0 : i32
    %c0_i32_0 = arith.constant 0 : i32
    return %arg0, %c0_i32 : i32, i32
  }
  func.func @transform_1(%arg0: i32) -> (i32, i32) {
    %c0_i32 = arith.constant 0 : i32
    %c0_i32_0 = arith.constant 0 : i32
    return %arg0, %c0_i32 : i32, i32
  }
  func.func @transform_2(%arg0: i32) -> (i32, i32) {
    %c0_i32 = arith.constant 0 : i32
    %c0_i32_0 = arith.constant 0 : i32
    return %arg0, %c0_i32 : i32, i32
  }
  func.func @transform_3(%arg0: i32) -> (i32, i32) {
    %c0_i32 = arith.constant 0 : i32
    %c0_i32_0 = arith.constant 0 : i32
    return %arg0, %c0_i32 : i32, i32
  }
  func.func @transform_4(%arg0: i32) -> (i32, i32) {
    %c0_i32 = arith.constant 0 : i32
    %c0_i32_0 = arith.constant 0 : i32
    return %arg0, %c0_i32 : i32, i32
  }
  func.func @transform_5(%arg0: i32) -> (i32, i32) {
    %c0_i32 = arith.constant 0 : i32
    %c0_i32_0 = arith.constant 0 : i32
    %c0_i32_1 = arith.constant 0 : i32
    return %c0_i32, %c0_i32_0 : i32, i32
  }
  func.func @transform_6(%arg0: i32) -> (i32, i32) {
    %c0_i32 = arith.constant 0 : i32
    %c0_i32_0 = arith.constant 0 : i32
    %c0_i32_1 = arith.constant 0 : i32
    return %c0_i32, %c0_i32_0 : i32, i32
  }
  func.func @transform_7(%arg0: i32) -> (i32, i32) {
    %c0_i32 = arith.constant 0 : i32
    %c0_i32_0 = arith.constant 0 : i32
    %c0_i32_1 = arith.constant 0 : i32
    return %c0_i32, %c0_i32_0 : i32, i32
  }
  func.func @transform_8(%arg0: i32) -> (i32, i32) {
    %c0_i32 = arith.constant 0 : i32
    %c0_i32_0 = arith.constant 0 : i32
    %c0_i32_1 = arith.constant 0 : i32
    return %c0_i32, %c0_i32_0 : i32, i32
  }
  func.func @transform_9(%arg0: i32) -> (i32, i32) {
    %c0_i32 = arith.constant 0 : i32
    %c0_i32_0 = arith.constant 0 : i32
    %c0_i32_1 = arith.constant 0 : i32
    return %c0_i32, %c0_i32_0 : i32, i32
  }
  func.func @transform_10(%arg0: i32) -> (i32, i32) {
    %c0_i32 = arith.constant 0 : i32
    %c0_i32_0 = arith.constant 0 : i32
    return %arg0, %c0_i32 : i32, i32
  }
  func.func @transform_11(%arg0: i32) -> (i32, i32) {
    %c0_i32 = arith.constant 0 : i32
    %c0_i32_0 = arith.constant 0 : i32
    return %arg0, %c0_i32 : i32, i32
  }
  func.func @transform_12(%arg0: i32) -> (i32, i32) {
    %c0_i32 = arith.constant 0 : i32
    %c0_i32_0 = arith.constant 0 : i32
    %c0_i32_1 = arith.constant 0 : i32
    return %c0_i32, %c0_i32_0 : i32, i32
  }
}

</mosaic_0001>

<sc_bundles>
// kernel: kernel.4.cloned.1.call-start
scs
__scs_entry_jumppad:
0x0: {  	(pc) =	sbr.rel $0x88, $3  }
0x1: {  	(tag) =	ssettag $0x0;
	lr =	simm.s32 $0x1  }
0x2: {  	[smem:$0x3F97] =	sst lr;
	_ =	strace $0xD0000000  }
0x3: {  	_ = 	snop  }
0x4: {  	_ = 	snop  }
0x5: {  	_ = 	snop  }
0x6: {  	_ = 	snop  }
0x7: {  	_ = 	snop  }
__scs_overlays_trampoline_lowered:
0x8: {  	[smem:$0x3FA6] =	sst s0  }
0x9: {  	[smem:$0x3FA7] =	sst s1  }
0xa: {  	[smem:$0x3FA8] =	sst s2  }
0xb: {  	[smem:$0x3FA9] =	sst s3  }
0xc: {  	[smem:$0x3FAA] =	sst s4  }
0xd: {  	[smem:$0x3FAB] =	sst s5  }
0xe: {  	[smem:$0x3FAC] =	sst s6  }
0xf: {  	[smem:$0x3FAD] =	sst s7  }
0x10: {  	[smem:$0x3FAE] =	sst s8  }
0x11: {  	[smem:$0x3FAF] =	sst s9;
	s0 =	simm.s32 @!p0 $0x0  }
0x12: {  	s1 =	sld [smem:$0x3F95];
	s0 =	simm.s32 @p0 $0x1  }
0x13: {  	[smem:$0x3FB0] =	sst s0;
	s0 =	simm.s32 @!p1 $0x0  }
0x14: {  	s2 =	sld [smem:$0x3F94];
	s0 =	simm.s32 @p1 $0x1  }
0x15: {  	[smem:$0x3FB1] =	sst s0;
	s0 =	simm.s32 @!p2 $0x0  }
0x16: {  	s3 =	sld [smem:$0x3FDB];
	s0 =	simm.s32 @p2 $0x1  }
0x17: {  	s4 =	simm.s32 $0x1BF5;
	[smem:$0x3FB3] =	sst s0  }
0x18: {  	s0 =	sld [smem:$0x3F96];
	_ =	swait.ge [sflag:s4], $0x0  }
0x19: {  	s7 =	sld [smem:$0x3F97]  }
0x1a: {  	s8 =	sadd.s32 $0xFFFFE003, lr  }
0x1b: {  	s9 =	sadd.s32 $0xFFFFFEF7, lr;
	s5 =	simm.s32 $0xFFFFFFFF;
	p2 =	slt.u32 s8, $0xFFFFF086  }
0x1c: {  	p1 =	slt.u32 s9, $0xF7A;
	s5 =	simm.s32 @!p2 $0x0  }
0x1d: {  	s5 =	simm.s32 @p1 $0x1;
	p0 =	seq.s32 s7, s2  }
0x1e: {  	s7 =	smul.u32 @!p0 $0xF7A, s2;
	p2 =	seq.s32 @!p0 s5, $0x0  }
0x1f: {  	s9 =	smul.u32 $0xF7A, s1;
	s8 =	simm.s32 @!p0 $0x1BF5;
	p2 =	por !p2, p0  }
0x20: {  	[sflag:s8] =	ssyncset.s32 @!p0 $0xFFFFF086;
	s6 =	sadd.s32 @!p0 s3, s7;
	s7 =	simm.s32 @!p0 $0x108  }
0x21: {  	s3 =	sadd.s32 s3, s9;
	s6 =	sadd.s32 @!p0 $0x88, s6;
	s7 =	simm.s32 @p2 $0x1082  }
0x22: {  	[simem:s7], [sflag:s8] =	dma.local @!p0 [hbm:s6], $0xF7A  }
0x23: {  	s9 =	sor.u32 $0xD0000000, s2;
	s6 =	simm.s32 $0x108;
	_ =	swait.ge @!p0 [sflag:s8], $0x0  }
0x24: {  	s3 =	sadd.s32 $0x88, s3;
	s6 =	simm.s32 @!p1 $0x1082;
	[sflag:s4] =	ssyncset.s32 $0xFFFFF086  }
0x25: {  	[simem:s6], [sflag:s4] =	dma.local [hbm:s3], $0xF7A  }
0x26: {  	[smem:$0x3F97] =	sst s1;
	(tag) =	ssettag s2;
	_ =	strace s9  }
0x27: {  	s1 =	sld [smem:$0x3FA7]  }
0x28: {  	s2 =	sld [smem:$0x3FA8]  }
0x29: {  	s4 =	sld [smem:$0x3FAA]  }
0x2a: {  	p0 =	seq.s32 s5, $0x0;
	s5 =	sld [smem:$0x3FAB]  }
0x2b: {  	s6 =	sld [smem:$0x3FAC]  }
0x2c: {  	s7 =	sld [smem:$0x3FAD]  }
0x2d: {  	s3 =	simm.s32 $0x108;
	s8 =	sld [smem:$0x3FAE]  }
0x2e: {  	s3 =	simm.s32 @!p0 $0x1082;
	s9 =	sld [smem:$0x3FAF]  }
0x2f: {  	lr =	sadd.s32 s0, s3;
	s0 =	sld [smem:$0x3FA6]  }
0x30: {  	s3 =	sld [smem:$0x3FA9]  }
0x31: {  	[smem:$0x3FB2] =	sst s10  }
0x32: {  	s10 =	sld [smem:$0x3FB0];
	_ =	sdelay $0x3  }
0x33: {  	p0 =	seq.s32 s10, $0x1;
	s10 =	sld [smem:$0x3FB2];
	_ =	sdelay $0x3  }
0x34: {  	[smem:$0x3FB2] =	sst s10  }
0x35: {  	s10 =	sld [smem:$0x3FB1];
	_ =	sdelay $0x3  }
0x36: {  	p1 =	seq.s32 s10, $0x1;
	s10 =	sld [smem:$0x3FB2];
	_ =	sdelay $0x3  }
0x37: {  	[smem:$0x3FB2] =	sst s10  }
0x38: {  	s10 =	sld [smem:$0x3FB3]  }
0x39: {  	_ = 	snop;
	(pc) =	sbr.ind lr, $3  }
0x3a: {  	_ = 	snop  }
0x3b: {  	_ = 	snop  }
0x3c: {  	p2 =	seq.s32 s10, $0x1;
	s10 =	sld [smem:$0x3FB2]  }
0x3d: {  	_ =	shalt  }
0x3e: {  	_ =	shalt  }
0x3f: {  	_ =	shalt  }
0x40: {  	_ =	shalt  }
0x41: {  	_ =	shalt  }
0x42: {  	_ =	shalt  }
0x43: {  	_ =	shalt  }
0x44: {  	_ =	shalt  }
0x45: {  	_ =	shalt  }
0x46: {  	_ =	shalt  }
0x47: {  	_ =	shalt  }
0x48: {  	_ =	shalt  }
0x49: {  	_ =	shalt  }
0x4a: {  	_ =	shalt  }
0x4b: {  	_ =	shalt  }
0x4c: {  	_ =	shalt  }
0x4d: {  	_ =	shalt  }
0x4e: {  	_ =	shalt  }
0x4f: {  	_ =	shalt  }
0x50: {  	_ =	shalt  }
0x51: {  	_ =	shalt  }
0x52: {  	_ =	shalt  }
0x53: {  	_ =	shalt  }
0x54: {  	_ =	shalt  }
0x55: {  	_ =	shalt  }
0x56: {  	_ =	shalt  }
0x57: {  	_ =	shalt  }
0x58: {  	_ =	shalt  }
0x59: {  	_ =	shalt  }
0x5a: {  	_ =	shalt  }
0x5b: {  	_ =	shalt  }
0x5c: {  	_ =	shalt  }
0x5d: {  	_ =	shalt  }
0x5e: {  	_ =	shalt  }
0x5f: {  	_ =	shalt  }
0x60: {  	_ =	shalt  }
0x61: {  	_ =	shalt  }
0x62: {  	_ =	shalt  }
0x63: {  	_ =	shalt  }
0x64: {  	_ =	shalt  }
0x65: {  	_ =	shalt  }
0x66: {  	_ =	shalt  }
0x67: {  	_ =	shalt  }
0x68: {  	_ =	shalt  }
0x69: {  	_ =	shalt  }
0x6a: {  	_ =	shalt  }
0x6b: {  	_ =	shalt  }
0x6c: {  	_ =	shalt  }
0x6d: {  	_ =	shalt  }
0x6e: {  	_ =	shalt  }
0x6f: {  	_ =	shalt  }
0x70: {  	_ =	shalt  }
0x71: {  	_ =	shalt  }
0x72: {  	_ =	shalt  }
0x73: {  	_ =	shalt  }
0x74: {  	_ =	shalt  }
0x75: {  	_ =	shalt  }
0x76: {  	_ =	shalt  }
0x77: {  	_ =	shalt  }
0x78: {  	_ =	shalt  }
0x79: {  	_ =	shalt  }
0x7a: {  	_ =	shalt  }
0x7b: {  	_ =	shalt  }
0x7c: {  	_ =	shalt  }
0x7d: {  	_ =	shalt  }
0x7e: {  	_ =	shalt  }
0x7f: {  	_ =	shalt  }
0x80: {  	_ =	shalt  }
0x81: {  	_ =	shalt  }
0x82: {  	_ =	shalt  }
0x83: {  	_ =	shalt  }
0x84: {  	_ =	shalt  }
0x85: {  	_ =	shalt  }
0x86: {  	_ =	shalt  }
0x87: {  	_ =	shalt  }
.Lfunc_end0:
.L_simem_size_0:
called_computation_lowered:
.L_overlay_start_0:
0x88: {  	s2 =	sld [smem:$0x3FD9]  }
0x89: {  	s3 =	sld [smem:$0x3FFE];
	_ =	sdelay $0x1  }
0x8a: {  	s1 =	srdreg.scid  }
0x8b: {  	s0 =	sand.u32 $0x1, s1  }
0x8c: {  	s14 =	sshll.u32 s0, $0xA;
	s2 =	sadd.s32 s3, s2  }
0x8d: {  	s2 =	sadd.s32 s2, s14  }
0x8e: {  	[smem:$0x3FBE] =	sst s2  }
0x8f: {  	_ = 	snop  }
0x90: {  	s2 =	sld [smem:$0x3FD0];
	_ =	sdelay $0x2  }
0x91: {  	s15 =	simm.s32 $0xA;
	s4 =	simm.s32 $0x10  }
0x92: {  	[smem:s4], [sflag:s15] =	dma.local [hbm:s2], $0x1  }
0x93: {  	_ =	swait.eq [sflag:s15], $0x1  }
0x94: {  	[sflag:s15] =	ssyncset.done $0x0  }
0x95: {  	[sflag:s15] =	ssyncadd.s32 $0xFFFFFFFF  }
0x96: {  	s16 =	sld [smem:$0x10];
	(tm) =	ssettm $0x1  }
0x97: {  	s17 =	sld [smem:$0x3FFB];
	_ =	sdelay $0x3  }
0x98: {  	_ =	strace s17  }
0x99: {  	s3 =	sld [smem:$0x3FFC];
	_ =	sdelay $0x3  }
0x9a: {  	_ =	strace s3  }
0x9b: {  	s3 =	sld [smem:$0x3FFD];
	_ =	sdelay $0x3  }
0x9c: {  	_ =	strace s3  }
0x9d: {  	_ =	strace $0x8FFFFFFF  }
0x9e: {  	s18 =	sld [smem:$0x3FDB];
	_ =	sdelay $0x1  }
0x9f: {  	s19 =	simm.s32 $_scs_section_size  }
0xa0: {  	s5 =	simm.s32 $_size__tile_overlayer_lowered;
	s6 =	simm.s32 $_tile_overlayer_lowered  }
0xa1: {  	s22 =	simm.s32 $0x1BFF;
	s21 =	sshll.u32 s6, $0x1;
	s3 =	sadd.s32 s19, s18  }
0xa2: {  	s7 =	simm.s32 $0x0;
	s20 =	sshll.u32 s5, $0x1;
	s5 =	sadd.s32 s21, s3  }
0xa3: {  	[timem:s7], [sflag:s22] =	dma.local [hbm:s5], s20  }
0xa4: {  	_ =	swait.ge [sflag:s22], s20  }
0xa5: {  	s4 =	ssub.s32 $0x0, s20;
	[sflag:s22] =	ssyncset.done $0x0  }
0xa6: {  	[sflag:s22] =	ssyncadd.s32 s4;
	_ =	sdelay $0x1  }
0xa7: {  	s23 =	simm.s32 $0x1B8B  }
0xa8: {  	_ =	swait.ge [sflag:s23], $0x1  }
0xa9: {  	[sflag:s23] =	ssyncset.done $0x0  }
0xaa: {  	s25 =	simm.s32 $0x1B8E;
	s24 =	sld [smem:$0x3FFE];
	[sflag:s23] =	ssyncadd.s32 $0xFFFFFFFF  }
0xab: {  	s26 =	simm.s32 $execute0_lowered;
	[smem:$0x3FD2] =	sst s25  }
0xac: {  	s5 =	sshll.u32 s26, $0x1;
	_ =	strace $0x80000046;
	[dreg:$0x1] =	wrdreg $0xFFFFFFFF  }
0xad: {  	s28 =	simm.s32 $_size_execute0_lowered;
	s3 =	sadd.s32 s3, s5;
	[dreg:$0x0] =	wrdreg $0x0  }
0xae: {  	s5 =	sshll.u32 s28, $0x1;
	[dreg:$0x2] =	wrdreg s3  }
0xaf: {  	[dreg:$0x3] =	wrdreg s5  }
0xb0: {  	[dreg:$0x4] =	wrdreg $0xC0  }
0xb1: {  	_ =	task [dreg:s7], $0x5FFFF  }
0xb2: {  	[dreg:$0x1] =	wrdreg $0xFFFFFFFF  }
0xb3: {  	[dreg:$0x0] =	wrdreg $0x60  }
0xb4: {  	[dreg:$0x2] =	wrdreg s24  }
0xb5: {  	[dreg:$0x3] =	wrdreg s16  }
0xb6: {  	[dreg:$0x4] =	wrdreg $0x9  }
0xb7: {  	_ =	task.clear_ibuf [dreg:s7], $0x5FFFF;
	_ =	strace $0x90000046  }
0xb8: {  	s29 =	simm.s32 $0x9;
	_ =	strace $0x80000048  }
0xb9: {  	_ =	swait.ge [sflag:s29], $0x1  }
0xba: {  	[sflag:s29] =	ssyncadd.s32 $0xFFFFFFFF  }
0xbb: {  	_ =	strace $0x90000048  }
0xbc: {  	_ =	sfence  }
0xbd: {  	s30 =	sld [smem:$0x0];
	_ =	sdelay $0x2  }
0xbe: {  	s31 =	sshll.u32 s1, $0xD;
	s1 =	sshrl.u32 s1, $0x2  }
0xbf: {  	s3 =	sand.u32 $0x4000, s31;
	s1 =	sadd.s32 s1, s30  }
0xc0: {  	s0 =	sor.u32 s3, s0;
	s1 =	sshll.u32 s1, $0x11  }
0xc1: {  	s0 =	sor.u32 s1, s0  }
0xc2: {  	s0 =	sadd.s32 $0x8F2B, s0  }
0xc3: {  	[sflag:s0] =	ssyncadd.remote.s32 $0x1  }
0xc4: {  	_ =	sfence.sel $0xFFFF  }
0xc5: {  	[dreg:$0x0] =	wrdreg $0xFFFFFFFF;
	(pc) =	sbr.abs _section_cstart, $3  }
0xc6: {  	[dreg:$0x1] =	wrdreg $0xFFFFFFFF  }
0xc7: {  	_ =	task.clear_ibuf [dreg:s7], $0x2FFFF;
	_ =	strace $0x9FFFFFFF  }
0xc8: {  	(tm) =	ssettm $0x7FFFFFFF  }
0xc9: {  	_ =	shalt  }
tec
execute0_lowered:
.L_overlay_start_1:
0x0: {  	(tag) =	ssettag $0x1  }
0x1: {  	s0 =	srdreg.scid;
	s1 =	stileid.u32  }
0x2: {  	s2 =	sand.u32 $0x1, s0;
	s7 =	sshll.u32 s1, $0x1  }
0x3: {  	s8 =	rddreg [dreg:$0x0];
	s3 =	simm.s32 $0x0;
	s0 =	sor.u32 s2, s7  }
0x4: {  	[smem:$0x7FF] =	sst s3;
	s12 =	smul.u32 $0x14, s0  }
0x5: {  	[smem:$0x7F9] =	sst s2;
	s0 =	smul.u32 $0xA00, s0  }
0x6: {  	s2 =	rddreg [dreg:$0x1]  }
0x7: {  	s7 =	sadd.s32 $0x1600, s8;
	s4 =	sshrl.u32 s12, $0x7;
	s10 =	sand.u32 $0x3E00, s0  }
0x8: {  	s18 =	sadd.s32 $0x4, s12;
	s23 =	sadd.s32 $0x5, s12;
	[smem:$0x7E6] =	sst s4  }
0x9: {  	s9 =	sshll.u32 s4, $0xE;
	s13 =	sor.u32 $0x80, s10;
	s5 =	sor.u32 $0x100, s10  }
0xa: {  	s17 =	sor.u32 $0x180, s10;
	_ =	strace $0x80000047;
	[smem:$0x7E7] =	sst s13  }
0xb: {  	s19 =	sshrl.u32 s18, $0x7;
	s24 =	sshrl.u32 s23, $0x7;
	[smem:$0x7E8] =	sst s5  }
0xc: {  	s11 =	sor.u32 s10, s9;
	s4 =	sor.u32 s13, s9;
	[smem:$0x7E9] =	sst s17  }
0xd: {  	s5 =	sor.u32 s5, s9;
	s0 =	sor.u32 s17, s9;
	[smem:$0x7EA] =	sst s19  }
0xe: {  	s21 =	sshll.u32 s19, $0xE;
	[smem:$0x7EC] =	sst s24;
	s26 =	sshll.u32 s24, $0xE  }
0xf: {  	s17 =	sadd.s32 $0x8, s12;
	s1 =	sshrl.u32 s11, $0x3;
	s4 =	sshrl.u32 s4, $0x3  }
0x10: {  	s15 =	sshrl.u32 s5, $0x3;
	s0 =	sshrl.u32 s0, $0x3;
	s1 =	sadd.s32 s7, s1  }
0x11: {  	s11 =	sadd.s32 $0x7, s12;
	s14 =	sadd.s32 s7, s4;
	[dreg:$0x3] =	wrdreg s1  }
0x12: {  	s19 =	sshrl.u32 s17, $0x7;
	s16 =	sadd.s32 s7, s15;
	[dreg:$0x4] =	wrdreg s14  }
0x13: {  	s0 =	sadd.s32 s7, s0;
	s4 =	sadd.s32 $0x6, s12;
	[dreg:$0x5] =	wrdreg s16  }
0x14: {  	s13 =	sshrl.u32 s11, $0x7;
	s1 =	sshll.u32 s18, $0x7;
	[dreg:$0x6] =	wrdreg s0  }
0x15: {  	s5 =	sshrl.u32 s4, $0x7;
	[smem:$0x7F0] =	sst s13;
	s15 =	sshll.u32 s13, $0xE  }
0x16: {  	s18 =	sshll.u32 s19, $0xE;
	s20 =	sand.u32 $0x3E00, s1;
	s1 =	sshll.u32 s23, $0x7  }
0x17: {  	[smem:$0x7EE] =	sst s5;
	s8 =	sshll.u32 s5, $0xE;
	s22 =	sor.u32 s20, s21  }
0x18: {  	s5 =	sadd.s32 $0xB, s12;
	s25 =	sand.u32 $0x3E80, s1;
	s0 =	sshrl.u32 s22, $0x3  }
0x19: {  	[smem:$0x7EB] =	sst s20;
	s1 =	sor.u32 s25, s26;
	s0 =	sadd.s32 s7, s0  }
0x1a: {  	[dreg:$0x7] =	wrdreg s0;
	s0 =	sshrl.u32 s1, $0x3;
	s1 =	sshll.u32 s4, $0x7  }
0x1b: {  	[smem:$0x7ED] =	sst s25;
	s22 =	sadd.s32 $0x9, s12;
	s6 =	sand.u32 $0x3F00, s1  }
0x1c: {  	s25 =	sadd.s32 $0xA, s12;
	s0 =	sadd.s32 s7, s0;
	[smem:$0x7EF] =	sst s6  }
0x1d: {  	s1 =	sshll.u32 s11, $0x7;
	[dreg:$0x8] =	wrdreg s0;
	s9 =	sor.u32 s6, s8  }
0x1e: {  	s14 =	sand.u32 $0x3F80, s1;
	s1 =	sshll.u32 s17, $0x7;
	s17 =	sadd.s32 $0xE, s12  }
0x1f: {  	s0 =	sshrl.u32 s9, $0x3;
	[smem:$0x7F1] =	sst s14;
	s16 =	sor.u32 s14, s15  }
0x20: {  	s20 =	sand.u32 $0x3E00, s1;
	s1 =	sshll.u32 s22, $0x7;
	s9 =	sadd.s32 $0xC, s12  }
0x21: {  	s14 =	sadd.s32 $0xD, s12;
	s0 =	sadd.s32 s7, s0;
	s21 =	sor.u32 s20, s18  }
0x22: {  	s28 =	sshrl.u32 s9, $0x7;
	[dreg:$0x9] =	wrdreg s0;
	s0 =	sshrl.u32 s16, $0x3  }
0x23: {  	s30 =	sshrl.u32 s14, $0x7;
	s18 =	sshrl.u32 s17, $0x7;
	s0 =	sadd.s32 s7, s0  }
0x24: {  	s11 =	sshll.u32 s28, $0xE;
	s15 =	sshll.u32 s30, $0xE;
	[dreg:$0xa] =	wrdreg s0  }
0x25: {  	s0 =	sshrl.u32 s21, $0x3;
	s21 =	sshrl.u32 s22, $0x7;
	s22 =	sand.u32 $0x3E80, s1  }
0x26: {  	s1 =	sshll.u32 s25, $0x7;
	s0 =	sadd.s32 s7, s0;
	s23 =	sshll.u32 s21, $0xE  }
0x27: {  	[dreg:$0xb] =	wrdreg s0;
	s24 =	sor.u32 s22, s23;
	s23 =	sshrl.u32 s25, $0x7  }
0x28: {  	s25 =	sshrl.u32 s5, $0x7;
	s0 =	sshrl.u32 s24, $0x3;
	s24 =	sand.u32 $0x3F00, s1  }
0x29: {  	s26 =	sshll.u32 s23, $0xE;
	s1 =	sshll.u32 s5, $0x7;
	s6 =	sshll.u32 s25, $0xE  }
0x2a: {  	s0 =	sadd.s32 s7, s0;
	s4 =	sor.u32 s24, s26;
	s26 =	sand.u32 $0x3F80, s1  }
0x2b: {  	s1 =	sshll.u32 s9, $0x7;
	[dreg:$0xc] =	wrdreg s0;
	s0 =	sshrl.u32 s4, $0x3  }
0x2c: {  	s8 =	sor.u32 s26, s6;
	s29 =	sand.u32 $0x3E00, s1;
	s1 =	sshll.u32 s14, $0x7  }
0x2d: {  	s4 =	sshll.u32 s18, $0xE;
	s6 =	sadd.s32 $0xF, s12;
	s0 =	sadd.s32 s7, s0  }
0x2e: {  	s13 =	sor.u32 s29, s11;
	s31 =	sand.u32 $0x3E80, s1;
	s1 =	sshll.u32 s17, $0x7  }
0x2f: {  	s11 =	sadd.s32 $0x10, s12;
	[dreg:$0xd] =	wrdreg s0;
	s0 =	sshrl.u32 s8, $0x3  }
0x30: {  	s16 =	sor.u32 s31, s15;
	s15 =	sshrl.u32 s6, $0x7;
	s0 =	sadd.s32 s7, s0  }
0x31: {  	[dreg:$0xe] =	wrdreg s0;
	s0 =	sshrl.u32 s13, $0x3;
	s13 =	sshrl.u32 s11, $0x7  }
0x32: {  	s8 =	sshll.u32 s15, $0xE;
	s0 =	sadd.s32 s7, s0;
	s17 =	sshll.u32 s13, $0xE  }
0x33: {  	[dreg:$0xf] =	wrdreg s0;
	s0 =	sshrl.u32 s16, $0x3;
	s16 =	sand.u32 $0x3F00, s1  }
0x34: {  	s1 =	sshll.u32 s6, $0x7;
	s0 =	sadd.s32 s7, s0;
	s5 =	sor.u32 s16, s4  }
0x35: {  	s14 =	sand.u32 $0x3F80, s1;
	s1 =	sshll.u32 s11, $0x7;
	s4 =	sadd.s32 $0x11, s12  }
0x36: {  	[dreg:$0x10] =	wrdreg s0;
	s0 =	sshrl.u32 s5, $0x3;
	s11 =	sand.u32 $0x3E00, s1  }
0x37: {  	s9 =	sor.u32 s14, s8;
	s0 =	sadd.s32 s7, s0;
	s1 =	sor.u32 s11, s17  }
0x38: {  	[dreg:$0x11] =	wrdreg s0;
	s0 =	sshrl.u32 s9, $0x3;
	s9 =	sshrl.u32 s4, $0x7  }
0x39: {  	s17 =	sadd.s32 $0x12, s12;
	s0 =	sadd.s32 s7, s0;
	s5 =	sshll.u32 s9, $0xE  }
0x3a: {  	[dreg:$0x12] =	wrdreg s0;
	s0 =	sshrl.u32 s1, $0x3;
	s1 =	sshll.u32 s4, $0x7  }
0x3b: {  	s0 =	sadd.s32 s7, s0;
	s6 =	sand.u32 $0x3E80, s1;
	s1 =	sshll.u32 s17, $0x7  }
0x3c: {  	[dreg:$0x13] =	wrdreg s0;
	s8 =	sor.u32 s6, s5;
	s5 =	sand.u32 $0x3F00, s1  }
0x3d: {  	s1 =	sadd.s32 $0x13, s12;
	s0 =	sshrl.u32 s8, $0x3;
	s8 =	sshrl.u32 s17, $0x7  }
0x3e: {  	s12 =	sshrl.u32 s1, $0x7;
	s0 =	sadd.s32 s7, s0;
	s17 =	sshll.u32 s8, $0xE  }
0x3f: {  	s4 =	sshll.u32 s1, $0x7;
	[dreg:$0x14] =	wrdreg s0;
	s0 =	sor.u32 s5, s17  }
0x40: {  	s4 =	sand.u32 $0x3F80, s4;
	s17 =	sshll.u32 s12, $0xE;
	s0 =	sshrl.u32 s0, $0x3  }
0x41: {  	s17 =	sor.u32 s4, s17;
	s1 =	sadd.s32 s7, s0;
	s0 =	sld [smem:$0x7E6]  }
0x42: {  	s17 =	sshrl.u32 s17, $0x3;
	[dreg:$0x15] =	wrdreg s1  }
0x43: {  	s10 =	sshll.u32 s10, $0x7;
	s1 =	sadd.s32 s7, s17;
	s17 =	rddreg [dreg:$0x0]  }
0x44: {  	s7 =	sadd.s32 $0x3E00, s17;
	s17 =	sld [smem:$0x7E7];
	s0 =	sshll.u32 s0, $0x15  }
0x45: {  	s10 =	sor.u32 s10, s0  }
0x46: {  	[dreg:$0x16] =	wrdreg s1;
	s10 =	sshrl.u32 s10, $0x3  }
0x47: {  	s1 =	sadd.s32 s7, s10;
	s10 =	sshll.u32 s17, $0x7;
	s17 =	sld [smem:$0x7E8]  }
0x48: {  	_ = 	snop  }
0x49: {  	[dreg:$0x17] =	wrdreg s1;
	s1 =	sor.u32 s0, s10  }
0x4a: {  	s1 =	sshrl.u32 s1, $0x3;
	s10 =	sshll.u32 s17, $0x7;
	s17 =	sld [smem:$0x7E9]  }
0x4b: {  	s1 =	sadd.s32 s7, s1  }
0x4c: {  	s10 =	sor.u32 s0, s10;
	[dreg:$0x18] =	wrdreg s1  }
0x4d: {  	s1 =	sld [smem:$0x7EA];
	s10 =	sshrl.u32 s10, $0x3;
	s17 =	sshll.u32 s17, $0x7  }
0x4e: {  	s0 =	sor.u32 s0, s17;
	s17 =	sadd.s32 s7, s10;
	s10 =	sld [smem:$0x7EB]  }
0x4f: {  	[dreg:$0x19] =	wrdreg s17  }
0x50: {  	s0 =	sshrl.u32 s0, $0x3;
	s17 =	sld [smem:$0x7EC]  }
0x51: {  	s0 =	sadd.s32 s7, s0  }
0x52: {  	[dreg:$0x1a] =	wrdreg s0;
	s0 =	sshll.u32 s1, $0x12  }
0x53: {  	s1 =	sshll.u32 s10, $0x4;
	s10 =	sshll.u32 s17, $0x12;
	s17 =	sld [smem:$0x7ED]  }
0x54: {  	_ = 	snop  }
0x55: {  	s0 =	sadd.s32 s7, s0  }
0x56: {  	s0 =	sadd.s32 s1, s0;
	s10 =	sadd.s32 s7, s10;
	s1 =	sshll.u32 s17, $0x4  }
0x57: {  	s17 =	sadd.s32 s1, s10;
	s1 =	sld [smem:$0x7EE]  }
0x58: {  	s10 =	sld [smem:$0x7EF]  }
0x59: {  	[dreg:$0x1c] =	wrdreg s17  }
0x5a: {  	s17 =	sld [smem:$0x7F0]  }
0x5b: {  	p0 =	por $0x0, $0x0;
	s23 =	sshll.u32 s23, $0x12;
	s25 =	sshll.u32 s25, $0x12  }
0x5c: {  	s24 =	sshll.u32 s24, $0x4;
	[dreg:$0x1b] =	wrdreg s0;
	s0 =	sshll.u32 s1, $0x12  }
0x5d: {  	s1 =	sshll.u32 s10, $0x4;
	s10 =	sshll.u32 s17, $0x12;
	s17 =	sld [smem:$0x7F1]  }
0x5e: {  	s26 =	sshll.u32 s26, $0x4;
	s9 =	sshll.u32 s9, $0x12;
	s0 =	sadd.s32 s7, s0  }
0x5f: {  	s5 =	sshll.u32 s5, $0x4;
	s4 =	sshll.u32 s4, $0x4;
	s0 =	sadd.s32 s1, s0  }
0x60: {  	s10 =	sadd.s32 s7, s10;
	[dreg:$0x1d] =	wrdreg s0;
	s1 =	sshll.u32 s17, $0x4  }
0x61: {  	s17 =	sshll.u32 s19, $0x12;
	s19 =	sshll.u32 s20, $0x4;
	s20 =	sshll.u32 s21, $0x12  }
0x62: {  	s21 =	sshll.u32 s22, $0x4;
	s10 =	sadd.s32 s1, s10;
	s0 =	sadd.s32 s7, s17  }
0x63: {  	s17 =	sshll.u32 s28, $0x12;
	s28 =	simm.s32 $0x2;
	[dreg:$0x1e] =	wrdreg s10  }
0x64: {  	s0 =	sadd.s32 s19, s0;
	s10 =	sadd.s32 s7, s20;
	s19 =	sshll.u32 s29, $0x4  }
0x65: {  	s20 =	sshll.u32 s30, $0x12;
	s29 =	simm.s32 $0x100;
	s30 =	simm.s32 $0x180  }
0x66: {  	[dreg:$0x1f] =	wrdreg s0;
	s22 =	sadd.s32 s21, s10;
	s0 =	sadd.s32 s7, s23  }
0x67: {  	s10 =	sadd.s32 s7, s25;
	s21 =	sshll.u32 s31, $0x4;
	s23 =	sshll.u32 s18, $0x12  }
0x68: {  	s25 =	sshll.u32 s15, $0x12;
	s15 =	sshll.u32 s13, $0x12;
	s18 =	sadd.s32 s7, s9  }
0x69: {  	s31 =	simm.s32 $0x200;
	s13 =	simm.s32 $0x6A00;
	[smem:$0x7F2] =	sst s22  }
0x6a: {  	s0 =	sadd.s32 s24, s0;
	s10 =	sadd.s32 s26, s10;
	s24 =	sshll.u32 s16, $0x4  }
0x6b: {  	s26 =	sshll.u32 s14, $0x4;
	s16 =	sshll.u32 s11, $0x4;
	[smem:$0x7F3] =	sst s0  }
0x6c: {  	s11 =	simm.s32 $0x580;
	[smem:$0x7F4] =	sst s10;
	s0 =	sadd.s32 s7, s17  }
0x6d: {  	s10 =	sadd.s32 s7, s20;
	s17 =	sshll.u32 s6, $0x4;
	s6 =	simm.s32 $0x300  }
0x6e: {  	s0 =	sadd.s32 s19, s0;
	s22 =	sadd.s32 s21, s10;
	s19 =	sld [smem:$0x7F9]  }
0x6f: {  	s10 =	sadd.s32 s7, s25;
	s20 =	sadd.s32 s17, s18;
	[smem:$0x7F5] =	sst s0  }
0x70: {  	s18 =	simm.s32 $0x2A00;
	s17 =	simm.s32 $0x3A00;
	[smem:$0x7F6] =	sst s22  }
0x71: {  	s0 =	sadd.s32 s7, s23;
	s14 =	sadd.s32 s26, s10;
	[smem:$0x7FB] =	sst s20  }
0x72: {  	s22 =	sshll.u32 s8, $0x12;
	s23 =	sshll.u32 s12, $0x12;
	s8 =	simm.s32 $0x400  }
0x73: {  	s12 =	simm.s32 $0x7A00;
	s10 =	simm.s32 $0x20;
	s0 =	sadd.s32 s24, s0  }
0x74: {  	[smem:$0x7F8] =	sst s14;
	s24 =	sadd.s32 s7, s23;
	s9 =	ssub.s32 $0x2, s19  }
0x75: {  	s14 =	simm.s32 $0x5A00;
	s23 =	simm.s32 $0x8A00;
	s21 =	sshrl.u32 s9, $0x1  }
0x76: {  	[smem:$0x7F7] =	sst s0;
	s0 =	sadd.s32 s7, s15;
	s1 =	ssub.s32 s9, s21  }
0x77: {  	s25 =	sadd.s32 s4, s24;
	s4 =	simm.s32 $0x1;
	s26 =	smax.u32 s1, $0x1  }
0x78: {  	s19 =	simm.s32 $0x1A00;
	s15 =	simm.s32 $0x4A00;
	p1 =	sne.s32 s26, $0x1  }
.Ltmp0:
0x79: {  	s0 =	sadd.s32 s16, s0;
	[smem:$0x7FD] =	sst s25;
	(pc) =	sbr.rel @!p1 .LBB2_5-.Ltmp0, $4  }
0x7a: {  	s16 =	simm.s32 $0xA00;
	[smem:$0x7FA] =	sst s0;
	s0 =	sadd.s32 s7, s22  }
0x7b: {  	s7 =	simm.s32 $0x380;
	s9 =	simm.s32 $0x500;
	s21 =	rddreg [dreg:$0x3]  }
0x7c: {  	s0 =	sadd.s32 s5, s0;
	s5 =	simm.s32 $0x80;
	s1 =	simm.s32 $0xDA00  }
0x7d: {  	[smem:$0x7FC] =	sst s0;
	s26 =	sadd.s32 $0xFFFFFFFF, s26;
	s0 =	simm.s32 $0xEA00  }
0x7e: {  	[tilespmem:s3], [sflag:$0x1] =	stream.linear.gather [hbm4b:s21+s3], $0x80, $0x38;
	[tilespmem:$0x14A00] =	vst v63  }
0x7f: {  	s20 =	rddreg [dreg:$0x4]  }
0x80: {  	[tilespmem:s5], [sflag:$0x1] =	stream.linear.gather [hbm4b:s20+s3], $0x80, $0x38;
	[tilespmem:$0x14A00] =	vst v63  }
0x81: {  	s25 =	rddreg [dreg:$0x5]  }
0x82: {  	[tilespmem:s29], [sflag:$0x1] =	stream.linear.gather [hbm4b:s25+s3], $0x80, $0x38;
	[tilespmem:$0x14A00] =	vst v63  }
0x83: {  	s22 =	rddreg [dreg:$0x6]  }
0x84: {  	[tilespmem:s30], [sflag:$0x1] =	stream.linear.gather [hbm4b:s22+s3], $0x80, $0x38;
	[tilespmem:$0x14A00] =	vst v63  }
0x85: {  	s24 =	rddreg [dreg:$0x7]  }
0x86: {  	[tilespmem:s31], [sflag:$0x1] =	stream.linear.gather [hbm4b:s24+s3], $0x80, $0x38;
	[tilespmem:$0x14A00] =	vst v63  }
0x87: {  	s20 =	rddreg [dreg:$0x8];
	s25 =	simm.s32 $0x280  }
0x88: {  	[tilespmem:s25], [sflag:$0x1] =	stream.linear.gather [hbm4b:s20+s3], $0x80, $0x38;
	[tilespmem:$0x14A00] =	vst v63  }
0x89: {  	s21 =	rddreg [dreg:$0x9]  }
0x8a: {  	[tilespmem:s6], [sflag:$0x1] =	stream.linear.gather [hbm4b:s21+s3], $0x80, $0x38;
	[tilespmem:$0x14A00] =	vst v63  }
0x8b: {  	s25 =	rddreg [dreg:$0xa]  }
0x8c: {  	[tilespmem:s7], [sflag:$0x1] =	stream.linear.gather [hbm4b:s25+s3], $0x80, $0x38;
	[tilespmem:$0x14A00] =	vst v63  }
0x8d: {  	s6 =	rddreg [dreg:$0xb]  }
0x8e: {  	[tilespmem:s8], [sflag:$0x1] =	stream.linear.gather [hbm4b:s6+s3], $0x80, $0x38;
	[tilespmem:$0x14A00] =	vst v63  }
0x8f: {  	s25 =	rddreg [dreg:$0xc];
	s7 =	simm.s32 $0x480  }
0x90: {  	[tilespmem:s7], [sflag:$0x1] =	stream.linear.gather [hbm4b:s25+s3], $0x80, $0x38;
	[tilespmem:$0x14A00] =	vst v63  }
0x91: {  	s6 =	rddreg [dreg:$0xd]  }
0x92: {  	[tilespmem:s9], [sflag:$0x1] =	stream.linear.gather [hbm4b:s6+s3], $0x80, $0x38;
	[tilespmem:$0x14A00] =	vst v63  }
0x93: {  	s8 =	rddreg [dreg:$0xe]  }
0x94: {  	[tilespmem:s11], [sflag:$0x1] =	stream.linear.gather [hbm4b:s8+s3], $0x80, $0x38;
	[tilespmem:$0x14A00] =	vst v63  }
0x95: {  	s9 =	rddreg [dreg:$0xf];
	s8 =	simm.s32 $0x600  }
0x96: {  	[tilespmem:s8], [sflag:$0x1] =	stream.linear.gather [hbm4b:s9+s3], $0x80, $0x38;
	[tilespmem:$0x14A00] =	vst v63  }
0x97: {  	s25 =	rddreg [dreg:$0x10];
	s8 =	simm.s32 $0x680  }
0x98: {  	[tilespmem:s8], [sflag:$0x1] =	stream.linear.gather [hbm4b:s25+s3], $0x80, $0x38;
	[tilespmem:$0x14A00] =	vst v63  }
0x99: {  	s9 =	rddreg [dreg:$0x11];
	s25 =	simm.s32 $0x700  }
0x9a: {  	[tilespmem:s25], [sflag:$0x1] =	stream.linear.gather [hbm4b:s9+s3], $0x80, $0x38;
	[tilespmem:$0x14A00] =	vst v63  }
0x9b: {  	s11 =	rddreg [dreg:$0x12];
	s25 =	simm.s32 $0x780  }
0x9c: {  	[tilespmem:s25], [sflag:$0x1] =	stream.linear.gather [hbm4b:s11+s3], $0x80, $0x38;
	[tilespmem:$0x14A00] =	vst v63  }
0x9d: {  	s24 =	simm.s32 $0x800;
	s6 =	rddreg [dreg:$0x13]  }
0x9e: {  	[tilespmem:s24], [sflag:$0x1] =	stream.linear.gather [hbm4b:s6+s3], $0x80, $0x38;
	[tilespmem:$0x14A00] =	vst v63  }
0x9f: {  	s22 =	simm.s32 $0x880;
	s9 =	rddreg [dreg:$0x14]  }
0xa0: {  	[tilespmem:s22], [sflag:$0x1] =	stream.linear.gather [hbm4b:s9+s3], $0x80, $0x38;
	[tilespmem:$0x14A00] =	vst v63  }
0xa1: {  	s21 =	rddreg [dreg:$0x15];
	s6 =	simm.s32 $0x900  }
0xa2: {  	[tilespmem:s6], [sflag:$0x1] =	stream.linear.gather [hbm4b:s21+s3], $0x80, $0x38;
	[tilespmem:$0x14A00] =	vst v63  }
0xa3: {  	s11 =	rddreg [dreg:$0x16];
	s21 =	simm.s32 $0x980  }
0xa4: {  	[tilespmem:s21], [sflag:$0x1] =	stream.linear.gather [hbm4b:s11+s3], $0x80, $0x38;
	[tilespmem:$0x14A00] =	vst v63  }
0xa5: {  	_ =	swait.ge [sflag:s4], $0x80  }
0xa6: {  	[sflag:s4] =	ssyncset.done $0x0  }
0xa7: {  	[sflag:s4] =	ssyncadd.s32 $0xFFFFFF80  }
0xa8: {  	_ =	swait.ge [sflag:s4], $0x80  }
0xa9: {  	[sflag:s4] =	ssyncset.done $0x0  }
0xaa: {  	[sflag:s4] =	ssyncadd.s32 $0xFFFFFF80  }
0xab: {  	_ =	swait.ge [sflag:s4], $0x80  }
0xac: {  	[sflag:s4] =	ssyncset.done $0x0  }
0xad: {  	[sflag:s4] =	ssyncadd.s32 $0xFFFFFF80  }
0xae: {  	_ =	swait.ge [sflag:s4], $0x80  }
0xaf: {  	[sflag:s4] =	ssyncset.done $0x0  }
0xb0: {  	[sflag:s4] =	ssyncadd.s32 $0xFFFFFF80  }
0xb1: {  	_ =	swait.ge [sflag:s4], $0x80  }
0xb2: {  	[sflag:s4] =	ssyncset.done $0x0  }
0xb3: {  	[sflag:s4] =	ssyncadd.s32 $0xFFFFFF80  }
0xb4: {  	_ =	swait.ge [sflag:s4], $0x80  }
0xb5: {  	[sflag:s4] =	ssyncset.done $0x0  }
0xb6: {  	[sflag:s4] =	ssyncadd.s32 $0xFFFFFF80  }
0xb7: {  	_ =	swait.ge [sflag:s4], $0x80  }
0xb8: {  	[sflag:s4] =	ssyncset.done $0x0  }
0xb9: {  	[sflag:s4] =	ssyncadd.s32 $0xFFFFFF80  }
0xba: {  	_ =	swait.ge [sflag:s4], $0x80  }
0xbb: {  	[sflag:s4] =	ssyncset.done $0x0  }
0xbc: {  	[sflag:s4] =	ssyncadd.s32 $0xFFFFFF80  }
0xbd: {  	_ =	swait.ge [sflag:s4], $0x80  }
0xbe: {  	[sflag:s4] =	ssyncset.done $0x0  }
0xbf: {  	[sflag:s4] =	ssyncadd.s32 $0xFFFFFF80  }
0xc0: {  	_ =	swait.ge [sflag:s4], $0x80  }
0xc1: {  	[sflag:s4] =	ssyncset.done $0x0  }
0xc2: {  	[sflag:s4] =	ssyncadd.s32 $0xFFFFFF80  }
0xc3: {  	_ =	swait.ge [sflag:s4], $0x80  }
0xc4: {  	[sflag:s4] =	ssyncset.done $0x0  }
0xc5: {  	[sflag:s4] =	ssyncadd.s32 $0xFFFFFF80  }
0xc6: {  	_ =	swait.ge [sflag:s4], $0x80  }
0xc7: {  	[sflag:s4] =	ssyncset.done $0x0  }
0xc8: {  	[sflag:s4] =	ssyncadd.s32 $0xFFFFFF80  }
0xc9: {  	_ =	swait.ge [sflag:s4], $0x80  }
0xca: {  	[sflag:s4] =	ssyncset.done $0x0  }
0xcb: {  	[sflag:s4] =	ssyncadd.s32 $0xFFFFFF80  }
0xcc: {  	_ =	swait.ge [sflag:s4], $0x80  }
0xcd: {  	[sflag:s4] =	ssyncset.done $0x0  }
0xce: {  	[sflag:s4] =	ssyncadd.s32 $0xFFFFFF80  }
0xcf: {  	_ =	swait.ge [sflag:s4], $0x80  }
0xd0: {  	[sflag:s4] =	ssyncset.done $0x0  }
0xd1: {  	[sflag:s4] =	ssyncadd.s32 $0xFFFFFF80  }
0xd2: {  	_ =	swait.ge [sflag:s4], $0x80  }
0xd3: {  	[sflag:s4] =	ssyncset.done $0x0  }
0xd4: {  	[sflag:s4] =	ssyncadd.s32 $0xFFFFFF80  }
0xd5: {  	_ =	swait.ge [sflag:s4], $0x80  }
0xd6: {  	[sflag:s4] =	ssyncset.done $0x0  }
0xd7: {  	[sflag:s4] =	ssyncadd.s32 $0xFFFFFF80  }
0xd8: {  	_ =	swait.ge [sflag:s4], $0x80  }
0xd9: {  	[sflag:s4] =	ssyncset.done $0x0  }
0xda: {  	[sflag:s4] =	ssyncadd.s32 $0xFFFFFF80  }
0xdb: {  	_ =	swait.ge [sflag:s4], $0x80  }
0xdc: {  	[sflag:s4] =	ssyncset.done $0x0  }
0xdd: {  	[sflag:s4] =	ssyncadd.s32 $0xFFFFFF80  }
0xde: {  	_ =	swait.ge [sflag:s4], $0x80  }
0xdf: {  	[sflag:s4] =	ssyncset.done $0x0  }
0xe0: {  	[sflag:s4] =	ssyncadd.s32 $0xFFFFFF80  }
0xe1: {  	[tilespmem:s16], [sflag:$0x2] =	stream.indirect.gather [hbm4b:s2+s5], $0x20, s3, s5, $0xb8;
	[tilespmem:$0x14A00] =	vst v63  }
0xe2: {  	_ = 	snop  }
0xe3: {  	[tilespmem:s19], [sflag:$0x2] =	stream.indirect.gather [hbm4b:s2+s5], $0x20, s5, s5, $0xb8;
	[tilespmem:$0x14A00] =	vst v63  }
0xe4: {  	_ = 	snop  }
0xe5: {  	[tilespmem:s18], [sflag:$0x2] =	stream.indirect.gather [hbm4b:s2+s5], $0x20, s29, s5, $0xb8;
	[tilespmem:$0x14A00] =	vst v63  }
0xe6: {  	_ = 	snop  }
0xe7: {  	[tilespmem:s17], [sflag:$0x2] =	stream.indirect.gather [hbm4b:s2+s5], $0x20, s30, s5, $0xb8;
	[tilespmem:$0x14A00] =	vst v63  }
0xe8: {  	_ = 	snop  }
0xe9: {  	[tilespmem:s15], [sflag:$0x2] =	stream.indirect.gather [hbm4b:s2+s5], $0x20, s31, s5, $0xb8;
	[tilespmem:$0x14A00] =	vst v63  }
0xea: {  	s31 =	simm.s32 $0x280  }
0xeb: {  	[tilespmem:s14], [sflag:$0x2] =	stream.indirect.gather [hbm4b:s2+s5], $0x20, s31, s5, $0xb8;
	[tilespmem:$0x14A00] =	vst v63  }
0xec: {  	s9 =	simm.s32 $0x300  }
0xed: {  	[tilespmem:s13], [sflag:$0x2] =	stream.indirect.gather [hbm4b:s2+s5], $0x20, s9, s5, $0xb8;
	[tilespmem:$0x14A00] =	vst v63  }
0xee: {  	s11 =	simm.s32 $0x380  }
0xef: {  	[tilespmem:s12], [sflag:$0x2] =	stream.indirect.gather [hbm4b:s2+s5], $0x20, s11, s5, $0xb8;
	[tilespmem:$0x14A00] =	vst v63  }
0xf0: {  	s20 =	simm.s32 $0x400  }
0xf1: {  	[tilespmem:s23], [sflag:$0x2] =	stream.indirect.gather [hbm4b:s2+s5], $0x20, s20, s5, $0xb8;
	[tilespmem:$0x14A00] =	vst v63  }
0xf2: {  	s22 =	simm.s32 $0x9A00  }
0xf3: {  	[tilespmem:s22], [sflag:$0x2] =	stream.indirect.gather [hbm4b:s2+s5], $0x20, s7, s5, $0xb8;
	[tilespmem:$0x14A00] =	vst v63  }
0xf4: {  	s24 =	simm.s32 $0x500;
	s22 =	simm.s32 $0xAA00  }
0xf5: {  	[tilespmem:s22], [sflag:$0x2] =	stream.indirect.gather [hbm4b:s2+s5], $0x20, s24, s5, $0xb8;
	[tilespmem:$0x14A00] =	vst v63  }
0xf6: {  	s29 =	simm.s32 $0xBA00;
	s30 =	simm.s32 $0x580  }
0xf7: {  	[tilespmem:s29], [sflag:$0x2] =	stream.indirect.gather [hbm4b:s2+s5], $0x20, s30, s5, $0xb8;
	[tilespmem:$0x14A00] =	vst v63  }
0xf8: {  	s9 =	simm.s32 $0xCA00;
	s20 =	simm.s32 $0x600  }
0xf9: {  	[tilespmem:s9], [sflag:$0x2] =	stream.indirect.gather [hbm4b:s2+s5], $0x20, s20, s5, $0xb8;
	[tilespmem:$0x14A00] =	vst v63  }
0xfa: {  	_ = 	snop  }
0xfb: {  	[tilespmem:s1], [sflag:$0x2] =	stream.indirect.gather [hbm4b:s2+s5], $0x20, s8, s5, $0xb8;
	[tilespmem:$0x14A00] =	vst v63  }
0xfc: {  	s22 =	simm.s32 $0x700  }
0xfd: {  	[tilespmem:s0], [sflag:$0x2] =	stream.indirect.gather [hbm4b:s2+s5], $0x20, s22, s5, $0xb8;
	[tilespmem:$0x14A00] =	vst v63  }
0xfe: {  	s24 =	simm.s32 $0xFA00  }
0xff: {  	[tilespmem:s24], [sflag:$0x2] =	stream.indirect.gather [hbm4b:s2+s5], $0x20, s25, s5, $0xb8;
	[tilespmem:$0x14A00] =	vst v63  }
0x100: {  	s9 =	simm.s32 $0x800;
	s8 =	simm.s32 $0x10A00  }
0x101: {  	[tilespmem:s8], [sflag:$0x2] =	stream.indirect.gather [hbm4b:s2+s5], $0x20, s9, s5, $0xb8;
	[tilespmem:$0x14A00] =	vst v63  }
0x102: {  	s20 =	simm.s32 $0x11A00;
	s22 =	simm.s32 $0x880  }
0x103: {  	[tilespmem:s20], [sflag:$0x2] =	stream.indirect.gather [hbm4b:s2+s5], $0x20, s22, s5, $0xb8;
	[tilespmem:$0x14A00] =	vst v63  }
0x104: {  	s24 =	simm.s32 $0x12A00  }
0x105: {  	[tilespmem:s24], [sflag:$0x2] =	stream.indirect.gather [hbm4b:s2+s5], $0x20, s6, s5, $0xb8;
	[tilespmem:$0x14A00] =	vst v63  }
0x106: {  	s20 =	simm.s32 $0x13A00  }
0x107: {  	[tilespmem:s20], [sflag:$0x2] =	stream.indirect.gather [hbm4b:s2+s5], $0x20, s21, s5, $0xb8;
	[tilespmem:$0x14A00] =	vst v63  }
0x108: {  	_ =	swait.ge [sflag:s28], $0x1000  }
0x109: {  	[sflag:s28] =	ssyncset.done $0x0  }
0x10a: {  	[sflag:s28] =	ssyncadd.s32 $0xFFFFF000  }
0x10b: {  	_ =	swait.ge [sflag:s28], $0x1000  }
0x10c: {  	[sflag:s28] =	ssyncset.done $0x0  }
0x10d: {  	[sflag:s28] =	ssyncadd.s32 $0xFFFFF000  }
0x10e: {  	_ =	swait.ge [sflag:s28], $0x1000  }
0x10f: {  	[sflag:s28] =	ssyncset.done $0x0  }
0x110: {  	[sflag:s28] =	ssyncadd.s32 $0xFFFFF000  }
0x111: {  	_ =	swait.ge [sflag:s28], $0x1000  }
0x112: {  	[sflag:s28] =	ssyncset.done $0x0  }
0x113: {  	[sflag:s28] =	ssyncadd.s32 $0xFFFFF000  }
0x114: {  	_ =	swait.ge [sflag:s28], $0x1000  }
0x115: {  	[sflag:s28] =	ssyncset.done $0x0  }
0x116: {  	[sflag:s28] =	ssyncadd.s32 $0xFFFFF000  }
0x117: {  	_ =	swait.ge [sflag:s28], $0x1000  }
0x118: {  	[sflag:s28] =	ssyncset.done $0x0  }
0x119: {  	[sflag:s28] =	ssyncadd.s32 $0xFFFFF000  }
0x11a: {  	_ =	swait.ge [sflag:s28], $0x1000  }
0x11b: {  	[sflag:s28] =	ssyncset.done $0x0  }
0x11c: {  	[sflag:s28] =	ssyncadd.s32 $0xFFFFF000  }
0x11d: {  	_ =	swait.ge [sflag:s28], $0x1000  }
0x11e: {  	[sflag:s28] =	ssyncset.done $0x0  }
0x11f: {  	[sflag:s28] =	ssyncadd.s32 $0xFFFFF000  }
0x120: {  	_ =	swait.ge [sflag:s28], $0x1000  }
0x121: {  	[sflag:s28] =	ssyncset.done $0x0  }
0x122: {  	[sflag:s28] =	ssyncadd.s32 $0xFFFFF000  }
0x123: {  	_ =	swait.ge [sflag:s28], $0x1000  }
0x124: {  	[sflag:s28] =	ssyncset.done $0x0  }
0x125: {  	[sflag:s28] =	ssyncadd.s32 $0xFFFFF000  }
0x126: {  	_ =	swait.ge [sflag:s28], $0x1000  }
0x127: {  	[sflag:s28] =	ssyncset.done $0x0  }
0x128: {  	[sflag:s28] =	ssyncadd.s32 $0xFFFFF000  }
0x129: {  	_ =	swait.ge [sflag:s28], $0x1000  }
0x12a: {  	[sflag:s28] =	ssyncset.done $0x0  }
0x12b: {  	[sflag:s28] =	ssyncadd.s32 $0xFFFFF000  }
0x12c: {  	_ =	swait.ge [sflag:s28], $0x1000  }
0x12d: {  	[sflag:s28] =	ssyncset.done $0x0  }
0x12e: {  	[sflag:s28] =	ssyncadd.s32 $0xFFFFF000  }
0x12f: {  	_ =	swait.ge [sflag:s28], $0x1000  }
0x130: {  	[sflag:s28] =	ssyncset.done $0x0  }
0x131: {  	[sflag:s28] =	ssyncadd.s32 $0xFFFFF000  }
0x132: {  	_ =	swait.ge [sflag:s28], $0x1000  }
0x133: {  	[sflag:s28] =	ssyncset.done $0x0  }
0x134: {  	[sflag:s28] =	ssyncadd.s32 $0xFFFFF000  }
0x135: {  	_ =	swait.ge [sflag:s28], $0x1000  }
0x136: {  	[sflag:s28] =	ssyncset.done $0x0  }
0x137: {  	[sflag:s28] =	ssyncadd.s32 $0xFFFFF000  }
0x138: {  	_ =	swait.ge [sflag:s28], $0x1000  }
0x139: {  	[sflag:s28] =	ssyncset.done $0x0  }
0x13a: {  	[sflag:s28] =	ssyncadd.s32 $0xFFFFF000  }
0x13b: {  	_ =	swait.ge [sflag:s28], $0x1000  }
0x13c: {  	[sflag:s28] =	ssyncset.done $0x0  }
0x13d: {  	[sflag:s28] =	ssyncadd.s32 $0xFFFFF000  }
0x13e: {  	_ =	swait.ge [sflag:s28], $0x1000  }
0x13f: {  	[sflag:s28] =	ssyncset.done $0x0  }
0x140: {  	[sflag:s28] =	ssyncadd.s32 $0xFFFFF000  }
0x141: {  	_ =	swait.ge [sflag:s28], $0x1000  }
0x142: {  	s21 =	rddreg [dreg:$0x17];
	[sflag:s28] =	ssyncset.done $0x0  }
0x143: {  	s22 =	rddreg [dreg:$0x18];
	[sflag:s28] =	ssyncadd.s32 $0xFFFFF000  }
0x144: {  	[hbm4b:s21+s10] =	stream.strided.scatter [tilespmem:s16], [sflag:$0x1], $0x1000, s5, s10, $0x38;
	[tilespmem:$0x14A00] =	vst v63  }
0x145: {  	s24 =	rddreg [dreg:$0x19]  }
0x146: {  	[hbm4b:s22+s10] =	stream.strided.scatter [tilespmem:s19], [sflag:$0x1], $0x1000, s5, s10, $0x38;
	[tilespmem:$0x14A00] =	vst v63  }
0x147: {  	s16 =	rddreg [dreg:$0x1a]  }
0x148: {  	[hbm4b:s24+s10] =	stream.strided.scatter [tilespmem:s18], [sflag:$0x1], $0x1000, s5, s10, $0x38;
	[tilespmem:$0x14A00] =	vst v63  }
0x149: {  	s19 =	rddreg [dreg:$0x1c]  }
0x14a: {  	[hbm4b:s16+s10] =	stream.strided.scatter [tilespmem:s17], [sflag:$0x1], $0x1000, s5, s10, $0x38;
	[tilespmem:$0x14A00] =	vst v63  }
0x14b: {  	s18 =	rddreg [dreg:$0x1b]  }
0x14c: {  	[hbm4b:s18+s10] =	stream.strided.scatter [tilespmem:s15], [sflag:$0x1], $0x1000, s5, s10, $0x38;
	[tilespmem:$0x14A00] =	vst v63  }
0x14d: {  	s22 =	rddreg [dreg:$0x1d]  }
0x14e: {  	[hbm4b:s19+s10] =	stream.strided.scatter [tilespmem:s14], [sflag:$0x1], $0x1000, s5, s10, $0x38;
	[tilespmem:$0x14A00] =	vst v63  }
0x14f: {  	s24 =	rddreg [dreg:$0x1e]  }
0x150: {  	[hbm4b:s22+s10] =	stream.strided.scatter [tilespmem:s13], [sflag:$0x1], $0x1000, s5, s10, $0x38;
	[tilespmem:$0x14A00] =	vst v63  }
0x151: {  	s15 =	sld [smem:$0x7F2]  }
0x152: {  	[hbm4b:s24+s10] =	stream.strided.scatter [tilespmem:s12], [sflag:$0x1], $0x1000, s5, s10, $0x38;
	[tilespmem:$0x14A00] =	vst v63  }
0x153: {  	s14 =	rddreg [dreg:$0x1f]  }
0x154: {  	[hbm4b:s14+s10] =	stream.strided.scatter [tilespmem:s23], [sflag:$0x1], $0x1000, s5, s10, $0x38;
	[tilespmem:$0x14A00] =	vst v63  }
0x155: {  	s11 =	simm.s32 $0x9A00;
	s16 =	sld [smem:$0x7F3]  }
0x156: {  	[hbm4b:s15+s10] =	stream.strided.scatter [tilespmem:s11], [sflag:$0x1], $0x1000, s5, s10, $0x38;
	[tilespmem:$0x14A00] =	vst v63  }
0x157: {  	s31 =	simm.s32 $0xAA00;
	s17 =	sld [smem:$0x7F4]  }
0x158: {  	[hbm4b:s16+s10] =	stream.strided.scatter [tilespmem:s31], [sflag:$0x1], $0x1000, s5, s10, $0x38;
	[tilespmem:$0x14A00] =	vst v63  }
0x159: {  	s30 =	simm.s32 $0xBA00;
	s18 =	sld [smem:$0x7F5]  }
0x15a: {  	[hbm4b:s17+s10] =	stream.strided.scatter [tilespmem:s30], [sflag:$0x1], $0x1000, s5, s10, $0x38;
	[tilespmem:$0x14A00] =	vst v63  }
0x15b: {  	s29 =	simm.s32 $0xCA00;
	s19 =	sld [smem:$0x7F6]  }
0x15c: {  	[hbm4b:s18+s10] =	stream.strided.scatter [tilespmem:s29], [sflag:$0x1], $0x1000, s5, s10, $0x38;
	[tilespmem:$0x14A00] =	vst v63  }
0x15d: {  	s22 =	sld [smem:$0x7F7]  }
0x15e: {  	[hbm4b:s19+s10] =	stream.strided.scatter [tilespmem:s1], [sflag:$0x1], $0x1000, s5, s10, $0x38;
	[tilespmem:$0x14A00] =	vst v63  }
0x15f: {  	s23 =	sld [smem:$0x7F8]  }
0x160: {  	[hbm4b:s22+s10] =	stream.strided.scatter [tilespmem:s0], [sflag:$0x1], $0x1000, s5, s10, $0x38;
	[tilespmem:$0x14A00] =	vst v63  }
0x161: {  	s25 =	simm.s32 $0xFA00;
	s24 =	sld [smem:$0x7FA]  }
0x162: {  	[hbm4b:s23+s10] =	stream.strided.scatter [tilespmem:s25], [sflag:$0x1], $0x1000, s5, s10, $0x38;
	[tilespmem:$0x14A00] =	vst v63  }
0x163: {  	s9 =	simm.s32 $0x10A00;
	s29 =	sld [smem:$0x7FB]  }
0x164: {  	[hbm4b:s24+s10] =	stream.strided.scatter [tilespmem:s9], [sflag:$0x1], $0x1000, s5, s10, $0x38;
	[tilespmem:$0x14A00] =	vst v63  }
0x165: {  	s8 =	simm.s32 $0x11A00;
	s30 =	sld [smem:$0x7FC]  }
0x166: {  	[hbm4b:s29+s10] =	stream.strided.scatter [tilespmem:s8], [sflag:$0x1], $0x1000, s5, s10, $0x38;
	[tilespmem:$0x14A00] =	vst v63  }
0x167: {  	s7 =	simm.s32 $0x12A00;
	s31 =	sld [smem:$0x7FD]  }
0x168: {  	[hbm4b:s30+s10] =	stream.strided.scatter [tilespmem:s7], [sflag:$0x1], $0x1000, s5, s10, $0x38;
	[tilespmem:$0x14A00] =	vst v63  }
0x169: {  	s6 =	simm.s32 $0x13A00  }
0x16a: {  	[hbm4b:s31+s10] =	stream.strided.scatter [tilespmem:s6], [sflag:$0x1], $0x1000, s5, s10, $0x38;
	[tilespmem:$0x14A00] =	vst v63  }
0x16b: {  	_ =	swait.ge [sflag:s4], $0x1000  }
0x16c: {  	[sflag:s4] =	ssyncset.done $0x0  }
0x16d: {  	[sflag:s4] =	ssyncadd.s32 $0xFFFFF000  }
0x16e: {  	_ =	swait.ge [sflag:s4], $0x1000  }
0x16f: {  	[sflag:s4] =	ssyncset.done $0x0  }
0x170: {  	[sflag:s4] =	ssyncadd.s32 $0xFFFFF000  }
0x171: {  	_ =	swait.ge [sflag:s4], $0x1000  }
0x172: {  	[sflag:s4] =	ssyncset.done $0x0  }
0x173: {  	[sflag:s4] =	ssyncadd.s32 $0xFFFFF000  }
0x174: {  	_ =	swait.ge [sflag:s4], $0x1000  }
0x175: {  	[sflag:s4] =	ssyncset.done $0x0  }
0x176: {  	[sflag:s4] =	ssyncadd.s32 $0xFFFFF000  }
0x177: {  	_ =	swait.ge [sflag:s4], $0x1000  }
0x178: {  	[sflag:s4] =	ssyncset.done $0x0  }
0x179: {  	[sflag:s4] =	ssyncadd.s32 $0xFFFFF000  }
0x17a: {  	_ =	swait.ge [sflag:s4], $0x1000  }
0x17b: {  	[sflag:s4] =	ssyncset.done $0x0  }
0x17c: {  	[sflag:s4] =	ssyncadd.s32 $0xFFFFF000  }
0x17d: {  	_ =	swait.ge [sflag:s4], $0x1000  }
0x17e: {  	[sflag:s4] =	ssyncset.done $0x0  }
0x17f: {  	[sflag:s4] =	ssyncadd.s32 $0xFFFFF000  }
0x180: {  	_ =	swait.ge [sflag:s4], $0x1000  }
0x181: {  	[sflag:s4] =	ssyncset.done $0x0  }
0x182: {  	[sflag:s4] =	ssyncadd.s32 $0xFFFFF000  }
0x183: {  	_ =	swait.ge [sflag:s4], $0x1000  }
0x184: {  	[sflag:s4] =	ssyncset.done $0x0  }
0x185: {  	[sflag:s4] =	ssyncadd.s32 $0xFFFFF000  }
0x186: {  	_ =	swait.ge [sflag:s4], $0x1000  }
0x187: {  	[sflag:s4] =	ssyncset.done $0x0  }
0x188: {  	[sflag:s4] =	ssyncadd.s32 $0xFFFFF000  }
0x189: {  	_ =	swait.ge [sflag:s4], $0x1000  }
0x18a: {  	[sflag:s4] =	ssyncset.done $0x0  }
0x18b: {  	[sflag:s4] =	ssyncadd.s32 $0xFFFFF000  }
0x18c: {  	_ =	swait.ge [sflag:s4], $0x1000  }
0x18d: {  	[sflag:s4] =	ssyncset.done $0x0  }
0x18e: {  	[sflag:s4] =	ssyncadd.s32 $0xFFFFF000  }
0x18f: {  	_ =	swait.ge [sflag:s4], $0x1000  }
0x190: {  	[sflag:s4] =	ssyncset.done $0x0  }
0x191: {  	[sflag:s4] =	ssyncadd.s32 $0xFFFFF000  }
0x192: {  	_ =	swait.ge [sflag:s4], $0x1000  }
0x193: {  	[sflag:s4] =	ssyncset.done $0x0  }
0x194: {  	[sflag:s4] =	ssyncadd.s32 $0xFFFFF000  }
0x195: {  	_ =	swait.ge [sflag:s4], $0x1000  }
0x196: {  	[sflag:s4] =	ssyncset.done $0x0  }
0x197: {  	[sflag:s4] =	ssyncadd.s32 $0xFFFFF000  }
0x198: {  	_ =	swait.ge [sflag:s4], $0x1000  }
0x199: {  	[sflag:s4] =	ssyncset.done $0x0  }
0x19a: {  	[sflag:s4] =	ssyncadd.s32 $0xFFFFF000  }
0x19b: {  	_ =	swait.ge [sflag:s4], $0x1000  }
0x19c: {  	[sflag:s4] =	ssyncset.done $0x0  }
0x19d: {  	[sflag:s4] =	ssyncadd.s32 $0xFFFFF000  }
0x19e: {  	_ =	swait.ge [sflag:s4], $0x1000  }
0x19f: {  	[sflag:s4] =	ssyncset.done $0x0  }
0x1a0: {  	p1 =	sne.s32 s26, $0x1;
	[sflag:s4] =	ssyncadd.s32 $0xFFFFF000  }
.Ltmp1:
0x1a1: {  	_ =	swait.ge [sflag:s4], $0x1000;
	(pc) =	sbr.rel @!p1 .LBB2_6-.Ltmp1, $4  }
0x1a2: {  	[sflag:s4] =	ssyncset.done $0x0  }
0x1a3: {  	[sflag:s4] =	ssyncadd.s32 $0xFFFFF000  }
0x1a4: {  	p0 =	por $0x1, $0x1;
	_ =	swait.ge [sflag:s4], $0x1000  }
0x1a5: {  	s20 =	sadd.s32 $0xFFFFFFFF, s26;
	s21 =	rddreg [dreg:$0x3];
	[sflag:s4] =	ssyncset.done $0x0  }
0x1a6: {  	s19 =	simm.s32 $0x700  }
0x1a7: {  	s15 =	simm.s32 $0x900;
	s18 =	simm.s32 $0xA00;
	s30 =	simm.s32 $0x1A00  }
0x1a8: {  	s29 =	simm.s32 $0x2A00;
	s31 =	simm.s32 $0x5A00;
	s26 =	simm.s32 $0x6A00  }
.LBB2_3:
0x1a9: {  	[sflag:s4] =	ssyncadd.s32 $0xFFFFF000  }
0x1aa: {  	[tilespmem:s3], [sflag:$0x1] =	stream.linear.gather [hbm4b:s21+s3], $0x80, $0x38;
	[tilespmem:$0x14A00] =	vst v63  }
0x1ab: {  	s22 =	rddreg [dreg:$0x4]  }
0x1ac: {  	[tilespmem:s5], [sflag:$0x1] =	stream.linear.gather [hbm4b:s22+s3], $0x80, $0x38;
	[tilespmem:$0x14A00] =	vst v63  }
0x1ad: {  	s25 =	rddreg [dreg:$0x5];
	s16 =	simm.s32 $0x100  }
0x1ae: {  	[tilespmem:s16], [sflag:$0x1] =	stream.linear.gather [hbm4b:s25+s3], $0x80, $0x38;
	[tilespmem:$0x14A00] =	vst v63  }
0x1af: {  	s0 =	rddreg [dreg:$0x6];
	s17 =	simm.s32 $0x180  }
0x1b0: {  	[tilespmem:s17], [sflag:$0x1] =	stream.linear.gather [hbm4b:s0+s3], $0x80, $0x38;
	[tilespmem:$0x14A00] =	vst v63  }
0x1b1: {  	s1 =	rddreg [dreg:$0x7];
	s24 =	simm.s32 $0x200  }
0x1b2: {  	[tilespmem:s24], [sflag:$0x1] =	stream.linear.gather [hbm4b:s1+s3], $0x80, $0x38;
	[tilespmem:$0x14A00] =	vst v63  }
0x1b3: {  	s6 =	rddreg [dreg:$0x8];
	s11 =	simm.s32 $0x280  }
0x1b4: {  	[tilespmem:s11], [sflag:$0x1] =	stream.linear.gather [hbm4b:s6+s3], $0x80, $0x38;
	[tilespmem:$0x14A00] =	vst v63  }
0x1b5: {  	s7 =	rddreg [dreg:$0x9];
	s9 =	simm.s32 $0x300  }
0x1b6: {  	[tilespmem:s9], [sflag:$0x1] =	stream.linear.gather [hbm4b:s7+s3], $0x80, $0x38;
	[tilespmem:$0x14A00] =	vst v63  }
0x1b7: {  	s8 =	rddreg [dreg:$0xa];
	s0 =	simm.s32 $0x380  }
0x1b8: {  	[tilespmem:s0], [sflag:$0x1] =	stream.linear.gather [hbm4b:s8+s3], $0x80, $0x38;
	[tilespmem:$0x14A00] =	vst v63  }
0x1b9: {  	s12 =	rddreg [dreg:$0xb];
	s1 =	simm.s32 $0x400  }
0x1ba: {  	[tilespmem:s1], [sflag:$0x1] =	stream.linear.gather [hbm4b:s12+s3], $0x80, $0x38;
	[tilespmem:$0x14A00] =	vst v63  }
0x1bb: {  	s13 =	rddreg [dreg:$0xc];
	s12 =	simm.s32 $0x480  }
0x1bc: {  	[tilespmem:s12], [sflag:$0x1] =	stream.linear.gather [hbm4b:s13+s3], $0x80, $0x38;
	[tilespmem:$0x14A00] =	vst v63  }
0x1bd: {  	s14 =	rddreg [dreg:$0xd];
	s7 =	simm.s32 $0x500  }
0x1be: {  	[tilespmem:s7], [sflag:$0x1] =	stream.linear.gather [hbm4b:s14+s3], $0x80, $0x38;
	[tilespmem:$0x14A00] =	vst v63  }
0x1bf: {  	s23 =	rddreg [dreg:$0xe];
	s8 =	simm.s32 $0x580  }
0x1c0: {  	[tilespmem:s8], [sflag:$0x1] =	stream.linear.gather [hbm4b:s23+s3], $0x80, $0x38;
	[tilespmem:$0x14A00] =	vst v63  }
0x1c1: {  	s25 =	rddreg [dreg:$0xf];
	s13 =	simm.s32 $0x600  }
0x1c2: {  	[tilespmem:s13], [sflag:$0x1] =	stream.linear.gather [hbm4b:s25+s3], $0x80, $0x38;
	[tilespmem:$0x14A00] =	vst v63  }
0x1c3: {  	s6 =	rddreg [dreg:$0x10];
	s25 =	simm.s32 $0x680  }
0x1c4: {  	[tilespmem:s25], [sflag:$0x1] =	stream.linear.gather [hbm4b:s6+s3], $0x80, $0x38;
	[tilespmem:$0x14A00] =	vst v63  }
0x1c5: {  	s14 =	rddreg [dreg:$0x11]  }
0x1c6: {  	[tilespmem:s19], [sflag:$0x1] =	stream.linear.gather [hbm4b:s14+s3], $0x80, $0x38;
	[tilespmem:$0x14A00] =	vst v63  }
0x1c7: {  	s23 =	rddreg [dreg:$0x12];
	s14 =	simm.s32 $0x780  }
0x1c8: {  	[tilespmem:s14], [sflag:$0x1] =	stream.linear.gather [hbm4b:s23+s3], $0x80, $0x38;
	[tilespmem:$0x14A00] =	vst v63  }
0x1c9: {  	s6 =	rddreg [dreg:$0x13];
	s23 =	simm.s32 $0x800  }
0x1ca: {  	[tilespmem:s23], [sflag:$0x1] =	stream.linear.gather [hbm4b:s6+s3], $0x80, $0x38;
	[tilespmem:$0x14A00] =	vst v63  }
0x1cb: {  	s22 =	rddreg [dreg:$0x14];
	s6 =	simm.s32 $0x880  }
0x1cc: {  	[tilespmem:s6], [sflag:$0x1] =	stream.linear.gather [hbm4b:s22+s3], $0x80, $0x38;
	[tilespmem:$0x14A00] =	vst v63  }
0x1cd: {  	s21 =	rddreg [dreg:$0x15]  }
0x1ce: {  	[tilespmem:s15], [sflag:$0x1] =	stream.linear.gather [hbm4b:s21+s3], $0x80, $0x38;
	[tilespmem:$0x14A00] =	vst v63  }
0x1cf: {  	s22 =	rddreg [dreg:$0x16];
	s21 =	simm.s32 $0x980  }
0x1d0: {  	[tilespmem:s21], [sflag:$0x1] =	stream.linear.gather [hbm4b:s22+s3], $0x80, $0x38;
	[tilespmem:$0x14A00] =	vst v63  }
0x1d1: {  	_ =	swait.ge [sflag:s4], $0x80  }
0x1d2: {  	[sflag:s4] =	ssyncset.done $0x0  }
0x1d3: {  	[sflag:s4] =	ssyncadd.s32 $0xFFFFFF80  }
0x1d4: {  	_ =	swait.ge [sflag:s4], $0x80  }
0x1d5: {  	[sflag:s4] =	ssyncset.done $0x0  }
0x1d6: {  	[sflag:s4] =	ssyncadd.s32 $0xFFFFFF80  }
0x1d7: {  	_ =	swait.ge [sflag:s4], $0x80  }
0x1d8: {  	[sflag:s4] =	ssyncset.done $0x0  }
0x1d9: {  	[sflag:s4] =	ssyncadd.s32 $0xFFFFFF80  }
0x1da: {  	_ =	swait.ge [sflag:s4], $0x80  }
0x1db: {  	[sflag:s4] =	ssyncset.done $0x0  }
0x1dc: {  	[sflag:s4] =	ssyncadd.s32 $0xFFFFFF80  }
0x1dd: {  	_ =	swait.ge [sflag:s4], $0x80  }
0x1de: {  	[sflag:s4] =	ssyncset.done $0x0  }
0x1df: {  	[sflag:s4] =	ssyncadd.s32 $0xFFFFFF80  }
0x1e0: {  	_ =	swait.ge [sflag:s4], $0x80  }
0x1e1: {  	[sflag:s4] =	ssyncset.done $0x0  }
0x1e2: {  	[sflag:s4] =	ssyncadd.s32 $0xFFFFFF80  }
0x1e3: {  	_ =	swait.ge [sflag:s4], $0x80  }
0x1e4: {  	[sflag:s4] =	ssyncset.done $0x0  }
0x1e5: {  	[sflag:s4] =	ssyncadd.s32 $0xFFFFFF80  }
0x1e6: {  	_ =	swait.ge [sflag:s4], $0x80  }
0x1e7: {  	[sflag:s4] =	ssyncset.done $0x0  }
0x1e8: {  	[sflag:s4] =	ssyncadd.s32 $0xFFFFFF80  }
0x1e9: {  	_ =	swait.ge [sflag:s4], $0x80  }
0x1ea: {  	[sflag:s4] =	ssyncset.done $0x0  }
0x1eb: {  	[sflag:s4] =	ssyncadd.s32 $0xFFFFFF80  }
0x1ec: {  	_ =	swait.ge [sflag:s4], $0x80  }
0x1ed: {  	[sflag:s4] =	ssyncset.done $0x0  }
0x1ee: {  	[sflag:s4] =	ssyncadd.s32 $0xFFFFFF80  }
0x1ef: {  	_ =	swait.ge [sflag:s4], $0x80  }
0x1f0: {  	[sflag:s4] =	ssyncset.done $0x0  }
0x1f1: {  	[sflag:s4] =	ssyncadd.s32 $0xFFFFFF80  }
0x1f2: {  	_ =	swait.ge [sflag:s4], $0x80  }
0x1f3: {  	[sflag:s4] =	ssyncset.done $0x0  }
0x1f4: {  	[sflag:s4] =	ssyncadd.s32 $0xFFFFFF80  }
0x1f5: {  	_ =	swait.ge [sflag:s4], $0x80  }
0x1f6: {  	[sflag:s4] =	ssyncset.done $0x0  }
0x1f7: {  	[sflag:s4] =	ssyncadd.s32 $0xFFFFFF80  }
0x1f8: {  	_ =	swait.ge [sflag:s4], $0x80  }
0x1f9: {  	[sflag:s4] =	ssyncset.done $0x0  }
0x1fa: {  	[sflag:s4] =	ssyncadd.s32 $0xFFFFFF80  }
0x1fb: {  	_ =	swait.ge [sflag:s4], $0x80  }
0x1fc: {  	[sflag:s4] =	ssyncset.done $0x0  }
0x1fd: {  	[sflag:s4] =	ssyncadd.s32 $0xFFFFFF80  }
0x1fe: {  	_ =	swait.ge [sflag:s4], $0x80  }
0x1ff: {  	[sflag:s4] =	ssyncset.done $0x0  }
0x200: {  	[sflag:s4] =	ssyncadd.s32 $0xFFFFFF80  }
0x201: {  	_ =	swait.ge [sflag:s4], $0x80  }
0x202: {  	[sflag:s4] =	ssyncset.done $0x0  }
0x203: {  	[sflag:s4] =	ssyncadd.s32 $0xFFFFFF80  }
0x204: {  	_ =	swait.ge [sflag:s4], $0x80  }
0x205: {  	[sflag:s4] =	ssyncset.done $0x0  }
0x206: {  	[sflag:s4] =	ssyncadd.s32 $0xFFFFFF80  }
0x207: {  	_ =	swait.ge [sflag:s4], $0x80  }
0x208: {  	[sflag:s4] =	ssyncset.done $0x0  }
0x209: {  	[sflag:s4] =	ssyncadd.s32 $0xFFFFFF80  }
0x20a: {  	_ =	swait.ge [sflag:s4], $0x80  }
0x20b: {  	[sflag:s4] =	ssyncset.done $0x0  }
0x20c: {  	[sflag:s4] =	ssyncadd.s32 $0xFFFFFF80  }
0x20d: {  	[tilespmem:s18], [sflag:$0x2] =	stream.indirect.gather [hbm4b:s2+s5], $0x20, s3, s5, $0xb8;
	[tilespmem:$0x14A00] =	vst v63  }
0x20e: {  	_ = 	snop  }
0x20f: {  	[tilespmem:s30], [sflag:$0x2] =	stream.indirect.gather [hbm4b:s2+s5], $0x20, s5, s5, $0xb8;
	[tilespmem:$0x14A00] =	vst v63  }
0x210: {  	_ = 	snop  }
0x211: {  	[tilespmem:s29], [sflag:$0x2] =	stream.indirect.gather [hbm4b:s2+s5], $0x20, s16, s5, $0xb8;
	[tilespmem:$0x14A00] =	vst v63  }
0x212: {  	s16 =	simm.s32 $0x3A00  }
0x213: {  	[tilespmem:s16], [sflag:$0x2] =	stream.indirect.gather [hbm4b:s2+s5], $0x20, s17, s5, $0xb8;
	[tilespmem:$0x14A00] =	vst v63  }
0x214: {  	s17 =	simm.s32 $0x4A00  }
0x215: {  	[tilespmem:s17], [sflag:$0x2] =	stream.indirect.gather [hbm4b:s2+s5], $0x20, s24, s5, $0xb8;
	[tilespmem:$0x14A00] =	vst v63  }
0x216: {  	_ = 	snop  }
0x217: {  	[tilespmem:s31], [sflag:$0x2] =	stream.indirect.gather [hbm4b:s2+s5], $0x20, s11, s5, $0xb8;
	[tilespmem:$0x14A00] =	vst v63  }
0x218: {  	_ = 	snop  }
0x219: {  	[tilespmem:s26], [sflag:$0x2] =	stream.indirect.gather [hbm4b:s2+s5], $0x20, s9, s5, $0xb8;
	[tilespmem:$0x14A00] =	vst v63  }
0x21a: {  	s24 =	simm.s32 $0x7A00  }
0x21b: {  	[tilespmem:s24], [sflag:$0x2] =	stream.indirect.gather [hbm4b:s2+s5], $0x20, s0, s5, $0xb8;
	[tilespmem:$0x14A00] =	vst v63  }
0x21c: {  	s9 =	simm.s32 $0x8A00  }
0x21d: {  	[tilespmem:s9], [sflag:$0x2] =	stream.indirect.gather [hbm4b:s2+s5], $0x20, s1, s5, $0xb8;
	[tilespmem:$0x14A00] =	vst v63  }
0x21e: {  	s0 =	simm.s32 $0x9A00  }
0x21f: {  	[tilespmem:s0], [sflag:$0x2] =	stream.indirect.gather [hbm4b:s2+s5], $0x20, s12, s5, $0xb8;
	[tilespmem:$0x14A00] =	vst v63  }
0x220: {  	s12 =	simm.s32 $0xAA00  }
0x221: {  	[tilespmem:s12], [sflag:$0x2] =	stream.indirect.gather [hbm4b:s2+s5], $0x20, s7, s5, $0xb8;
	[tilespmem:$0x14A00] =	vst v63  }
0x222: {  	s11 =	simm.s32 $0xBA00  }
0x223: {  	[tilespmem:s11], [sflag:$0x2] =	stream.indirect.gather [hbm4b:s2+s5], $0x20, s8, s5, $0xb8;
	[tilespmem:$0x14A00] =	vst v63  }
0x224: {  	s8 =	simm.s32 $0xCA00  }
0x225: {  	[tilespmem:s8], [sflag:$0x2] =	stream.indirect.gather [hbm4b:s2+s5], $0x20, s13, s5, $0xb8;
	[tilespmem:$0x14A00] =	vst v63  }
0x226: {  	s1 =	simm.s32 $0xDA00  }
0x227: {  	[tilespmem:s1], [sflag:$0x2] =	stream.indirect.gather [hbm4b:s2+s5], $0x20, s25, s5, $0xb8;
	[tilespmem:$0x14A00] =	vst v63  }
0x228: {  	s25 =	simm.s32 $0xEA00  }
0x229: {  	[tilespmem:s25], [sflag:$0x2] =	stream.indirect.gather [hbm4b:s2+s5], $0x20, s19, s5, $0xb8;
	[tilespmem:$0x14A00] =	vst v63  }
0x22a: {  	s7 =	simm.s32 $0xFA00  }
0x22b: {  	[tilespmem:s7], [sflag:$0x2] =	stream.indirect.gather [hbm4b:s2+s5], $0x20, s14, s5, $0xb8;
	[tilespmem:$0x14A00] =	vst v63  }
0x22c: {  	s13 =	simm.s32 $0x10A00  }
0x22d: {  	[tilespmem:s13], [sflag:$0x2] =	stream.indirect.gather [hbm4b:s2+s5], $0x20, s23, s5, $0xb8;
	[tilespmem:$0x14A00] =	vst v63  }
0x22e: {  	s23 =	simm.s32 $0x11A00  }
0x22f: {  	[tilespmem:s23], [sflag:$0x2] =	stream.indirect.gather [hbm4b:s2+s5], $0x20, s6, s5, $0xb8;
	[tilespmem:$0x14A00] =	vst v63  }
0x230: {  	s14 =	simm.s32 $0x12A00  }
0x231: {  	[tilespmem:s14], [sflag:$0x2] =	stream.indirect.gather [hbm4b:s2+s5], $0x20, s15, s5, $0xb8;
	[tilespmem:$0x14A00] =	vst v63  }
0x232: {  	s6 =	simm.s32 $0x13A00  }
0x233: {  	[tilespmem:s6], [sflag:$0x2] =	stream.indirect.gather [hbm4b:s2+s5], $0x20, s21, s5, $0xb8;
	[tilespmem:$0x14A00] =	vst v63  }
0x234: {  	_ =	swait.ge [sflag:s28], $0x1000  }
0x235: {  	[sflag:s28] =	ssyncset.done $0x0  }
0x236: {  	[sflag:s28] =	ssyncadd.s32 $0xFFFFF000  }
0x237: {  	_ =	swait.ge [sflag:s28], $0x1000  }
0x238: {  	[sflag:s28] =	ssyncset.done $0x0  }
0x239: {  	[sflag:s28] =	ssyncadd.s32 $0xFFFFF000  }
0x23a: {  	_ =	swait.ge [sflag:s28], $0x1000  }
0x23b: {  	[sflag:s28] =	ssyncset.done $0x0  }
0x23c: {  	[sflag:s28] =	ssyncadd.s32 $0xFFFFF000  }
0x23d: {  	_ =	swait.ge [sflag:s28], $0x1000  }
0x23e: {  	[sflag:s28] =	ssyncset.done $0x0  }
0x23f: {  	[sflag:s28] =	ssyncadd.s32 $0xFFFFF000  }
0x240: {  	_ =	swait.ge [sflag:s28], $0x1000  }
0x241: {  	[sflag:s28] =	ssyncset.done $0x0  }
0x242: {  	[sflag:s28] =	ssyncadd.s32 $0xFFFFF000  }
0x243: {  	_ =	swait.ge [sflag:s28], $0x1000  }
0x244: {  	[sflag:s28] =	ssyncset.done $0x0  }
0x245: {  	[sflag:s28] =	ssyncadd.s32 $0xFFFFF000  }
0x246: {  	_ =	swait.ge [sflag:s28], $0x1000  }
0x247: {  	[sflag:s28] =	ssyncset.done $0x0  }
0x248: {  	[sflag:s28] =	ssyncadd.s32 $0xFFFFF000  }
0x249: {  	_ =	swait.ge [sflag:s28], $0x1000  }
0x24a: {  	[sflag:s28] =	ssyncset.done $0x0  }
0x24b: {  	[sflag:s28] =	ssyncadd.s32 $0xFFFFF000  }
0x24c: {  	_ =	swait.ge [sflag:s28], $0x1000  }
0x24d: {  	[sflag:s28] =	ssyncset.done $0x0  }
0x24e: {  	[sflag:s28] =	ssyncadd.s32 $0xFFFFF000  }
0x24f: {  	_ =	swait.ge [sflag:s28], $0x1000  }
0x250: {  	[sflag:s28] =	ssyncset.done $0x0  }
0x251: {  	[sflag:s28] =	ssyncadd.s32 $0xFFFFF000  }
0x252: {  	_ =	swait.ge [sflag:s28], $0x1000  }
0x253: {  	[sflag:s28] =	ssyncset.done $0x0  }
0x254: {  	[sflag:s28] =	ssyncadd.s32 $0xFFFFF000  }
0x255: {  	_ =	swait.ge [sflag:s28], $0x1000  }
0x256: {  	[sflag:s28] =	ssyncset.done $0x0  }
0x257: {  	[sflag:s28] =	ssyncadd.s32 $0xFFFFF000  }
0x258: {  	_ =	swait.ge [sflag:s28], $0x1000  }
0x259: {  	[sflag:s28] =	ssyncset.done $0x0  }
0x25a: {  	[sflag:s28] =	ssyncadd.s32 $0xFFFFF000  }
0x25b: {  	_ =	swait.ge [sflag:s28], $0x1000  }
0x25c: {  	[sflag:s28] =	ssyncset.done $0x0  }
0x25d: {  	[sflag:s28] =	ssyncadd.s32 $0xFFFFF000  }
0x25e: {  	_ =	swait.ge [sflag:s28], $0x1000  }
0x25f: {  	[sflag:s28] =	ssyncset.done $0x0  }
0x260: {  	[sflag:s28] =	ssyncadd.s32 $0xFFFFF000  }
0x261: {  	_ =	swait.ge [sflag:s28], $0x1000  }
0x262: {  	[sflag:s28] =	ssyncset.done $0x0  }
0x263: {  	[sflag:s28] =	ssyncadd.s32 $0xFFFFF000  }
0x264: {  	_ =	swait.ge [sflag:s28], $0x1000  }
0x265: {  	[sflag:s28] =	ssyncset.done $0x0  }
0x266: {  	[sflag:s28] =	ssyncadd.s32 $0xFFFFF000  }
0x267: {  	_ =	swait.ge [sflag:s28], $0x1000  }
0x268: {  	[sflag:s28] =	ssyncset.done $0x0  }
0x269: {  	[sflag:s28] =	ssyncadd.s32 $0xFFFFF000  }
0x26a: {  	_ =	swait.ge [sflag:s28], $0x1000  }
0x26b: {  	[sflag:s28] =	ssyncset.done $0x0  }
0x26c: {  	[sflag:s28] =	ssyncadd.s32 $0xFFFFF000  }
0x26d: {  	_ =	swait.ge [sflag:s28], $0x1000  }
0x26e: {  	s21 =	rddreg [dreg:$0x17];
	[sflag:s28] =	ssyncset.done $0x0  }
0x26f: {  	s22 =	rddreg [dreg:$0x18];
	[sflag:s28] =	ssyncadd.s32 $0xFFFFF000  }
0x270: {  	[hbm4b:s21+s10] =	stream.strided.scatter [tilespmem:s18], [sflag:$0x1], $0x1000, s5, s10, $0x38;
	[tilespmem:$0x14A00] =	vst v63  }
0x271: {  	s21 =	rddreg [dreg:$0x19]  }
0x272: {  	[hbm4b:s22+s10] =	stream.strided.scatter [tilespmem:s30], [sflag:$0x1], $0x1000, s5, s10, $0x38;
	[tilespmem:$0x14A00] =	vst v63  }
0x273: {  	s22 =	rddreg [dreg:$0x1a]  }
0x274: {  	[hbm4b:s21+s10] =	stream.strided.scatter [tilespmem:s29], [sflag:$0x1], $0x1000, s5, s10, $0x38;
	[tilespmem:$0x14A00] =	vst v63  }
0x275: {  	s21 =	rddreg [dreg:$0x1b]  }
0x276: {  	[hbm4b:s22+s10] =	stream.strided.scatter [tilespmem:s16], [sflag:$0x1], $0x1000, s5, s10, $0x38;
	[tilespmem:$0x14A00] =	vst v63  }
0x277: {  	s16 =	rddreg [dreg:$0x1c]  }
0x278: {  	[hbm4b:s21+s10] =	stream.strided.scatter [tilespmem:s17], [sflag:$0x1], $0x1000, s5, s10, $0x38;
	[tilespmem:$0x14A00] =	vst v63  }
0x279: {  	s17 =	rddreg [dreg:$0x1d]  }
0x27a: {  	[hbm4b:s16+s10] =	stream.strided.scatter [tilespmem:s31], [sflag:$0x1], $0x1000, s5, s10, $0x38;
	[tilespmem:$0x14A00] =	vst v63  }
0x27b: {  	s16 =	rddreg [dreg:$0x1e]  }
0x27c: {  	[hbm4b:s17+s10] =	stream.strided.scatter [tilespmem:s26], [sflag:$0x1], $0x1000, s5, s10, $0x38;
	[tilespmem:$0x14A00] =	vst v63  }
0x27d: {  	s17 =	rddreg [dreg:$0x1f]  }
0x27e: {  	[hbm4b:s16+s10] =	stream.strided.scatter [tilespmem:s24], [sflag:$0x1], $0x1000, s5, s10, $0x38;
	[tilespmem:$0x14A00] =	vst v63  }
0x27f: {  	s16 =	sld [smem:$0x7F2]  }
0x280: {  	[hbm4b:s17+s10] =	stream.strided.scatter [tilespmem:s9], [sflag:$0x1], $0x1000, s5, s10, $0x38;
	[tilespmem:$0x14A00] =	vst v63  }
0x281: {  	s17 =	sld [smem:$0x7F3]  }
0x282: {  	[hbm4b:s16+s10] =	stream.strided.scatter [tilespmem:s0], [sflag:$0x1], $0x1000, s5, s10, $0x38;
	[tilespmem:$0x14A00] =	vst v63  }
0x283: {  	s24 =	sld [smem:$0x7F4]  }
0x284: {  	[hbm4b:s17+s10] =	stream.strided.scatter [tilespmem:s12], [sflag:$0x1], $0x1000, s5, s10, $0x38;
	[tilespmem:$0x14A00] =	vst v63  }
0x285: {  	s0 =	sld [smem:$0x7F5]  }
0x286: {  	[hbm4b:s24+s10] =	stream.strided.scatter [tilespmem:s11], [sflag:$0x1], $0x1000, s5, s10, $0x38;
	[tilespmem:$0x14A00] =	vst v63  }
0x287: {  	s9 =	sld [smem:$0x7F6]  }
0x288: {  	[hbm4b:s0+s10] =	stream.strided.scatter [tilespmem:s8], [sflag:$0x1], $0x1000, s5, s10, $0x38;
	[tilespmem:$0x14A00] =	vst v63  }
0x289: {  	s11 =	sld [smem:$0x7F7]  }
0x28a: {  	[hbm4b:s9+s10] =	stream.strided.scatter [tilespmem:s1], [sflag:$0x1], $0x1000, s5, s10, $0x38;
	[tilespmem:$0x14A00] =	vst v63  }
0x28b: {  	s12 =	sld [smem:$0x7F8]  }
0x28c: {  	[hbm4b:s11+s10] =	stream.strided.scatter [tilespmem:s25], [sflag:$0x1], $0x1000, s5, s10, $0x38;
	[tilespmem:$0x14A00] =	vst v63  }
0x28d: {  	s16 =	sld [smem:$0x7FA]  }
0x28e: {  	[hbm4b:s12+s10] =	stream.strided.scatter [tilespmem:s7], [sflag:$0x1], $0x1000, s5, s10, $0x38;
	[tilespmem:$0x14A00] =	vst v63  }
0x28f: {  	s17 =	sld [smem:$0x7FB]  }
0x290: {  	[hbm4b:s16+s10] =	stream.strided.scatter [tilespmem:s13], [sflag:$0x1], $0x1000, s5, s10, $0x38;
	[tilespmem:$0x14A00] =	vst v63  }
0x291: {  	s24 =	sld [smem:$0x7FC]  }
0x292: {  	[hbm4b:s17+s10] =	stream.strided.scatter [tilespmem:s23], [sflag:$0x1], $0x1000, s5, s10, $0x38;
	[tilespmem:$0x14A00] =	vst v63  }
0x293: {  	s25 =	sld [smem:$0x7FD]  }
0x294: {  	[hbm4b:s24+s10] =	stream.strided.scatter [tilespmem:s14], [sflag:$0x1], $0x1000, s5, s10, $0x38;
	[tilespmem:$0x14A00] =	vst v63  }
0x295: {  	_ = 	snop  }
0x296: {  	[hbm4b:s25+s10] =	stream.strided.scatter [tilespmem:s6], [sflag:$0x1], $0x1000, s5, s10, $0x38;
	[tilespmem:$0x14A00] =	vst v63  }
0x297: {  	_ =	swait.ge [sflag:s4], $0x1000  }
0x298: {  	[sflag:s4] =	ssyncset.done $0x0  }
0x299: {  	[sflag:s4] =	ssyncadd.s32 $0xFFFFF000  }
0x29a: {  	_ =	swait.ge [sflag:s4], $0x1000  }
0x29b: {  	[sflag:s4] =	ssyncset.done $0x0  }
0x29c: {  	[sflag:s4] =	ssyncadd.s32 $0xFFFFF000  }
0x29d: {  	_ =	swait.ge [sflag:s4], $0x1000  }
0x29e: {  	[sflag:s4] =	ssyncset.done $0x0  }
0x29f: {  	[sflag:s4] =	ssyncadd.s32 $0xFFFFF000  }
0x2a0: {  	_ =	swait.ge [sflag:s4], $0x1000  }
0x2a1: {  	[sflag:s4] =	ssyncset.done $0x0  }
0x2a2: {  	[sflag:s4] =	ssyncadd.s32 $0xFFFFF000  }
0x2a3: {  	_ =	swait.ge [sflag:s4], $0x1000  }
0x2a4: {  	[sflag:s4] =	ssyncset.done $0x0  }
0x2a5: {  	[sflag:s4] =	ssyncadd.s32 $0xFFFFF000  }
0x2a6: {  	_ =	swait.ge [sflag:s4], $0x1000  }
0x2a7: {  	[sflag:s4] =	ssyncset.done $0x0  }
0x2a8: {  	[sflag:s4] =	ssyncadd.s32 $0xFFFFF000  }
0x2a9: {  	_ =	swait.ge [sflag:s4], $0x1000  }
0x2aa: {  	[sflag:s4] =	ssyncset.done $0x0  }
0x2ab: {  	[sflag:s4] =	ssyncadd.s32 $0xFFFFF000  }
0x2ac: {  	_ =	swait.ge [sflag:s4], $0x1000  }
0x2ad: {  	[sflag:s4] =	ssyncset.done $0x0  }
0x2ae: {  	[sflag:s4] =	ssyncadd.s32 $0xFFFFF000  }
0x2af: {  	_ =	swait.ge [sflag:s4], $0x1000  }
0x2b0: {  	[sflag:s4] =	ssyncset.done $0x0  }
0x2b1: {  	[sflag:s4] =	ssyncadd.s32 $0xFFFFF000  }
0x2b2: {  	_ =	swait.ge [sflag:s4], $0x1000  }
0x2b3: {  	[sflag:s4] =	ssyncset.done $0x0  }
0x2b4: {  	[sflag:s4] =	ssyncadd.s32 $0xFFFFF000  }
0x2b5: {  	_ =	swait.ge [sflag:s4], $0x1000  }
0x2b6: {  	[sflag:s4] =	ssyncset.done $0x0  }
0x2b7: {  	[sflag:s4] =	ssyncadd.s32 $0xFFFFF000  }
0x2b8: {  	_ =	swait.ge [sflag:s4], $0x1000  }
0x2b9: {  	[sflag:s4] =	ssyncset.done $0x0  }
0x2ba: {  	[sflag:s4] =	ssyncadd.s32 $0xFFFFF000  }
0x2bb: {  	_ =	swait.ge [sflag:s4], $0x1000  }
0x2bc: {  	[sflag:s4] =	ssyncset.done $0x0  }
0x2bd: {  	[sflag:s4] =	ssyncadd.s32 $0xFFFFF000  }
0x2be: {  	_ =	swait.ge [sflag:s4], $0x1000  }
0x2bf: {  	[sflag:s4] =	ssyncset.done $0x0  }
0x2c0: {  	[sflag:s4] =	ssyncadd.s32 $0xFFFFF000  }
0x2c1: {  	_ =	swait.ge [sflag:s4], $0x1000  }
0x2c2: {  	[sflag:s4] =	ssyncset.done $0x0  }
0x2c3: {  	[sflag:s4] =	ssyncadd.s32 $0xFFFFF000  }
0x2c4: {  	_ =	swait.ge [sflag:s4], $0x1000  }
0x2c5: {  	[sflag:s4] =	ssyncset.done $0x0  }
0x2c6: {  	[sflag:s4] =	ssyncadd.s32 $0xFFFFF000  }
0x2c7: {  	_ =	swait.ge [sflag:s4], $0x1000  }
0x2c8: {  	[sflag:s4] =	ssyncset.done $0x0  }
0x2c9: {  	[sflag:s4] =	ssyncadd.s32 $0xFFFFF000  }
0x2ca: {  	_ =	swait.ge [sflag:s4], $0x1000  }
0x2cb: {  	[sflag:s4] =	ssyncset.done $0x0  }
0x2cc: {  	p1 =	sne.s32 s20, $0x1;
	[sflag:s4] =	ssyncadd.s32 $0xFFFFF000  }
.Ltmp2:
0x2cd: {  	_ =	swait.ge [sflag:s4], $0x1000;
	(pc) =	sbr.rel @p1 .LBB2_3-.Ltmp2, $4  }
0x2ce: {  	[sflag:s4] =	ssyncset.done $0x0  }
0x2cf: {  	[sflag:s4] =	ssyncadd.s32 $0xFFFFF000  }
0x2d0: {  	_ =	swait.ge [sflag:s4], $0x1000  }
0x2d1: {  	s20 =	sadd.s32 $0xFFFFFFFF, s20;
	s21 =	rddreg [dreg:$0x3];
	[sflag:s4] =	ssyncset.done $0x0  }
0x2d2: {  	s0 =	simm.s32 $0xEA00;
	s1 =	simm.s32 $0xDA00  }
0x2d3: {  	s23 =	simm.s32 $0x8A00;
	s12 =	simm.s32 $0x7A00;
	s13 =	simm.s32 $0x6A00  }
0x2d4: {  	s14 =	simm.s32 $0x5A00;
	s15 =	simm.s32 $0x4A00;
	s16 =	simm.s32 $0xA00  }
0x2d5: {  	s17 =	simm.s32 $0x3A00;
	s18 =	simm.s32 $0x2A00;
	s19 =	simm.s32 $0x1A00  }
0x2d6: {  	s29 =	simm.s32 $0x100;
	s30 =	simm.s32 $0x180;
	s31 =	simm.s32 $0x200  }
.LBB2_5:
0x2d7: {  	[sflag:s4] =	ssyncadd.s32 @p0 $0xFFFFF000  }
0x2d8: {  	[tilespmem:s3], [sflag:$0x1] =	stream.linear.gather [hbm4b:s21+s3], $0x80, $0x38;
	[tilespmem:$0x14A00] =	vst v63  }
0x2d9: {  	s20 =	rddreg [dreg:$0x4]  }
0x2da: {  	[tilespmem:s5], [sflag:$0x1] =	stream.linear.gather [hbm4b:s20+s3], $0x80, $0x38;
	[tilespmem:$0x14A00] =	vst v63  }
0x2db: {  	s26 =	rddreg [dreg:$0x5]  }
0x2dc: {  	[tilespmem:s29], [sflag:$0x1] =	stream.linear.gather [hbm4b:s26+s3], $0x80, $0x38;
	[tilespmem:$0x14A00] =	vst v63  }
0x2dd: {  	s6 =	rddreg [dreg:$0x6]  }
0x2de: {  	[tilespmem:s30], [sflag:$0x1] =	stream.linear.gather [hbm4b:s6+s3], $0x80, $0x38;
	[tilespmem:$0x14A00] =	vst v63  }
0x2df: {  	s7 =	rddreg [dreg:$0x7]  }
0x2e0: {  	[tilespmem:s31], [sflag:$0x1] =	stream.linear.gather [hbm4b:s7+s3], $0x80, $0x38;
	[tilespmem:$0x14A00] =	vst v63  }
0x2e1: {  	s8 =	rddreg [dreg:$0x8];
	s6 =	simm.s32 $0x280  }
0x2e2: {  	[tilespmem:s6], [sflag:$0x1] =	stream.linear.gather [hbm4b:s8+s3], $0x80, $0x38;
	[tilespmem:$0x14A00] =	vst v63  }
0x2e3: {  	s9 =	rddreg [dreg:$0x9];
	s22 =	simm.s32 $0x300  }
0x2e4: {  	[tilespmem:s22], [sflag:$0x1] =	stream.linear.gather [hbm4b:s9+s3], $0x80, $0x38;
	[tilespmem:$0x14A00] =	vst v63  }
0x2e5: {  	s11 =	rddreg [dreg:$0xa];
	s25 =	simm.s32 $0x380  }
0x2e6: {  	[tilespmem:s25], [sflag:$0x1] =	stream.linear.gather [hbm4b:s11+s3], $0x80, $0x38;
	[tilespmem:$0x14A00] =	vst v63  }
0x2e7: {  	s24 =	rddreg [dreg:$0xb];
	s7 =	simm.s32 $0x400  }
0x2e8: {  	[tilespmem:s7], [sflag:$0x1] =	stream.linear.gather [hbm4b:s24+s3], $0x80, $0x38;
	[tilespmem:$0x14A00] =	vst v63  }
0x2e9: {  	s26 =	rddreg [dreg:$0xc];
	s9 =	simm.s32 $0x480  }
0x2ea: {  	[tilespmem:s9], [sflag:$0x1] =	stream.linear.gather [hbm4b:s26+s3], $0x80, $0x38;
	[tilespmem:$0x14A00] =	vst v63  }
0x2eb: {  	s8 =	rddreg [dreg:$0xd];
	s26 =	simm.s32 $0x500  }
0x2ec: {  	[tilespmem:s26], [sflag:$0x1] =	stream.linear.gather [hbm4b:s8+s3], $0x80, $0x38;
	[tilespmem:$0x14A00] =	vst v63  }
0x2ed: {  	s6 =	simm.s32 $0x580;
	s11 =	rddreg [dreg:$0xe]  }
0x2ee: {  	[tilespmem:s6], [sflag:$0x1] =	stream.linear.gather [hbm4b:s11+s3], $0x80, $0x38;
	[tilespmem:$0x14A00] =	vst v63  }
0x2ef: {  	s22 =	rddreg [dreg:$0xf];
	s7 =	simm.s32 $0x600  }
0x2f0: {  	[tilespmem:s7], [sflag:$0x1] =	stream.linear.gather [hbm4b:s22+s3], $0x80, $0x38;
	[tilespmem:$0x14A00] =	vst v63  }
0x2f1: {  	s24 =	rddreg [dreg:$0x10];
	s22 =	simm.s32 $0x680  }
0x2f2: {  	[tilespmem:s22], [sflag:$0x1] =	stream.linear.gather [hbm4b:s24+s3], $0x80, $0x38;
	[tilespmem:$0x14A00] =	vst v63  }
0x2f3: {  	s25 =	rddreg [dreg:$0x11];
	s8 =	simm.s32 $0x700  }
0x2f4: {  	[tilespmem:s8], [sflag:$0x1] =	stream.linear.gather [hbm4b:s25+s3], $0x80, $0x38;
	[tilespmem:$0x14A00] =	vst v63  }
0x2f5: {  	s9 =	rddreg [dreg:$0x12];
	s24 =	simm.s32 $0x780  }
0x2f6: {  	[tilespmem:s24], [sflag:$0x1] =	stream.linear.gather [hbm4b:s9+s3], $0x80, $0x38;
	[tilespmem:$0x14A00] =	vst v63  }
0x2f7: {  	s11 =	rddreg [dreg:$0x13];
	s9 =	simm.s32 $0x800  }
0x2f8: {  	[tilespmem:s9], [sflag:$0x1] =	stream.linear.gather [hbm4b:s11+s3], $0x80, $0x38;
	[tilespmem:$0x14A00] =	vst v63  }
0x2f9: {  	s25 =	rddreg [dreg:$0x14];
	s11 =	simm.s32 $0x880  }
0x2fa: {  	[tilespmem:s11], [sflag:$0x1] =	stream.linear.gather [hbm4b:s25+s3], $0x80, $0x38;
	[tilespmem:$0x14A00] =	vst v63  }
0x2fb: {  	s21 =	rddreg [dreg:$0x15];
	s25 =	simm.s32 $0x900  }
0x2fc: {  	[tilespmem:s25], [sflag:$0x1] =	stream.linear.gather [hbm4b:s21+s3], $0x80, $0x38;
	[tilespmem:$0x14A00] =	vst v63  }
0x2fd: {  	s20 =	rddreg [dreg:$0x16];
	s21 =	simm.s32 $0x980  }
0x2fe: {  	[tilespmem:s21], [sflag:$0x1] =	stream.linear.gather [hbm4b:s20+s3], $0x80, $0x38;
	[tilespmem:$0x14A00] =	vst v63  }
0x2ff: {  	_ =	swait.ge [sflag:s4], $0x80  }
0x300: {  	[sflag:s4] =	ssyncset.done $0x0  }
0x301: {  	[sflag:s4] =	ssyncadd.s32 $0xFFFFFF80  }
0x302: {  	_ =	swait.ge [sflag:s4], $0x80  }
0x303: {  	[sflag:s4] =	ssyncset.done $0x0  }
0x304: {  	[sflag:s4] =	ssyncadd.s32 $0xFFFFFF80  }
0x305: {  	_ =	swait.ge [sflag:s4], $0x80  }
0x306: {  	[sflag:s4] =	ssyncset.done $0x0  }
0x307: {  	[sflag:s4] =	ssyncadd.s32 $0xFFFFFF80  }
0x308: {  	_ =	swait.ge [sflag:s4], $0x80  }
0x309: {  	[sflag:s4] =	ssyncset.done $0x0  }
0x30a: {  	[sflag:s4] =	ssyncadd.s32 $0xFFFFFF80  }
0x30b: {  	_ =	swait.ge [sflag:s4], $0x80  }
0x30c: {  	[sflag:s4] =	ssyncset.done $0x0  }
0x30d: {  	[sflag:s4] =	ssyncadd.s32 $0xFFFFFF80  }
0x30e: {  	_ =	swait.ge [sflag:s4], $0x80  }
0x30f: {  	[sflag:s4] =	ssyncset.done $0x0  }
0x310: {  	[sflag:s4] =	ssyncadd.s32 $0xFFFFFF80  }
0x311: {  	_ =	swait.ge [sflag:s4], $0x80  }
0x312: {  	[sflag:s4] =	ssyncset.done $0x0  }
0x313: {  	[sflag:s4] =	ssyncadd.s32 $0xFFFFFF80  }
0x314: {  	_ =	swait.ge [sflag:s4], $0x80  }
0x315: {  	[sflag:s4] =	ssyncset.done $0x0  }
0x316: {  	[sflag:s4] =	ssyncadd.s32 $0xFFFFFF80  }
0x317: {  	_ =	swait.ge [sflag:s4], $0x80  }
0x318: {  	[sflag:s4] =	ssyncset.done $0x0  }
0x319: {  	[sflag:s4] =	ssyncadd.s32 $0xFFFFFF80  }
0x31a: {  	_ =	swait.ge [sflag:s4], $0x80  }
0x31b: {  	[sflag:s4] =	ssyncset.done $0x0  }
0x31c: {  	[sflag:s4] =	ssyncadd.s32 $0xFFFFFF80  }
0x31d: {  	_ =	swait.ge [sflag:s4], $0x80  }
0x31e: {  	[sflag:s4] =	ssyncset.done $0x0  }
0x31f: {  	[sflag:s4] =	ssyncadd.s32 $0xFFFFFF80  }
0x320: {  	_ =	swait.ge [sflag:s4], $0x80  }
0x321: {  	[sflag:s4] =	ssyncset.done $0x0  }
0x322: {  	[sflag:s4] =	ssyncadd.s32 $0xFFFFFF80  }
0x323: {  	_ =	swait.ge [sflag:s4], $0x80  }
0x324: {  	[sflag:s4] =	ssyncset.done $0x0  }
0x325: {  	[sflag:s4] =	ssyncadd.s32 $0xFFFFFF80  }
0x326: {  	_ =	swait.ge [sflag:s4], $0x80  }
0x327: {  	[sflag:s4] =	ssyncset.done $0x0  }
0x328: {  	[sflag:s4] =	ssyncadd.s32 $0xFFFFFF80  }
0x329: {  	_ =	swait.ge [sflag:s4], $0x80  }
0x32a: {  	[sflag:s4] =	ssyncset.done $0x0  }
0x32b: {  	[sflag:s4] =	ssyncadd.s32 $0xFFFFFF80  }
0x32c: {  	_ =	swait.ge [sflag:s4], $0x80  }
0x32d: {  	[sflag:s4] =	ssyncset.done $0x0  }
0x32e: {  	[sflag:s4] =	ssyncadd.s32 $0xFFFFFF80  }
0x32f: {  	_ =	swait.ge [sflag:s4], $0x80  }
0x330: {  	[sflag:s4] =	ssyncset.done $0x0  }
0x331: {  	[sflag:s4] =	ssyncadd.s32 $0xFFFFFF80  }
0x332: {  	_ =	swait.ge [sflag:s4], $0x80  }
0x333: {  	[sflag:s4] =	ssyncset.done $0x0  }
0x334: {  	[sflag:s4] =	ssyncadd.s32 $0xFFFFFF80  }
0x335: {  	_ =	swait.ge [sflag:s4], $0x80  }
0x336: {  	[sflag:s4] =	ssyncset.done $0x0  }
0x337: {  	[sflag:s4] =	ssyncadd.s32 $0xFFFFFF80  }
0x338: {  	_ =	swait.ge [sflag:s4], $0x80  }
0x339: {  	[sflag:s4] =	ssyncset.done $0x0  }
0x33a: {  	[sflag:s4] =	ssyncadd.s32 $0xFFFFFF80  }
0x33b: {  	[tilespmem:s16], [sflag:$0x2] =	stream.indirect.gather [hbm4b:s2+s5], $0x20, s3, s5, $0xb8;
	[tilespmem:$0x14A00] =	vst v63  }
0x33c: {  	_ = 	snop  }
0x33d: {  	[tilespmem:s19], [sflag:$0x2] =	stream.indirect.gather [hbm4b:s2+s5], $0x20, s5, s5, $0xb8;
	[tilespmem:$0x14A00] =	vst v63  }
0x33e: {  	_ = 	snop  }
0x33f: {  	[tilespmem:s18], [sflag:$0x2] =	stream.indirect.gather [hbm4b:s2+s5], $0x20, s29, s5, $0xb8;
	[tilespmem:$0x14A00] =	vst v63  }
0x340: {  	_ = 	snop  }
0x341: {  	[tilespmem:s17], [sflag:$0x2] =	stream.indirect.gather [hbm4b:s2+s5], $0x20, s30, s5, $0xb8;
	[tilespmem:$0x14A00] =	vst v63  }
0x342: {  	_ = 	snop  }
0x343: {  	[tilespmem:s15], [sflag:$0x2] =	stream.indirect.gather [hbm4b:s2+s5], $0x20, s31, s5, $0xb8;
	[tilespmem:$0x14A00] =	vst v63  }
0x344: {  	s30 =	simm.s32 $0x280  }
0x345: {  	[tilespmem:s14], [sflag:$0x2] =	stream.indirect.gather [hbm4b:s2+s5], $0x20, s30, s5, $0xb8;
	[tilespmem:$0x14A00] =	vst v63  }
0x346: {  	s31 =	simm.s32 $0x300  }
0x347: {  	[tilespmem:s13], [sflag:$0x2] =	stream.indirect.gather [hbm4b:s2+s5], $0x20, s31, s5, $0xb8;
	[tilespmem:$0x14A00] =	vst v63  }
0x348: {  	s20 =	simm.s32 $0x380  }
0x349: {  	[tilespmem:s12], [sflag:$0x2] =	stream.indirect.gather [hbm4b:s2+s5], $0x20, s20, s5, $0xb8;
	[tilespmem:$0x14A00] =	vst v63  }
0x34a: {  	s29 =	simm.s32 $0x400  }
0x34b: {  	[tilespmem:s23], [sflag:$0x2] =	stream.indirect.gather [hbm4b:s2+s5], $0x20, s29, s5, $0xb8;
	[tilespmem:$0x14A00] =	vst v63  }
0x34c: {  	s30 =	simm.s32 $0x480;
	s31 =	simm.s32 $0x9A00  }
0x34d: {  	[tilespmem:s31], [sflag:$0x2] =	stream.indirect.gather [hbm4b:s2+s5], $0x20, s30, s5, $0xb8;
	[tilespmem:$0x14A00] =	vst v63  }
0x34e: {  	s30 =	simm.s32 $0xAA00  }
0x34f: {  	[tilespmem:s30], [sflag:$0x2] =	stream.indirect.gather [hbm4b:s2+s5], $0x20, s26, s5, $0xb8;
	[tilespmem:$0x14A00] =	vst v63  }
0x350: {  	s29 =	simm.s32 $0xBA00  }
0x351: {  	[tilespmem:s29], [sflag:$0x2] =	stream.indirect.gather [hbm4b:s2+s5], $0x20, s6, s5, $0xb8;
	[tilespmem:$0x14A00] =	vst v63  }
0x352: {  	s26 =	simm.s32 $0xCA00  }
0x353: {  	[tilespmem:s26], [sflag:$0x2] =	stream.indirect.gather [hbm4b:s2+s5], $0x20, s7, s5, $0xb8;
	[tilespmem:$0x14A00] =	vst v63  }
0x354: {  	_ = 	snop  }
0x355: {  	[tilespmem:s1], [sflag:$0x2] =	stream.indirect.gather [hbm4b:s2+s5], $0x20, s22, s5, $0xb8;
	[tilespmem:$0x14A00] =	vst v63  }
0x356: {  	_ = 	snop  }
0x357: {  	[tilespmem:s0], [sflag:$0x2] =	stream.indirect.gather [hbm4b:s2+s5], $0x20, s8, s5, $0xb8;
	[tilespmem:$0x14A00] =	vst v63  }
0x358: {  	s22 =	simm.s32 $0xFA00  }
0x359: {  	[tilespmem:s22], [sflag:$0x2] =	stream.indirect.gather [hbm4b:s2+s5], $0x20, s24, s5, $0xb8;
	[tilespmem:$0x14A00] =	vst v63  }
0x35a: {  	s20 =	simm.s32 $0x10A00  }
0x35b: {  	[tilespmem:s20], [sflag:$0x2] =	stream.indirect.gather [hbm4b:s2+s5], $0x20, s9, s5, $0xb8;
	[tilespmem:$0x14A00] =	vst v63  }
0x35c: {  	s8 =	simm.s32 $0x11A00  }
0x35d: {  	[tilespmem:s8], [sflag:$0x2] =	stream.indirect.gather [hbm4b:s2+s5], $0x20, s11, s5, $0xb8;
	[tilespmem:$0x14A00] =	vst v63  }
0x35e: {  	s6 =	simm.s32 $0x12A00  }
0x35f: {  	[tilespmem:s6], [sflag:$0x2] =	stream.indirect.gather [hbm4b:s2+s5], $0x20, s25, s5, $0xb8;
	[tilespmem:$0x14A00] =	vst v63  }
0x360: {  	s7 =	simm.s32 $0x13A00  }
0x361: {  	[tilespmem:s7], [sflag:$0x2] =	stream.indirect.gather [hbm4b:s2+s5], $0x20, s21, s5, $0xb8;
	[tilespmem:$0x14A00] =	vst v63  }
0x362: {  	_ =	swait.ge [sflag:s28], $0x1000  }
0x363: {  	[sflag:s28] =	ssyncset.done $0x0  }
0x364: {  	[sflag:s28] =	ssyncadd.s32 $0xFFFFF000  }
0x365: {  	_ =	swait.ge [sflag:s28], $0x1000  }
0x366: {  	[sflag:s28] =	ssyncset.done $0x0  }
0x367: {  	[sflag:s28] =	ssyncadd.s32 $0xFFFFF000  }
0x368: {  	_ =	swait.ge [sflag:s28], $0x1000  }
0x369: {  	[sflag:s28] =	ssyncset.done $0x0  }
0x36a: {  	[sflag:s28] =	ssyncadd.s32 $0xFFFFF000  }
0x36b: {  	_ =	swait.ge [sflag:s28], $0x1000  }
0x36c: {  	[sflag:s28] =	ssyncset.done $0x0  }
0x36d: {  	[sflag:s28] =	ssyncadd.s32 $0xFFFFF000  }
0x36e: {  	_ =	swait.ge [sflag:s28], $0x1000  }
0x36f: {  	[sflag:s28] =	ssyncset.done $0x0  }
0x370: {  	[sflag:s28] =	ssyncadd.s32 $0xFFFFF000  }
0x371: {  	_ =	swait.ge [sflag:s28], $0x1000  }
0x372: {  	[sflag:s28] =	ssyncset.done $0x0  }
0x373: {  	[sflag:s28] =	ssyncadd.s32 $0xFFFFF000  }
0x374: {  	_ =	swait.ge [sflag:s28], $0x1000  }
0x375: {  	[sflag:s28] =	ssyncset.done $0x0  }
0x376: {  	[sflag:s28] =	ssyncadd.s32 $0xFFFFF000  }
0x377: {  	_ =	swait.ge [sflag:s28], $0x1000  }
0x378: {  	[sflag:s28] =	ssyncset.done $0x0  }
0x379: {  	[sflag:s28] =	ssyncadd.s32 $0xFFFFF000  }
0x37a: {  	_ =	swait.ge [sflag:s28], $0x1000  }
0x37b: {  	[sflag:s28] =	ssyncset.done $0x0  }
0x37c: {  	[sflag:s28] =	ssyncadd.s32 $0xFFFFF000  }
0x37d: {  	_ =	swait.ge [sflag:s28], $0x1000  }
0x37e: {  	[sflag:s28] =	ssyncset.done $0x0  }
0x37f: {  	[sflag:s28] =	ssyncadd.s32 $0xFFFFF000  }
0x380: {  	_ =	swait.ge [sflag:s28], $0x1000  }
0x381: {  	[sflag:s28] =	ssyncset.done $0x0  }
0x382: {  	[sflag:s28] =	ssyncadd.s32 $0xFFFFF000  }
0x383: {  	_ =	swait.ge [sflag:s28], $0x1000  }
0x384: {  	[sflag:s28] =	ssyncset.done $0x0  }
0x385: {  	[sflag:s28] =	ssyncadd.s32 $0xFFFFF000  }
0x386: {  	_ =	swait.ge [sflag:s28], $0x1000  }
0x387: {  	[sflag:s28] =	ssyncset.done $0x0  }
0x388: {  	[sflag:s28] =	ssyncadd.s32 $0xFFFFF000  }
0x389: {  	_ =	swait.ge [sflag:s28], $0x1000  }
0x38a: {  	[sflag:s28] =	ssyncset.done $0x0  }
0x38b: {  	[sflag:s28] =	ssyncadd.s32 $0xFFFFF000  }
0x38c: {  	_ =	swait.ge [sflag:s28], $0x1000  }
0x38d: {  	[sflag:s28] =	ssyncset.done $0x0  }
0x38e: {  	[sflag:s28] =	ssyncadd.s32 $0xFFFFF000  }
0x38f: {  	_ =	swait.ge [sflag:s28], $0x1000  }
0x390: {  	[sflag:s28] =	ssyncset.done $0x0  }
0x391: {  	[sflag:s28] =	ssyncadd.s32 $0xFFFFF000  }
0x392: {  	_ =	swait.ge [sflag:s28], $0x1000  }
0x393: {  	[sflag:s28] =	ssyncset.done $0x0  }
0x394: {  	[sflag:s28] =	ssyncadd.s32 $0xFFFFF000  }
0x395: {  	_ =	swait.ge [sflag:s28], $0x1000  }
0x396: {  	[sflag:s28] =	ssyncset.done $0x0  }
0x397: {  	[sflag:s28] =	ssyncadd.s32 $0xFFFFF000  }
0x398: {  	_ =	swait.ge [sflag:s28], $0x1000  }
0x399: {  	[sflag:s28] =	ssyncset.done $0x0  }
0x39a: {  	[sflag:s28] =	ssyncadd.s32 $0xFFFFF000  }
0x39b: {  	_ =	swait.ge [sflag:s28], $0x1000  }
0x39c: {  	s11 =	rddreg [dreg:$0x17];
	[sflag:s28] =	ssyncset.done $0x0  }
0x39d: {  	s21 =	rddreg [dreg:$0x18];
	[sflag:s28] =	ssyncadd.s32 $0xFFFFF000  }
0x39e: {  	[hbm4b:s11+s10] =	stream.strided.scatter [tilespmem:s16], [sflag:$0x1], $0x1000, s5, s10, $0x38;
	[tilespmem:$0x14A00] =	vst v63  }
0x39f: {  	s24 =	rddreg [dreg:$0x19]  }
0x3a0: {  	[hbm4b:s21+s10] =	stream.strided.scatter [tilespmem:s19], [sflag:$0x1], $0x1000, s5, s10, $0x38;
	[tilespmem:$0x14A00] =	vst v63  }
0x3a1: {  	s25 =	rddreg [dreg:$0x1a]  }
0x3a2: {  	[hbm4b:s24+s10] =	stream.strided.scatter [tilespmem:s18], [sflag:$0x1], $0x1000, s5, s10, $0x38;
	[tilespmem:$0x14A00] =	vst v63  }
0x3a3: {  	s9 =	rddreg [dreg:$0x1c]  }
0x3a4: {  	[hbm4b:s25+s10] =	stream.strided.scatter [tilespmem:s17], [sflag:$0x1], $0x1000, s5, s10, $0x38;
	[tilespmem:$0x14A00] =	vst v63  }
0x3a5: {  	s28 =	rddreg [dreg:$0x1b]  }
0x3a6: {  	[hbm4b:s28+s10] =	stream.strided.scatter [tilespmem:s15], [sflag:$0x1], $0x1000, s5, s10, $0x38;
	[tilespmem:$0x14A00] =	vst v63  }
0x3a7: {  	s11 =	rddreg [dreg:$0x1d]  }
0x3a8: {  	[hbm4b:s9+s10] =	stream.strided.scatter [tilespmem:s14], [sflag:$0x1], $0x1000, s5, s10, $0x38;
	[tilespmem:$0x14A00] =	vst v63  }
0x3a9: {  	s16 =	rddreg [dreg:$0x1f]  }
0x3aa: {  	[hbm4b:s11+s10] =	stream.strided.scatter [tilespmem:s13], [sflag:$0x1], $0x1000, s5, s10, $0x38;
	[tilespmem:$0x14A00] =	vst v63  }
0x3ab: {  	s15 =	rddreg [dreg:$0x1e]  }
0x3ac: {  	[hbm4b:s15+s10] =	stream.strided.scatter [tilespmem:s12], [sflag:$0x1], $0x1000, s5, s10, $0x38;
	[tilespmem:$0x14A00] =	vst v63  }
0x3ad: {  	s17 =	sld [smem:$0x7F2]  }
0x3ae: {  	[hbm4b:s16+s10] =	stream.strided.scatter [tilespmem:s23], [sflag:$0x1], $0x1000, s5, s10, $0x38;
	[tilespmem:$0x14A00] =	vst v63  }
0x3af: {  	s18 =	sld [smem:$0x7F3]  }
0x3b0: {  	[hbm4b:s17+s10] =	stream.strided.scatter [tilespmem:s31], [sflag:$0x1], $0x1000, s5, s10, $0x38;
	[tilespmem:$0x14A00] =	vst v63  }
0x3b1: {  	s19 =	sld [smem:$0x7F4]  }
0x3b2: {  	[hbm4b:s18+s10] =	stream.strided.scatter [tilespmem:s30], [sflag:$0x1], $0x1000, s5, s10, $0x38;
	[tilespmem:$0x14A00] =	vst v63  }
0x3b3: {  	s21 =	sld [smem:$0x7F5]  }
0x3b4: {  	[hbm4b:s19+s10] =	stream.strided.scatter [tilespmem:s29], [sflag:$0x1], $0x1000, s5, s10, $0x38;
	[tilespmem:$0x14A00] =	vst v63  }
0x3b5: {  	s23 =	sld [smem:$0x7F6]  }
0x3b6: {  	[hbm4b:s21+s10] =	stream.strided.scatter [tilespmem:s26], [sflag:$0x1], $0x1000, s5, s10, $0x38;
	[tilespmem:$0x14A00] =	vst v63  }
0x3b7: {  	s3 =	simm.s32 $0xDA00;
	s24 =	sld [smem:$0x7F7]  }
0x3b8: {  	[hbm4b:s23+s10] =	stream.strided.scatter [tilespmem:s3], [sflag:$0x1], $0x1000, s5, s10, $0x38;
	[tilespmem:$0x14A00] =	vst v63  }
0x3b9: {  	s2 =	simm.s32 $0xEA00;
	s25 =	sld [smem:$0x7F8]  }
0x3ba: {  	[hbm4b:s24+s10] =	stream.strided.scatter [tilespmem:s2], [sflag:$0x1], $0x1000, s5, s10, $0x38;
	[tilespmem:$0x14A00] =	vst v63  }
0x3bb: {  	s26 =	sld [smem:$0x7FA]  }
0x3bc: {  	[hbm4b:s25+s10] =	stream.strided.scatter [tilespmem:s22], [sflag:$0x1], $0x1000, s5, s10, $0x38;
	[tilespmem:$0x14A00] =	vst v63  }
0x3bd: {  	s28 =	sld [smem:$0x7FB]  }
0x3be: {  	[hbm4b:s26+s10] =	stream.strided.scatter [tilespmem:s20], [sflag:$0x1], $0x1000, s5, s10, $0x38;
	[tilespmem:$0x14A00] =	vst v63  }
0x3bf: {  	s29 =	sld [smem:$0x7FC]  }
0x3c0: {  	[hbm4b:s28+s10] =	stream.strided.scatter [tilespmem:s8], [sflag:$0x1], $0x1000, s5, s10, $0x38;
	[tilespmem:$0x14A00] =	vst v63  }
0x3c1: {  	s30 =	sld [smem:$0x7FD]  }
0x3c2: {  	[hbm4b:s29+s10] =	stream.strided.scatter [tilespmem:s6], [sflag:$0x1], $0x1000, s5, s10, $0x38;
	[tilespmem:$0x14A00] =	vst v63  }
0x3c3: {  	_ = 	snop  }
0x3c4: {  	[hbm4b:s30+s10] =	stream.strided.scatter [tilespmem:s7], [sflag:$0x1], $0x1000, s5, s10, $0x38;
	[tilespmem:$0x14A00] =	vst v63  }
0x3c5: {  	_ =	swait.ge [sflag:s4], $0x1000  }
0x3c6: {  	[sflag:s4] =	ssyncset.done $0x0  }
0x3c7: {  	[sflag:s4] =	ssyncadd.s32 $0xFFFFF000  }
0x3c8: {  	_ =	swait.ge [sflag:s4], $0x1000  }
0x3c9: {  	[sflag:s4] =	ssyncset.done $0x0  }
0x3ca: {  	[sflag:s4] =	ssyncadd.s32 $0xFFFFF000  }
0x3cb: {  	_ =	swait.ge [sflag:s4], $0x1000  }
0x3cc: {  	[sflag:s4] =	ssyncset.done $0x0  }
0x3cd: {  	[sflag:s4] =	ssyncadd.s32 $0xFFFFF000  }
0x3ce: {  	_ =	swait.ge [sflag:s4], $0x1000  }
0x3cf: {  	[sflag:s4] =	ssyncset.done $0x0  }
0x3d0: {  	[sflag:s4] =	ssyncadd.s32 $0xFFFFF000  }
0x3d1: {  	_ =	swait.ge [sflag:s4], $0x1000  }
0x3d2: {  	[sflag:s4] =	ssyncset.done $0x0  }
0x3d3: {  	[sflag:s4] =	ssyncadd.s32 $0xFFFFF000  }
0x3d4: {  	_ =	swait.ge [sflag:s4], $0x1000  }
0x3d5: {  	[sflag:s4] =	ssyncset.done $0x0  }
0x3d6: {  	[sflag:s4] =	ssyncadd.s32 $0xFFFFF000  }
0x3d7: {  	_ =	swait.ge [sflag:s4], $0x1000  }
0x3d8: {  	[sflag:s4] =	ssyncset.done $0x0  }
0x3d9: {  	[sflag:s4] =	ssyncadd.s32 $0xFFFFF000  }
0x3da: {  	_ =	swait.ge [sflag:s4], $0x1000  }
0x3db: {  	[sflag:s4] =	ssyncset.done $0x0  }
0x3dc: {  	[sflag:s4] =	ssyncadd.s32 $0xFFFFF000  }
0x3dd: {  	_ =	swait.ge [sflag:s4], $0x1000  }
0x3de: {  	[sflag:s4] =	ssyncset.done $0x0  }
0x3df: {  	[sflag:s4] =	ssyncadd.s32 $0xFFFFF000  }
0x3e0: {  	_ =	swait.ge [sflag:s4], $0x1000  }
0x3e1: {  	[sflag:s4] =	ssyncset.done $0x0  }
0x3e2: {  	[sflag:s4] =	ssyncadd.s32 $0xFFFFF000  }
0x3e3: {  	_ =	swait.ge [sflag:s4], $0x1000  }
0x3e4: {  	[sflag:s4] =	ssyncset.done $0x0  }
0x3e5: {  	[sflag:s4] =	ssyncadd.s32 $0xFFFFF000  }
0x3e6: {  	_ =	swait.ge [sflag:s4], $0x1000  }
0x3e7: {  	[sflag:s4] =	ssyncset.done $0x0  }
0x3e8: {  	[sflag:s4] =	ssyncadd.s32 $0xFFFFF000  }
0x3e9: {  	_ =	swait.ge [sflag:s4], $0x1000  }
0x3ea: {  	[sflag:s4] =	ssyncset.done $0x0  }
0x3eb: {  	[sflag:s4] =	ssyncadd.s32 $0xFFFFF000  }
0x3ec: {  	_ =	swait.ge [sflag:s4], $0x1000  }
0x3ed: {  	[sflag:s4] =	ssyncset.done $0x0  }
0x3ee: {  	[sflag:s4] =	ssyncadd.s32 $0xFFFFF000  }
0x3ef: {  	_ =	swait.ge [sflag:s4], $0x1000  }
0x3f0: {  	[sflag:s4] =	ssyncset.done $0x0  }
0x3f1: {  	[sflag:s4] =	ssyncadd.s32 $0xFFFFF000  }
0x3f2: {  	_ =	swait.ge [sflag:s4], $0x1000  }
0x3f3: {  	[sflag:s4] =	ssyncset.done $0x0  }
0x3f4: {  	[sflag:s4] =	ssyncadd.s32 $0xFFFFF000  }
0x3f5: {  	_ =	swait.ge [sflag:s4], $0x1000  }
0x3f6: {  	[sflag:s4] =	ssyncset.done $0x0  }
0x3f7: {  	[sflag:s4] =	ssyncadd.s32 $0xFFFFF000  }
0x3f8: {  	_ =	swait.ge [sflag:s4], $0x1000  }
0x3f9: {  	[sflag:s4] =	ssyncset.done $0x0  }
0x3fa: {  	[sflag:s4] =	ssyncadd.s32 $0xFFFFF000  }
0x3fb: {  	_ =	swait.ge [sflag:s4], $0x1000  }
0x3fc: {  	[sflag:s4] =	ssyncset.done $0x0  }
0x3fd: {  	[sflag:s4] =	ssyncadd.s32 $0xFFFFF000  }
0x3fe: {  	_ =	swait.ge [sflag:s4], $0x1000  }
0x3ff: {  	[sflag:s4] =	ssyncset.done $0x0  }
0x400: {  	[sflag:s4] =	ssyncadd.s32 $0xFFFFF000  }
0x401: {  	_ =	sfence.sel $0x180000  }
0x402: {  	[bflag:$0x0] =	sbarrier.arrive $0xFFFF  }
0x403: {  	_ =	strace $0x90000047  }
0x404: {  	s31 =	stileid.u32;
	[bflag:$0x2] =	sbarrier.arrive $0xFFFF  }
0x405: {  	p0 =	sne.s32 s31, $0x0;
	s0 =	rddreg [dreg:$0x2]  }
0x406: {  	s0 =	sadd.s32 @!p0 $0x100000, s0  }
0x407: {  	[sflag:s0] =	ssyncadd.tile.s32 @!p0 $0x1;
	_ =	shalt  }
.LBB2_6:
.Ltmp3:
0x408: {  	s0 =	simm.s32 $0xEA00;
	s1 =	simm.s32 $0xDA00;
	(pc) =	sbr.rel .LBB2_5-.Ltmp3, $4  }
0x409: {  	s23 =	simm.s32 $0x8A00;
	s12 =	simm.s32 $0x7A00;
	s13 =	simm.s32 $0x6A00  }
0x40a: {  	s14 =	simm.s32 $0x5A00;
	s15 =	simm.s32 $0x4A00;
	s16 =	simm.s32 $0xA00  }
0x40b: {  	s17 =	simm.s32 $0x3A00;
	s18 =	simm.s32 $0x2A00;
	s19 =	simm.s32 $0x1A00  }
0x40c: {  	s29 =	simm.s32 $0x100;
	s30 =	simm.s32 $0x180;
	s31 =	simm.s32 $0x200  }
.Lfunc_end2:
_tile_overlayer_lowered:
.L_overlay_start_2:
0x40d: {  	(tag) =	ssettag $0x2  }
0x40e: {  	s0 =	rddreg [dreg:$0x0];
	s2 =	stileid.u32  }
0x40f: {  	s1 =	rddreg [dreg:$0x1];
	p0 =	sne.s32 s2, $0x0  }
0x410: {  	s3 =	rddreg [dreg:$0x2];
	[bflag:$0x3] =	sbarrier.arrive $0xFFFF;
	s2 =	simm.s32 @!p0 $0x1C03  }
0x411: {  	[timem:s3], [sflag:s2] =	dma.local @!p0 [hbm:s0], s1  }
0x412: {  	s0 =	simm.s32 @!p0 $0x3  }
0x413: {  	_ =	swait.ge @!p0 [sflag:s0], s1  }
0x414: {  	s1 =	ssub.s32 @!p0 $0x0, s1;
	[sflag:s0] =	ssyncset.done @!p0 $0x0  }
0x415: {  	[sflag:s0] =	ssyncadd.s32 @!p0 s1  }
0x416: {  	[bflag:$0x3] =	sbarrier.arrive $0xFFFF  }
0x417: {  	_ =	shalt  }

</sc_bundles>
